<compile_context>
chip_gen: v7x
topology: tpu7x:2x2x1
jax: 0.10.2.dev20260603
libtpu: 0.0.44.dev20260713+nightly
codegen_flags: <defaults>
</compile_context>

<pallas_src>
import functools

import jax
import jax.numpy as jnp
from jax import lax
from jax.experimental import pallas as pl
from jax.experimental.pallas import tpu as pltpu
from jax.experimental.pallas import tpu_sc as plsc

_N = 10000
_E = 320000
_IN = 128
_HID = 16
_HEADS = 8
_OUT = 64

_NP = 10240
_NW = 32
_ET = _E + _N
_EPWU = 10496
_EPWA = _EPWU + 256
_ETP = _EPWA * _NW
_RPT = _NP // 16


def _sc_edge_kernel(F, HEADS, C):
    NCH = _EPWU // C
    mesh = plsc.VectorSubcoreMesh(core_axis_name="c", subcore_axis_name="s")
    out_type = [
        jax.ShapeDtypeStruct((2, _NP, F), jnp.float32),
        jax.ShapeDtypeStruct((2, _NP, 16), jnp.float32),
    ]
    scratch = [
        pltpu.VMEM((2, C), jnp.int32),
        pltpu.VMEM((2, C), jnp.int32),
        pltpu.VMEM((2, C, 16), jnp.float32),
        pltpu.VMEM((2, C, 16), jnp.float32),
        pltpu.VMEM((C, 16), jnp.float32),
        pltpu.VMEM((2, C, F), jnp.float32),
        pltpu.VMEM((C, F), jnp.float32),
        pltpu.VMEM((16,), jnp.float32),
        pltpu.VMEM_SHARED((_NP, F), jnp.float32),
        pltpu.VMEM_SHARED((_NP, 16), jnp.float32),
        pltpu.SemaphoreType.DMA,
        pltpu.SemaphoreType.DMA,
        pltpu.SemaphoreType.DMA,
        pltpu.SemaphoreType.DMA,
        pltpu.SemaphoreType.DMA,
    ]

    def _splat(v, lane):
        return lax.gather(
            v, jnp.full((16, 1), lane, jnp.int32),
            lax.GatherDimensionNumbers(
                offset_dims=(), collapsed_slice_dims=(0,),
                start_index_map=(0,)),
            (1,), mode=lax.GatherScatterMode.PROMISE_IN_BOUNDS)

    @functools.partial(
        pl.kernel, mesh=mesh, out_type=out_type, scratch_types=scratch,
        compiler_params=pltpu.CompilerParams(use_tc_tiling_on_sc=False))
    def k(srcR, dstR, hT, asT, adT, amx, zN, zD, numP, denP,
          idxS, idxD, asg, adg, exv, hg, msg, amv, accN, accD,
          isem0, isem1, gsem0, gsem1, ssem):
        c = lax.axis_index("c")
        s = lax.axis_index("s")
        wid = s * 2 + c
        isem = [isem0, isem1]
        gsem = [gsem0, gsem1]

        @pl.when(s == 0)
        def _init():
            pltpu.sync_copy(zN, accN)
            pltpu.sync_copy(zD, accD)

        pltpu.sync_copy(amx, amv)
        plsc.subcore_barrier()
        amxv = amv[...]

        def idx_dma(g, b):
            base = wid * _EPWA + g * C
            return (pltpu.make_async_copy(srcR.at[pl.ds(base, C)],
                                          idxS.at[b], isem[b]),
                    pltpu.make_async_copy(dstR.at[pl.ds(base, C)],
                                          idxD.at[b], isem[b]))

        def gather_dma(b):
            return (pltpu.make_async_copy(asT.at[idxS.at[b]], asg.at[b],
                                          gsem[b]),
                    pltpu.make_async_copy(adT.at[idxD.at[b]], adg.at[b],
                                          gsem[b]),
                    pltpu.make_async_copy(hT.at[idxS.at[b]], hg.at[b],
                                          gsem[b]))

        def compute(b):
            @plsc.parallel_loop(0, C, 1, unroll=4)
            def edge_body(e):
                vs = asg[b, e, :]
                vd = adg[b, e, :]
                z = vs + vd
                ee = jnp.maximum(z, 0.2 * z)
                zm = amxv + vd
                mub = jnp.maximum(zm, 0.2 * zm)
                ex = jnp.exp(ee - mub)
                exv[e, :] = ex
                if HEADS == 1:
                    for q in range(F // 16):
                        msg[e, pl.ds(q * 16, 16)] = (
                            hg[b, e, pl.ds(q * 16, 16)] * ex)
                else:
                    for h in range(HEADS):
                        bb = _splat(ex, h)
                        msg[e, pl.ds(h * 16, 16)] = (
                            hg[b, e, pl.ds(h * 16, 16)] * bb)

        def substep(g, b):
            nb = 1 - b
            for d in idx_dma(g + 1, nb):
                d.wait()
            for d in gather_dma(nb):
                d.start()
            for d in gather_dma(b):
                d.wait()
            compute(b)
            d1 = pltpu.async_copy(exv, accD.at[idxD.at[b]], ssem, add=True)
            d2 = pltpu.async_copy(msg, accN.at[idxD.at[b]], ssem, add=True)
            d1.wait()
            d2.wait()
            for d in idx_dma(g + 2, b):
                d.start()

        for d in idx_dma(0, 0):
            d.start()
        for d in idx_dma(1, 1):
            d.start()
        for d in idx_dma(0, 0):
            d.wait()
        for d in gather_dma(0):
            d.start()

        def loop_body(t, carry):
            substep(2 * t, 0)
            substep(2 * t + 1, 1)
            return carry

        lax.fori_loop(0, NCH // 2, loop_body, 0)

        for d in gather_dma(0):
            d.wait()
        for d in idx_dma(NCH + 1, 1):
            d.wait()

        plsc.subcore_barrier()
        r0 = s * _RPT
        pltpu.sync_copy(accN.at[pl.ds(r0, _RPT)],
                        numP.at[c, pl.ds(r0, _RPT)])
        pltpu.sync_copy(accD.at[pl.ds(r0, _RPT)],
                        denP.at[c, pl.ds(r0, _RPT)])

    return k


def _tc1(x, W1, As1, Ad1):
    def body(x_ref, w_ref, as_ref, ad_ref, h_ref, ast_ref, adt_ref, amx_ref):
        h = jnp.dot(x_ref[...], w_ref[...], preferred_element_type=jnp.float32)
        h_ref[...] = h
        a_s = jnp.dot(h, as_ref[...], preferred_element_type=jnp.float32)
        a_d = jnp.dot(h, ad_ref[...], preferred_element_type=jnp.float32)
        ast_ref[...] = jnp.concatenate([a_s, a_s], axis=1)
        adt_ref[...] = jnp.concatenate([a_d, a_d], axis=1)
        m = jnp.max(a_s, axis=0, keepdims=True)
        amx_ref[...] = jnp.concatenate([m, m], axis=1)

    return pl.pallas_call(
        body,
        out_shape=[
            jax.ShapeDtypeStruct((_N, _IN), jnp.float32),
            jax.ShapeDtypeStruct((_N, 16), jnp.float32),
            jax.ShapeDtypeStruct((_N, 16), jnp.float32),
            jax.ShapeDtypeStruct((1, 16), jnp.float32),
        ],
    )(x, W1, As1, Ad1)


def _tc2(numP, denP, b1, W2, a_src2, a_dst2, EXP8, ONES8, ONES16):
    def body(n_ref, d_ref, b1_ref, w2_ref, as2_ref, ad2_ref, e8_ref,
             o8_ref, o16_ref, h2_ref, ast_ref, adt_ref, amx_ref):
        num = n_ref[0, : _N, :] + n_ref[1, : _N, :]
        den = d_ref[0, : _N, 0:8] + d_ref[1, : _N, 0:8]
        rec = 1.0 / (den + 1e-16)
        recb = jnp.dot(rec, e8_ref[...], preferred_element_type=jnp.float32)
        hin = num * recb + b1_ref[...]
        hin = jnp.where(hin > 0, hin, jnp.exp(jnp.minimum(hin, 0.0)) - 1.0)
        h2 = jnp.dot(hin, w2_ref[...], preferred_element_type=jnp.float32)
        h2_ref[...] = h2
        a_s = jnp.dot(h2, as2_ref[...], preferred_element_type=jnp.float32)
        a_d = jnp.dot(h2, ad2_ref[...], preferred_element_type=jnp.float32)
        ast_ref[...] = jnp.dot(a_s, o16_ref[...],
                               preferred_element_type=jnp.float32)
        adt_ref[...] = jnp.dot(a_d, o16_ref[...],
                               preferred_element_type=jnp.float32)
        m = jnp.max(a_s, axis=0, keepdims=True)
        amx_ref[...] = jnp.dot(m, o16_ref[...],
                               preferred_element_type=jnp.float32)

    return pl.pallas_call(
        body,
        out_shape=[
            jax.ShapeDtypeStruct((_N, _OUT), jnp.float32),
            jax.ShapeDtypeStruct((_N, 16), jnp.float32),
            jax.ShapeDtypeStruct((_N, 16), jnp.float32),
            jax.ShapeDtypeStruct((1, 16), jnp.float32),
        ],
    )(numP, denP, b1.reshape(1, -1), W2, a_src2.T, a_dst2.T, EXP8, ONES8,
      ONES16)


def _tc3(numP, denP, b2, ONES64):
    def body(n_ref, d_ref, b2_ref, o64_ref, out_ref):
        num = n_ref[0, : _N, :] + n_ref[1, : _N, :]
        den = d_ref[0, : _N, 0:1] + d_ref[1, : _N, 0:1]
        rec = 1.0 / (den + 1e-16)
        recb = jnp.dot(rec, o64_ref[...], preferred_element_type=jnp.float32)
        out_ref[...] = num * recb + b2_ref[...]

    return pl.pallas_call(
        body,
        out_shape=jax.ShapeDtypeStruct((_N, _OUT), jnp.float32),
    )(numP, denP, b2.reshape(1, -1), ONES64)


def kernel(x, edge_index, W1, a_src1, a_dst1, b1, W2, a_src2, a_dst2, b2):
    loop = jnp.arange(_N, dtype=jnp.int32)
    pad = _NW * _EPWU - _ET
    src_u = jnp.concatenate(
        [edge_index[0], loop, jnp.zeros((pad,), jnp.int32)])
    dst_u = jnp.concatenate(
        [edge_index[1], loop, jnp.full((pad,), _N, jnp.int32)])
    slack = jnp.zeros((_NW, 256), jnp.int32)
    srcp = jnp.concatenate(
        [src_u.reshape(_NW, _EPWU), slack], axis=1).reshape(-1)
    dstp = jnp.concatenate(
        [dst_u.reshape(_NW, _EPWU), slack], axis=1).reshape(-1)

    eye8 = jnp.eye(_HEADS, dtype=jnp.float32)
    As1 = (a_src1[:, :, None] * eye8[:, None, :]).reshape(_IN, _HEADS)
    Ad1 = (a_dst1[:, :, None] * eye8[:, None, :]).reshape(_IN, _HEADS)
    EXP8 = jnp.repeat(eye8, _HID, axis=1)
    ONES8 = jnp.ones((1, 8), jnp.float32)
    ONES16 = jnp.ones((1, 16), jnp.float32)
    ONES64 = jnp.ones((1, _OUT), jnp.float32)

    zN1 = jnp.zeros((_NP, _IN), jnp.float32)
    zN2 = jnp.zeros((_NP, _OUT), jnp.float32)
    zD = jnp.zeros((_NP, 16), jnp.float32)

    tpad = jnp.zeros((_NP - _N, 16), jnp.float32)

    h1, asT1, adT1, amx1 = _tc1(x, W1, As1, Ad1)
    num1, den1 = _sc_edge_kernel(_IN, _HEADS, 64)(
        srcp, dstp, h1, jnp.concatenate([asT1, tpad]),
        jnp.concatenate([adT1, tpad]), amx1.reshape(16), zN1, zD)

    h2, asT2, adT2, amx2 = _tc2(num1, den1, b1, W2, a_src2, a_dst2,
                                EXP8, ONES8, ONES16)
    num2, den2 = _sc_edge_kernel(_OUT, 1, 128)(
        srcp, dstp, h2, jnp.concatenate([asT2, tpad]),
        jnp.concatenate([adT2, tpad]), amx2.reshape(16), zN2, zD)

    return _tc3(num2, den2, b2, ONES64)

# --- scband reference (transcript-rebuilt; emitter-appended) ---
"""Pipeline reference for scband-gat-16578573763128 (READ-ONLY COPY).

The authoritative reference and input builder live on the scoring server;
editing this copy changes nothing except your own understanding.
"""

import jax, jax.numpy as jnp
import numpy as np

N = 10000
E = 320000
IN_CH = 128
HID = 16
HEADS = 8
OUT_CH = 64


def setup_inputs(seed: int = 0) -> dict:
    key = jax.random.key(seed)
    ks = jax.random.split(key, 12)
    x = jax.random.normal(ks[0], (N, IN_CH), dtype=jnp.float32)
    edge_index = jax.random.randint(ks[1], (2, E), 0, N, dtype=jnp.int32)
    # layer 1: GATConv(IN_CH -> HID, heads=HEADS, concat=True)
    W1 = jax.random.normal(ks[2], (IN_CH, HEADS * HID), dtype=jnp.float32) * (1.0 / np.sqrt(IN_CH))
    a_src1 = jax.random.normal(ks[3], (HEADS, HID), dtype=jnp.float32) * (1.0 / np.sqrt(HID))
    a_dst1 = jax.random.normal(ks[4], (HEADS, HID), dtype=jnp.float32) * (1.0 / np.sqrt(HID))
    b1 = jnp.zeros((HEADS * HID,), dtype=jnp.float32)
    # layer 2: GATConv(HEADS*HID -> OUT_CH, heads=1, concat=False)
    W2 = jax.random.normal(ks[5], (HEADS * HID, OUT_CH), dtype=jnp.float32) * (1.0 / np.sqrt(HEADS * HID))
    a_src2 = jax.random.normal(ks[6], (1, OUT_CH), dtype=jnp.float32) * (1.0 / np.sqrt(OUT_CH))
    a_dst2 = jax.random.normal(ks[7], (1, OUT_CH), dtype=jnp.float32) * (1.0 / np.sqrt(OUT_CH))
    b2 = jnp.zeros((OUT_CH,), dtype=jnp.float32)
    return {"x": x, "edge_index": edge_index, "W1": W1, "a_src1": a_src1, "a_dst1": a_dst1,
            "b1": b1, "W2": W2, "a_src2": a_src2, "a_dst2": a_dst2, "b2": b2}


def gat_conv(x, edge_index, W, a_src, a_dst, bias, heads, out_ch, concat):
    n = x.shape[0]
    # add self loops (PyG GATConv default add_self_loops=True)
    loop = jnp.arange(n, dtype=edge_index.dtype)
    ei = jnp.concatenate([edge_index, jnp.stack([loop, loop])], axis=1)
    src, dst = ei[0], ei[1]
    h = (x @ W).reshape(n, heads, out_ch)
    alpha_src = (h * a_src[None, :, :]).sum(-1)  # [n, heads]
    alpha_dst = (h * a_dst[None, :, :]).sum(-1)  # [n, heads]
    e = jax.nn.leaky_relu(alpha_src[src] + alpha_dst[dst], negative_slope=0.2)  # [Etot, heads]
    # segment softmax over incoming edges per dst node
    m = jax.ops.segment_max(e, dst, num_segments=n)
    m = jnp.where(jnp.isfinite(m), m, 0.0)
    ex = jnp.exp(e - m[dst])
    denom = jax.ops.segment_sum(ex, dst, num_segments=n)
    alpha = ex / (denom[dst] + 1e-16)  # [Etot, heads]
    msg = h[src] * alpha[:, :, None]  # [Etot, heads, out_ch]
    out = jax.ops.segment_sum(msg, dst, num_segments=n)  # [n, heads, out_ch]
    if concat:
        out = out.reshape(n, heads * out_ch)
    else:
        out = out.mean(axis=1)
    return out + bias


def reference(x, edge_index, W1, a_src1, a_dst1, b1, W2, a_src2, a_dst2, b2):
    h = gat_conv(x, edge_index, W1, a_src1, a_dst1, b1, HEADS, HID, True)
    h = jax.nn.elu(h)
    out = gat_conv(h, edge_index, W2, a_src2, a_dst2, b2, 1, OUT_CH, False)
    return out

if __name__ == "__main__":
    import jax
    _d = setup_inputs()
    print(jax.jit(kernel)(*tuple(_d.values())))

</pallas_src>

<mosaic_0001>
#map = affine_map<(d0, d1) -> (0)>
#map1 = affine_map<(d0, d1) -> (0, 0)>
#map2 = affine_map<(d0, d1) -> (0, 0, 0)>
module attributes {stable_mosaic.version = 14 : i64} {
  func.func @k(%arg0: i32, %arg1: i32, %arg2: memref<344064xi32, #tpu.memory_space<hbm>>, %arg3: memref<344064xi32, #tpu.memory_space<hbm>>, %arg4: memref<10000x64xf32, #tpu.memory_space<hbm>>, %arg5: memref<10240x16xf32, #tpu.memory_space<hbm>>, %arg6: memref<10240x16xf32, #tpu.memory_space<hbm>>, %arg7: memref<16xf32, #tpu.memory_space<hbm>>, %arg8: memref<10240x64xf32, #tpu.memory_space<hbm>>, %arg9: memref<10240x16xf32, #tpu.memory_space<hbm>>, %arg10: memref<2x10240x64xf32, #tpu.memory_space<hbm>>, %arg11: memref<2x10240x16xf32, #tpu.memory_space<hbm>>, %arg12: memref<2x128xi32, #tpu.memory_space<vmem>>, %arg13: memref<2x128xi32, #tpu.memory_space<vmem>>, %arg14: memref<2x128x16xf32, #tpu.memory_space<vmem>>, %arg15: memref<2x128x16xf32, #tpu.memory_space<vmem>>, %arg16: memref<128x16xf32, #tpu.memory_space<vmem>>, %arg17: memref<2x128x64xf32, #tpu.memory_space<vmem>>, %arg18: memref<128x64xf32, #tpu.memory_space<vmem>>, %arg19: memref<16xf32, #tpu.memory_space<vmem>>, %arg20: memref<10240x64xf32, #tpu.memory_space<vmem_shared>>, %arg21: memref<10240x16xf32, #tpu.memory_space<vmem_shared>>, %arg22: memref<!tpu.dma_semaphore, #tpu.memory_space<semaphore_mem>>, %arg23: memref<!tpu.dma_semaphore, #tpu.memory_space<semaphore_mem>>, %arg24: memref<!tpu.dma_semaphore, #tpu.memory_space<semaphore_mem>>, %arg25: memref<!tpu.dma_semaphore, #tpu.memory_space<semaphore_mem>>, %arg26: memref<!tpu.dma_semaphore, #tpu.memory_space<semaphore_mem>>) attributes {dimension_semantics = [#tpu.dimension_semantics<core_parallel>, #tpu.dimension_semantics<subcore_parallel>], iteration_bounds = array<i64: 2, 16>, scalar_prefetch = 0 : i64, scratch_operands = 15 : i64, tpu.core_type = #tpu.core_type<sc_vector_subcore>, window_params = [{transform_indices = #map}, {transform_indices = #map}, {transform_indices = #map1}, {transform_indices = #map1}, {transform_indices = #map1}, {transform_indices = #map}, {transform_indices = #map1}, {transform_indices = #map1}, {transform_indices = #map2}, {transform_indices = #map2}]} {
    %mul3A = arith.constant 2 : i32
    %mul3A_0 = arith.muli %arg1, %mul3A : i32
    %add3A = arith.addi %mul3A_0, %arg0 : i32
    %eq3A = arith.constant 0 : i32
    %eq3A_1 = arith.cmpi eq, %arg1, %eq3A : i32
    %convert_element_type3A = arith.extui %eq3A_1 : i1 to i32
    %cond3A = arith.constant 0 : i32
    %cond3A_2 = arith.cmpi ne, %convert_element_type3A, %cond3A : i32
    scf.if %cond3A_2 {
      "tpu.region"() ({
        %run_scoped3A = tpu.sem_alloc : memref<!tpu.dma_semaphore, #tpu.memory_space<semaphore_mem>>
        tpu.enqueue_dma source(%arg8 : memref<10240x64xf32, #tpu.memory_space<hbm>>) target(%arg20 : memref<10240x64xf32, #tpu.memory_space<vmem_shared>>) target_semaphore(%run_scoped3A : memref<!tpu.dma_semaphore, #tpu.memory_space<semaphore_mem>>)
        tpu.wait_dma2 semaphore(%run_scoped3A : memref<!tpu.dma_semaphore, #tpu.memory_space<semaphore_mem>>) src(%arg8 : memref<10240x64xf32, #tpu.memory_space<hbm>>) dst(%arg20 : memref<10240x64xf32, #tpu.memory_space<vmem_shared>>)
        tpu.yield
      }) : () -> ()
      "tpu.region"() ({
        %run_scoped3A = tpu.sem_alloc : memref<!tpu.dma_semaphore, #tpu.memory_space<semaphore_mem>>
        tpu.enqueue_dma source(%arg9 : memref<10240x16xf32, #tpu.memory_space<hbm>>) target(%arg21 : memref<10240x16xf32, #tpu.memory_space<vmem_shared>>) target_semaphore(%run_scoped3A : memref<!tpu.dma_semaphore, #tpu.memory_space<semaphore_mem>>)
        tpu.wait_dma2 semaphore(%run_scoped3A : memref<!tpu.dma_semaphore, #tpu.memory_space<semaphore_mem>>) src(%arg9 : memref<10240x16xf32, #tpu.memory_space<hbm>>) dst(%arg21 : memref<10240x16xf32, #tpu.memory_space<vmem_shared>>)
        tpu.yield
      }) : () -> ()
    } else {
    }
    "tpu.region"() ({
      %run_scoped3A = tpu.sem_alloc : memref<!tpu.dma_semaphore, #tpu.memory_space<semaphore_mem>>
      tpu.enqueue_dma source(%arg7 : memref<16xf32, #tpu.memory_space<hbm>>) target(%arg19 : memref<16xf32, #tpu.memory_space<vmem>>) target_semaphore(%run_scoped3A : memref<!tpu.dma_semaphore, #tpu.memory_space<semaphore_mem>>)
      tpu.wait_dma2 semaphore(%run_scoped3A : memref<!tpu.dma_semaphore, #tpu.memory_space<semaphore_mem>>) src(%arg7 : memref<16xf32, #tpu.memory_space<hbm>>) dst(%arg19 : memref<16xf32, #tpu.memory_space<vmem>>)
      tpu.yield
    }) : () -> ()
    %barrier3A = arith.constant 0 : index
    tpu.barrier barrier_id(%barrier3A)
    %get3A = arith.constant 0 : index
    %get3A_3 = tpu.vector_load %arg19[%get3A] {strides = array<i32>} : memref<16xf32, #tpu.memory_space<vmem>>, vector<16xf32>,
    %get3A_4 = vector.shape_cast %get3A_3 : vector<16xf32> to vector<16xf32>
    %mul3A_5 = arith.constant 10752 : i32
    %mul3A_6 = arith.muli %add3A, %mul3A_5 : i32
    %add3A_7 = arith.constant 0 : i32
    %add3A_8 = arith.addi %mul3A_6, %add3A_7 : i32
    %dma_start3A = arith.constant 0 : i32
    %dma_start3A_9 = arith.constant 0 : i32
    %dma_start3A_10 = tpu.memref_slice %arg12[%dma_start3A, %dma_start3A_9] : memref<2x128xi32, #tpu.memory_space<vmem>> -> memref<1x128xi32, #tpu.memory_space<vmem>>
    %dma_start3A_11 = tpu.memref_squeeze %dma_start3A_10 : memref<1x128xi32, #tpu.memory_space<vmem>> -> memref<128xi32, #tpu.memory_space<vmem>>
    %dma_start3A_12 = tpu.memref_slice %arg2[%add3A_8] : memref<344064xi32, #tpu.memory_space<hbm>> -> memref<128xi32, #tpu.memory_space<hbm>>
    %dma_start3A_13 = arith.constant 0 : i32
    %dma_start3A_14 = tpu.memref_slice %arg12[%dma_start3A, %dma_start3A_13] : memref<2x128xi32, #tpu.memory_space<vmem>> -> memref<1x128xi32, #tpu.memory_space<vmem>>
    %dma_start3A_15 = tpu.memref_squeeze %dma_start3A_14 : memref<1x128xi32, #tpu.memory_space<vmem>> -> memref<128xi32, #tpu.memory_space<vmem>>
    %dma_start3A_16 = tpu.memref_slice %arg2[%add3A_8] : memref<344064xi32, #tpu.memory_space<hbm>> -> memref<128xi32, #tpu.memory_space<hbm>>
    tpu.enqueue_dma source(%dma_start3A_16 : memref<128xi32, #tpu.memory_space<hbm>>) target(%dma_start3A_15 : memref<128xi32, #tpu.memory_space<vmem>>) target_semaphore(%arg22 : memref<!tpu.dma_semaphore, #tpu.memory_space<semaphore_mem>>)
    %dma_start3A_17 = arith.constant 0 : i32
    %dma_start3A_18 = arith.constant 0 : i32
    %dma_start3A_19 = tpu.memref_slice %arg13[%dma_start3A_17, %dma_start3A_18] : memref<2x128xi32, #tpu.memory_space<vmem>> -> memref<1x128xi32, #tpu.memory_space<vmem>>
    %dma_start3A_20 = tpu.memref_squeeze %dma_start3A_19 : memref<1x128xi32, #tpu.memory_space<vmem>> -> memref<128xi32, #tpu.memory_space<vmem>>
    %dma_start3A_21 = tpu.memref_slice %arg3[%add3A_8] : memref<344064xi32, #tpu.memory_space<hbm>> -> memref<128xi32, #tpu.memory_space<hbm>>
    %dma_start3A_22 = arith.constant 0 : i32
    %dma_start3A_23 = tpu.memref_slice %arg13[%dma_start3A_17, %dma_start3A_22] : memref<2x128xi32, #tpu.memory_space<vmem>> -> memref<1x128xi32, #tpu.memory_space<vmem>>
    %dma_start3A_24 = tpu.memref_squeeze %dma_start3A_23 : memref<1x128xi32, #tpu.memory_space<vmem>> -> memref<128xi32, #tpu.memory_space<vmem>>
    %dma_start3A_25 = tpu.memref_slice %arg3[%add3A_8] : memref<344064xi32, #tpu.memory_space<hbm>> -> memref<128xi32, #tpu.memory_space<hbm>>
    tpu.enqueue_dma source(%dma_start3A_25 : memref<128xi32, #tpu.memory_space<hbm>>) target(%dma_start3A_24 : memref<128xi32, #tpu.memory_space<vmem>>) target_semaphore(%arg22 : memref<!tpu.dma_semaphore, #tpu.memory_space<semaphore_mem>>)
    %mul3A_26 = arith.constant 10752 : i32
    %mul3A_27 = arith.muli %add3A, %mul3A_26 : i32
    %add3A_28 = arith.constant 128 : i32
    %add3A_29 = arith.addi %mul3A_27, %add3A_28 : i32
    %dma_start3A_30 = arith.constant 1 : i32
    %dma_start3A_31 = arith.constant 0 : i32
    %dma_start3A_32 = tpu.memref_slice %arg12[%dma_start3A_30, %dma_start3A_31] : memref<2x128xi32, #tpu.memory_space<vmem>> -> memref<1x128xi32, #tpu.memory_space<vmem>>
    %dma_start3A_33 = tpu.memref_squeeze %dma_start3A_32 : memref<1x128xi32, #tpu.memory_space<vmem>> -> memref<128xi32, #tpu.memory_space<vmem>>
    %dma_start3A_34 = tpu.memref_slice %arg2[%add3A_29] : memref<344064xi32, #tpu.memory_space<hbm>> -> memref<128xi32, #tpu.memory_space<hbm>>
    %dma_start3A_35 = arith.constant 0 : i32
    %dma_start3A_36 = tpu.memref_slice %arg12[%dma_start3A_30, %dma_start3A_35] : memref<2x128xi32, #tpu.memory_space<vmem>> -> memref<1x128xi32, #tpu.memory_space<vmem>>
    %dma_start3A_37 = tpu.memref_squeeze %dma_start3A_36 : memref<1x128xi32, #tpu.memory_space<vmem>> -> memref<128xi32, #tpu.memory_space<vmem>>
    %dma_start3A_38 = tpu.memref_slice %arg2[%add3A_29] : memref<344064xi32, #tpu.memory_space<hbm>> -> memref<128xi32, #tpu.memory_space<hbm>>
    tpu.enqueue_dma source(%dma_start3A_38 : memref<128xi32, #tpu.memory_space<hbm>>) target(%dma_start3A_37 : memref<128xi32, #tpu.memory_space<vmem>>) target_semaphore(%arg23 : memref<!tpu.dma_semaphore, #tpu.memory_space<semaphore_mem>>)
    %dma_start3A_39 = arith.constant 1 : i32
    %dma_start3A_40 = arith.constant 0 : i32
    %dma_start3A_41 = tpu.memref_slice %arg13[%dma_start3A_39, %dma_start3A_40] : memref<2x128xi32, #tpu.memory_space<vmem>> -> memref<1x128xi32, #tpu.memory_space<vmem>>
    %dma_start3A_42 = tpu.memref_squeeze %dma_start3A_41 : memref<1x128xi32, #tpu.memory_space<vmem>> -> memref<128xi32, #tpu.memory_space<vmem>>
    %dma_start3A_43 = tpu.memref_slice %arg3[%add3A_29] : memref<344064xi32, #tpu.memory_space<hbm>> -> memref<128xi32, #tpu.memory_space<hbm>>
    %dma_start3A_44 = arith.constant 0 : i32
    %dma_start3A_45 = tpu.memref_slice %arg13[%dma_start3A_39, %dma_start3A_44] : memref<2x128xi32, #tpu.memory_space<vmem>> -> memref<1x128xi32, #tpu.memory_space<vmem>>
    %dma_start3A_46 = tpu.memref_squeeze %dma_start3A_45 : memref<1x128xi32, #tpu.memory_space<vmem>> -> memref<128xi32, #tpu.memory_space<vmem>>
    %dma_start3A_47 = tpu.memref_slice %arg3[%add3A_29] : memref<344064xi32, #tpu.memory_space<hbm>> -> memref<128xi32, #tpu.memory_space<hbm>>
    tpu.enqueue_dma source(%dma_start3A_47 : memref<128xi32, #tpu.memory_space<hbm>>) target(%dma_start3A_46 : memref<128xi32, #tpu.memory_space<vmem>>) target_semaphore(%arg23 : memref<!tpu.dma_semaphore, #tpu.memory_space<semaphore_mem>>)
    %mul3A_48 = arith.constant 10752 : i32
    %mul3A_49 = arith.muli %add3A, %mul3A_48 : i32
    %add3A_50 = arith.constant 0 : i32
    %add3A_51 = arith.addi %mul3A_49, %add3A_50 : i32
    %dma_wait3A = arith.constant 0 : i32
    %dma_wait3A_52 = arith.constant 0 : i32
    %dma_wait3A_53 = tpu.memref_slice %arg12[%dma_wait3A, %dma_wait3A_52] : memref<2x128xi32, #tpu.memory_space<vmem>> -> memref<1x128xi32, #tpu.memory_space<vmem>>
    %dma_wait3A_54 = tpu.memref_squeeze %dma_wait3A_53 : memref<1x128xi32, #tpu.memory_space<vmem>> -> memref<128xi32, #tpu.memory_space<vmem>>
    %dma_wait3A_55 = tpu.memref_slice %arg2[%add3A_51] : memref<344064xi32, #tpu.memory_space<hbm>> -> memref<128xi32, #tpu.memory_space<hbm>>
    %dma_wait3A_56 = arith.constant 0 : i32
    %dma_wait3A_57 = tpu.memref_slice %arg12[%dma_wait3A, %dma_wait3A_56] : memref<2x128xi32, #tpu.memory_space<vmem>> -> memref<1x128xi32, #tpu.memory_space<vmem>>
    %dma_wait3A_58 = tpu.memref_squeeze %dma_wait3A_57 : memref<1x128xi32, #tpu.memory_space<vmem>> -> memref<128xi32, #tpu.memory_space<vmem>>
    %dma_wait3A_59 = tpu.memref_slice %arg2[%add3A_51] : memref<344064xi32, #tpu.memory_space<hbm>> -> memref<128xi32, #tpu.memory_space<hbm>>
    tpu.wait_dma2 semaphore(%arg22 : memref<!tpu.dma_semaphore, #tpu.memory_space<semaphore_mem>>) src(%dma_wait3A_59 : memref<128xi32, #tpu.memory_space<hbm>>) dst(%dma_wait3A_58 : memref<128xi32, #tpu.memory_space<vmem>>)
    %dma_wait3A_60 = arith.constant 0 : i32
    %dma_wait3A_61 = arith.constant 0 : i32
    %dma_wait3A_62 = tpu.memref_slice %arg13[%dma_wait3A_60, %dma_wait3A_61] : memref<2x128xi32, #tpu.memory_space<vmem>> -> memref<1x128xi32, #tpu.memory_space<vmem>>
    %dma_wait3A_63 = tpu.memref_squeeze %dma_wait3A_62 : memref<1x128xi32, #tpu.memory_space<vmem>> -> memref<128xi32, #tpu.memory_space<vmem>>
    %dma_wait3A_64 = tpu.memref_slice %arg3[%add3A_51] : memref<344064xi32, #tpu.memory_space<hbm>> -> memref<128xi32, #tpu.memory_space<hbm>>
    %dma_wait3A_65 = arith.constant 0 : i32
    %dma_wait3A_66 = tpu.memref_slice %arg13[%dma_wait3A_60, %dma_wait3A_65] : memref<2x128xi32, #tpu.memory_space<vmem>> -> memref<1x128xi32, #tpu.memory_space<vmem>>
    %dma_wait3A_67 = tpu.memref_squeeze %dma_wait3A_66 : memref<1x128xi32, #tpu.memory_space<vmem>> -> memref<128xi32, #tpu.memory_space<vmem>>
    %dma_wait3A_68 = tpu.memref_slice %arg3[%add3A_51] : memref<344064xi32, #tpu.memory_space<hbm>> -> memref<128xi32, #tpu.memory_space<hbm>>
    tpu.wait_dma2 semaphore(%arg22 : memref<!tpu.dma_semaphore, #tpu.memory_space<semaphore_mem>>) src(%dma_wait3A_68 : memref<128xi32, #tpu.memory_space<hbm>>) dst(%dma_wait3A_67 : memref<128xi32, #tpu.memory_space<vmem>>)
    %dma_start3A_69 = arith.constant 0 : i32
    %dma_start3A_70 = arith.constant 0 : i32
    %dma_start3A_71 = arith.constant 0 : i32
    %dma_start3A_72 = arith.constant 0 : i32
    %dma_start3A_73 = tpu.memref_slice %arg14[%dma_start3A_70, %dma_start3A_71, %dma_start3A_72] : memref<2x128x16xf32, #tpu.memory_space<vmem>> -> memref<1x128x16xf32, #tpu.memory_space<vmem>>
    %dma_start3A_74 = tpu.memref_squeeze %dma_start3A_73 : memref<1x128x16xf32, #tpu.memory_space<vmem>> -> memref<128x16xf32, #tpu.memory_space<vmem>>
    %dma_start3A_75 = arith.constant 0 : i32
    %dma_start3A_76 = tpu.memref_slice %arg12[%dma_start3A_69, %dma_start3A_75] : memref<2x128xi32, #tpu.memory_space<vmem>> -> memref<1x128xi32, #tpu.memory_space<vmem>>
    %dma_start3A_77 = tpu.memref_squeeze %dma_start3A_76 : memref<1x128xi32, #tpu.memory_space<vmem>> -> memref<128xi32, #tpu.memory_space<vmem>>
    %dma_start3A_78 = arith.constant 0 : i32
    %dma_start3A_79 = arith.constant 0 : i32
    %dma_start3A_80 = tpu.memref_slice %arg5[%dma_start3A_78, %dma_start3A_79] : memref<10240x16xf32, #tpu.memory_space<hbm>> -> memref<10240x16xf32, #tpu.memory_space<hbm>>
    tpu.enqueue_indirect_dma source(%dma_start3A_80 : memref<10240x16xf32, #tpu.memory_space<hbm>>) target(%dma_start3A_74 : memref<128x16xf32, #tpu.memory_space<vmem>>) offsets(%dma_start3A_77 : memref<128xi32, #tpu.memory_space<vmem>>) semaphore(%arg24 : memref<!tpu.dma_semaphore, #tpu.memory_space<semaphore_mem>>)
    %dma_start3A_81 = arith.constant 0 : i32
    %dma_start3A_82 = arith.constant 0 : i32
    %dma_start3A_83 = arith.constant 0 : i32
    %dma_start3A_84 = arith.constant 0 : i32
    %dma_start3A_85 = tpu.memref_slice %arg15[%dma_start3A_82, %dma_start3A_83, %dma_start3A_84] : memref<2x128x16xf32, #tpu.memory_space<vmem>> -> memref<1x128x16xf32, #tpu.memory_space<vmem>>
    %dma_start3A_86 = tpu.memref_squeeze %dma_start3A_85 : memref<1x128x16xf32, #tpu.memory_space<vmem>> -> memref<128x16xf32, #tpu.memory_space<vmem>>
    %dma_start3A_87 = arith.constant 0 : i32
    %dma_start3A_88 = tpu.memref_slice %arg13[%dma_start3A_81, %dma_start3A_87] : memref<2x128xi32, #tpu.memory_space<vmem>> -> memref<1x128xi32, #tpu.memory_space<vmem>>
    %dma_start3A_89 = tpu.memref_squeeze %dma_start3A_88 : memref<1x128xi32, #tpu.memory_space<vmem>> -> memref<128xi32, #tpu.memory_space<vmem>>
    %dma_start3A_90 = arith.constant 0 : i32
    %dma_start3A_91 = arith.constant 0 : i32
    %dma_start3A_92 = tpu.memref_slice %arg6[%dma_start3A_90, %dma_start3A_91] : memref<10240x16xf32, #tpu.memory_space<hbm>> -> memref<10240x16xf32, #tpu.memory_space<hbm>>
    tpu.enqueue_indirect_dma source(%dma_start3A_92 : memref<10240x16xf32, #tpu.memory_space<hbm>>) target(%dma_start3A_86 : memref<128x16xf32, #tpu.memory_space<vmem>>) offsets(%dma_start3A_89 : memref<128xi32, #tpu.memory_space<vmem>>) semaphore(%arg24 : memref<!tpu.dma_semaphore, #tpu.memory_space<semaphore_mem>>)
    %dma_start3A_93 = arith.constant 0 : i32
    %dma_start3A_94 = arith.constant 0 : i32
    %dma_start3A_95 = arith.constant 0 : i32
    %dma_start3A_96 = arith.constant 0 : i32
    %dma_start3A_97 = tpu.memref_slice %arg17[%dma_start3A_94, %dma_start3A_95, %dma_start3A_96] : memref<2x128x64xf32, #tpu.memory_space<vmem>> -> memref<1x128x64xf32, #tpu.memory_space<vmem>>
    %dma_start3A_98 = tpu.memref_squeeze %dma_start3A_97 : memref<1x128x64xf32, #tpu.memory_space<vmem>> -> memref<128x64xf32, #tpu.memory_space<vmem>>
    %dma_start3A_99 = arith.constant 0 : i32
    %dma_start3A_100 = tpu.memref_slice %arg12[%dma_start3A_93, %dma_start3A_99] : memref<2x128xi32, #tpu.memory_space<vmem>> -> memref<1x128xi32, #tpu.memory_space<vmem>>
    %dma_start3A_101 = tpu.memref_squeeze %dma_start3A_100 : memref<1x128xi32, #tpu.memory_space<vmem>> -> memref<128xi32, #tpu.memory_space<vmem>>
    %dma_start3A_102 = arith.constant 0 : i32
    %dma_start3A_103 = arith.constant 0 : i32
    %dma_start3A_104 = tpu.memref_slice %arg4[%dma_start3A_102, %dma_start3A_103] : memref<10000x64xf32, #tpu.memory_space<hbm>> -> memref<10000x64xf32, #tpu.memory_space<hbm>>
    tpu.enqueue_indirect_dma source(%dma_start3A_104 : memref<10000x64xf32, #tpu.memory_space<hbm>>) target(%dma_start3A_98 : memref<128x64xf32, #tpu.memory_space<vmem>>) offsets(%dma_start3A_101 : memref<128xi32, #tpu.memory_space<vmem>>) semaphore(%arg24 : memref<!tpu.dma_semaphore, #tpu.memory_space<semaphore_mem>>)
    %scan3A = arith.constant 0 : i32
    %scan3A_105 = arith.constant 0 : i32
    %scan3A_106 = arith.constant 41 : i32
    %scan3A_107 = arith.addi %scan3A_105, %scan3A_106 : i32
    %scan3A_108 = arith.constant 1 : i32
    scf.for %scan3A_171 = %scan3A_105 to %scan3A_107 step %scan3A_108  : i32 {
      %mul3A_172 = arith.constant 2 : i32
      %mul3A_173 = arith.muli %mul3A_172, %scan3A_171 : i32
      %add3A_174 = arith.constant 1 : i32
      %add3A_175 = arith.addi %mul3A_173, %add3A_174 : i32
      %mul3A_176 = arith.constant 10752 : i32
      %mul3A_177 = arith.muli %add3A, %mul3A_176 : i32
      %mul3A_178 = arith.constant 128 : i32
      %mul3A_179 = arith.muli %add3A_175, %mul3A_178 : i32
      %add3A_180 = arith.addi %mul3A_177, %mul3A_179 : i32
      %dma_wait3A_181 = arith.constant 1 : i32
      %dma_wait3A_182 = arith.constant 0 : i32
      %dma_wait3A_183 = tpu.memref_slice %arg12[%dma_wait3A_181, %dma_wait3A_182] : memref<2x128xi32, #tpu.memory_space<vmem>> -> memref<1x128xi32, #tpu.memory_space<vmem>>
      %dma_wait3A_184 = tpu.memref_squeeze %dma_wait3A_183 : memref<1x128xi32, #tpu.memory_space<vmem>> -> memref<128xi32, #tpu.memory_space<vmem>>
      %dma_wait3A_185 = tpu.memref_slice %arg2[%add3A_180] : memref<344064xi32, #tpu.memory_space<hbm>> -> memref<128xi32, #tpu.memory_space<hbm>>
      %dma_wait3A_186 = arith.constant 0 : i32
      %dma_wait3A_187 = tpu.memref_slice %arg12[%dma_wait3A_181, %dma_wait3A_186] : memref<2x128xi32, #tpu.memory_space<vmem>> -> memref<1x128xi32, #tpu.memory_space<vmem>>
      %dma_wait3A_188 = tpu.memref_squeeze %dma_wait3A_187 : memref<1x128xi32, #tpu.memory_space<vmem>> -> memref<128xi32, #tpu.memory_space<vmem>>
      %dma_wait3A_189 = tpu.memref_slice %arg2[%add3A_180] : memref<344064xi32, #tpu.memory_space<hbm>> -> memref<128xi32, #tpu.memory_space<hbm>>
      tpu.wait_dma2 semaphore(%arg23 : memref<!tpu.dma_semaphore, #tpu.memory_space<semaphore_mem>>) src(%dma_wait3A_189 : memref<128xi32, #tpu.memory_space<hbm>>) dst(%dma_wait3A_188 : memref<128xi32, #tpu.memory_space<vmem>>)
      %dma_wait3A_190 = arith.constant 1 : i32
      %dma_wait3A_191 = arith.constant 0 : i32
      %dma_wait3A_192 = tpu.memref_slice %arg13[%dma_wait3A_190, %dma_wait3A_191] : memref<2x128xi32, #tpu.memory_space<vmem>> -> memref<1x128xi32, #tpu.memory_space<vmem>>
      %dma_wait3A_193 = tpu.memref_squeeze %dma_wait3A_192 : memref<1x128xi32, #tpu.memory_space<vmem>> -> memref<128xi32, #tpu.memory_space<vmem>>
      %dma_wait3A_194 = tpu.memref_slice %arg3[%add3A_180] : memref<344064xi32, #tpu.memory_space<hbm>> -> memref<128xi32, #tpu.memory_space<hbm>>
      %dma_wait3A_195 = arith.constant 0 : i32
      %dma_wait3A_196 = tpu.memref_slice %arg13[%dma_wait3A_190, %dma_wait3A_195] : memref<2x128xi32, #tpu.memory_space<vmem>> -> memref<1x128xi32, #tpu.memory_space<vmem>>
      %dma_wait3A_197 = tpu.memref_squeeze %dma_wait3A_196 : memref<1x128xi32, #tpu.memory_space<vmem>> -> memref<128xi32, #tpu.memory_space<vmem>>
      %dma_wait3A_198 = tpu.memref_slice %arg3[%add3A_180] : memref<344064xi32, #tpu.memory_space<hbm>> -> memref<128xi32, #tpu.memory_space<hbm>>
      tpu.wait_dma2 semaphore(%arg23 : memref<!tpu.dma_semaphore, #tpu.memory_space<semaphore_mem>>) src(%dma_wait3A_198 : memref<128xi32, #tpu.memory_space<hbm>>) dst(%dma_wait3A_197 : memref<128xi32, #tpu.memory_space<vmem>>)
      %dma_start3A_199 = arith.constant 1 : i32
      %dma_start3A_200 = arith.constant 1 : i32
      %dma_start3A_201 = arith.constant 0 : i32
      %dma_start3A_202 = arith.constant 0 : i32
      %dma_start3A_203 = tpu.memref_slice %arg14[%dma_start3A_200, %dma_start3A_201, %dma_start3A_202] : memref<2x128x16xf32, #tpu.memory_space<vmem>> -> memref<1x128x16xf32, #tpu.memory_space<vmem>>
      %dma_start3A_204 = tpu.memref_squeeze %dma_start3A_203 : memref<1x128x16xf32, #tpu.memory_space<vmem>> -> memref<128x16xf32, #tpu.memory_space<vmem>>
      %dma_start3A_205 = arith.constant 0 : i32
      %dma_start3A_206 = tpu.memref_slice %arg12[%dma_start3A_199, %dma_start3A_205] : memref<2x128xi32, #tpu.memory_space<vmem>> -> memref<1x128xi32, #tpu.memory_space<vmem>>
      %dma_start3A_207 = tpu.memref_squeeze %dma_start3A_206 : memref<1x128xi32, #tpu.memory_space<vmem>> -> memref<128xi32, #tpu.memory_space<vmem>>
      %dma_start3A_208 = arith.constant 0 : i32
      %dma_start3A_209 = arith.constant 0 : i32
      %dma_start3A_210 = tpu.memref_slice %arg5[%dma_start3A_208, %dma_start3A_209] : memref<10240x16xf32, #tpu.memory_space<hbm>> -> memref<10240x16xf32, #tpu.memory_space<hbm>>
      tpu.enqueue_indirect_dma source(%dma_start3A_210 : memref<10240x16xf32, #tpu.memory_space<hbm>>) target(%dma_start3A_204 : memref<128x16xf32, #tpu.memory_space<vmem>>) offsets(%dma_start3A_207 : memref<128xi32, #tpu.memory_space<vmem>>) semaphore(%arg25 : memref<!tpu.dma_semaphore, #tpu.memory_space<semaphore_mem>>)
      %dma_start3A_211 = arith.constant 1 : i32
      %dma_start3A_212 = arith.constant 1 : i32
      %dma_start3A_213 = arith.constant 0 : i32
      %dma_start3A_214 = arith.constant 0 : i32
      %dma_start3A_215 = tpu.memref_slice %arg15[%dma_start3A_212, %dma_start3A_213, %dma_start3A_214] : memref<2x128x16xf32, #tpu.memory_space<vmem>> -> memref<1x128x16xf32, #tpu.memory_space<vmem>>
      %dma_start3A_216 = tpu.memref_squeeze %dma_start3A_215 : memref<1x128x16xf32, #tpu.memory_space<vmem>> -> memref<128x16xf32, #tpu.memory_space<vmem>>
      %dma_start3A_217 = arith.constant 0 : i32
      %dma_start3A_218 = tpu.memref_slice %arg13[%dma_start3A_211, %dma_start3A_217] : memref<2x128xi32, #tpu.memory_space<vmem>> -> memref<1x128xi32, #tpu.memory_space<vmem>>
      %dma_start3A_219 = tpu.memref_squeeze %dma_start3A_218 : memref<1x128xi32, #tpu.memory_space<vmem>> -> memref<128xi32, #tpu.memory_space<vmem>>
      %dma_start3A_220 = arith.constant 0 : i32
      %dma_start3A_221 = arith.constant 0 : i32
      %dma_start3A_222 = tpu.memref_slice %arg6[%dma_start3A_220, %dma_start3A_221] : memref<10240x16xf32, #tpu.memory_space<hbm>> -> memref<10240x16xf32, #tpu.memory_space<hbm>>
      tpu.enqueue_indirect_dma source(%dma_start3A_222 : memref<10240x16xf32, #tpu.memory_space<hbm>>) target(%dma_start3A_216 : memref<128x16xf32, #tpu.memory_space<vmem>>) offsets(%dma_start3A_219 : memref<128xi32, #tpu.memory_space<vmem>>) semaphore(%arg25 : memref<!tpu.dma_semaphore, #tpu.memory_space<semaphore_mem>>)
      %dma_start3A_223 = arith.constant 1 : i32
      %dma_start3A_224 = arith.constant 1 : i32
      %dma_start3A_225 = arith.constant 0 : i32
      %dma_start3A_226 = arith.constant 0 : i32
      %dma_start3A_227 = tpu.memref_slice %arg17[%dma_start3A_224, %dma_start3A_225, %dma_start3A_226] : memref<2x128x64xf32, #tpu.memory_space<vmem>> -> memref<1x128x64xf32, #tpu.memory_space<vmem>>
      %dma_start3A_228 = tpu.memref_squeeze %dma_start3A_227 : memref<1x128x64xf32, #tpu.memory_space<vmem>> -> memref<128x64xf32, #tpu.memory_space<vmem>>
      %dma_start3A_229 = arith.constant 0 : i32
      %dma_start3A_230 = tpu.memref_slice %arg12[%dma_start3A_223, %dma_start3A_229] : memref<2x128xi32, #tpu.memory_space<vmem>> -> memref<1x128xi32, #tpu.memory_space<vmem>>
      %dma_start3A_231 = tpu.memref_squeeze %dma_start3A_230 : memref<1x128xi32, #tpu.memory_space<vmem>> -> memref<128xi32, #tpu.memory_space<vmem>>
      %dma_start3A_232 = arith.constant 0 : i32
      %dma_start3A_233 = arith.constant 0 : i32
      %dma_start3A_234 = tpu.memref_slice %arg4[%dma_start3A_232, %dma_start3A_233] : memref<10000x64xf32, #tpu.memory_space<hbm>> -> memref<10000x64xf32, #tpu.memory_space<hbm>>
      tpu.enqueue_indirect_dma source(%dma_start3A_234 : memref<10000x64xf32, #tpu.memory_space<hbm>>) target(%dma_start3A_228 : memref<128x64xf32, #tpu.memory_space<vmem>>) offsets(%dma_start3A_231 : memref<128xi32, #tpu.memory_space<vmem>>) semaphore(%arg25 : memref<!tpu.dma_semaphore, #tpu.memory_space<semaphore_mem>>)
      %dma_wait3A_235 = arith.constant 0 : i32
      %dma_wait3A_236 = arith.constant 0 : i32
      %dma_wait3A_237 = arith.constant 0 : i32
      %dma_wait3A_238 = arith.constant 0 : i32
      %dma_wait3A_239 = tpu.memref_slice %arg14[%dma_wait3A_236, %dma_wait3A_237, %dma_wait3A_238] : memref<2x128x16xf32, #tpu.memory_space<vmem>> -> memref<1x128x16xf32, #tpu.memory_space<vmem>>
      %dma_wait3A_240 = tpu.memref_squeeze %dma_wait3A_239 : memref<1x128x16xf32, #tpu.memory_space<vmem>> -> memref<128x16xf32, #tpu.memory_space<vmem>>
      %dma_wait3A_241 = arith.constant 0 : i32
      %dma_wait3A_242 = tpu.memref_slice %arg12[%dma_wait3A_235, %dma_wait3A_241] : memref<2x128xi32, #tpu.memory_space<vmem>> -> memref<1x128xi32, #tpu.memory_space<vmem>>
      %dma_wait3A_243 = tpu.memref_squeeze %dma_wait3A_242 : memref<1x128xi32, #tpu.memory_space<vmem>> -> memref<128xi32, #tpu.memory_space<vmem>>
      %dma_wait3A_244 = arith.constant 0 : i32
      %dma_wait3A_245 = arith.constant 0 : i32
      %dma_wait3A_246 = tpu.memref_slice %arg5[%dma_wait3A_244, %dma_wait3A_245] : memref<10240x16xf32, #tpu.memory_space<hbm>> -> memref<10240x16xf32, #tpu.memory_space<hbm>>
      tpu.wait_indirect_dma semaphore(%arg24 : memref<!tpu.dma_semaphore, #tpu.memory_space<semaphore_mem>>) src(%dma_wait3A_246 : memref<10240x16xf32, #tpu.memory_space<hbm>>) dst(%dma_wait3A_240 : memref<128x16xf32, #tpu.memory_space<vmem>>)
      %dma_wait3A_247 = arith.constant 0 : i32
      %dma_wait3A_248 = arith.constant 0 : i32
      %dma_wait3A_249 = arith.constant 0 : i32
      %dma_wait3A_250 = arith.constant 0 : i32
      %dma_wait3A_251 = tpu.memref_slice %arg15[%dma_wait3A_248, %dma_wait3A_249, %dma_wait3A_250] : memref<2x128x16xf32, #tpu.memory_space<vmem>> -> memref<1x128x16xf32, #tpu.memory_space<vmem>>
      %dma_wait3A_252 = tpu.memref_squeeze %dma_wait3A_251 : memref<1x128x16xf32, #tpu.memory_space<vmem>> -> memref<128x16xf32, #tpu.memory_space<vmem>>
      %dma_wait3A_253 = arith.constant 0 : i32
      %dma_wait3A_254 = tpu.memref_slice %arg13[%dma_wait3A_247, %dma_wait3A_253] : memref<2x128xi32, #tpu.memory_space<vmem>> -> memref<1x128xi32, #tpu.memory_space<vmem>>
      %dma_wait3A_255 = tpu.memref_squeeze %dma_wait3A_254 : memref<1x128xi32, #tpu.memory_space<vmem>> -> memref<128xi32, #tpu.memory_space<vmem>>
      %dma_wait3A_256 = arith.constant 0 : i32
      %dma_wait3A_257 = arith.constant 0 : i32
      %dma_wait3A_258 = tpu.memref_slice %arg6[%dma_wait3A_256, %dma_wait3A_257] : memref<10240x16xf32, #tpu.memory_space<hbm>> -> memref<10240x16xf32, #tpu.memory_space<hbm>>
      tpu.wait_indirect_dma semaphore(%arg24 : memref<!tpu.dma_semaphore, #tpu.memory_space<semaphore_mem>>) src(%dma_wait3A_258 : memref<10240x16xf32, #tpu.memory_space<hbm>>) dst(%dma_wait3A_252 : memref<128x16xf32, #tpu.memory_space<vmem>>)
      %dma_wait3A_259 = arith.constant 0 : i32
      %dma_wait3A_260 = arith.constant 0 : i32
      %dma_wait3A_261 = arith.constant 0 : i32
      %dma_wait3A_262 = arith.constant 0 : i32
      %dma_wait3A_263 = tpu.memref_slice %arg17[%dma_wait3A_260, %dma_wait3A_261, %dma_wait3A_262] : memref<2x128x64xf32, #tpu.memory_space<vmem>> -> memref<1x128x64xf32, #tpu.memory_space<vmem>>
      %dma_wait3A_264 = tpu.memref_squeeze %dma_wait3A_263 : memref<1x128x64xf32, #tpu.memory_space<vmem>> -> memref<128x64xf32, #tpu.memory_space<vmem>>
      %dma_wait3A_265 = arith.constant 0 : i32
      %dma_wait3A_266 = tpu.memref_slice %arg12[%dma_wait3A_259, %dma_wait3A_265] : memref<2x128xi32, #tpu.memory_space<vmem>> -> memref<1x128xi32, #tpu.memory_space<vmem>>
      %dma_wait3A_267 = tpu.memref_squeeze %dma_wait3A_266 : memref<1x128xi32, #tpu.memory_space<vmem>> -> memref<128xi32, #tpu.memory_space<vmem>>
      %dma_wait3A_268 = arith.constant 0 : i32
      %dma_wait3A_269 = arith.constant 0 : i32
      %dma_wait3A_270 = tpu.memref_slice %arg4[%dma_wait3A_268, %dma_wait3A_269] : memref<10000x64xf32, #tpu.memory_space<hbm>> -> memref<10000x64xf32, #tpu.memory_space<hbm>>
      tpu.wait_indirect_dma semaphore(%arg24 : memref<!tpu.dma_semaphore, #tpu.memory_space<semaphore_mem>>) src(%dma_wait3A_270 : memref<10000x64xf32, #tpu.memory_space<hbm>>) dst(%dma_wait3A_264 : memref<128x64xf32, #tpu.memory_space<vmem>>)
      %parallel_loop3A = arith.constant 0 : i32
      %parallel_loop3A_271 = arith.constant 128 : i32
      %parallel_loop3A_272 = arith.constant 1 : i32
      scf.for %parallel_loop3A_483 = %parallel_loop3A to %parallel_loop3A_271 step %parallel_loop3A_272  : i32 {
        %parallel_loop3A_484 = arith.constant 0 : i32
        %parallel_loop3A_485 = arith.index_cast %parallel_loop3A_484 : i32 to index
        %parallel_loop3A_486 = arith.index_cast %parallel_loop3A_483 : i32 to index
        %parallel_loop3A_487 = arith.constant 0 : index
        %parallel_loop3A_488 = tpu.vector_load %arg14[%parallel_loop3A_485, %parallel_loop3A_486, %parallel_loop3A_487] {strides = array<i32>} : memref<2x128x16xf32, #tpu.memory_space<vmem>>, vector<1x1x16xf32>,
        %parallel_loop3A_489 = vector.shape_cast %parallel_loop3A_488 : vector<1x1x16xf32> to vector<16xf32>
        %parallel_loop3A_490 = arith.constant 0 : i32
        %parallel_loop3A_491 = arith.index_cast %parallel_loop3A_490 : i32 to index
        %parallel_loop3A_492 = arith.index_cast %parallel_loop3A_483 : i32 to index
        %parallel_loop3A_493 = arith.constant 0 : index
        %parallel_loop3A_494 = tpu.vector_load %arg15[%parallel_loop3A_491, %parallel_loop3A_492, %parallel_loop3A_493] {strides = array<i32>} : memref<2x128x16xf32, #tpu.memory_space<vmem>>, vector<1x1x16xf32>,
        %parallel_loop3A_495 = vector.shape_cast %parallel_loop3A_494 : vector<1x1x16xf32> to vector<16xf32>
        %parallel_loop3A_496 = arith.addf %parallel_loop3A_489, %parallel_loop3A_495 : vector<16xf32>
        %parallel_loop3A_497 = arith.constant 2.000000e-01 : f32
        %parallel_loop3A_498 = vector.broadcast %parallel_loop3A_497 : f32 to vector<16xf32>
        %parallel_loop3A_499 = arith.mulf %parallel_loop3A_498, %parallel_loop3A_496 : vector<16xf32>
        %parallel_loop3A_500 = arith.maximumf %parallel_loop3A_496, %parallel_loop3A_499 : vector<16xf32>
        %parallel_loop3A_501 = arith.addf %get3A_4, %parallel_loop3A_495 : vector<16xf32>
        %parallel_loop3A_502 = arith.constant 2.000000e-01 : f32
        %parallel_loop3A_503 = vector.broadcast %parallel_loop3A_502 : f32 to vector<16xf32>
        %parallel_loop3A_504 = arith.mulf %parallel_loop3A_503, %parallel_loop3A_501 : vector<16xf32>
        %parallel_loop3A_505 = arith.maximumf %parallel_loop3A_501, %parallel_loop3A_504 : vector<16xf32>
        %parallel_loop3A_506 = arith.subf %parallel_loop3A_500, %parallel_loop3A_505 : vector<16xf32>
        %parallel_loop3A_507 = math.exp %parallel_loop3A_506 : vector<16xf32>
        %parallel_loop3A_508 = arith.index_cast %parallel_loop3A_483 : i32 to index
        %parallel_loop3A_509 = arith.constant 0 : index
        %parallel_loop3A_510 = tpu.vector_load %arg16[%parallel_loop3A_508, %parallel_loop3A_509] {strides = array<i32>} : memref<128x16xf32, #tpu.memory_space<vmem>>, vector<1x16xf32>,
        %parallel_loop3A_511 = vector.shape_cast %parallel_loop3A_510 : vector<1x16xf32> to vector<16xf32>
        %parallel_loop3A_512 = vector.shape_cast %parallel_loop3A_507 : vector<16xf32> to vector<1x16xf32>
        tpu.vector_store %arg16[%parallel_loop3A_508, %parallel_loop3A_509], %parallel_loop3A_512 {strides = array<i32>} : memref<128x16xf32, #tpu.memory_space<vmem>>, vector<1x16xf32>,
        %parallel_loop3A_513 = arith.constant 0 : i32
        %parallel_loop3A_514 = arith.index_cast %parallel_loop3A_513 : i32 to index
        %parallel_loop3A_515 = arith.index_cast %parallel_loop3A_483 : i32 to index
        %parallel_loop3A_516 = arith.constant 0 : index
        %parallel_loop3A_517 = tpu.vector_load %arg17[%parallel_loop3A_514, %parallel_loop3A_515, %parallel_loop3A_516] {strides = array<i32>} : memref<2x128x64xf32, #tpu.memory_space<vmem>>, vector<1x1x16xf32>,
        %parallel_loop3A_518 = vector.shape_cast %parallel_loop3A_517 : vector<1x1x16xf32> to vector<16xf32>
        %parallel_loop3A_519 = arith.mulf %parallel_loop3A_518, %parallel_loop3A_507 : vector<16xf32>
        %parallel_loop3A_520 = arith.index_cast %parallel_loop3A_483 : i32 to index
        %parallel_loop3A_521 = arith.constant 0 : index
        %parallel_loop3A_522 = tpu.vector_load %arg18[%parallel_loop3A_520, %parallel_loop3A_521] {strides = array<i32>} : memref<128x64xf32, #tpu.memory_space<vmem>>, vector<1x16xf32>,
        %parallel_loop3A_523 = vector.shape_cast %parallel_loop3A_522 : vector<1x16xf32> to vector<16xf32>
        %parallel_loop3A_524 = vector.shape_cast %parallel_loop3A_519 : vector<16xf32> to vector<1x16xf32>
        tpu.vector_store %arg18[%parallel_loop3A_520, %parallel_loop3A_521], %parallel_loop3A_524 {strides = array<i32>} : memref<128x64xf32, #tpu.memory_space<vmem>>, vector<1x16xf32>,
        %parallel_loop3A_525 = arith.constant 0 : i32
        %parallel_loop3A_526 = arith.index_cast %parallel_loop3A_525 : i32 to index
        %parallel_loop3A_527 = arith.index_cast %parallel_loop3A_483 : i32 to index
        %parallel_loop3A_528 = arith.constant 16 : index
        %parallel_loop3A_529 = tpu.vector_load %arg17[%parallel_loop3A_526, %parallel_loop3A_527, %parallel_loop3A_528] {strides = array<i32>} : memref<2x128x64xf32, #tpu.memory_space<vmem>>, vector<1x1x16xf32>,
        %parallel_loop3A_530 = vector.shape_cast %parallel_loop3A_529 : vector<1x1x16xf32> to vector<16xf32>
        %parallel_loop3A_531 = arith.mulf %parallel_loop3A_530, %parallel_loop3A_507 : vector<16xf32>
        %parallel_loop3A_532 = arith.index_cast %parallel_loop3A_483 : i32 to index
        %parallel_loop3A_533 = arith.constant 16 : index
        %parallel_loop3A_534 = tpu.vector_load %arg18[%parallel_loop3A_532, %parallel_loop3A_533] {strides = array<i32>} : memref<128x64xf32, #tpu.memory_space<vmem>>, vector<1x16xf32>,
        %parallel_loop3A_535 = vector.shape_cast %parallel_loop3A_534 : vector<1x16xf32> to vector<16xf32>
        %parallel_loop3A_536 = vector.shape_cast %parallel_loop3A_531 : vector<16xf32> to vector<1x16xf32>
        tpu.vector_store %arg18[%parallel_loop3A_532, %parallel_loop3A_533], %parallel_loop3A_536 {strides = array<i32>} : memref<128x64xf32, #tpu.memory_space<vmem>>, vector<1x16xf32>,
        %parallel_loop3A_537 = arith.constant 0 : i32
        %parallel_loop3A_538 = arith.index_cast %parallel_loop3A_537 : i32 to index
        %parallel_loop3A_539 = arith.index_cast %parallel_loop3A_483 : i32 to index
        %parallel_loop3A_540 = arith.constant 32 : index
        %parallel_loop3A_541 = tpu.vector_load %arg17[%parallel_loop3A_538, %parallel_loop3A_539, %parallel_loop3A_540] {strides = array<i32>} : memref<2x128x64xf32, #tpu.memory_space<vmem>>, vector<1x1x16xf32>,
        %parallel_loop3A_542 = vector.shape_cast %parallel_loop3A_541 : vector<1x1x16xf32> to vector<16xf32>
        %parallel_loop3A_543 = arith.mulf %parallel_loop3A_542, %parallel_loop3A_507 : vector<16xf32>
        %parallel_loop3A_544 = arith.index_cast %parallel_loop3A_483 : i32 to index
        %parallel_loop3A_545 = arith.constant 32 : index
        %parallel_loop3A_546 = tpu.vector_load %arg18[%parallel_loop3A_544, %parallel_loop3A_545] {strides = array<i32>} : memref<128x64xf32, #tpu.memory_space<vmem>>, vector<1x16xf32>,
        %parallel_loop3A_547 = vector.shape_cast %parallel_loop3A_546 : vector<1x16xf32> to vector<16xf32>
        %parallel_loop3A_548 = vector.shape_cast %parallel_loop3A_543 : vector<16xf32> to vector<1x16xf32>
        tpu.vector_store %arg18[%parallel_loop3A_544, %parallel_loop3A_545], %parallel_loop3A_548 {strides = array<i32>} : memref<128x64xf32, #tpu.memory_space<vmem>>, vector<1x16xf32>,
        %parallel_loop3A_549 = arith.constant 0 : i32
        %parallel_loop3A_550 = arith.index_cast %parallel_loop3A_549 : i32 to index
        %parallel_loop3A_551 = arith.index_cast %parallel_loop3A_483 : i32 to index
        %parallel_loop3A_552 = arith.constant 48 : index
        %parallel_loop3A_553 = tpu.vector_load %arg17[%parallel_loop3A_550, %parallel_loop3A_551, %parallel_loop3A_552] {strides = array<i32>} : memref<2x128x64xf32, #tpu.memory_space<vmem>>, vector<1x1x16xf32>,
        %parallel_loop3A_554 = vector.shape_cast %parallel_loop3A_553 : vector<1x1x16xf32> to vector<16xf32>
        %parallel_loop3A_555 = arith.mulf %parallel_loop3A_554, %parallel_loop3A_507 : vector<16xf32>
        %parallel_loop3A_556 = arith.index_cast %parallel_loop3A_483 : i32 to index
        %parallel_loop3A_557 = arith.constant 48 : index
        %parallel_loop3A_558 = tpu.vector_load %arg18[%parallel_loop3A_556, %parallel_loop3A_557] {strides = array<i32>} : memref<128x64xf32, #tpu.memory_space<vmem>>, vector<1x16xf32>,
        %parallel_loop3A_559 = vector.shape_cast %parallel_loop3A_558 : vector<1x16xf32> to vector<16xf32>
        %parallel_loop3A_560 = vector.shape_cast %parallel_loop3A_555 : vector<16xf32> to vector<1x16xf32>
        tpu.vector_store %arg18[%parallel_loop3A_556, %parallel_loop3A_557], %parallel_loop3A_560 {strides = array<i32>} : memref<128x64xf32, #tpu.memory_space<vmem>>, vector<1x16xf32>,
      } {sc.loop_unroll_factor = 4 : i64, sc.parallel_access}
      %dma_start3A_273 = arith.constant 0 : i32
      %dma_start3A_274 = arith.constant 0 : i32
      %dma_start3A_275 = tpu.memref_slice %arg13[%dma_start3A_273, %dma_start3A_274] : memref<2x128xi32, #tpu.memory_space<vmem>> -> memref<1x128xi32, #tpu.memory_space<vmem>>
      %dma_start3A_276 = tpu.memref_squeeze %dma_start3A_275 : memref<1x128xi32, #tpu.memory_space<vmem>> -> memref<128xi32, #tpu.memory_space<vmem>>
      %dma_start3A_277 = arith.constant 0 : i32
      %dma_start3A_278 = arith.constant 0 : i32
      %dma_start3A_279 = tpu.memref_slice %arg21[%dma_start3A_277, %dma_start3A_278] : memref<10240x16xf32, #tpu.memory_space<vmem_shared>> -> memref<10240x16xf32, #tpu.memory_space<vmem_shared>>
      tpu.enqueue_indirect_dma source(%arg16 : memref<128x16xf32, #tpu.memory_space<vmem>>) target(%dma_start3A_279 : memref<10240x16xf32, #tpu.memory_space<vmem_shared>>) offsets(%dma_start3A_276 : memref<128xi32, #tpu.memory_space<vmem>>) semaphore(%arg26 : memref<!tpu.dma_semaphore, #tpu.memory_space<semaphore_mem>>) {add = true}
      %dma_start3A_280 = arith.constant 0 : i32
      %dma_start3A_281 = arith.constant 0 : i32
      %dma_start3A_282 = tpu.memref_slice %arg13[%dma_start3A_280, %dma_start3A_281] : memref<2x128xi32, #tpu.memory_space<vmem>> -> memref<1x128xi32, #tpu.memory_space<vmem>>
      %dma_start3A_283 = tpu.memref_squeeze %dma_start3A_282 : memref<1x128xi32, #tpu.memory_space<vmem>> -> memref<128xi32, #tpu.memory_space<vmem>>
      %dma_start3A_284 = arith.constant 0 : i32
      %dma_start3A_285 = arith.constant 0 : i32
      %dma_start3A_286 = tpu.memref_slice %arg20[%dma_start3A_284, %dma_start3A_285] : memref<10240x64xf32, #tpu.memory_space<vmem_shared>> -> memref<10240x64xf32, #tpu.memory_space<vmem_shared>>
      tpu.enqueue_indirect_dma source(%arg18 : memref<128x64xf32, #tpu.memory_space<vmem>>) target(%dma_start3A_286 : memref<10240x64xf32, #tpu.memory_space<vmem_shared>>) offsets(%dma_start3A_283 : memref<128xi32, #tpu.memory_space<vmem>>) semaphore(%arg26 : memref<!tpu.dma_semaphore, #tpu.memory_space<semaphore_mem>>) {add = true}
      %dma_wait3A_287 = arith.constant 0 : i32
      %dma_wait3A_288 = arith.constant 0 : i32
      %dma_wait3A_289 = tpu.memref_slice %arg13[%dma_wait3A_287, %dma_wait3A_288] : memref<2x128xi32, #tpu.memory_space<vmem>> -> memref<1x128xi32, #tpu.memory_space<vmem>>
      %dma_wait3A_290 = tpu.memref_squeeze %dma_wait3A_289 : memref<1x128xi32, #tpu.memory_space<vmem>> -> memref<128xi32, #tpu.memory_space<vmem>>
      %dma_wait3A_291 = arith.constant 0 : i32
      %dma_wait3A_292 = arith.constant 0 : i32
      %dma_wait3A_293 = tpu.memref_slice %arg21[%dma_wait3A_291, %dma_wait3A_292] : memref<10240x16xf32, #tpu.memory_space<vmem_shared>> -> memref<10240x16xf32, #tpu.memory_space<vmem_shared>>
      tpu.wait_indirect_dma semaphore(%arg26 : memref<!tpu.dma_semaphore, #tpu.memory_space<semaphore_mem>>) src(%arg16 : memref<128x16xf32, #tpu.memory_space<vmem>>) dst(%dma_wait3A_293 : memref<10240x16xf32, #tpu.memory_space<vmem_shared>>)
      %dma_wait3A_294 = arith.constant 0 : i32
      %dma_wait3A_295 = arith.constant 0 : i32
      %dma_wait3A_296 = tpu.memref_slice %arg13[%dma_wait3A_294, %dma_wait3A_295] : memref<2x128xi32, #tpu.memory_space<vmem>> -> memref<1x128xi32, #tpu.memory_space<vmem>>
      %dma_wait3A_297 = tpu.memref_squeeze %dma_wait3A_296 : memref<1x128xi32, #tpu.memory_space<vmem>> -> memref<128xi32, #tpu.memory_space<vmem>>
      %dma_wait3A_298 = arith.constant 0 : i32
      %dma_wait3A_299 = arith.constant 0 : i32
      %dma_wait3A_300 = tpu.memref_slice %arg20[%dma_wait3A_298, %dma_wait3A_299] : memref<10240x64xf32, #tpu.memory_space<vmem_shared>> -> memref<10240x64xf32, #tpu.memory_space<vmem_shared>>
      tpu.wait_indirect_dma semaphore(%arg26 : memref<!tpu.dma_semaphore, #tpu.memory_space<semaphore_mem>>) src(%arg18 : memref<128x64xf32, #tpu.memory_space<vmem>>) dst(%dma_wait3A_300 : memref<10240x64xf32, #tpu.memory_space<vmem_shared>>)
      %add3A_301 = arith.constant 2 : i32
      %add3A_302 = arith.addi %mul3A_173, %add3A_301 : i32
      %mul3A_303 = arith.constant 10752 : i32
      %mul3A_304 = arith.muli %add3A, %mul3A_303 : i32
      %mul3A_305 = arith.constant 128 : i32
      %mul3A_306 = arith.muli %add3A_302, %mul3A_305 : i32
      %add3A_307 = arith.addi %mul3A_304, %mul3A_306 : i32
      %dma_start3A_308 = arith.constant 0 : i32
      %dma_start3A_309 = arith.constant 0 : i32
      %dma_start3A_310 = tpu.memref_slice %arg12[%dma_start3A_308, %dma_start3A_309] : memref<2x128xi32, #tpu.memory_space<vmem>> -> memref<1x128xi32, #tpu.memory_space<vmem>>
      %dma_start3A_311 = tpu.memref_squeeze %dma_start3A_310 : memref<1x128xi32, #tpu.memory_space<vmem>> -> memref<128xi32, #tpu.memory_space<vmem>>
      %dma_start3A_312 = tpu.memref_slice %arg2[%add3A_307] : memref<344064xi32, #tpu.memory_space<hbm>> -> memref<128xi32, #tpu.memory_space<hbm>>
      %dma_start3A_313 = arith.constant 0 : i32
      %dma_start3A_314 = tpu.memref_slice %arg12[%dma_start3A_308, %dma_start3A_313] : memref<2x128xi32, #tpu.memory_space<vmem>> -> memref<1x128xi32, #tpu.memory_space<vmem>>
      %dma_start3A_315 = tpu.memref_squeeze %dma_start3A_314 : memref<1x128xi32, #tpu.memory_space<vmem>> -> memref<128xi32, #tpu.memory_space<vmem>>
      %dma_start3A_316 = tpu.memref_slice %arg2[%add3A_307] : memref<344064xi32, #tpu.memory_space<hbm>> -> memref<128xi32, #tpu.memory_space<hbm>>
      tpu.enqueue_dma source(%dma_start3A_316 : memref<128xi32, #tpu.memory_space<hbm>>) target(%dma_start3A_315 : memref<128xi32, #tpu.memory_space<vmem>>) target_semaphore(%arg22 : memref<!tpu.dma_semaphore, #tpu.memory_space<semaphore_mem>>)
      %dma_start3A_317 = arith.constant 0 : i32
      %dma_start3A_318 = arith.constant 0 : i32
      %dma_start3A_319 = tpu.memref_slice %arg13[%dma_start3A_317, %dma_start3A_318] : memref<2x128xi32, #tpu.memory_space<vmem>> -> memref<1x128xi32, #tpu.memory_space<vmem>>
      %dma_start3A_320 = tpu.memref_squeeze %dma_start3A_319 : memref<1x128xi32, #tpu.memory_space<vmem>> -> memref<128xi32, #tpu.memory_space<vmem>>
      %dma_start3A_321 = tpu.memref_slice %arg3[%add3A_307] : memref<344064xi32, #tpu.memory_space<hbm>> -> memref<128xi32, #tpu.memory_space<hbm>>
      %dma_start3A_322 = arith.constant 0 : i32
      %dma_start3A_323 = tpu.memref_slice %arg13[%dma_start3A_317, %dma_start3A_322] : memref<2x128xi32, #tpu.memory_space<vmem>> -> memref<1x128xi32, #tpu.memory_space<vmem>>
      %dma_start3A_324 = tpu.memref_squeeze %dma_start3A_323 : memref<1x128xi32, #tpu.memory_space<vmem>> -> memref<128xi32, #tpu.memory_space<vmem>>
      %dma_start3A_325 = tpu.memref_slice %arg3[%add3A_307] : memref<344064xi32, #tpu.memory_space<hbm>> -> memref<128xi32, #tpu.memory_space<hbm>>
      tpu.enqueue_dma source(%dma_start3A_325 : memref<128xi32, #tpu.memory_space<hbm>>) target(%dma_start3A_324 : memref<128xi32, #tpu.memory_space<vmem>>) target_semaphore(%arg22 : memref<!tpu.dma_semaphore, #tpu.memory_space<semaphore_mem>>)
      %mul3A_326 = arith.constant 2 : i32
      %mul3A_327 = arith.muli %mul3A_326, %scan3A_171 : i32
      %add3A_328 = arith.constant 1 : i32
      %add3A_329 = arith.addi %mul3A_327, %add3A_328 : i32
      %add3A_330 = arith.constant 1 : i32
      %add3A_331 = arith.addi %add3A_329, %add3A_330 : i32
      %mul3A_332 = arith.constant 10752 : i32
      %mul3A_333 = arith.muli %add3A, %mul3A_332 : i32
      %mul3A_334 = arith.constant 128 : i32
      %mul3A_335 = arith.muli %add3A_331, %mul3A_334 : i32
      %add3A_336 = arith.addi %mul3A_333, %mul3A_335 : i32
      %dma_wait3A_337 = arith.constant 0 : i32
      %dma_wait3A_338 = arith.constant 0 : i32
      %dma_wait3A_339 = tpu.memref_slice %arg12[%dma_wait3A_337, %dma_wait3A_338] : memref<2x128xi32, #tpu.memory_space<vmem>> -> memref<1x128xi32, #tpu.memory_space<vmem>>
      %dma_wait3A_340 = tpu.memref_squeeze %dma_wait3A_339 : memref<1x128xi32, #tpu.memory_space<vmem>> -> memref<128xi32, #tpu.memory_space<vmem>>
      %dma_wait3A_341 = tpu.memref_slice %arg2[%add3A_336] : memref<344064xi32, #tpu.memory_space<hbm>> -> memref<128xi32, #tpu.memory_space<hbm>>
      %dma_wait3A_342 = arith.constant 0 : i32
      %dma_wait3A_343 = tpu.memref_slice %arg12[%dma_wait3A_337, %dma_wait3A_342] : memref<2x128xi32, #tpu.memory_space<vmem>> -> memref<1x128xi32, #tpu.memory_space<vmem>>
      %dma_wait3A_344 = tpu.memref_squeeze %dma_wait3A_343 : memref<1x128xi32, #tpu.memory_space<vmem>> -> memref<128xi32, #tpu.memory_space<vmem>>
      %dma_wait3A_345 = tpu.memref_slice %arg2[%add3A_336] : memref<344064xi32, #tpu.memory_space<hbm>> -> memref<128xi32, #tpu.memory_space<hbm>>
      tpu.wait_dma2 semaphore(%arg22 : memref<!tpu.dma_semaphore, #tpu.memory_space<semaphore_mem>>) src(%dma_wait3A_345 : memref<128xi32, #tpu.memory_space<hbm>>) dst(%dma_wait3A_344 : memref<128xi32, #tpu.memory_space<vmem>>)
      %dma_wait3A_346 = arith.constant 0 : i32
      %dma_wait3A_347 = arith.constant 0 : i32
      %dma_wait3A_348 = tpu.memref_slice %arg13[%dma_wait3A_346, %dma_wait3A_347] : memref<2x128xi32, #tpu.memory_space<vmem>> -> memref<1x128xi32, #tpu.memory_space<vmem>>
      %dma_wait3A_349 = tpu.memref_squeeze %dma_wait3A_348 : memref<1x128xi32, #tpu.memory_space<vmem>> -> memref<128xi32, #tpu.memory_space<vmem>>
      %dma_wait3A_350 = tpu.memref_slice %arg3[%add3A_336] : memref<344064xi32, #tpu.memory_space<hbm>> -> memref<128xi32, #tpu.memory_space<hbm>>
      %dma_wait3A_351 = arith.constant 0 : i32
      %dma_wait3A_352 = tpu.memref_slice %arg13[%dma_wait3A_346, %dma_wait3A_351] : memref<2x128xi32, #tpu.memory_space<vmem>> -> memref<1x128xi32, #tpu.memory_space<vmem>>
      %dma_wait3A_353 = tpu.memref_squeeze %dma_wait3A_352 : memref<1x128xi32, #tpu.memory_space<vmem>> -> memref<128xi32, #tpu.memory_space<vmem>>
      %dma_wait3A_354 = tpu.memref_slice %arg3[%add3A_336] : memref<344064xi32, #tpu.memory_space<hbm>> -> memref<128xi32, #tpu.memory_space<hbm>>
      tpu.wait_dma2 semaphore(%arg22 : memref<!tpu.dma_semaphore, #tpu.memory_space<semaphore_mem>>) src(%dma_wait3A_354 : memref<128xi32, #tpu.memory_space<hbm>>) dst(%dma_wait3A_353 : memref<128xi32, #tpu.memory_space<vmem>>)
      %dma_start3A_355 = arith.constant 0 : i32
      %dma_start3A_356 = arith.constant 0 : i32
      %dma_start3A_357 = arith.constant 0 : i32
      %dma_start3A_358 = arith.constant 0 : i32
      %dma_start3A_359 = tpu.memref_slice %arg14[%dma_start3A_356, %dma_start3A_357, %dma_start3A_358] : memref<2x128x16xf32, #tpu.memory_space<vmem>> -> memref<1x128x16xf32, #tpu.memory_space<vmem>>
      %dma_start3A_360 = tpu.memref_squeeze %dma_start3A_359 : memref<1x128x16xf32, #tpu.memory_space<vmem>> -> memref<128x16xf32, #tpu.memory_space<vmem>>
      %dma_start3A_361 = arith.constant 0 : i32
      %dma_start3A_362 = tpu.memref_slice %arg12[%dma_start3A_355, %dma_start3A_361] : memref<2x128xi32, #tpu.memory_space<vmem>> -> memref<1x128xi32, #tpu.memory_space<vmem>>
      %dma_start3A_363 = tpu.memref_squeeze %dma_start3A_362 : memref<1x128xi32, #tpu.memory_space<vmem>> -> memref<128xi32, #tpu.memory_space<vmem>>
      %dma_start3A_364 = arith.constant 0 : i32
      %dma_start3A_365 = arith.constant 0 : i32
      %dma_start3A_366 = tpu.memref_slice %arg5[%dma_start3A_364, %dma_start3A_365] : memref<10240x16xf32, #tpu.memory_space<hbm>> -> memref<10240x16xf32, #tpu.memory_space<hbm>>
      tpu.enqueue_indirect_dma source(%dma_start3A_366 : memref<10240x16xf32, #tpu.memory_space<hbm>>) target(%dma_start3A_360 : memref<128x16xf32, #tpu.memory_space<vmem>>) offsets(%dma_start3A_363 : memref<128xi32, #tpu.memory_space<vmem>>) semaphore(%arg24 : memref<!tpu.dma_semaphore, #tpu.memory_space<semaphore_mem>>)
      %dma_start3A_367 = arith.constant 0 : i32
      %dma_start3A_368 = arith.constant 0 : i32
      %dma_start3A_369 = arith.constant 0 : i32
      %dma_start3A_370 = arith.constant 0 : i32
      %dma_start3A_371 = tpu.memref_slice %arg15[%dma_start3A_368, %dma_start3A_369, %dma_start3A_370] : memref<2x128x16xf32, #tpu.memory_space<vmem>> -> memref<1x128x16xf32, #tpu.memory_space<vmem>>
      %dma_start3A_372 = tpu.memref_squeeze %dma_start3A_371 : memref<1x128x16xf32, #tpu.memory_space<vmem>> -> memref<128x16xf32, #tpu.memory_space<vmem>>
      %dma_start3A_373 = arith.constant 0 : i32
      %dma_start3A_374 = tpu.memref_slice %arg13[%dma_start3A_367, %dma_start3A_373] : memref<2x128xi32, #tpu.memory_space<vmem>> -> memref<1x128xi32, #tpu.memory_space<vmem>>
      %dma_start3A_375 = tpu.memref_squeeze %dma_start3A_374 : memref<1x128xi32, #tpu.memory_space<vmem>> -> memref<128xi32, #tpu.memory_space<vmem>>
      %dma_start3A_376 = arith.constant 0 : i32
      %dma_start3A_377 = arith.constant 0 : i32
      %dma_start3A_378 = tpu.memref_slice %arg6[%dma_start3A_376, %dma_start3A_377] : memref<10240x16xf32, #tpu.memory_space<hbm>> -> memref<10240x16xf32, #tpu.memory_space<hbm>>
      tpu.enqueue_indirect_dma source(%dma_start3A_378 : memref<10240x16xf32, #tpu.memory_space<hbm>>) target(%dma_start3A_372 : memref<128x16xf32, #tpu.memory_space<vmem>>) offsets(%dma_start3A_375 : memref<128xi32, #tpu.memory_space<vmem>>) semaphore(%arg24 : memref<!tpu.dma_semaphore, #tpu.memory_space<semaphore_mem>>)
      %dma_start3A_379 = arith.constant 0 : i32
      %dma_start3A_380 = arith.constant 0 : i32
      %dma_start3A_381 = arith.constant 0 : i32
      %dma_start3A_382 = arith.constant 0 : i32
      %dma_start3A_383 = tpu.memref_slice %arg17[%dma_start3A_380, %dma_start3A_381, %dma_start3A_382] : memref<2x128x64xf32, #tpu.memory_space<vmem>> -> memref<1x128x64xf32, #tpu.memory_space<vmem>>
      %dma_start3A_384 = tpu.memref_squeeze %dma_start3A_383 : memref<1x128x64xf32, #tpu.memory_space<vmem>> -> memref<128x64xf32, #tpu.memory_space<vmem>>
      %dma_start3A_385 = arith.constant 0 : i32
      %dma_start3A_386 = tpu.memref_slice %arg12[%dma_start3A_379, %dma_start3A_385] : memref<2x128xi32, #tpu.memory_space<vmem>> -> memref<1x128xi32, #tpu.memory_space<vmem>>
      %dma_start3A_387 = tpu.memref_squeeze %dma_start3A_386 : memref<1x128xi32, #tpu.memory_space<vmem>> -> memref<128xi32, #tpu.memory_space<vmem>>
      %dma_start3A_388 = arith.constant 0 : i32
      %dma_start3A_389 = arith.constant 0 : i32
      %dma_start3A_390 = tpu.memref_slice %arg4[%dma_start3A_388, %dma_start3A_389] : memref<10000x64xf32, #tpu.memory_space<hbm>> -> memref<10000x64xf32, #tpu.memory_space<hbm>>
      tpu.enqueue_indirect_dma source(%dma_start3A_390 : memref<10000x64xf32, #tpu.memory_space<hbm>>) target(%dma_start3A_384 : memref<128x64xf32, #tpu.memory_space<vmem>>) offsets(%dma_start3A_387 : memref<128xi32, #tpu.memory_space<vmem>>) semaphore(%arg24 : memref<!tpu.dma_semaphore, #tpu.memory_space<semaphore_mem>>)
      %dma_wait3A_391 = arith.constant 1 : i32
      %dma_wait3A_392 = arith.constant 1 : i32
      %dma_wait3A_393 = arith.constant 0 : i32
      %dma_wait3A_394 = arith.constant 0 : i32
      %dma_wait3A_395 = tpu.memref_slice %arg14[%dma_wait3A_392, %dma_wait3A_393, %dma_wait3A_394] : memref<2x128x16xf32, #tpu.memory_space<vmem>> -> memref<1x128x16xf32, #tpu.memory_space<vmem>>
      %dma_wait3A_396 = tpu.memref_squeeze %dma_wait3A_395 : memref<1x128x16xf32, #tpu.memory_space<vmem>> -> memref<128x16xf32, #tpu.memory_space<vmem>>
      %dma_wait3A_397 = arith.constant 0 : i32
      %dma_wait3A_398 = tpu.memref_slice %arg12[%dma_wait3A_391, %dma_wait3A_397] : memref<2x128xi32, #tpu.memory_space<vmem>> -> memref<1x128xi32, #tpu.memory_space<vmem>>
      %dma_wait3A_399 = tpu.memref_squeeze %dma_wait3A_398 : memref<1x128xi32, #tpu.memory_space<vmem>> -> memref<128xi32, #tpu.memory_space<vmem>>
      %dma_wait3A_400 = arith.constant 0 : i32
      %dma_wait3A_401 = arith.constant 0 : i32
      %dma_wait3A_402 = tpu.memref_slice %arg5[%dma_wait3A_400, %dma_wait3A_401] : memref<10240x16xf32, #tpu.memory_space<hbm>> -> memref<10240x16xf32, #tpu.memory_space<hbm>>
      tpu.wait_indirect_dma semaphore(%arg25 : memref<!tpu.dma_semaphore, #tpu.memory_space<semaphore_mem>>) src(%dma_wait3A_402 : memref<10240x16xf32, #tpu.memory_space<hbm>>) dst(%dma_wait3A_396 : memref<128x16xf32, #tpu.memory_space<vmem>>)
      %dma_wait3A_403 = arith.constant 1 : i32
      %dma_wait3A_404 = arith.constant 1 : i32
      %dma_wait3A_405 = arith.constant 0 : i32
      %dma_wait3A_406 = arith.constant 0 : i32
      %dma_wait3A_407 = tpu.memref_slice %arg15[%dma_wait3A_404, %dma_wait3A_405, %dma_wait3A_406] : memref<2x128x16xf32, #tpu.memory_space<vmem>> -> memref<1x128x16xf32, #tpu.memory_space<vmem>>
      %dma_wait3A_408 = tpu.memref_squeeze %dma_wait3A_407 : memref<1x128x16xf32, #tpu.memory_space<vmem>> -> memref<128x16xf32, #tpu.memory_space<vmem>>
      %dma_wait3A_409 = arith.constant 0 : i32
      %dma_wait3A_410 = tpu.memref_slice %arg13[%dma_wait3A_403, %dma_wait3A_409] : memref<2x128xi32, #tpu.memory_space<vmem>> -> memref<1x128xi32, #tpu.memory_space<vmem>>
      %dma_wait3A_411 = tpu.memref_squeeze %dma_wait3A_410 : memref<1x128xi32, #tpu.memory_space<vmem>> -> memref<128xi32, #tpu.memory_space<vmem>>
      %dma_wait3A_412 = arith.constant 0 : i32
      %dma_wait3A_413 = arith.constant 0 : i32
      %dma_wait3A_414 = tpu.memref_slice %arg6[%dma_wait3A_412, %dma_wait3A_413] : memref<10240x16xf32, #tpu.memory_space<hbm>> -> memref<10240x16xf32, #tpu.memory_space<hbm>>
      tpu.wait_indirect_dma semaphore(%arg25 : memref<!tpu.dma_semaphore, #tpu.memory_space<semaphore_mem>>) src(%dma_wait3A_414 : memref<10240x16xf32, #tpu.memory_space<hbm>>) dst(%dma_wait3A_408 : memref<128x16xf32, #tpu.memory_space<vmem>>)
      %dma_wait3A_415 = arith.constant 1 : i32
      %dma_wait3A_416 = arith.constant 1 : i32
      %dma_wait3A_417 = arith.constant 0 : i32
      %dma_wait3A_418 = arith.constant 0 : i32
      %dma_wait3A_419 = tpu.memref_slice %arg17[%dma_wait3A_416, %dma_wait3A_417, %dma_wait3A_418] : memref<2x128x64xf32, #tpu.memory_space<vmem>> -> memref<1x128x64xf32, #tpu.memory_space<vmem>>
      %dma_wait3A_420 = tpu.memref_squeeze %dma_wait3A_419 : memref<1x128x64xf32, #tpu.memory_space<vmem>> -> memref<128x64xf32, #tpu.memory_space<vmem>>
      %dma_wait3A_421 = arith.constant 0 : i32
      %dma_wait3A_422 = tpu.memref_slice %arg12[%dma_wait3A_415, %dma_wait3A_421] : memref<2x128xi32, #tpu.memory_space<vmem>> -> memref<1x128xi32, #tpu.memory_space<vmem>>
      %dma_wait3A_423 = tpu.memref_squeeze %dma_wait3A_422 : memref<1x128xi32, #tpu.memory_space<vmem>> -> memref<128xi32, #tpu.memory_space<vmem>>
      %dma_wait3A_424 = arith.constant 0 : i32
      %dma_wait3A_425 = arith.constant 0 : i32
      %dma_wait3A_426 = tpu.memref_slice %arg4[%dma_wait3A_424, %dma_wait3A_425] : memref<10000x64xf32, #tpu.memory_space<hbm>> -> memref<10000x64xf32, #tpu.memory_space<hbm>>
      tpu.wait_indirect_dma semaphore(%arg25 : memref<!tpu.dma_semaphore, #tpu.memory_space<semaphore_mem>>) src(%dma_wait3A_426 : memref<10000x64xf32, #tpu.memory_space<hbm>>) dst(%dma_wait3A_420 : memref<128x64xf32, #tpu.memory_space<vmem>>)
      %parallel_loop3A_427 = arith.constant 0 : i32
      %parallel_loop3A_428 = arith.constant 128 : i32
      %parallel_loop3A_429 = arith.constant 1 : i32
      scf.for %parallel_loop3A_483 = %parallel_loop3A_427 to %parallel_loop3A_428 step %parallel_loop3A_429  : i32 {
        %parallel_loop3A_484 = arith.constant 1 : i32
        %parallel_loop3A_485 = arith.index_cast %parallel_loop3A_484 : i32 to index
        %parallel_loop3A_486 = arith.index_cast %parallel_loop3A_483 : i32 to index
        %parallel_loop3A_487 = arith.constant 0 : index
        %parallel_loop3A_488 = tpu.vector_load %arg14[%parallel_loop3A_485, %parallel_loop3A_486, %parallel_loop3A_487] {strides = array<i32>} : memref<2x128x16xf32, #tpu.memory_space<vmem>>, vector<1x1x16xf32>,
        %parallel_loop3A_489 = vector.shape_cast %parallel_loop3A_488 : vector<1x1x16xf32> to vector<16xf32>
        %parallel_loop3A_490 = arith.constant 1 : i32
        %parallel_loop3A_491 = arith.index_cast %parallel_loop3A_490 : i32 to index
        %parallel_loop3A_492 = arith.index_cast %parallel_loop3A_483 : i32 to index
        %parallel_loop3A_493 = arith.constant 0 : index
        %parallel_loop3A_494 = tpu.vector_load %arg15[%parallel_loop3A_491, %parallel_loop3A_492, %parallel_loop3A_493] {strides = array<i32>} : memref<2x128x16xf32, #tpu.memory_space<vmem>>, vector<1x1x16xf32>,
        %parallel_loop3A_495 = vector.shape_cast %parallel_loop3A_494 : vector<1x1x16xf32> to vector<16xf32>
        %parallel_loop3A_496 = arith.addf %parallel_loop3A_489, %parallel_loop3A_495 : vector<16xf32>
        %parallel_loop3A_497 = arith.constant 2.000000e-01 : f32
        %parallel_loop3A_498 = vector.broadcast %parallel_loop3A_497 : f32 to vector<16xf32>
        %parallel_loop3A_499 = arith.mulf %parallel_loop3A_498, %parallel_loop3A_496 : vector<16xf32>
        %parallel_loop3A_500 = arith.maximumf %parallel_loop3A_496, %parallel_loop3A_499 : vector<16xf32>
        %parallel_loop3A_501 = arith.addf %get3A_4, %parallel_loop3A_495 : vector<16xf32>
        %parallel_loop3A_502 = arith.constant 2.000000e-01 : f32
        %parallel_loop3A_503 = vector.broadcast %parallel_loop3A_502 : f32 to vector<16xf32>
        %parallel_loop3A_504 = arith.mulf %parallel_loop3A_503, %parallel_loop3A_501 : vector<16xf32>
        %parallel_loop3A_505 = arith.maximumf %parallel_loop3A_501, %parallel_loop3A_504 : vector<16xf32>
        %parallel_loop3A_506 = arith.subf %parallel_loop3A_500, %parallel_loop3A_505 : vector<16xf32>
        %parallel_loop3A_507 = math.exp %parallel_loop3A_506 : vector<16xf32>
        %parallel_loop3A_508 = arith.index_cast %parallel_loop3A_483 : i32 to index
        %parallel_loop3A_509 = arith.constant 0 : index
        %parallel_loop3A_510 = tpu.vector_load %arg16[%parallel_loop3A_508, %parallel_loop3A_509] {strides = array<i32>} : memref<128x16xf32, #tpu.memory_space<vmem>>, vector<1x16xf32>,
        %parallel_loop3A_511 = vector.shape_cast %parallel_loop3A_510 : vector<1x16xf32> to vector<16xf32>
        %parallel_loop3A_512 = vector.shape_cast %parallel_loop3A_507 : vector<16xf32> to vector<1x16xf32>
        tpu.vector_store %arg16[%parallel_loop3A_508, %parallel_loop3A_509], %parallel_loop3A_512 {strides = array<i32>} : memref<128x16xf32, #tpu.memory_space<vmem>>, vector<1x16xf32>,
        %parallel_loop3A_513 = arith.constant 1 : i32
        %parallel_loop3A_514 = arith.index_cast %parallel_loop3A_513 : i32 to index
        %parallel_loop3A_515 = arith.index_cast %parallel_loop3A_483 : i32 to index
        %parallel_loop3A_516 = arith.constant 0 : index
        %parallel_loop3A_517 = tpu.vector_load %arg17[%parallel_loop3A_514, %parallel_loop3A_515, %parallel_loop3A_516] {strides = array<i32>} : memref<2x128x64xf32, #tpu.memory_space<vmem>>, vector<1x1x16xf32>,
        %parallel_loop3A_518 = vector.shape_cast %parallel_loop3A_517 : vector<1x1x16xf32> to vector<16xf32>
        %parallel_loop3A_519 = arith.mulf %parallel_loop3A_518, %parallel_loop3A_507 : vector<16xf32>
        %parallel_loop3A_520 = arith.index_cast %parallel_loop3A_483 : i32 to index
        %parallel_loop3A_521 = arith.constant 0 : index
        %parallel_loop3A_522 = tpu.vector_load %arg18[%parallel_loop3A_520, %parallel_loop3A_521] {strides = array<i32>} : memref<128x64xf32, #tpu.memory_space<vmem>>, vector<1x16xf32>,
        %parallel_loop3A_523 = vector.shape_cast %parallel_loop3A_522 : vector<1x16xf32> to vector<16xf32>
        %parallel_loop3A_524 = vector.shape_cast %parallel_loop3A_519 : vector<16xf32> to vector<1x16xf32>
        tpu.vector_store %arg18[%parallel_loop3A_520, %parallel_loop3A_521], %parallel_loop3A_524 {strides = array<i32>} : memref<128x64xf32, #tpu.memory_space<vmem>>, vector<1x16xf32>,
        %parallel_loop3A_525 = arith.constant 1 : i32
        %parallel_loop3A_526 = arith.index_cast %parallel_loop3A_525 : i32 to index
        %parallel_loop3A_527 = arith.index_cast %parallel_loop3A_483 : i32 to index
        %parallel_loop3A_528 = arith.constant 16 : index
        %parallel_loop3A_529 = tpu.vector_load %arg17[%parallel_loop3A_526, %parallel_loop3A_527, %parallel_loop3A_528] {strides = array<i32>} : memref<2x128x64xf32, #tpu.memory_space<vmem>>, vector<1x1x16xf32>,
        %parallel_loop3A_530 = vector.shape_cast %parallel_loop3A_529 : vector<1x1x16xf32> to vector<16xf32>
        %parallel_loop3A_531 = arith.mulf %parallel_loop3A_530, %parallel_loop3A_507 : vector<16xf32>
        %parallel_loop3A_532 = arith.index_cast %parallel_loop3A_483 : i32 to index
        %parallel_loop3A_533 = arith.constant 16 : index
        %parallel_loop3A_534 = tpu.vector_load %arg18[%parallel_loop3A_532, %parallel_loop3A_533] {strides = array<i32>} : memref<128x64xf32, #tpu.memory_space<vmem>>, vector<1x16xf32>,
        %parallel_loop3A_535 = vector.shape_cast %parallel_loop3A_534 : vector<1x16xf32> to vector<16xf32>
        %parallel_loop3A_536 = vector.shape_cast %parallel_loop3A_531 : vector<16xf32> to vector<1x16xf32>
        tpu.vector_store %arg18[%parallel_loop3A_532, %parallel_loop3A_533], %parallel_loop3A_536 {strides = array<i32>} : memref<128x64xf32, #tpu.memory_space<vmem>>, vector<1x16xf32>,
        %parallel_loop3A_537 = arith.constant 1 : i32
        %parallel_loop3A_538 = arith.index_cast %parallel_loop3A_537 : i32 to index
        %parallel_loop3A_539 = arith.index_cast %parallel_loop3A_483 : i32 to index
        %parallel_loop3A_540 = arith.constant 32 : index
        %parallel_loop3A_541 = tpu.vector_load %arg17[%parallel_loop3A_538, %parallel_loop3A_539, %parallel_loop3A_540] {strides = array<i32>} : memref<2x128x64xf32, #tpu.memory_space<vmem>>, vector<1x1x16xf32>,
        %parallel_loop3A_542 = vector.shape_cast %parallel_loop3A_541 : vector<1x1x16xf32> to vector<16xf32>
        %parallel_loop3A_543 = arith.mulf %parallel_loop3A_542, %parallel_loop3A_507 : vector<16xf32>
        %parallel_loop3A_544 = arith.index_cast %parallel_loop3A_483 : i32 to index
        %parallel_loop3A_545 = arith.constant 32 : index
        %parallel_loop3A_546 = tpu.vector_load %arg18[%parallel_loop3A_544, %parallel_loop3A_545] {strides = array<i32>} : memref<128x64xf32, #tpu.memory_space<vmem>>, vector<1x16xf32>,
        %parallel_loop3A_547 = vector.shape_cast %parallel_loop3A_546 : vector<1x16xf32> to vector<16xf32>
        %parallel_loop3A_548 = vector.shape_cast %parallel_loop3A_543 : vector<16xf32> to vector<1x16xf32>
        tpu.vector_store %arg18[%parallel_loop3A_544, %parallel_loop3A_545], %parallel_loop3A_548 {strides = array<i32>} : memref<128x64xf32, #tpu.memory_space<vmem>>, vector<1x16xf32>,
        %parallel_loop3A_549 = arith.constant 1 : i32
        %parallel_loop3A_550 = arith.index_cast %parallel_loop3A_549 : i32 to index
        %parallel_loop3A_551 = arith.index_cast %parallel_loop3A_483 : i32 to index
        %parallel_loop3A_552 = arith.constant 48 : index
        %parallel_loop3A_553 = tpu.vector_load %arg17[%parallel_loop3A_550, %parallel_loop3A_551, %parallel_loop3A_552] {strides = array<i32>} : memref<2x128x64xf32, #tpu.memory_space<vmem>>, vector<1x1x16xf32>,
        %parallel_loop3A_554 = vector.shape_cast %parallel_loop3A_553 : vector<1x1x16xf32> to vector<16xf32>
        %parallel_loop3A_555 = arith.mulf %parallel_loop3A_554, %parallel_loop3A_507 : vector<16xf32>
        %parallel_loop3A_556 = arith.index_cast %parallel_loop3A_483 : i32 to index
        %parallel_loop3A_557 = arith.constant 48 : index
        %parallel_loop3A_558 = tpu.vector_load %arg18[%parallel_loop3A_556, %parallel_loop3A_557] {strides = array<i32>} : memref<128x64xf32, #tpu.memory_space<vmem>>, vector<1x16xf32>,
        %parallel_loop3A_559 = vector.shape_cast %parallel_loop3A_558 : vector<1x16xf32> to vector<16xf32>
        %parallel_loop3A_560 = vector.shape_cast %parallel_loop3A_555 : vector<16xf32> to vector<1x16xf32>
        tpu.vector_store %arg18[%parallel_loop3A_556, %parallel_loop3A_557], %parallel_loop3A_560 {strides = array<i32>} : memref<128x64xf32, #tpu.memory_space<vmem>>, vector<1x16xf32>,
      } {sc.loop_unroll_factor = 4 : i64, sc.parallel_access}
      %dma_start3A_430 = arith.constant 1 : i32
      %dma_start3A_431 = arith.constant 0 : i32
      %dma_start3A_432 = tpu.memref_slice %arg13[%dma_start3A_430, %dma_start3A_431] : memref<2x128xi32, #tpu.memory_space<vmem>> -> memref<1x128xi32, #tpu.memory_space<vmem>>
      %dma_start3A_433 = tpu.memref_squeeze %dma_start3A_432 : memref<1x128xi32, #tpu.memory_space<vmem>> -> memref<128xi32, #tpu.memory_space<vmem>>
      %dma_start3A_434 = arith.constant 0 : i32
      %dma_start3A_435 = arith.constant 0 : i32
      %dma_start3A_436 = tpu.memref_slice %arg21[%dma_start3A_434, %dma_start3A_435] : memref<10240x16xf32, #tpu.memory_space<vmem_shared>> -> memref<10240x16xf32, #tpu.memory_space<vmem_shared>>
      tpu.enqueue_indirect_dma source(%arg16 : memref<128x16xf32, #tpu.memory_space<vmem>>) target(%dma_start3A_436 : memref<10240x16xf32, #tpu.memory_space<vmem_shared>>) offsets(%dma_start3A_433 : memref<128xi32, #tpu.memory_space<vmem>>) semaphore(%arg26 : memref<!tpu.dma_semaphore, #tpu.memory_space<semaphore_mem>>) {add = true}
      %dma_start3A_437 = arith.constant 1 : i32
      %dma_start3A_438 = arith.constant 0 : i32
      %dma_start3A_439 = tpu.memref_slice %arg13[%dma_start3A_437, %dma_start3A_438] : memref<2x128xi32, #tpu.memory_space<vmem>> -> memref<1x128xi32, #tpu.memory_space<vmem>>
      %dma_start3A_440 = tpu.memref_squeeze %dma_start3A_439 : memref<1x128xi32, #tpu.memory_space<vmem>> -> memref<128xi32, #tpu.memory_space<vmem>>
      %dma_start3A_441 = arith.constant 0 : i32
      %dma_start3A_442 = arith.constant 0 : i32
      %dma_start3A_443 = tpu.memref_slice %arg20[%dma_start3A_441, %dma_start3A_442] : memref<10240x64xf32, #tpu.memory_space<vmem_shared>> -> memref<10240x64xf32, #tpu.memory_space<vmem_shared>>
      tpu.enqueue_indirect_dma source(%arg18 : memref<128x64xf32, #tpu.memory_space<vmem>>) target(%dma_start3A_443 : memref<10240x64xf32, #tpu.memory_space<vmem_shared>>) offsets(%dma_start3A_440 : memref<128xi32, #tpu.memory_space<vmem>>) semaphore(%arg26 : memref<!tpu.dma_semaphore, #tpu.memory_space<semaphore_mem>>) {add = true}
      %dma_wait3A_444 = arith.constant 1 : i32
      %dma_wait3A_445 = arith.constant 0 : i32
      %dma_wait3A_446 = tpu.memref_slice %arg13[%dma_wait3A_444, %dma_wait3A_445] : memref<2x128xi32, #tpu.memory_space<vmem>> -> memref<1x128xi32, #tpu.memory_space<vmem>>
      %dma_wait3A_447 = tpu.memref_squeeze %dma_wait3A_446 : memref<1x128xi32, #tpu.memory_space<vmem>> -> memref<128xi32, #tpu.memory_space<vmem>>
      %dma_wait3A_448 = arith.constant 0 : i32
      %dma_wait3A_449 = arith.constant 0 : i32
      %dma_wait3A_450 = tpu.memref_slice %arg21[%dma_wait3A_448, %dma_wait3A_449] : memref<10240x16xf32, #tpu.memory_space<vmem_shared>> -> memref<10240x16xf32, #tpu.memory_space<vmem_shared>>
      tpu.wait_indirect_dma semaphore(%arg26 : memref<!tpu.dma_semaphore, #tpu.memory_space<semaphore_mem>>) src(%arg16 : memref<128x16xf32, #tpu.memory_space<vmem>>) dst(%dma_wait3A_450 : memref<10240x16xf32, #tpu.memory_space<vmem_shared>>)
      %dma_wait3A_451 = arith.constant 1 : i32
      %dma_wait3A_452 = arith.constant 0 : i32
      %dma_wait3A_453 = tpu.memref_slice %arg13[%dma_wait3A_451, %dma_wait3A_452] : memref<2x128xi32, #tpu.memory_space<vmem>> -> memref<1x128xi32, #tpu.memory_space<vmem>>
      %dma_wait3A_454 = tpu.memref_squeeze %dma_wait3A_453 : memref<1x128xi32, #tpu.memory_space<vmem>> -> memref<128xi32, #tpu.memory_space<vmem>>
      %dma_wait3A_455 = arith.constant 0 : i32
      %dma_wait3A_456 = arith.constant 0 : i32
      %dma_wait3A_457 = tpu.memref_slice %arg20[%dma_wait3A_455, %dma_wait3A_456] : memref<10240x64xf32, #tpu.memory_space<vmem_shared>> -> memref<10240x64xf32, #tpu.memory_space<vmem_shared>>
      tpu.wait_indirect_dma semaphore(%arg26 : memref<!tpu.dma_semaphore, #tpu.memory_space<semaphore_mem>>) src(%arg18 : memref<128x64xf32, #tpu.memory_space<vmem>>) dst(%dma_wait3A_457 : memref<10240x64xf32, #tpu.memory_space<vmem_shared>>)
      %add3A_458 = arith.constant 2 : i32
      %add3A_459 = arith.addi %add3A_329, %add3A_458 : i32
      %mul3A_460 = arith.constant 10752 : i32
      %mul3A_461 = arith.muli %add3A, %mul3A_460 : i32
      %mul3A_462 = arith.constant 128 : i32
      %mul3A_463 = arith.muli %add3A_459, %mul3A_462 : i32
      %add3A_464 = arith.addi %mul3A_461, %mul3A_463 : i32
      %dma_start3A_465 = arith.constant 1 : i32
      %dma_start3A_466 = arith.constant 0 : i32
      %dma_start3A_467 = tpu.memref_slice %arg12[%dma_start3A_465, %dma_start3A_466] : memref<2x128xi32, #tpu.memory_space<vmem>> -> memref<1x128xi32, #tpu.memory_space<vmem>>
      %dma_start3A_468 = tpu.memref_squeeze %dma_start3A_467 : memref<1x128xi32, #tpu.memory_space<vmem>> -> memref<128xi32, #tpu.memory_space<vmem>>
      %dma_start3A_469 = tpu.memref_slice %arg2[%add3A_464] : memref<344064xi32, #tpu.memory_space<hbm>> -> memref<128xi32, #tpu.memory_space<hbm>>
      %dma_start3A_470 = arith.constant 0 : i32
      %dma_start3A_471 = tpu.memref_slice %arg12[%dma_start3A_465, %dma_start3A_470] : memref<2x128xi32, #tpu.memory_space<vmem>> -> memref<1x128xi32, #tpu.memory_space<vmem>>
      %dma_start3A_472 = tpu.memref_squeeze %dma_start3A_471 : memref<1x128xi32, #tpu.memory_space<vmem>> -> memref<128xi32, #tpu.memory_space<vmem>>
      %dma_start3A_473 = tpu.memref_slice %arg2[%add3A_464] : memref<344064xi32, #tpu.memory_space<hbm>> -> memref<128xi32, #tpu.memory_space<hbm>>
      tpu.enqueue_dma source(%dma_start3A_473 : memref<128xi32, #tpu.memory_space<hbm>>) target(%dma_start3A_472 : memref<128xi32, #tpu.memory_space<vmem>>) target_semaphore(%arg23 : memref<!tpu.dma_semaphore, #tpu.memory_space<semaphore_mem>>)
      %dma_start3A_474 = arith.constant 1 : i32
      %dma_start3A_475 = arith.constant 0 : i32
      %dma_start3A_476 = tpu.memref_slice %arg13[%dma_start3A_474, %dma_start3A_475] : memref<2x128xi32, #tpu.memory_space<vmem>> -> memref<1x128xi32, #tpu.memory_space<vmem>>
      %dma_start3A_477 = tpu.memref_squeeze %dma_start3A_476 : memref<1x128xi32, #tpu.memory_space<vmem>> -> memref<128xi32, #tpu.memory_space<vmem>>
      %dma_start3A_478 = tpu.memref_slice %arg3[%add3A_464] : memref<344064xi32, #tpu.memory_space<hbm>> -> memref<128xi32, #tpu.memory_space<hbm>>
      %dma_start3A_479 = arith.constant 0 : i32
      %dma_start3A_480 = tpu.memref_slice %arg13[%dma_start3A_474, %dma_start3A_479] : memref<2x128xi32, #tpu.memory_space<vmem>> -> memref<1x128xi32, #tpu.memory_space<vmem>>
      %dma_start3A_481 = tpu.memref_squeeze %dma_start3A_480 : memref<1x128xi32, #tpu.memory_space<vmem>> -> memref<128xi32, #tpu.memory_space<vmem>>
      %dma_start3A_482 = tpu.memref_slice %arg3[%add3A_464] : memref<344064xi32, #tpu.memory_space<hbm>> -> memref<128xi32, #tpu.memory_space<hbm>>
      tpu.enqueue_dma source(%dma_start3A_482 : memref<128xi32, #tpu.memory_space<hbm>>) target(%dma_start3A_481 : memref<128xi32, #tpu.memory_space<vmem>>) target_semaphore(%arg23 : memref<!tpu.dma_semaphore, #tpu.memory_space<semaphore_mem>>)
    }
    %scan3A_109 = arith.constant 41 : i32
    %dma_wait3A_110 = arith.constant 0 : i32
    %dma_wait3A_111 = arith.constant 0 : i32
    %dma_wait3A_112 = arith.constant 0 : i32
    %dma_wait3A_113 = arith.constant 0 : i32
    %dma_wait3A_114 = tpu.memref_slice %arg14[%dma_wait3A_111, %dma_wait3A_112, %dma_wait3A_113] : memref<2x128x16xf32, #tpu.memory_space<vmem>> -> memref<1x128x16xf32, #tpu.memory_space<vmem>>
    %dma_wait3A_115 = tpu.memref_squeeze %dma_wait3A_114 : memref<1x128x16xf32, #tpu.memory_space<vmem>> -> memref<128x16xf32, #tpu.memory_space<vmem>>
    %dma_wait3A_116 = arith.constant 0 : i32
    %dma_wait3A_117 = tpu.memref_slice %arg12[%dma_wait3A_110, %dma_wait3A_116] : memref<2x128xi32, #tpu.memory_space<vmem>> -> memref<1x128xi32, #tpu.memory_space<vmem>>
    %dma_wait3A_118 = tpu.memref_squeeze %dma_wait3A_117 : memref<1x128xi32, #tpu.memory_space<vmem>> -> memref<128xi32, #tpu.memory_space<vmem>>
    %dma_wait3A_119 = arith.constant 0 : i32
    %dma_wait3A_120 = arith.constant 0 : i32
    %dma_wait3A_121 = tpu.memref_slice %arg5[%dma_wait3A_119, %dma_wait3A_120] : memref<10240x16xf32, #tpu.memory_space<hbm>> -> memref<10240x16xf32, #tpu.memory_space<hbm>>
    tpu.wait_indirect_dma semaphore(%arg24 : memref<!tpu.dma_semaphore, #tpu.memory_space<semaphore_mem>>) src(%dma_wait3A_121 : memref<10240x16xf32, #tpu.memory_space<hbm>>) dst(%dma_wait3A_115 : memref<128x16xf32, #tpu.memory_space<vmem>>)
    %dma_wait3A_122 = arith.constant 0 : i32
    %dma_wait3A_123 = arith.constant 0 : i32
    %dma_wait3A_124 = arith.constant 0 : i32
    %dma_wait3A_125 = arith.constant 0 : i32
    %dma_wait3A_126 = tpu.memref_slice %arg15[%dma_wait3A_123, %dma_wait3A_124, %dma_wait3A_125] : memref<2x128x16xf32, #tpu.memory_space<vmem>> -> memref<1x128x16xf32, #tpu.memory_space<vmem>>
    %dma_wait3A_127 = tpu.memref_squeeze %dma_wait3A_126 : memref<1x128x16xf32, #tpu.memory_space<vmem>> -> memref<128x16xf32, #tpu.memory_space<vmem>>
    %dma_wait3A_128 = arith.constant 0 : i32
    %dma_wait3A_129 = tpu.memref_slice %arg13[%dma_wait3A_122, %dma_wait3A_128] : memref<2x128xi32, #tpu.memory_space<vmem>> -> memref<1x128xi32, #tpu.memory_space<vmem>>
    %dma_wait3A_130 = tpu.memref_squeeze %dma_wait3A_129 : memref<1x128xi32, #tpu.memory_space<vmem>> -> memref<128xi32, #tpu.memory_space<vmem>>
    %dma_wait3A_131 = arith.constant 0 : i32
    %dma_wait3A_132 = arith.constant 0 : i32
    %dma_wait3A_133 = tpu.memref_slice %arg6[%dma_wait3A_131, %dma_wait3A_132] : memref<10240x16xf32, #tpu.memory_space<hbm>> -> memref<10240x16xf32, #tpu.memory_space<hbm>>
    tpu.wait_indirect_dma semaphore(%arg24 : memref<!tpu.dma_semaphore, #tpu.memory_space<semaphore_mem>>) src(%dma_wait3A_133 : memref<10240x16xf32, #tpu.memory_space<hbm>>) dst(%dma_wait3A_127 : memref<128x16xf32, #tpu.memory_space<vmem>>)
    %dma_wait3A_134 = arith.constant 0 : i32
    %dma_wait3A_135 = arith.constant 0 : i32
    %dma_wait3A_136 = arith.constant 0 : i32
    %dma_wait3A_137 = arith.constant 0 : i32
    %dma_wait3A_138 = tpu.memref_slice %arg17[%dma_wait3A_135, %dma_wait3A_136, %dma_wait3A_137] : memref<2x128x64xf32, #tpu.memory_space<vmem>> -> memref<1x128x64xf32, #tpu.memory_space<vmem>>
    %dma_wait3A_139 = tpu.memref_squeeze %dma_wait3A_138 : memref<1x128x64xf32, #tpu.memory_space<vmem>> -> memref<128x64xf32, #tpu.memory_space<vmem>>
    %dma_wait3A_140 = arith.constant 0 : i32
    %dma_wait3A_141 = tpu.memref_slice %arg12[%dma_wait3A_134, %dma_wait3A_140] : memref<2x128xi32, #tpu.memory_space<vmem>> -> memref<1x128xi32, #tpu.memory_space<vmem>>
    %dma_wait3A_142 = tpu.memref_squeeze %dma_wait3A_141 : memref<1x128xi32, #tpu.memory_space<vmem>> -> memref<128xi32, #tpu.memory_space<vmem>>
    %dma_wait3A_143 = arith.constant 0 : i32
    %dma_wait3A_144 = arith.constant 0 : i32
    %dma_wait3A_145 = tpu.memref_slice %arg4[%dma_wait3A_143, %dma_wait3A_144] : memref<10000x64xf32, #tpu.memory_space<hbm>> -> memref<10000x64xf32, #tpu.memory_space<hbm>>
    tpu.wait_indirect_dma semaphore(%arg24 : memref<!tpu.dma_semaphore, #tpu.memory_space<semaphore_mem>>) src(%dma_wait3A_145 : memref<10000x64xf32, #tpu.memory_space<hbm>>) dst(%dma_wait3A_139 : memref<128x64xf32, #tpu.memory_space<vmem>>)
    %mul3A_146 = arith.constant 10752 : i32
    %mul3A_147 = arith.muli %add3A, %mul3A_146 : i32
    %add3A_148 = arith.constant 10624 : i32
    %add3A_149 = arith.addi %mul3A_147, %add3A_148 : i32
    %dma_wait3A_150 = arith.constant 1 : i32
    %dma_wait3A_151 = arith.constant 0 : i32
    %dma_wait3A_152 = tpu.memref_slice %arg12[%dma_wait3A_150, %dma_wait3A_151] : memref<2x128xi32, #tpu.memory_space<vmem>> -> memref<1x128xi32, #tpu.memory_space<vmem>>
    %dma_wait3A_153 = tpu.memref_squeeze %dma_wait3A_152 : memref<1x128xi32, #tpu.memory_space<vmem>> -> memref<128xi32, #tpu.memory_space<vmem>>
    %dma_wait3A_154 = tpu.memref_slice %arg2[%add3A_149] : memref<344064xi32, #tpu.memory_space<hbm>> -> memref<128xi32, #tpu.memory_space<hbm>>
    %dma_wait3A_155 = arith.constant 0 : i32
    %dma_wait3A_156 = tpu.memref_slice %arg12[%dma_wait3A_150, %dma_wait3A_155] : memref<2x128xi32, #tpu.memory_space<vmem>> -> memref<1x128xi32, #tpu.memory_space<vmem>>
    %dma_wait3A_157 = tpu.memref_squeeze %dma_wait3A_156 : memref<1x128xi32, #tpu.memory_space<vmem>> -> memref<128xi32, #tpu.memory_space<vmem>>
    %dma_wait3A_158 = tpu.memref_slice %arg2[%add3A_149] : memref<344064xi32, #tpu.memory_space<hbm>> -> memref<128xi32, #tpu.memory_space<hbm>>
    tpu.wait_dma2 semaphore(%arg23 : memref<!tpu.dma_semaphore, #tpu.memory_space<semaphore_mem>>) src(%dma_wait3A_158 : memref<128xi32, #tpu.memory_space<hbm>>) dst(%dma_wait3A_157 : memref<128xi32, #tpu.memory_space<vmem>>)
    %dma_wait3A_159 = arith.constant 1 : i32
    %dma_wait3A_160 = arith.constant 0 : i32
    %dma_wait3A_161 = tpu.memref_slice %arg13[%dma_wait3A_159, %dma_wait3A_160] : memref<2x128xi32, #tpu.memory_space<vmem>> -> memref<1x128xi32, #tpu.memory_space<vmem>>
    %dma_wait3A_162 = tpu.memref_squeeze %dma_wait3A_161 : memref<1x128xi32, #tpu.memory_space<vmem>> -> memref<128xi32, #tpu.memory_space<vmem>>
    %dma_wait3A_163 = tpu.memref_slice %arg3[%add3A_149] : memref<344064xi32, #tpu.memory_space<hbm>> -> memref<128xi32, #tpu.memory_space<hbm>>
    %dma_wait3A_164 = arith.constant 0 : i32
    %dma_wait3A_165 = tpu.memref_slice %arg13[%dma_wait3A_159, %dma_wait3A_164] : memref<2x128xi32, #tpu.memory_space<vmem>> -> memref<1x128xi32, #tpu.memory_space<vmem>>
    %dma_wait3A_166 = tpu.memref_squeeze %dma_wait3A_165 : memref<1x128xi32, #tpu.memory_space<vmem>> -> memref<128xi32, #tpu.memory_space<vmem>>
    %dma_wait3A_167 = tpu.memref_slice %arg3[%add3A_149] : memref<344064xi32, #tpu.memory_space<hbm>> -> memref<128xi32, #tpu.memory_space<hbm>>
    tpu.wait_dma2 semaphore(%arg23 : memref<!tpu.dma_semaphore, #tpu.memory_space<semaphore_mem>>) src(%dma_wait3A_167 : memref<128xi32, #tpu.memory_space<hbm>>) dst(%dma_wait3A_166 : memref<128xi32, #tpu.memory_space<vmem>>)
    %barrier3A_168 = arith.constant 0 : index
    tpu.barrier barrier_id(%barrier3A_168)
    %mul3A_169 = arith.constant 640 : i32
    %mul3A_170 = arith.muli %arg1, %mul3A_169 : i32
    "tpu.region"() ({
      %run_scoped3A = tpu.sem_alloc : memref<!tpu.dma_semaphore, #tpu.memory_space<semaphore_mem>>
      %dma_start3A_171 = arith.constant 0 : i32
      %dma_start3A_172 = tpu.memref_slice %arg10[%arg0, %mul3A_170, %dma_start3A_171] : memref<2x10240x64xf32, #tpu.memory_space<hbm>> -> memref<1x640x64xf32, #tpu.memory_space<hbm>>
      %dma_start3A_173 = tpu.memref_squeeze %dma_start3A_172 : memref<1x640x64xf32, #tpu.memory_space<hbm>> -> memref<640x64xf32, #tpu.memory_space<hbm>>
      %dma_start3A_174 = arith.constant 0 : i32
      %dma_start3A_175 = tpu.memref_slice %arg20[%mul3A_170, %dma_start3A_174] : memref<10240x64xf32, #tpu.memory_space<vmem_shared>> -> memref<640x64xf32, #tpu.memory_space<vmem_shared>>
      tpu.enqueue_dma source(%dma_start3A_175 : memref<640x64xf32, #tpu.memory_space<vmem_shared>>) target(%dma_start3A_173 : memref<640x64xf32, #tpu.memory_space<hbm>>) target_semaphore(%run_scoped3A : memref<!tpu.dma_semaphore, #tpu.memory_space<semaphore_mem>>)
      %dma_wait3A_176 = arith.constant 0 : i32
      %dma_wait3A_177 = tpu.memref_slice %arg10[%arg0, %mul3A_170, %dma_wait3A_176] : memref<2x10240x64xf32, #tpu.memory_space<hbm>> -> memref<1x640x64xf32, #tpu.memory_space<hbm>>
      %dma_wait3A_178 = tpu.memref_squeeze %dma_wait3A_177 : memref<1x640x64xf32, #tpu.memory_space<hbm>> -> memref<640x64xf32, #tpu.memory_space<hbm>>
      %dma_wait3A_179 = arith.constant 0 : i32
      %dma_wait3A_180 = tpu.memref_slice %arg20[%mul3A_170, %dma_wait3A_179] : memref<10240x64xf32, #tpu.memory_space<vmem_shared>> -> memref<640x64xf32, #tpu.memory_space<vmem_shared>>
      tpu.wait_dma2 semaphore(%run_scoped3A : memref<!tpu.dma_semaphore, #tpu.memory_space<semaphore_mem>>) src(%dma_wait3A_180 : memref<640x64xf32, #tpu.memory_space<vmem_shared>>) dst(%dma_wait3A_178 : memref<640x64xf32, #tpu.memory_space<hbm>>)
      tpu.yield
    }) : () -> ()
    "tpu.region"() ({
      %run_scoped3A = tpu.sem_alloc : memref<!tpu.dma_semaphore, #tpu.memory_space<semaphore_mem>>
      %dma_start3A_171 = arith.constant 0 : i32
      %dma_start3A_172 = tpu.memref_slice %arg11[%arg0, %mul3A_170, %dma_start3A_171] : memref<2x10240x16xf32, #tpu.memory_space<hbm>> -> memref<1x640x16xf32, #tpu.memory_space<hbm>>
      %dma_start3A_173 = tpu.memref_squeeze %dma_start3A_172 : memref<1x640x16xf32, #tpu.memory_space<hbm>> -> memref<640x16xf32, #tpu.memory_space<hbm>>
      %dma_start3A_174 = arith.constant 0 : i32
      %dma_start3A_175 = tpu.memref_slice %arg21[%mul3A_170, %dma_start3A_174] : memref<10240x16xf32, #tpu.memory_space<vmem_shared>> -> memref<640x16xf32, #tpu.memory_space<vmem_shared>>
      tpu.enqueue_dma source(%dma_start3A_175 : memref<640x16xf32, #tpu.memory_space<vmem_shared>>) target(%dma_start3A_173 : memref<640x16xf32, #tpu.memory_space<hbm>>) target_semaphore(%run_scoped3A : memref<!tpu.dma_semaphore, #tpu.memory_space<semaphore_mem>>)
      %dma_wait3A_176 = arith.constant 0 : i32
      %dma_wait3A_177 = tpu.memref_slice %arg11[%arg0, %mul3A_170, %dma_wait3A_176] : memref<2x10240x16xf32, #tpu.memory_space<hbm>> -> memref<1x640x16xf32, #tpu.memory_space<hbm>>
      %dma_wait3A_178 = tpu.memref_squeeze %dma_wait3A_177 : memref<1x640x16xf32, #tpu.memory_space<hbm>> -> memref<640x16xf32, #tpu.memory_space<hbm>>
      %dma_wait3A_179 = arith.constant 0 : i32
      %dma_wait3A_180 = tpu.memref_slice %arg21[%mul3A_170, %dma_wait3A_179] : memref<10240x16xf32, #tpu.memory_space<vmem_shared>> -> memref<640x16xf32, #tpu.memory_space<vmem_shared>>
      tpu.wait_dma2 semaphore(%run_scoped3A : memref<!tpu.dma_semaphore, #tpu.memory_space<semaphore_mem>>) src(%dma_wait3A_180 : memref<640x16xf32, #tpu.memory_space<vmem_shared>>) dst(%dma_wait3A_178 : memref<640x16xf32, #tpu.memory_space<hbm>>)
      tpu.yield
    }) : () -> ()
    return
  }
}

#map = affine_map<(d0, d1) -> (0)>
#map1 = affine_map<(d0, d1) -> (0, 0)>
#map2 = affine_map<(d0, d1) -> (0, 0, 0)>
module attributes {stable_mosaic.version = 14 : i64} {
  func.func @k(%arg0: i32, %arg1: i32, %arg2: memref<344064xi32, #tpu.memory_space<hbm>>, %arg3: memref<344064xi32, #tpu.memory_space<hbm>>, %arg4: memref<10000x128xf32, #tpu.memory_space<hbm>>, %arg5: memref<10240x16xf32, #tpu.memory_space<hbm>>, %arg6: memref<10240x16xf32, #tpu.memory_space<hbm>>, %arg7: memref<16xf32, #tpu.memory_space<hbm>>, %arg8: memref<10240x128xf32, #tpu.memory_space<hbm>>, %arg9: memref<10240x16xf32, #tpu.memory_space<hbm>>, %arg10: memref<2x10240x128xf32, #tpu.memory_space<hbm>>, %arg11: memref<2x10240x16xf32, #tpu.memory_space<hbm>>, %arg12: memref<2x64xi32, #tpu.memory_space<vmem>>, %arg13: memref<2x64xi32, #tpu.memory_space<vmem>>, %arg14: memref<2x64x16xf32, #tpu.memory_space<vmem>>, %arg15: memref<2x64x16xf32, #tpu.memory_space<vmem>>, %arg16: memref<64x16xf32, #tpu.memory_space<vmem>>, %arg17: memref<2x64x128xf32, #tpu.memory_space<vmem>>, %arg18: memref<64x128xf32, #tpu.memory_space<vmem>>, %arg19: memref<16xf32, #tpu.memory_space<vmem>>, %arg20: memref<10240x128xf32, #tpu.memory_space<vmem_shared>>, %arg21: memref<10240x16xf32, #tpu.memory_space<vmem_shared>>, %arg22: memref<!tpu.dma_semaphore, #tpu.memory_space<semaphore_mem>>, %arg23: memref<!tpu.dma_semaphore, #tpu.memory_space<semaphore_mem>>, %arg24: memref<!tpu.dma_semaphore, #tpu.memory_space<semaphore_mem>>, %arg25: memref<!tpu.dma_semaphore, #tpu.memory_space<semaphore_mem>>, %arg26: memref<!tpu.dma_semaphore, #tpu.memory_space<semaphore_mem>>) attributes {dimension_semantics = [#tpu.dimension_semantics<core_parallel>, #tpu.dimension_semantics<subcore_parallel>], iteration_bounds = array<i64: 2, 16>, scalar_prefetch = 0 : i64, scratch_operands = 15 : i64, tpu.core_type = #tpu.core_type<sc_vector_subcore>, window_params = [{transform_indices = #map}, {transform_indices = #map}, {transform_indices = #map1}, {transform_indices = #map1}, {transform_indices = #map1}, {transform_indices = #map}, {transform_indices = #map1}, {transform_indices = #map1}, {transform_indices = #map2}, {transform_indices = #map2}]} {
    %mul3A = arith.constant 2 : i32
    %mul3A_0 = arith.muli %arg1, %mul3A : i32
    %add3A = arith.addi %mul3A_0, %arg0 : i32
    %eq3A = arith.constant 0 : i32
    %eq3A_1 = arith.cmpi eq, %arg1, %eq3A : i32
    %convert_element_type3A = arith.extui %eq3A_1 : i1 to i32
    %cond3A = arith.constant 0 : i32
    %cond3A_2 = arith.cmpi ne, %convert_element_type3A, %cond3A : i32
    scf.if %cond3A_2 {
      "tpu.region"() ({
        %run_scoped3A = tpu.sem_alloc : memref<!tpu.dma_semaphore, #tpu.memory_space<semaphore_mem>>
        tpu.enqueue_dma source(%arg8 : memref<10240x128xf32, #tpu.memory_space<hbm>>) target(%arg20 : memref<10240x128xf32, #tpu.memory_space<vmem_shared>>) target_semaphore(%run_scoped3A : memref<!tpu.dma_semaphore, #tpu.memory_space<semaphore_mem>>)
        tpu.wait_dma2 semaphore(%run_scoped3A : memref<!tpu.dma_semaphore, #tpu.memory_space<semaphore_mem>>) src(%arg8 : memref<10240x128xf32, #tpu.memory_space<hbm>>) dst(%arg20 : memref<10240x128xf32, #tpu.memory_space<vmem_shared>>)
        tpu.yield
      }) : () -> ()
      "tpu.region"() ({
        %run_scoped3A = tpu.sem_alloc : memref<!tpu.dma_semaphore, #tpu.memory_space<semaphore_mem>>
        tpu.enqueue_dma source(%arg9 : memref<10240x16xf32, #tpu.memory_space<hbm>>) target(%arg21 : memref<10240x16xf32, #tpu.memory_space<vmem_shared>>) target_semaphore(%run_scoped3A : memref<!tpu.dma_semaphore, #tpu.memory_space<semaphore_mem>>)
        tpu.wait_dma2 semaphore(%run_scoped3A : memref<!tpu.dma_semaphore, #tpu.memory_space<semaphore_mem>>) src(%arg9 : memref<10240x16xf32, #tpu.memory_space<hbm>>) dst(%arg21 : memref<10240x16xf32, #tpu.memory_space<vmem_shared>>)
        tpu.yield
      }) : () -> ()
    } else {
    }
    "tpu.region"() ({
      %run_scoped3A = tpu.sem_alloc : memref<!tpu.dma_semaphore, #tpu.memory_space<semaphore_mem>>
      tpu.enqueue_dma source(%arg7 : memref<16xf32, #tpu.memory_space<hbm>>) target(%arg19 : memref<16xf32, #tpu.memory_space<vmem>>) target_semaphore(%run_scoped3A : memref<!tpu.dma_semaphore, #tpu.memory_space<semaphore_mem>>)
      tpu.wait_dma2 semaphore(%run_scoped3A : memref<!tpu.dma_semaphore, #tpu.memory_space<semaphore_mem>>) src(%arg7 : memref<16xf32, #tpu.memory_space<hbm>>) dst(%arg19 : memref<16xf32, #tpu.memory_space<vmem>>)
      tpu.yield
    }) : () -> ()
    %barrier3A = arith.constant 0 : index
    tpu.barrier barrier_id(%barrier3A)
    %get3A = arith.constant 0 : index
    %get3A_3 = tpu.vector_load %arg19[%get3A] {strides = array<i32>} : memref<16xf32, #tpu.memory_space<vmem>>, vector<16xf32>,
    %get3A_4 = vector.shape_cast %get3A_3 : vector<16xf32> to vector<16xf32>
    %mul3A_5 = arith.constant 10752 : i32
    %mul3A_6 = arith.muli %add3A, %mul3A_5 : i32
    %add3A_7 = arith.constant 0 : i32
    %add3A_8 = arith.addi %mul3A_6, %add3A_7 : i32
    %dma_start3A = arith.constant 0 : i32
    %dma_start3A_9 = arith.constant 0 : i32
    %dma_start3A_10 = tpu.memref_slice %arg12[%dma_start3A, %dma_start3A_9] : memref<2x64xi32, #tpu.memory_space<vmem>> -> memref<1x64xi32, #tpu.memory_space<vmem>>
    %dma_start3A_11 = tpu.memref_squeeze %dma_start3A_10 : memref<1x64xi32, #tpu.memory_space<vmem>> -> memref<64xi32, #tpu.memory_space<vmem>>
    %dma_start3A_12 = tpu.memref_slice %arg2[%add3A_8] : memref<344064xi32, #tpu.memory_space<hbm>> -> memref<64xi32, #tpu.memory_space<hbm>>
    %dma_start3A_13 = arith.constant 0 : i32
    %dma_start3A_14 = tpu.memref_slice %arg12[%dma_start3A, %dma_start3A_13] : memref<2x64xi32, #tpu.memory_space<vmem>> -> memref<1x64xi32, #tpu.memory_space<vmem>>
    %dma_start3A_15 = tpu.memref_squeeze %dma_start3A_14 : memref<1x64xi32, #tpu.memory_space<vmem>> -> memref<64xi32, #tpu.memory_space<vmem>>
    %dma_start3A_16 = tpu.memref_slice %arg2[%add3A_8] : memref<344064xi32, #tpu.memory_space<hbm>> -> memref<64xi32, #tpu.memory_space<hbm>>
    tpu.enqueue_dma source(%dma_start3A_16 : memref<64xi32, #tpu.memory_space<hbm>>) target(%dma_start3A_15 : memref<64xi32, #tpu.memory_space<vmem>>) target_semaphore(%arg22 : memref<!tpu.dma_semaphore, #tpu.memory_space<semaphore_mem>>)
    %dma_start3A_17 = arith.constant 0 : i32
    %dma_start3A_18 = arith.constant 0 : i32
    %dma_start3A_19 = tpu.memref_slice %arg13[%dma_start3A_17, %dma_start3A_18] : memref<2x64xi32, #tpu.memory_space<vmem>> -> memref<1x64xi32, #tpu.memory_space<vmem>>
    %dma_start3A_20 = tpu.memref_squeeze %dma_start3A_19 : memref<1x64xi32, #tpu.memory_space<vmem>> -> memref<64xi32, #tpu.memory_space<vmem>>
    %dma_start3A_21 = tpu.memref_slice %arg3[%add3A_8] : memref<344064xi32, #tpu.memory_space<hbm>> -> memref<64xi32, #tpu.memory_space<hbm>>
    %dma_start3A_22 = arith.constant 0 : i32
    %dma_start3A_23 = tpu.memref_slice %arg13[%dma_start3A_17, %dma_start3A_22] : memref<2x64xi32, #tpu.memory_space<vmem>> -> memref<1x64xi32, #tpu.memory_space<vmem>>
    %dma_start3A_24 = tpu.memref_squeeze %dma_start3A_23 : memref<1x64xi32, #tpu.memory_space<vmem>> -> memref<64xi32, #tpu.memory_space<vmem>>
    %dma_start3A_25 = tpu.memref_slice %arg3[%add3A_8] : memref<344064xi32, #tpu.memory_space<hbm>> -> memref<64xi32, #tpu.memory_space<hbm>>
    tpu.enqueue_dma source(%dma_start3A_25 : memref<64xi32, #tpu.memory_space<hbm>>) target(%dma_start3A_24 : memref<64xi32, #tpu.memory_space<vmem>>) target_semaphore(%arg22 : memref<!tpu.dma_semaphore, #tpu.memory_space<semaphore_mem>>)
    %mul3A_26 = arith.constant 10752 : i32
    %mul3A_27 = arith.muli %add3A, %mul3A_26 : i32
    %add3A_28 = arith.constant 64 : i32
    %add3A_29 = arith.addi %mul3A_27, %add3A_28 : i32
    %dma_start3A_30 = arith.constant 1 : i32
    %dma_start3A_31 = arith.constant 0 : i32
    %dma_start3A_32 = tpu.memref_slice %arg12[%dma_start3A_30, %dma_start3A_31] : memref<2x64xi32, #tpu.memory_space<vmem>> -> memref<1x64xi32, #tpu.memory_space<vmem>>
    %dma_start3A_33 = tpu.memref_squeeze %dma_start3A_32 : memref<1x64xi32, #tpu.memory_space<vmem>> -> memref<64xi32, #tpu.memory_space<vmem>>
    %dma_start3A_34 = tpu.memref_slice %arg2[%add3A_29] : memref<344064xi32, #tpu.memory_space<hbm>> -> memref<64xi32, #tpu.memory_space<hbm>>
    %dma_start3A_35 = arith.constant 0 : i32
    %dma_start3A_36 = tpu.memref_slice %arg12[%dma_start3A_30, %dma_start3A_35] : memref<2x64xi32, #tpu.memory_space<vmem>> -> memref<1x64xi32, #tpu.memory_space<vmem>>
    %dma_start3A_37 = tpu.memref_squeeze %dma_start3A_36 : memref<1x64xi32, #tpu.memory_space<vmem>> -> memref<64xi32, #tpu.memory_space<vmem>>
    %dma_start3A_38 = tpu.memref_slice %arg2[%add3A_29] : memref<344064xi32, #tpu.memory_space<hbm>> -> memref<64xi32, #tpu.memory_space<hbm>>
    tpu.enqueue_dma source(%dma_start3A_38 : memref<64xi32, #tpu.memory_space<hbm>>) target(%dma_start3A_37 : memref<64xi32, #tpu.memory_space<vmem>>) target_semaphore(%arg23 : memref<!tpu.dma_semaphore, #tpu.memory_space<semaphore_mem>>)
    %dma_start3A_39 = arith.constant 1 : i32
    %dma_start3A_40 = arith.constant 0 : i32
    %dma_start3A_41 = tpu.memref_slice %arg13[%dma_start3A_39, %dma_start3A_40] : memref<2x64xi32, #tpu.memory_space<vmem>> -> memref<1x64xi32, #tpu.memory_space<vmem>>
    %dma_start3A_42 = tpu.memref_squeeze %dma_start3A_41 : memref<1x64xi32, #tpu.memory_space<vmem>> -> memref<64xi32, #tpu.memory_space<vmem>>
    %dma_start3A_43 = tpu.memref_slice %arg3[%add3A_29] : memref<344064xi32, #tpu.memory_space<hbm>> -> memref<64xi32, #tpu.memory_space<hbm>>
    %dma_start3A_44 = arith.constant 0 : i32
    %dma_start3A_45 = tpu.memref_slice %arg13[%dma_start3A_39, %dma_start3A_44] : memref<2x64xi32, #tpu.memory_space<vmem>> -> memref<1x64xi32, #tpu.memory_space<vmem>>
    %dma_start3A_46 = tpu.memref_squeeze %dma_start3A_45 : memref<1x64xi32, #tpu.memory_space<vmem>> -> memref<64xi32, #tpu.memory_space<vmem>>
    %dma_start3A_47 = tpu.memref_slice %arg3[%add3A_29] : memref<344064xi32, #tpu.memory_space<hbm>> -> memref<64xi32, #tpu.memory_space<hbm>>
    tpu.enqueue_dma source(%dma_start3A_47 : memref<64xi32, #tpu.memory_space<hbm>>) target(%dma_start3A_46 : memref<64xi32, #tpu.memory_space<vmem>>) target_semaphore(%arg23 : memref<!tpu.dma_semaphore, #tpu.memory_space<semaphore_mem>>)
    %mul3A_48 = arith.constant 10752 : i32
    %mul3A_49 = arith.muli %add3A, %mul3A_48 : i32
    %add3A_50 = arith.constant 0 : i32
    %add3A_51 = arith.addi %mul3A_49, %add3A_50 : i32
    %dma_wait3A = arith.constant 0 : i32
    %dma_wait3A_52 = arith.constant 0 : i32
    %dma_wait3A_53 = tpu.memref_slice %arg12[%dma_wait3A, %dma_wait3A_52] : memref<2x64xi32, #tpu.memory_space<vmem>> -> memref<1x64xi32, #tpu.memory_space<vmem>>
    %dma_wait3A_54 = tpu.memref_squeeze %dma_wait3A_53 : memref<1x64xi32, #tpu.memory_space<vmem>> -> memref<64xi32, #tpu.memory_space<vmem>>
    %dma_wait3A_55 = tpu.memref_slice %arg2[%add3A_51] : memref<344064xi32, #tpu.memory_space<hbm>> -> memref<64xi32, #tpu.memory_space<hbm>>
    %dma_wait3A_56 = arith.constant 0 : i32
    %dma_wait3A_57 = tpu.memref_slice %arg12[%dma_wait3A, %dma_wait3A_56] : memref<2x64xi32, #tpu.memory_space<vmem>> -> memref<1x64xi32, #tpu.memory_space<vmem>>
    %dma_wait3A_58 = tpu.memref_squeeze %dma_wait3A_57 : memref<1x64xi32, #tpu.memory_space<vmem>> -> memref<64xi32, #tpu.memory_space<vmem>>
    %dma_wait3A_59 = tpu.memref_slice %arg2[%add3A_51] : memref<344064xi32, #tpu.memory_space<hbm>> -> memref<64xi32, #tpu.memory_space<hbm>>
    tpu.wait_dma2 semaphore(%arg22 : memref<!tpu.dma_semaphore, #tpu.memory_space<semaphore_mem>>) src(%dma_wait3A_59 : memref<64xi32, #tpu.memory_space<hbm>>) dst(%dma_wait3A_58 : memref<64xi32, #tpu.memory_space<vmem>>)
    %dma_wait3A_60 = arith.constant 0 : i32
    %dma_wait3A_61 = arith.constant 0 : i32
    %dma_wait3A_62 = tpu.memref_slice %arg13[%dma_wait3A_60, %dma_wait3A_61] : memref<2x64xi32, #tpu.memory_space<vmem>> -> memref<1x64xi32, #tpu.memory_space<vmem>>
    %dma_wait3A_63 = tpu.memref_squeeze %dma_wait3A_62 : memref<1x64xi32, #tpu.memory_space<vmem>> -> memref<64xi32, #tpu.memory_space<vmem>>
    %dma_wait3A_64 = tpu.memref_slice %arg3[%add3A_51] : memref<344064xi32, #tpu.memory_space<hbm>> -> memref<64xi32, #tpu.memory_space<hbm>>
    %dma_wait3A_65 = arith.constant 0 : i32
    %dma_wait3A_66 = tpu.memref_slice %arg13[%dma_wait3A_60, %dma_wait3A_65] : memref<2x64xi32, #tpu.memory_space<vmem>> -> memref<1x64xi32, #tpu.memory_space<vmem>>
    %dma_wait3A_67 = tpu.memref_squeeze %dma_wait3A_66 : memref<1x64xi32, #tpu.memory_space<vmem>> -> memref<64xi32, #tpu.memory_space<vmem>>
    %dma_wait3A_68 = tpu.memref_slice %arg3[%add3A_51] : memref<344064xi32, #tpu.memory_space<hbm>> -> memref<64xi32, #tpu.memory_space<hbm>>
    tpu.wait_dma2 semaphore(%arg22 : memref<!tpu.dma_semaphore, #tpu.memory_space<semaphore_mem>>) src(%dma_wait3A_68 : memref<64xi32, #tpu.memory_space<hbm>>) dst(%dma_wait3A_67 : memref<64xi32, #tpu.memory_space<vmem>>)
    %dma_start3A_69 = arith.constant 0 : i32
    %dma_start3A_70 = arith.constant 0 : i32
    %dma_start3A_71 = arith.constant 0 : i32
    %dma_start3A_72 = arith.constant 0 : i32
    %dma_start3A_73 = tpu.memref_slice %arg14[%dma_start3A_70, %dma_start3A_71, %dma_start3A_72] : memref<2x64x16xf32, #tpu.memory_space<vmem>> -> memref<1x64x16xf32, #tpu.memory_space<vmem>>
    %dma_start3A_74 = tpu.memref_squeeze %dma_start3A_73 : memref<1x64x16xf32, #tpu.memory_space<vmem>> -> memref<64x16xf32, #tpu.memory_space<vmem>>
    %dma_start3A_75 = arith.constant 0 : i32
    %dma_start3A_76 = tpu.memref_slice %arg12[%dma_start3A_69, %dma_start3A_75] : memref<2x64xi32, #tpu.memory_space<vmem>> -> memref<1x64xi32, #tpu.memory_space<vmem>>
    %dma_start3A_77 = tpu.memref_squeeze %dma_start3A_76 : memref<1x64xi32, #tpu.memory_space<vmem>> -> memref<64xi32, #tpu.memory_space<vmem>>
    %dma_start3A_78 = arith.constant 0 : i32
    %dma_start3A_79 = arith.constant 0 : i32
    %dma_start3A_80 = tpu.memref_slice %arg5[%dma_start3A_78, %dma_start3A_79] : memref<10240x16xf32, #tpu.memory_space<hbm>> -> memref<10240x16xf32, #tpu.memory_space<hbm>>
    tpu.enqueue_indirect_dma source(%dma_start3A_80 : memref<10240x16xf32, #tpu.memory_space<hbm>>) target(%dma_start3A_74 : memref<64x16xf32, #tpu.memory_space<vmem>>) offsets(%dma_start3A_77 : memref<64xi32, #tpu.memory_space<vmem>>) semaphore(%arg24 : memref<!tpu.dma_semaphore, #tpu.memory_space<semaphore_mem>>)
    %dma_start3A_81 = arith.constant 0 : i32
    %dma_start3A_82 = arith.constant 0 : i32
    %dma_start3A_83 = arith.constant 0 : i32
    %dma_start3A_84 = arith.constant 0 : i32
    %dma_start3A_85 = tpu.memref_slice %arg15[%dma_start3A_82, %dma_start3A_83, %dma_start3A_84] : memref<2x64x16xf32, #tpu.memory_space<vmem>> -> memref<1x64x16xf32, #tpu.memory_space<vmem>>
    %dma_start3A_86 = tpu.memref_squeeze %dma_start3A_85 : memref<1x64x16xf32, #tpu.memory_space<vmem>> -> memref<64x16xf32, #tpu.memory_space<vmem>>
    %dma_start3A_87 = arith.constant 0 : i32
    %dma_start3A_88 = tpu.memref_slice %arg13[%dma_start3A_81, %dma_start3A_87] : memref<2x64xi32, #tpu.memory_space<vmem>> -> memref<1x64xi32, #tpu.memory_space<vmem>>
    %dma_start3A_89 = tpu.memref_squeeze %dma_start3A_88 : memref<1x64xi32, #tpu.memory_space<vmem>> -> memref<64xi32, #tpu.memory_space<vmem>>
    %dma_start3A_90 = arith.constant 0 : i32
    %dma_start3A_91 = arith.constant 0 : i32
    %dma_start3A_92 = tpu.memref_slice %arg6[%dma_start3A_90, %dma_start3A_91] : memref<10240x16xf32, #tpu.memory_space<hbm>> -> memref<10240x16xf32, #tpu.memory_space<hbm>>
    tpu.enqueue_indirect_dma source(%dma_start3A_92 : memref<10240x16xf32, #tpu.memory_space<hbm>>) target(%dma_start3A_86 : memref<64x16xf32, #tpu.memory_space<vmem>>) offsets(%dma_start3A_89 : memref<64xi32, #tpu.memory_space<vmem>>) semaphore(%arg24 : memref<!tpu.dma_semaphore, #tpu.memory_space<semaphore_mem>>)
    %dma_start3A_93 = arith.constant 0 : i32
    %dma_start3A_94 = arith.constant 0 : i32
    %dma_start3A_95 = arith.constant 0 : i32
    %dma_start3A_96 = arith.constant 0 : i32
    %dma_start3A_97 = tpu.memref_slice %arg17[%dma_start3A_94, %dma_start3A_95, %dma_start3A_96] : memref<2x64x128xf32, #tpu.memory_space<vmem>> -> memref<1x64x128xf32, #tpu.memory_space<vmem>>
    %dma_start3A_98 = tpu.memref_squeeze %dma_start3A_97 : memref<1x64x128xf32, #tpu.memory_space<vmem>> -> memref<64x128xf32, #tpu.memory_space<vmem>>
    %dma_start3A_99 = arith.constant 0 : i32
    %dma_start3A_100 = tpu.memref_slice %arg12[%dma_start3A_93, %dma_start3A_99] : memref<2x64xi32, #tpu.memory_space<vmem>> -> memref<1x64xi32, #tpu.memory_space<vmem>>
    %dma_start3A_101 = tpu.memref_squeeze %dma_start3A_100 : memref<1x64xi32, #tpu.memory_space<vmem>> -> memref<64xi32, #tpu.memory_space<vmem>>
    %dma_start3A_102 = arith.constant 0 : i32
    %dma_start3A_103 = arith.constant 0 : i32
    %dma_start3A_104 = tpu.memref_slice %arg4[%dma_start3A_102, %dma_start3A_103] : memref<10000x128xf32, #tpu.memory_space<hbm>> -> memref<10000x128xf32, #tpu.memory_space<hbm>>
    tpu.enqueue_indirect_dma source(%dma_start3A_104 : memref<10000x128xf32, #tpu.memory_space<hbm>>) target(%dma_start3A_98 : memref<64x128xf32, #tpu.memory_space<vmem>>) offsets(%dma_start3A_101 : memref<64xi32, #tpu.memory_space<vmem>>) semaphore(%arg24 : memref<!tpu.dma_semaphore, #tpu.memory_space<semaphore_mem>>)
    %scan3A = arith.constant 0 : i32
    %scan3A_105 = arith.constant 0 : i32
    %scan3A_106 = arith.constant 82 : i32
    %scan3A_107 = arith.addi %scan3A_105, %scan3A_106 : i32
    %scan3A_108 = arith.constant 1 : i32
    scf.for %scan3A_171 = %scan3A_105 to %scan3A_107 step %scan3A_108  : i32 {
      %mul3A_172 = arith.constant 2 : i32
      %mul3A_173 = arith.muli %mul3A_172, %scan3A_171 : i32
      %add3A_174 = arith.constant 1 : i32
      %add3A_175 = arith.addi %mul3A_173, %add3A_174 : i32
      %mul3A_176 = arith.constant 10752 : i32
      %mul3A_177 = arith.muli %add3A, %mul3A_176 : i32
      %mul3A_178 = arith.constant 64 : i32
      %mul3A_179 = arith.muli %add3A_175, %mul3A_178 : i32
      %add3A_180 = arith.addi %mul3A_177, %mul3A_179 : i32
      %dma_wait3A_181 = arith.constant 1 : i32
      %dma_wait3A_182 = arith.constant 0 : i32
      %dma_wait3A_183 = tpu.memref_slice %arg12[%dma_wait3A_181, %dma_wait3A_182] : memref<2x64xi32, #tpu.memory_space<vmem>> -> memref<1x64xi32, #tpu.memory_space<vmem>>
      %dma_wait3A_184 = tpu.memref_squeeze %dma_wait3A_183 : memref<1x64xi32, #tpu.memory_space<vmem>> -> memref<64xi32, #tpu.memory_space<vmem>>
      %dma_wait3A_185 = tpu.memref_slice %arg2[%add3A_180] : memref<344064xi32, #tpu.memory_space<hbm>> -> memref<64xi32, #tpu.memory_space<hbm>>
      %dma_wait3A_186 = arith.constant 0 : i32
      %dma_wait3A_187 = tpu.memref_slice %arg12[%dma_wait3A_181, %dma_wait3A_186] : memref<2x64xi32, #tpu.memory_space<vmem>> -> memref<1x64xi32, #tpu.memory_space<vmem>>
      %dma_wait3A_188 = tpu.memref_squeeze %dma_wait3A_187 : memref<1x64xi32, #tpu.memory_space<vmem>> -> memref<64xi32, #tpu.memory_space<vmem>>
      %dma_wait3A_189 = tpu.memref_slice %arg2[%add3A_180] : memref<344064xi32, #tpu.memory_space<hbm>> -> memref<64xi32, #tpu.memory_space<hbm>>
      tpu.wait_dma2 semaphore(%arg23 : memref<!tpu.dma_semaphore, #tpu.memory_space<semaphore_mem>>) src(%dma_wait3A_189 : memref<64xi32, #tpu.memory_space<hbm>>) dst(%dma_wait3A_188 : memref<64xi32, #tpu.memory_space<vmem>>)
      %dma_wait3A_190 = arith.constant 1 : i32
      %dma_wait3A_191 = arith.constant 0 : i32
      %dma_wait3A_192 = tpu.memref_slice %arg13[%dma_wait3A_190, %dma_wait3A_191] : memref<2x64xi32, #tpu.memory_space<vmem>> -> memref<1x64xi32, #tpu.memory_space<vmem>>
      %dma_wait3A_193 = tpu.memref_squeeze %dma_wait3A_192 : memref<1x64xi32, #tpu.memory_space<vmem>> -> memref<64xi32, #tpu.memory_space<vmem>>
      %dma_wait3A_194 = tpu.memref_slice %arg3[%add3A_180] : memref<344064xi32, #tpu.memory_space<hbm>> -> memref<64xi32, #tpu.memory_space<hbm>>
      %dma_wait3A_195 = arith.constant 0 : i32
      %dma_wait3A_196 = tpu.memref_slice %arg13[%dma_wait3A_190, %dma_wait3A_195] : memref<2x64xi32, #tpu.memory_space<vmem>> -> memref<1x64xi32, #tpu.memory_space<vmem>>
      %dma_wait3A_197 = tpu.memref_squeeze %dma_wait3A_196 : memref<1x64xi32, #tpu.memory_space<vmem>> -> memref<64xi32, #tpu.memory_space<vmem>>
      %dma_wait3A_198 = tpu.memref_slice %arg3[%add3A_180] : memref<344064xi32, #tpu.memory_space<hbm>> -> memref<64xi32, #tpu.memory_space<hbm>>
      tpu.wait_dma2 semaphore(%arg23 : memref<!tpu.dma_semaphore, #tpu.memory_space<semaphore_mem>>) src(%dma_wait3A_198 : memref<64xi32, #tpu.memory_space<hbm>>) dst(%dma_wait3A_197 : memref<64xi32, #tpu.memory_space<vmem>>)
      %dma_start3A_199 = arith.constant 1 : i32
      %dma_start3A_200 = arith.constant 1 : i32
      %dma_start3A_201 = arith.constant 0 : i32
      %dma_start3A_202 = arith.constant 0 : i32
      %dma_start3A_203 = tpu.memref_slice %arg14[%dma_start3A_200, %dma_start3A_201, %dma_start3A_202] : memref<2x64x16xf32, #tpu.memory_space<vmem>> -> memref<1x64x16xf32, #tpu.memory_space<vmem>>
      %dma_start3A_204 = tpu.memref_squeeze %dma_start3A_203 : memref<1x64x16xf32, #tpu.memory_space<vmem>> -> memref<64x16xf32, #tpu.memory_space<vmem>>
      %dma_start3A_205 = arith.constant 0 : i32
      %dma_start3A_206 = tpu.memref_slice %arg12[%dma_start3A_199, %dma_start3A_205] : memref<2x64xi32, #tpu.memory_space<vmem>> -> memref<1x64xi32, #tpu.memory_space<vmem>>
      %dma_start3A_207 = tpu.memref_squeeze %dma_start3A_206 : memref<1x64xi32, #tpu.memory_space<vmem>> -> memref<64xi32, #tpu.memory_space<vmem>>
      %dma_start3A_208 = arith.constant 0 : i32
      %dma_start3A_209 = arith.constant 0 : i32
      %dma_start3A_210 = tpu.memref_slice %arg5[%dma_start3A_208, %dma_start3A_209] : memref<10240x16xf32, #tpu.memory_space<hbm>> -> memref<10240x16xf32, #tpu.memory_space<hbm>>
      tpu.enqueue_indirect_dma source(%dma_start3A_210 : memref<10240x16xf32, #tpu.memory_space<hbm>>) target(%dma_start3A_204 : memref<64x16xf32, #tpu.memory_space<vmem>>) offsets(%dma_start3A_207 : memref<64xi32, #tpu.memory_space<vmem>>) semaphore(%arg25 : memref<!tpu.dma_semaphore, #tpu.memory_space<semaphore_mem>>)
      %dma_start3A_211 = arith.constant 1 : i32
      %dma_start3A_212 = arith.constant 1 : i32
      %dma_start3A_213 = arith.constant 0 : i32
      %dma_start3A_214 = arith.constant 0 : i32
      %dma_start3A_215 = tpu.memref_slice %arg15[%dma_start3A_212, %dma_start3A_213, %dma_start3A_214] : memref<2x64x16xf32, #tpu.memory_space<vmem>> -> memref<1x64x16xf32, #tpu.memory_space<vmem>>
      %dma_start3A_216 = tpu.memref_squeeze %dma_start3A_215 : memref<1x64x16xf32, #tpu.memory_space<vmem>> -> memref<64x16xf32, #tpu.memory_space<vmem>>
      %dma_start3A_217 = arith.constant 0 : i32
      %dma_start3A_218 = tpu.memref_slice %arg13[%dma_start3A_211, %dma_start3A_217] : memref<2x64xi32, #tpu.memory_space<vmem>> -> memref<1x64xi32, #tpu.memory_space<vmem>>
      %dma_start3A_219 = tpu.memref_squeeze %dma_start3A_218 : memref<1x64xi32, #tpu.memory_space<vmem>> -> memref<64xi32, #tpu.memory_space<vmem>>
      %dma_start3A_220 = arith.constant 0 : i32
      %dma_start3A_221 = arith.constant 0 : i32
      %dma_start3A_222 = tpu.memref_slice %arg6[%dma_start3A_220, %dma_start3A_221] : memref<10240x16xf32, #tpu.memory_space<hbm>> -> memref<10240x16xf32, #tpu.memory_space<hbm>>
      tpu.enqueue_indirect_dma source(%dma_start3A_222 : memref<10240x16xf32, #tpu.memory_space<hbm>>) target(%dma_start3A_216 : memref<64x16xf32, #tpu.memory_space<vmem>>) offsets(%dma_start3A_219 : memref<64xi32, #tpu.memory_space<vmem>>) semaphore(%arg25 : memref<!tpu.dma_semaphore, #tpu.memory_space<semaphore_mem>>)
      %dma_start3A_223 = arith.constant 1 : i32
      %dma_start3A_224 = arith.constant 1 : i32
      %dma_start3A_225 = arith.constant 0 : i32
      %dma_start3A_226 = arith.constant 0 : i32
      %dma_start3A_227 = tpu.memref_slice %arg17[%dma_start3A_224, %dma_start3A_225, %dma_start3A_226] : memref<2x64x128xf32, #tpu.memory_space<vmem>> -> memref<1x64x128xf32, #tpu.memory_space<vmem>>
      %dma_start3A_228 = tpu.memref_squeeze %dma_start3A_227 : memref<1x64x128xf32, #tpu.memory_space<vmem>> -> memref<64x128xf32, #tpu.memory_space<vmem>>
      %dma_start3A_229 = arith.constant 0 : i32
      %dma_start3A_230 = tpu.memref_slice %arg12[%dma_start3A_223, %dma_start3A_229] : memref<2x64xi32, #tpu.memory_space<vmem>> -> memref<1x64xi32, #tpu.memory_space<vmem>>
      %dma_start3A_231 = tpu.memref_squeeze %dma_start3A_230 : memref<1x64xi32, #tpu.memory_space<vmem>> -> memref<64xi32, #tpu.memory_space<vmem>>
      %dma_start3A_232 = arith.constant 0 : i32
      %dma_start3A_233 = arith.constant 0 : i32
      %dma_start3A_234 = tpu.memref_slice %arg4[%dma_start3A_232, %dma_start3A_233] : memref<10000x128xf32, #tpu.memory_space<hbm>> -> memref<10000x128xf32, #tpu.memory_space<hbm>>
      tpu.enqueue_indirect_dma source(%dma_start3A_234 : memref<10000x128xf32, #tpu.memory_space<hbm>>) target(%dma_start3A_228 : memref<64x128xf32, #tpu.memory_space<vmem>>) offsets(%dma_start3A_231 : memref<64xi32, #tpu.memory_space<vmem>>) semaphore(%arg25 : memref<!tpu.dma_semaphore, #tpu.memory_space<semaphore_mem>>)
      %dma_wait3A_235 = arith.constant 0 : i32
      %dma_wait3A_236 = arith.constant 0 : i32
      %dma_wait3A_237 = arith.constant 0 : i32
      %dma_wait3A_238 = arith.constant 0 : i32
      %dma_wait3A_239 = tpu.memref_slice %arg14[%dma_wait3A_236, %dma_wait3A_237, %dma_wait3A_238] : memref<2x64x16xf32, #tpu.memory_space<vmem>> -> memref<1x64x16xf32, #tpu.memory_space<vmem>>
      %dma_wait3A_240 = tpu.memref_squeeze %dma_wait3A_239 : memref<1x64x16xf32, #tpu.memory_space<vmem>> -> memref<64x16xf32, #tpu.memory_space<vmem>>
      %dma_wait3A_241 = arith.constant 0 : i32
      %dma_wait3A_242 = tpu.memref_slice %arg12[%dma_wait3A_235, %dma_wait3A_241] : memref<2x64xi32, #tpu.memory_space<vmem>> -> memref<1x64xi32, #tpu.memory_space<vmem>>
      %dma_wait3A_243 = tpu.memref_squeeze %dma_wait3A_242 : memref<1x64xi32, #tpu.memory_space<vmem>> -> memref<64xi32, #tpu.memory_space<vmem>>
      %dma_wait3A_244 = arith.constant 0 : i32
      %dma_wait3A_245 = arith.constant 0 : i32
      %dma_wait3A_246 = tpu.memref_slice %arg5[%dma_wait3A_244, %dma_wait3A_245] : memref<10240x16xf32, #tpu.memory_space<hbm>> -> memref<10240x16xf32, #tpu.memory_space<hbm>>
      tpu.wait_indirect_dma semaphore(%arg24 : memref<!tpu.dma_semaphore, #tpu.memory_space<semaphore_mem>>) src(%dma_wait3A_246 : memref<10240x16xf32, #tpu.memory_space<hbm>>) dst(%dma_wait3A_240 : memref<64x16xf32, #tpu.memory_space<vmem>>)
      %dma_wait3A_247 = arith.constant 0 : i32
      %dma_wait3A_248 = arith.constant 0 : i32
      %dma_wait3A_249 = arith.constant 0 : i32
      %dma_wait3A_250 = arith.constant 0 : i32
      %dma_wait3A_251 = tpu.memref_slice %arg15[%dma_wait3A_248, %dma_wait3A_249, %dma_wait3A_250] : memref<2x64x16xf32, #tpu.memory_space<vmem>> -> memref<1x64x16xf32, #tpu.memory_space<vmem>>
      %dma_wait3A_252 = tpu.memref_squeeze %dma_wait3A_251 : memref<1x64x16xf32, #tpu.memory_space<vmem>> -> memref<64x16xf32, #tpu.memory_space<vmem>>
      %dma_wait3A_253 = arith.constant 0 : i32
      %dma_wait3A_254 = tpu.memref_slice %arg13[%dma_wait3A_247, %dma_wait3A_253] : memref<2x64xi32, #tpu.memory_space<vmem>> -> memref<1x64xi32, #tpu.memory_space<vmem>>
      %dma_wait3A_255 = tpu.memref_squeeze %dma_wait3A_254 : memref<1x64xi32, #tpu.memory_space<vmem>> -> memref<64xi32, #tpu.memory_space<vmem>>
      %dma_wait3A_256 = arith.constant 0 : i32
      %dma_wait3A_257 = arith.constant 0 : i32
      %dma_wait3A_258 = tpu.memref_slice %arg6[%dma_wait3A_256, %dma_wait3A_257] : memref<10240x16xf32, #tpu.memory_space<hbm>> -> memref<10240x16xf32, #tpu.memory_space<hbm>>
      tpu.wait_indirect_dma semaphore(%arg24 : memref<!tpu.dma_semaphore, #tpu.memory_space<semaphore_mem>>) src(%dma_wait3A_258 : memref<10240x16xf32, #tpu.memory_space<hbm>>) dst(%dma_wait3A_252 : memref<64x16xf32, #tpu.memory_space<vmem>>)
      %dma_wait3A_259 = arith.constant 0 : i32
      %dma_wait3A_260 = arith.constant 0 : i32
      %dma_wait3A_261 = arith.constant 0 : i32
      %dma_wait3A_262 = arith.constant 0 : i32
      %dma_wait3A_263 = tpu.memref_slice %arg17[%dma_wait3A_260, %dma_wait3A_261, %dma_wait3A_262] : memref<2x64x128xf32, #tpu.memory_space<vmem>> -> memref<1x64x128xf32, #tpu.memory_space<vmem>>
      %dma_wait3A_264 = tpu.memref_squeeze %dma_wait3A_263 : memref<1x64x128xf32, #tpu.memory_space<vmem>> -> memref<64x128xf32, #tpu.memory_space<vmem>>
      %dma_wait3A_265 = arith.constant 0 : i32
      %dma_wait3A_266 = tpu.memref_slice %arg12[%dma_wait3A_259, %dma_wait3A_265] : memref<2x64xi32, #tpu.memory_space<vmem>> -> memref<1x64xi32, #tpu.memory_space<vmem>>
      %dma_wait3A_267 = tpu.memref_squeeze %dma_wait3A_266 : memref<1x64xi32, #tpu.memory_space<vmem>> -> memref<64xi32, #tpu.memory_space<vmem>>
      %dma_wait3A_268 = arith.constant 0 : i32
      %dma_wait3A_269 = arith.constant 0 : i32
      %dma_wait3A_270 = tpu.memref_slice %arg4[%dma_wait3A_268, %dma_wait3A_269] : memref<10000x128xf32, #tpu.memory_space<hbm>> -> memref<10000x128xf32, #tpu.memory_space<hbm>>
      tpu.wait_indirect_dma semaphore(%arg24 : memref<!tpu.dma_semaphore, #tpu.memory_space<semaphore_mem>>) src(%dma_wait3A_270 : memref<10000x128xf32, #tpu.memory_space<hbm>>) dst(%dma_wait3A_264 : memref<64x128xf32, #tpu.memory_space<vmem>>)
      %parallel_loop3A = arith.constant 0 : i32
      %parallel_loop3A_271 = arith.constant 64 : i32
      %parallel_loop3A_272 = arith.constant 1 : i32
      scf.for %parallel_loop3A_483 = %parallel_loop3A to %parallel_loop3A_271 step %parallel_loop3A_272  : i32 {
        %parallel_loop3A_484 = arith.constant 0 : i32
        %parallel_loop3A_485 = arith.index_cast %parallel_loop3A_484 : i32 to index
        %parallel_loop3A_486 = arith.index_cast %parallel_loop3A_483 : i32 to index
        %parallel_loop3A_487 = arith.constant 0 : index
        %parallel_loop3A_488 = tpu.vector_load %arg14[%parallel_loop3A_485, %parallel_loop3A_486, %parallel_loop3A_487] {strides = array<i32>} : memref<2x64x16xf32, #tpu.memory_space<vmem>>, vector<1x1x16xf32>,
        %parallel_loop3A_489 = vector.shape_cast %parallel_loop3A_488 : vector<1x1x16xf32> to vector<16xf32>
        %parallel_loop3A_490 = arith.constant 0 : i32
        %parallel_loop3A_491 = arith.index_cast %parallel_loop3A_490 : i32 to index
        %parallel_loop3A_492 = arith.index_cast %parallel_loop3A_483 : i32 to index
        %parallel_loop3A_493 = arith.constant 0 : index
        %parallel_loop3A_494 = tpu.vector_load %arg15[%parallel_loop3A_491, %parallel_loop3A_492, %parallel_loop3A_493] {strides = array<i32>} : memref<2x64x16xf32, #tpu.memory_space<vmem>>, vector<1x1x16xf32>,
        %parallel_loop3A_495 = vector.shape_cast %parallel_loop3A_494 : vector<1x1x16xf32> to vector<16xf32>
        %parallel_loop3A_496 = arith.addf %parallel_loop3A_489, %parallel_loop3A_495 : vector<16xf32>
        %parallel_loop3A_497 = arith.constant 2.000000e-01 : f32
        %parallel_loop3A_498 = vector.broadcast %parallel_loop3A_497 : f32 to vector<16xf32>
        %parallel_loop3A_499 = arith.mulf %parallel_loop3A_498, %parallel_loop3A_496 : vector<16xf32>
        %parallel_loop3A_500 = arith.maximumf %parallel_loop3A_496, %parallel_loop3A_499 : vector<16xf32>
        %parallel_loop3A_501 = arith.addf %get3A_4, %parallel_loop3A_495 : vector<16xf32>
        %parallel_loop3A_502 = arith.constant 2.000000e-01 : f32
        %parallel_loop3A_503 = vector.broadcast %parallel_loop3A_502 : f32 to vector<16xf32>
        %parallel_loop3A_504 = arith.mulf %parallel_loop3A_503, %parallel_loop3A_501 : vector<16xf32>
        %parallel_loop3A_505 = arith.maximumf %parallel_loop3A_501, %parallel_loop3A_504 : vector<16xf32>
        %parallel_loop3A_506 = arith.subf %parallel_loop3A_500, %parallel_loop3A_505 : vector<16xf32>
        %parallel_loop3A_507 = math.exp %parallel_loop3A_506 : vector<16xf32>
        %parallel_loop3A_508 = arith.index_cast %parallel_loop3A_483 : i32 to index
        %parallel_loop3A_509 = arith.constant 0 : index
        %parallel_loop3A_510 = tpu.vector_load %arg16[%parallel_loop3A_508, %parallel_loop3A_509] {strides = array<i32>} : memref<64x16xf32, #tpu.memory_space<vmem>>, vector<1x16xf32>,
        %parallel_loop3A_511 = vector.shape_cast %parallel_loop3A_510 : vector<1x16xf32> to vector<16xf32>
        %parallel_loop3A_512 = vector.shape_cast %parallel_loop3A_507 : vector<16xf32> to vector<1x16xf32>
        tpu.vector_store %arg16[%parallel_loop3A_508, %parallel_loop3A_509], %parallel_loop3A_512 {strides = array<i32>} : memref<64x16xf32, #tpu.memory_space<vmem>>, vector<1x16xf32>,
        %parallel_loop3A_513 = arith.constant 0 : i32
        %parallel_loop3A_514 = vector.broadcast %parallel_loop3A_513 : i32 to vector<16x1xi32>
        %parallel_loop3A_515 = vector.shape_cast %parallel_loop3A_514 : vector<16x1xi32> to vector<16xi32>
        %parallel_loop3A_516 = tpu.dynamic_gather %parallel_loop3A_507[%parallel_loop3A_515] in [0] : vector<16xf32>, vector<16xi32> -> vector<16xf32>
        %parallel_loop3A_517 = arith.constant 0 : i32
        %parallel_loop3A_518 = arith.index_cast %parallel_loop3A_517 : i32 to index
        %parallel_loop3A_519 = arith.index_cast %parallel_loop3A_483 : i32 to index
        %parallel_loop3A_520 = arith.constant 0 : index
        %parallel_loop3A_521 = tpu.vector_load %arg17[%parallel_loop3A_518, %parallel_loop3A_519, %parallel_loop3A_520] {strides = array<i32>} : memref<2x64x128xf32, #tpu.memory_space<vmem>>, vector<1x1x16xf32>,
        %parallel_loop3A_522 = vector.shape_cast %parallel_loop3A_521 : vector<1x1x16xf32> to vector<16xf32>
        %parallel_loop3A_523 = arith.mulf %parallel_loop3A_522, %parallel_loop3A_516 : vector<16xf32>
        %parallel_loop3A_524 = arith.index_cast %parallel_loop3A_483 : i32 to index
        %parallel_loop3A_525 = arith.constant 0 : index
        %parallel_loop3A_526 = tpu.vector_load %arg18[%parallel_loop3A_524, %parallel_loop3A_525] {strides = array<i32>} : memref<64x128xf32, #tpu.memory_space<vmem>>, vector<1x16xf32>,
        %parallel_loop3A_527 = vector.shape_cast %parallel_loop3A_526 : vector<1x16xf32> to vector<16xf32>
        %parallel_loop3A_528 = vector.shape_cast %parallel_loop3A_523 : vector<16xf32> to vector<1x16xf32>
        tpu.vector_store %arg18[%parallel_loop3A_524, %parallel_loop3A_525], %parallel_loop3A_528 {strides = array<i32>} : memref<64x128xf32, #tpu.memory_space<vmem>>, vector<1x16xf32>,
        %parallel_loop3A_529 = arith.constant 1 : i32
        %parallel_loop3A_530 = vector.broadcast %parallel_loop3A_529 : i32 to vector<16x1xi32>
        %parallel_loop3A_531 = vector.shape_cast %parallel_loop3A_530 : vector<16x1xi32> to vector<16xi32>
        %parallel_loop3A_532 = tpu.dynamic_gather %parallel_loop3A_507[%parallel_loop3A_531] in [0] : vector<16xf32>, vector<16xi32> -> vector<16xf32>
        %parallel_loop3A_533 = arith.constant 0 : i32
        %parallel_loop3A_534 = arith.index_cast %parallel_loop3A_533 : i32 to index
        %parallel_loop3A_535 = arith.index_cast %parallel_loop3A_483 : i32 to index
        %parallel_loop3A_536 = arith.constant 16 : index
        %parallel_loop3A_537 = tpu.vector_load %arg17[%parallel_loop3A_534, %parallel_loop3A_535, %parallel_loop3A_536] {strides = array<i32>} : memref<2x64x128xf32, #tpu.memory_space<vmem>>, vector<1x1x16xf32>,
        %parallel_loop3A_538 = vector.shape_cast %parallel_loop3A_537 : vector<1x1x16xf32> to vector<16xf32>
        %parallel_loop3A_539 = arith.mulf %parallel_loop3A_538, %parallel_loop3A_532 : vector<16xf32>
        %parallel_loop3A_540 = arith.index_cast %parallel_loop3A_483 : i32 to index
        %parallel_loop3A_541 = arith.constant 16 : index
        %parallel_loop3A_542 = tpu.vector_load %arg18[%parallel_loop3A_540, %parallel_loop3A_541] {strides = array<i32>} : memref<64x128xf32, #tpu.memory_space<vmem>>, vector<1x16xf32>,
        %parallel_loop3A_543 = vector.shape_cast %parallel_loop3A_542 : vector<1x16xf32> to vector<16xf32>
        %parallel_loop3A_544 = vector.shape_cast %parallel_loop3A_539 : vector<16xf32> to vector<1x16xf32>
        tpu.vector_store %arg18[%parallel_loop3A_540, %parallel_loop3A_541], %parallel_loop3A_544 {strides = array<i32>} : memref<64x128xf32, #tpu.memory_space<vmem>>, vector<1x16xf32>,
        %parallel_loop3A_545 = arith.constant 2 : i32
        %parallel_loop3A_546 = vector.broadcast %parallel_loop3A_545 : i32 to vector<16x1xi32>
        %parallel_loop3A_547 = vector.shape_cast %parallel_loop3A_546 : vector<16x1xi32> to vector<16xi32>
        %parallel_loop3A_548 = tpu.dynamic_gather %parallel_loop3A_507[%parallel_loop3A_547] in [0] : vector<16xf32>, vector<16xi32> -> vector<16xf32>
        %parallel_loop3A_549 = arith.constant 0 : i32
        %parallel_loop3A_550 = arith.index_cast %parallel_loop3A_549 : i32 to index
        %parallel_loop3A_551 = arith.index_cast %parallel_loop3A_483 : i32 to index
        %parallel_loop3A_552 = arith.constant 32 : index
        %parallel_loop3A_553 = tpu.vector_load %arg17[%parallel_loop3A_550, %parallel_loop3A_551, %parallel_loop3A_552] {strides = array<i32>} : memref<2x64x128xf32, #tpu.memory_space<vmem>>, vector<1x1x16xf32>,
        %parallel_loop3A_554 = vector.shape_cast %parallel_loop3A_553 : vector<1x1x16xf32> to vector<16xf32>
        %parallel_loop3A_555 = arith.mulf %parallel_loop3A_554, %parallel_loop3A_548 : vector<16xf32>
        %parallel_loop3A_556 = arith.index_cast %parallel_loop3A_483 : i32 to index
        %parallel_loop3A_557 = arith.constant 32 : index
        %parallel_loop3A_558 = tpu.vector_load %arg18[%parallel_loop3A_556, %parallel_loop3A_557] {strides = array<i32>} : memref<64x128xf32, #tpu.memory_space<vmem>>, vector<1x16xf32>,
        %parallel_loop3A_559 = vector.shape_cast %parallel_loop3A_558 : vector<1x16xf32> to vector<16xf32>
        %parallel_loop3A_560 = vector.shape_cast %parallel_loop3A_555 : vector<16xf32> to vector<1x16xf32>
        tpu.vector_store %arg18[%parallel_loop3A_556, %parallel_loop3A_557], %parallel_loop3A_560 {strides = array<i32>} : memref<64x128xf32, #tpu.memory_space<vmem>>, vector<1x16xf32>,
        %parallel_loop3A_561 = arith.constant 3 : i32
        %parallel_loop3A_562 = vector.broadcast %parallel_loop3A_561 : i32 to vector<16x1xi32>
        %parallel_loop3A_563 = vector.shape_cast %parallel_loop3A_562 : vector<16x1xi32> to vector<16xi32>
        %parallel_loop3A_564 = tpu.dynamic_gather %parallel_loop3A_507[%parallel_loop3A_563] in [0] : vector<16xf32>, vector<16xi32> -> vector<16xf32>
        %parallel_loop3A_565 = arith.constant 0 : i32
        %parallel_loop3A_566 = arith.index_cast %parallel_loop3A_565 : i32 to index
        %parallel_loop3A_567 = arith.index_cast %parallel_loop3A_483 : i32 to index
        %parallel_loop3A_568 = arith.constant 48 : index
        %parallel_loop3A_569 = tpu.vector_load %arg17[%parallel_loop3A_566, %parallel_loop3A_567, %parallel_loop3A_568] {strides = array<i32>} : memref<2x64x128xf32, #tpu.memory_space<vmem>>, vector<1x1x16xf32>,
        %parallel_loop3A_570 = vector.shape_cast %parallel_loop3A_569 : vector<1x1x16xf32> to vector<16xf32>
        %parallel_loop3A_571 = arith.mulf %parallel_loop3A_570, %parallel_loop3A_564 : vector<16xf32>
        %parallel_loop3A_572 = arith.index_cast %parallel_loop3A_483 : i32 to index
        %parallel_loop3A_573 = arith.constant 48 : index
        %parallel_loop3A_574 = tpu.vector_load %arg18[%parallel_loop3A_572, %parallel_loop3A_573] {strides = array<i32>} : memref<64x128xf32, #tpu.memory_space<vmem>>, vector<1x16xf32>,
        %parallel_loop3A_575 = vector.shape_cast %parallel_loop3A_574 : vector<1x16xf32> to vector<16xf32>
        %parallel_loop3A_576 = vector.shape_cast %parallel_loop3A_571 : vector<16xf32> to vector<1x16xf32>
        tpu.vector_store %arg18[%parallel_loop3A_572, %parallel_loop3A_573], %parallel_loop3A_576 {strides = array<i32>} : memref<64x128xf32, #tpu.memory_space<vmem>>, vector<1x16xf32>,
        %parallel_loop3A_577 = arith.constant 4 : i32
        %parallel_loop3A_578 = vector.broadcast %parallel_loop3A_577 : i32 to vector<16x1xi32>
        %parallel_loop3A_579 = vector.shape_cast %parallel_loop3A_578 : vector<16x1xi32> to vector<16xi32>
        %parallel_loop3A_580 = tpu.dynamic_gather %parallel_loop3A_507[%parallel_loop3A_579] in [0] : vector<16xf32>, vector<16xi32> -> vector<16xf32>
        %parallel_loop3A_581 = arith.constant 0 : i32
        %parallel_loop3A_582 = arith.index_cast %parallel_loop3A_581 : i32 to index
        %parallel_loop3A_583 = arith.index_cast %parallel_loop3A_483 : i32 to index
        %parallel_loop3A_584 = arith.constant 64 : index
        %parallel_loop3A_585 = tpu.vector_load %arg17[%parallel_loop3A_582, %parallel_loop3A_583, %parallel_loop3A_584] {strides = array<i32>} : memref<2x64x128xf32, #tpu.memory_space<vmem>>, vector<1x1x16xf32>,
        %parallel_loop3A_586 = vector.shape_cast %parallel_loop3A_585 : vector<1x1x16xf32> to vector<16xf32>
        %parallel_loop3A_587 = arith.mulf %parallel_loop3A_586, %parallel_loop3A_580 : vector<16xf32>
        %parallel_loop3A_588 = arith.index_cast %parallel_loop3A_483 : i32 to index
        %parallel_loop3A_589 = arith.constant 64 : index
        %parallel_loop3A_590 = tpu.vector_load %arg18[%parallel_loop3A_588, %parallel_loop3A_589] {strides = array<i32>} : memref<64x128xf32, #tpu.memory_space<vmem>>, vector<1x16xf32>,
        %parallel_loop3A_591 = vector.shape_cast %parallel_loop3A_590 : vector<1x16xf32> to vector<16xf32>
        %parallel_loop3A_592 = vector.shape_cast %parallel_loop3A_587 : vector<16xf32> to vector<1x16xf32>
        tpu.vector_store %arg18[%parallel_loop3A_588, %parallel_loop3A_589], %parallel_loop3A_592 {strides = array<i32>} : memref<64x128xf32, #tpu.memory_space<vmem>>, vector<1x16xf32>,
        %parallel_loop3A_593 = arith.constant 5 : i32
        %parallel_loop3A_594 = vector.broadcast %parallel_loop3A_593 : i32 to vector<16x1xi32>
        %parallel_loop3A_595 = vector.shape_cast %parallel_loop3A_594 : vector<16x1xi32> to vector<16xi32>
        %parallel_loop3A_596 = tpu.dynamic_gather %parallel_loop3A_507[%parallel_loop3A_595] in [0] : vector<16xf32>, vector<16xi32> -> vector<16xf32>
        %parallel_loop3A_597 = arith.constant 0 : i32
        %parallel_loop3A_598 = arith.index_cast %parallel_loop3A_597 : i32 to index
        %parallel_loop3A_599 = arith.index_cast %parallel_loop3A_483 : i32 to index
        %parallel_loop3A_600 = arith.constant 80 : index
        %parallel_loop3A_601 = tpu.vector_load %arg17[%parallel_loop3A_598, %parallel_loop3A_599, %parallel_loop3A_600] {strides = array<i32>} : memref<2x64x128xf32, #tpu.memory_space<vmem>>, vector<1x1x16xf32>,
        %parallel_loop3A_602 = vector.shape_cast %parallel_loop3A_601 : vector<1x1x16xf32> to vector<16xf32>
        %parallel_loop3A_603 = arith.mulf %parallel_loop3A_602, %parallel_loop3A_596 : vector<16xf32>
        %parallel_loop3A_604 = arith.index_cast %parallel_loop3A_483 : i32 to index
        %parallel_loop3A_605 = arith.constant 80 : index
        %parallel_loop3A_606 = tpu.vector_load %arg18[%parallel_loop3A_604, %parallel_loop3A_605] {strides = array<i32>} : memref<64x128xf32, #tpu.memory_space<vmem>>, vector<1x16xf32>,
        %parallel_loop3A_607 = vector.shape_cast %parallel_loop3A_606 : vector<1x16xf32> to vector<16xf32>
        %parallel_loop3A_608 = vector.shape_cast %parallel_loop3A_603 : vector<16xf32> to vector<1x16xf32>
        tpu.vector_store %arg18[%parallel_loop3A_604, %parallel_loop3A_605], %parallel_loop3A_608 {strides = array<i32>} : memref<64x128xf32, #tpu.memory_space<vmem>>, vector<1x16xf32>,
        %parallel_loop3A_609 = arith.constant 6 : i32
        %parallel_loop3A_610 = vector.broadcast %parallel_loop3A_609 : i32 to vector<16x1xi32>
        %parallel_loop3A_611 = vector.shape_cast %parallel_loop3A_610 : vector<16x1xi32> to vector<16xi32>
        %parallel_loop3A_612 = tpu.dynamic_gather %parallel_loop3A_507[%parallel_loop3A_611] in [0] : vector<16xf32>, vector<16xi32> -> vector<16xf32>
        %parallel_loop3A_613 = arith.constant 0 : i32
        %parallel_loop3A_614 = arith.index_cast %parallel_loop3A_613 : i32 to index
        %parallel_loop3A_615 = arith.index_cast %parallel_loop3A_483 : i32 to index
        %parallel_loop3A_616 = arith.constant 96 : index
        %parallel_loop3A_617 = tpu.vector_load %arg17[%parallel_loop3A_614, %parallel_loop3A_615, %parallel_loop3A_616] {strides = array<i32>} : memref<2x64x128xf32, #tpu.memory_space<vmem>>, vector<1x1x16xf32>,
        %parallel_loop3A_618 = vector.shape_cast %parallel_loop3A_617 : vector<1x1x16xf32> to vector<16xf32>
        %parallel_loop3A_619 = arith.mulf %parallel_loop3A_618, %parallel_loop3A_612 : vector<16xf32>
        %parallel_loop3A_620 = arith.index_cast %parallel_loop3A_483 : i32 to index
        %parallel_loop3A_621 = arith.constant 96 : index
        %parallel_loop3A_622 = tpu.vector_load %arg18[%parallel_loop3A_620, %parallel_loop3A_621] {strides = array<i32>} : memref<64x128xf32, #tpu.memory_space<vmem>>, vector<1x16xf32>,
        %parallel_loop3A_623 = vector.shape_cast %parallel_loop3A_622 : vector<1x16xf32> to vector<16xf32>
        %parallel_loop3A_624 = vector.shape_cast %parallel_loop3A_619 : vector<16xf32> to vector<1x16xf32>
        tpu.vector_store %arg18[%parallel_loop3A_620, %parallel_loop3A_621], %parallel_loop3A_624 {strides = array<i32>} : memref<64x128xf32, #tpu.memory_space<vmem>>, vector<1x16xf32>,
        %parallel_loop3A_625 = arith.constant 7 : i32
        %parallel_loop3A_626 = vector.broadcast %parallel_loop3A_625 : i32 to vector<16x1xi32>
        %parallel_loop3A_627 = vector.shape_cast %parallel_loop3A_626 : vector<16x1xi32> to vector<16xi32>
        %parallel_loop3A_628 = tpu.dynamic_gather %parallel_loop3A_507[%parallel_loop3A_627] in [0] : vector<16xf32>, vector<16xi32> -> vector<16xf32>
        %parallel_loop3A_629 = arith.constant 0 : i32
        %parallel_loop3A_630 = arith.index_cast %parallel_loop3A_629 : i32 to index
        %parallel_loop3A_631 = arith.index_cast %parallel_loop3A_483 : i32 to index
        %parallel_loop3A_632 = arith.constant 112 : index
        %parallel_loop3A_633 = tpu.vector_load %arg17[%parallel_loop3A_630, %parallel_loop3A_631, %parallel_loop3A_632] {strides = array<i32>} : memref<2x64x128xf32, #tpu.memory_space<vmem>>, vector<1x1x16xf32>,
        %parallel_loop3A_634 = vector.shape_cast %parallel_loop3A_633 : vector<1x1x16xf32> to vector<16xf32>
        %parallel_loop3A_635 = arith.mulf %parallel_loop3A_634, %parallel_loop3A_628 : vector<16xf32>
        %parallel_loop3A_636 = arith.index_cast %parallel_loop3A_483 : i32 to index
        %parallel_loop3A_637 = arith.constant 112 : index
        %parallel_loop3A_638 = tpu.vector_load %arg18[%parallel_loop3A_636, %parallel_loop3A_637] {strides = array<i32>} : memref<64x128xf32, #tpu.memory_space<vmem>>, vector<1x16xf32>,
        %parallel_loop3A_639 = vector.shape_cast %parallel_loop3A_638 : vector<1x16xf32> to vector<16xf32>
        %parallel_loop3A_640 = vector.shape_cast %parallel_loop3A_635 : vector<16xf32> to vector<1x16xf32>
        tpu.vector_store %arg18[%parallel_loop3A_636, %parallel_loop3A_637], %parallel_loop3A_640 {strides = array<i32>} : memref<64x128xf32, #tpu.memory_space<vmem>>, vector<1x16xf32>,
      } {sc.loop_unroll_factor = 4 : i64, sc.parallel_access}
      %dma_start3A_273 = arith.constant 0 : i32
      %dma_start3A_274 = arith.constant 0 : i32
      %dma_start3A_275 = tpu.memref_slice %arg13[%dma_start3A_273, %dma_start3A_274] : memref<2x64xi32, #tpu.memory_space<vmem>> -> memref<1x64xi32, #tpu.memory_space<vmem>>
      %dma_start3A_276 = tpu.memref_squeeze %dma_start3A_275 : memref<1x64xi32, #tpu.memory_space<vmem>> -> memref<64xi32, #tpu.memory_space<vmem>>
      %dma_start3A_277 = arith.constant 0 : i32
      %dma_start3A_278 = arith.constant 0 : i32
      %dma_start3A_279 = tpu.memref_slice %arg21[%dma_start3A_277, %dma_start3A_278] : memref<10240x16xf32, #tpu.memory_space<vmem_shared>> -> memref<10240x16xf32, #tpu.memory_space<vmem_shared>>
      tpu.enqueue_indirect_dma source(%arg16 : memref<64x16xf32, #tpu.memory_space<vmem>>) target(%dma_start3A_279 : memref<10240x16xf32, #tpu.memory_space<vmem_shared>>) offsets(%dma_start3A_276 : memref<64xi32, #tpu.memory_space<vmem>>) semaphore(%arg26 : memref<!tpu.dma_semaphore, #tpu.memory_space<semaphore_mem>>) {add = true}
      %dma_start3A_280 = arith.constant 0 : i32
      %dma_start3A_281 = arith.constant 0 : i32
      %dma_start3A_282 = tpu.memref_slice %arg13[%dma_start3A_280, %dma_start3A_281] : memref<2x64xi32, #tpu.memory_space<vmem>> -> memref<1x64xi32, #tpu.memory_space<vmem>>
      %dma_start3A_283 = tpu.memref_squeeze %dma_start3A_282 : memref<1x64xi32, #tpu.memory_space<vmem>> -> memref<64xi32, #tpu.memory_space<vmem>>
      %dma_start3A_284 = arith.constant 0 : i32
      %dma_start3A_285 = arith.constant 0 : i32
      %dma_start3A_286 = tpu.memref_slice %arg20[%dma_start3A_284, %dma_start3A_285] : memref<10240x128xf32, #tpu.memory_space<vmem_shared>> -> memref<10240x128xf32, #tpu.memory_space<vmem_shared>>
      tpu.enqueue_indirect_dma source(%arg18 : memref<64x128xf32, #tpu.memory_space<vmem>>) target(%dma_start3A_286 : memref<10240x128xf32, #tpu.memory_space<vmem_shared>>) offsets(%dma_start3A_283 : memref<64xi32, #tpu.memory_space<vmem>>) semaphore(%arg26 : memref<!tpu.dma_semaphore, #tpu.memory_space<semaphore_mem>>) {add = true}
      %dma_wait3A_287 = arith.constant 0 : i32
      %dma_wait3A_288 = arith.constant 0 : i32
      %dma_wait3A_289 = tpu.memref_slice %arg13[%dma_wait3A_287, %dma_wait3A_288] : memref<2x64xi32, #tpu.memory_space<vmem>> -> memref<1x64xi32, #tpu.memory_space<vmem>>
      %dma_wait3A_290 = tpu.memref_squeeze %dma_wait3A_289 : memref<1x64xi32, #tpu.memory_space<vmem>> -> memref<64xi32, #tpu.memory_space<vmem>>
      %dma_wait3A_291 = arith.constant 0 : i32
      %dma_wait3A_292 = arith.constant 0 : i32
      %dma_wait3A_293 = tpu.memref_slice %arg21[%dma_wait3A_291, %dma_wait3A_292] : memref<10240x16xf32, #tpu.memory_space<vmem_shared>> -> memref<10240x16xf32, #tpu.memory_space<vmem_shared>>
      tpu.wait_indirect_dma semaphore(%arg26 : memref<!tpu.dma_semaphore, #tpu.memory_space<semaphore_mem>>) src(%arg16 : memref<64x16xf32, #tpu.memory_space<vmem>>) dst(%dma_wait3A_293 : memref<10240x16xf32, #tpu.memory_space<vmem_shared>>)
      %dma_wait3A_294 = arith.constant 0 : i32
      %dma_wait3A_295 = arith.constant 0 : i32
      %dma_wait3A_296 = tpu.memref_slice %arg13[%dma_wait3A_294, %dma_wait3A_295] : memref<2x64xi32, #tpu.memory_space<vmem>> -> memref<1x64xi32, #tpu.memory_space<vmem>>
      %dma_wait3A_297 = tpu.memref_squeeze %dma_wait3A_296 : memref<1x64xi32, #tpu.memory_space<vmem>> -> memref<64xi32, #tpu.memory_space<vmem>>
      %dma_wait3A_298 = arith.constant 0 : i32
      %dma_wait3A_299 = arith.constant 0 : i32
      %dma_wait3A_300 = tpu.memref_slice %arg20[%dma_wait3A_298, %dma_wait3A_299] : memref<10240x128xf32, #tpu.memory_space<vmem_shared>> -> memref<10240x128xf32, #tpu.memory_space<vmem_shared>>
      tpu.wait_indirect_dma semaphore(%arg26 : memref<!tpu.dma_semaphore, #tpu.memory_space<semaphore_mem>>) src(%arg18 : memref<64x128xf32, #tpu.memory_space<vmem>>) dst(%dma_wait3A_300 : memref<10240x128xf32, #tpu.memory_space<vmem_shared>>)
      %add3A_301 = arith.constant 2 : i32
      %add3A_302 = arith.addi %mul3A_173, %add3A_301 : i32
      %mul3A_303 = arith.constant 10752 : i32
      %mul3A_304 = arith.muli %add3A, %mul3A_303 : i32
      %mul3A_305 = arith.constant 64 : i32
      %mul3A_306 = arith.muli %add3A_302, %mul3A_305 : i32
      %add3A_307 = arith.addi %mul3A_304, %mul3A_306 : i32
      %dma_start3A_308 = arith.constant 0 : i32
      %dma_start3A_309 = arith.constant 0 : i32
      %dma_start3A_310 = tpu.memref_slice %arg12[%dma_start3A_308, %dma_start3A_309] : memref<2x64xi32, #tpu.memory_space<vmem>> -> memref<1x64xi32, #tpu.memory_space<vmem>>
      %dma_start3A_311 = tpu.memref_squeeze %dma_start3A_310 : memref<1x64xi32, #tpu.memory_space<vmem>> -> memref<64xi32, #tpu.memory_space<vmem>>
      %dma_start3A_312 = tpu.memref_slice %arg2[%add3A_307] : memref<344064xi32, #tpu.memory_space<hbm>> -> memref<64xi32, #tpu.memory_space<hbm>>
      %dma_start3A_313 = arith.constant 0 : i32
      %dma_start3A_314 = tpu.memref_slice %arg12[%dma_start3A_308, %dma_start3A_313] : memref<2x64xi32, #tpu.memory_space<vmem>> -> memref<1x64xi32, #tpu.memory_space<vmem>>
      %dma_start3A_315 = tpu.memref_squeeze %dma_start3A_314 : memref<1x64xi32, #tpu.memory_space<vmem>> -> memref<64xi32, #tpu.memory_space<vmem>>
      %dma_start3A_316 = tpu.memref_slice %arg2[%add3A_307] : memref<344064xi32, #tpu.memory_space<hbm>> -> memref<64xi32, #tpu.memory_space<hbm>>
      tpu.enqueue_dma source(%dma_start3A_316 : memref<64xi32, #tpu.memory_space<hbm>>) target(%dma_start3A_315 : memref<64xi32, #tpu.memory_space<vmem>>) target_semaphore(%arg22 : memref<!tpu.dma_semaphore, #tpu.memory_space<semaphore_mem>>)
      %dma_start3A_317 = arith.constant 0 : i32
      %dma_start3A_318 = arith.constant 0 : i32
      %dma_start3A_319 = tpu.memref_slice %arg13[%dma_start3A_317, %dma_start3A_318] : memref<2x64xi32, #tpu.memory_space<vmem>> -> memref<1x64xi32, #tpu.memory_space<vmem>>
      %dma_start3A_320 = tpu.memref_squeeze %dma_start3A_319 : memref<1x64xi32, #tpu.memory_space<vmem>> -> memref<64xi32, #tpu.memory_space<vmem>>
      %dma_start3A_321 = tpu.memref_slice %arg3[%add3A_307] : memref<344064xi32, #tpu.memory_space<hbm>> -> memref<64xi32, #tpu.memory_space<hbm>>
      %dma_start3A_322 = arith.constant 0 : i32
      %dma_start3A_323 = tpu.memref_slice %arg13[%dma_start3A_317, %dma_start3A_322] : memref<2x64xi32, #tpu.memory_space<vmem>> -> memref<1x64xi32, #tpu.memory_space<vmem>>
      %dma_start3A_324 = tpu.memref_squeeze %dma_start3A_323 : memref<1x64xi32, #tpu.memory_space<vmem>> -> memref<64xi32, #tpu.memory_space<vmem>>
      %dma_start3A_325 = tpu.memref_slice %arg3[%add3A_307] : memref<344064xi32, #tpu.memory_space<hbm>> -> memref<64xi32, #tpu.memory_space<hbm>>
      tpu.enqueue_dma source(%dma_start3A_325 : memref<64xi32, #tpu.memory_space<hbm>>) target(%dma_start3A_324 : memref<64xi32, #tpu.memory_space<vmem>>) target_semaphore(%arg22 : memref<!tpu.dma_semaphore, #tpu.memory_space<semaphore_mem>>)
      %mul3A_326 = arith.constant 2 : i32
      %mul3A_327 = arith.muli %mul3A_326, %scan3A_171 : i32
      %add3A_328 = arith.constant 1 : i32
      %add3A_329 = arith.addi %mul3A_327, %add3A_328 : i32
      %add3A_330 = arith.constant 1 : i32
      %add3A_331 = arith.addi %add3A_329, %add3A_330 : i32
      %mul3A_332 = arith.constant 10752 : i32
      %mul3A_333 = arith.muli %add3A, %mul3A_332 : i32
      %mul3A_334 = arith.constant 64 : i32
      %mul3A_335 = arith.muli %add3A_331, %mul3A_334 : i32
      %add3A_336 = arith.addi %mul3A_333, %mul3A_335 : i32
      %dma_wait3A_337 = arith.constant 0 : i32
      %dma_wait3A_338 = arith.constant 0 : i32
      %dma_wait3A_339 = tpu.memref_slice %arg12[%dma_wait3A_337, %dma_wait3A_338] : memref<2x64xi32, #tpu.memory_space<vmem>> -> memref<1x64xi32, #tpu.memory_space<vmem>>
      %dma_wait3A_340 = tpu.memref_squeeze %dma_wait3A_339 : memref<1x64xi32, #tpu.memory_space<vmem>> -> memref<64xi32, #tpu.memory_space<vmem>>
      %dma_wait3A_341 = tpu.memref_slice %arg2[%add3A_336] : memref<344064xi32, #tpu.memory_space<hbm>> -> memref<64xi32, #tpu.memory_space<hbm>>
      %dma_wait3A_342 = arith.constant 0 : i32
      %dma_wait3A_343 = tpu.memref_slice %arg12[%dma_wait3A_337, %dma_wait3A_342] : memref<2x64xi32, #tpu.memory_space<vmem>> -> memref<1x64xi32, #tpu.memory_space<vmem>>
      %dma_wait3A_344 = tpu.memref_squeeze %dma_wait3A_343 : memref<1x64xi32, #tpu.memory_space<vmem>> -> memref<64xi32, #tpu.memory_space<vmem>>
      %dma_wait3A_345 = tpu.memref_slice %arg2[%add3A_336] : memref<344064xi32, #tpu.memory_space<hbm>> -> memref<64xi32, #tpu.memory_space<hbm>>
      tpu.wait_dma2 semaphore(%arg22 : memref<!tpu.dma_semaphore, #tpu.memory_space<semaphore_mem>>) src(%dma_wait3A_345 : memref<64xi32, #tpu.memory_space<hbm>>) dst(%dma_wait3A_344 : memref<64xi32, #tpu.memory_space<vmem>>)
      %dma_wait3A_346 = arith.constant 0 : i32
      %dma_wait3A_347 = arith.constant 0 : i32
      %dma_wait3A_348 = tpu.memref_slice %arg13[%dma_wait3A_346, %dma_wait3A_347] : memref<2x64xi32, #tpu.memory_space<vmem>> -> memref<1x64xi32, #tpu.memory_space<vmem>>
      %dma_wait3A_349 = tpu.memref_squeeze %dma_wait3A_348 : memref<1x64xi32, #tpu.memory_space<vmem>> -> memref<64xi32, #tpu.memory_space<vmem>>
      %dma_wait3A_350 = tpu.memref_slice %arg3[%add3A_336] : memref<344064xi32, #tpu.memory_space<hbm>> -> memref<64xi32, #tpu.memory_space<hbm>>
      %dma_wait3A_351 = arith.constant 0 : i32
      %dma_wait3A_352 = tpu.memref_slice %arg13[%dma_wait3A_346, %dma_wait3A_351] : memref<2x64xi32, #tpu.memory_space<vmem>> -> memref<1x64xi32, #tpu.memory_space<vmem>>
      %dma_wait3A_353 = tpu.memref_squeeze %dma_wait3A_352 : memref<1x64xi32, #tpu.memory_space<vmem>> -> memref<64xi32, #tpu.memory_space<vmem>>
      %dma_wait3A_354 = tpu.memref_slice %arg3[%add3A_336] : memref<344064xi32, #tpu.memory_space<hbm>> -> memref<64xi32, #tpu.memory_space<hbm>>
      tpu.wait_dma2 semaphore(%arg22 : memref<!tpu.dma_semaphore, #tpu.memory_space<semaphore_mem>>) src(%dma_wait3A_354 : memref<64xi32, #tpu.memory_space<hbm>>) dst(%dma_wait3A_353 : memref<64xi32, #tpu.memory_space<vmem>>)
      %dma_start3A_355 = arith.constant 0 : i32
      %dma_start3A_356 = arith.constant 0 : i32
      %dma_start3A_357 = arith.constant 0 : i32
      %dma_start3A_358 = arith.constant 0 : i32
      %dma_start3A_359 = tpu.memref_slice %arg14[%dma_start3A_356, %dma_start3A_357, %dma_start3A_358] : memref<2x64x16xf32, #tpu.memory_space<vmem>> -> memref<1x64x16xf32, #tpu.memory_space<vmem>>
      %dma_start3A_360 = tpu.memref_squeeze %dma_start3A_359 : memref<1x64x16xf32, #tpu.memory_space<vmem>> -> memref<64x16xf32, #tpu.memory_space<vmem>>
      %dma_start3A_361 = arith.constant 0 : i32
      %dma_start3A_362 = tpu.memref_slice %arg12[%dma_start3A_355, %dma_start3A_361] : memref<2x64xi32, #tpu.memory_space<vmem>> -> memref<1x64xi32, #tpu.memory_space<vmem>>
      %dma_start3A_363 = tpu.memref_squeeze %dma_start3A_362 : memref<1x64xi32, #tpu.memory_space<vmem>> -> memref<64xi32, #tpu.memory_space<vmem>>
      %dma_start3A_364 = arith.constant 0 : i32
      %dma_start3A_365 = arith.constant 0 : i32
      %dma_start3A_366 = tpu.memref_slice %arg5[%dma_start3A_364, %dma_start3A_365] : memref<10240x16xf32, #tpu.memory_space<hbm>> -> memref<10240x16xf32, #tpu.memory_space<hbm>>
      tpu.enqueue_indirect_dma source(%dma_start3A_366 : memref<10240x16xf32, #tpu.memory_space<hbm>>) target(%dma_start3A_360 : memref<64x16xf32, #tpu.memory_space<vmem>>) offsets(%dma_start3A_363 : memref<64xi32, #tpu.memory_space<vmem>>) semaphore(%arg24 : memref<!tpu.dma_semaphore, #tpu.memory_space<semaphore_mem>>)
      %dma_start3A_367 = arith.constant 0 : i32
      %dma_start3A_368 = arith.constant 0 : i32
      %dma_start3A_369 = arith.constant 0 : i32
      %dma_start3A_370 = arith.constant 0 : i32
      %dma_start3A_371 = tpu.memref_slice %arg15[%dma_start3A_368, %dma_start3A_369, %dma_start3A_370] : memref<2x64x16xf32, #tpu.memory_space<vmem>> -> memref<1x64x16xf32, #tpu.memory_space<vmem>>
      %dma_start3A_372 = tpu.memref_squeeze %dma_start3A_371 : memref<1x64x16xf32, #tpu.memory_space<vmem>> -> memref<64x16xf32, #tpu.memory_space<vmem>>
      %dma_start3A_373 = arith.constant 0 : i32
      %dma_start3A_374 = tpu.memref_slice %arg13[%dma_start3A_367, %dma_start3A_373] : memref<2x64xi32, #tpu.memory_space<vmem>> -> memref<1x64xi32, #tpu.memory_space<vmem>>
      %dma_start3A_375 = tpu.memref_squeeze %dma_start3A_374 : memref<1x64xi32, #tpu.memory_space<vmem>> -> memref<64xi32, #tpu.memory_space<vmem>>
      %dma_start3A_376 = arith.constant 0 : i32
      %dma_start3A_377 = arith.constant 0 : i32
      %dma_start3A_378 = tpu.memref_slice %arg6[%dma_start3A_376, %dma_start3A_377] : memref<10240x16xf32, #tpu.memory_space<hbm>> -> memref<10240x16xf32, #tpu.memory_space<hbm>>
      tpu.enqueue_indirect_dma source(%dma_start3A_378 : memref<10240x16xf32, #tpu.memory_space<hbm>>) target(%dma_start3A_372 : memref<64x16xf32, #tpu.memory_space<vmem>>) offsets(%dma_start3A_375 : memref<64xi32, #tpu.memory_space<vmem>>) semaphore(%arg24 : memref<!tpu.dma_semaphore, #tpu.memory_space<semaphore_mem>>)
      %dma_start3A_379 = arith.constant 0 : i32
      %dma_start3A_380 = arith.constant 0 : i32
      %dma_start3A_381 = arith.constant 0 : i32
      %dma_start3A_382 = arith.constant 0 : i32
      %dma_start3A_383 = tpu.memref_slice %arg17[%dma_start3A_380, %dma_start3A_381, %dma_start3A_382] : memref<2x64x128xf32, #tpu.memory_space<vmem>> -> memref<1x64x128xf32, #tpu.memory_space<vmem>>
      %dma_start3A_384 = tpu.memref_squeeze %dma_start3A_383 : memref<1x64x128xf32, #tpu.memory_space<vmem>> -> memref<64x128xf32, #tpu.memory_space<vmem>>
      %dma_start3A_385 = arith.constant 0 : i32
      %dma_start3A_386 = tpu.memref_slice %arg12[%dma_start3A_379, %dma_start3A_385] : memref<2x64xi32, #tpu.memory_space<vmem>> -> memref<1x64xi32, #tpu.memory_space<vmem>>
      %dma_start3A_387 = tpu.memref_squeeze %dma_start3A_386 : memref<1x64xi32, #tpu.memory_space<vmem>> -> memref<64xi32, #tpu.memory_space<vmem>>
      %dma_start3A_388 = arith.constant 0 : i32
      %dma_start3A_389 = arith.constant 0 : i32
      %dma_start3A_390 = tpu.memref_slice %arg4[%dma_start3A_388, %dma_start3A_389] : memref<10000x128xf32, #tpu.memory_space<hbm>> -> memref<10000x128xf32, #tpu.memory_space<hbm>>
      tpu.enqueue_indirect_dma source(%dma_start3A_390 : memref<10000x128xf32, #tpu.memory_space<hbm>>) target(%dma_start3A_384 : memref<64x128xf32, #tpu.memory_space<vmem>>) offsets(%dma_start3A_387 : memref<64xi32, #tpu.memory_space<vmem>>) semaphore(%arg24 : memref<!tpu.dma_semaphore, #tpu.memory_space<semaphore_mem>>)
      %dma_wait3A_391 = arith.constant 1 : i32
      %dma_wait3A_392 = arith.constant 1 : i32
      %dma_wait3A_393 = arith.constant 0 : i32
      %dma_wait3A_394 = arith.constant 0 : i32
      %dma_wait3A_395 = tpu.memref_slice %arg14[%dma_wait3A_392, %dma_wait3A_393, %dma_wait3A_394] : memref<2x64x16xf32, #tpu.memory_space<vmem>> -> memref<1x64x16xf32, #tpu.memory_space<vmem>>
      %dma_wait3A_396 = tpu.memref_squeeze %dma_wait3A_395 : memref<1x64x16xf32, #tpu.memory_space<vmem>> -> memref<64x16xf32, #tpu.memory_space<vmem>>
      %dma_wait3A_397 = arith.constant 0 : i32
      %dma_wait3A_398 = tpu.memref_slice %arg12[%dma_wait3A_391, %dma_wait3A_397] : memref<2x64xi32, #tpu.memory_space<vmem>> -> memref<1x64xi32, #tpu.memory_space<vmem>>
      %dma_wait3A_399 = tpu.memref_squeeze %dma_wait3A_398 : memref<1x64xi32, #tpu.memory_space<vmem>> -> memref<64xi32, #tpu.memory_space<vmem>>
      %dma_wait3A_400 = arith.constant 0 : i32
      %dma_wait3A_401 = arith.constant 0 : i32
      %dma_wait3A_402 = tpu.memref_slice %arg5[%dma_wait3A_400, %dma_wait3A_401] : memref<10240x16xf32, #tpu.memory_space<hbm>> -> memref<10240x16xf32, #tpu.memory_space<hbm>>
      tpu.wait_indirect_dma semaphore(%arg25 : memref<!tpu.dma_semaphore, #tpu.memory_space<semaphore_mem>>) src(%dma_wait3A_402 : memref<10240x16xf32, #tpu.memory_space<hbm>>) dst(%dma_wait3A_396 : memref<64x16xf32, #tpu.memory_space<vmem>>)
      %dma_wait3A_403 = arith.constant 1 : i32
      %dma_wait3A_404 = arith.constant 1 : i32
      %dma_wait3A_405 = arith.constant 0 : i32
      %dma_wait3A_406 = arith.constant 0 : i32
      %dma_wait3A_407 = tpu.memref_slice %arg15[%dma_wait3A_404, %dma_wait3A_405, %dma_wait3A_406] : memref<2x64x16xf32, #tpu.memory_space<vmem>> -> memref<1x64x16xf32, #tpu.memory_space<vmem>>
      %dma_wait3A_408 = tpu.memref_squeeze %dma_wait3A_407 : memref<1x64x16xf32, #tpu.memory_space<vmem>> -> memref<64x16xf32, #tpu.memory_space<vmem>>
      %dma_wait3A_409 = arith.constant 0 : i32
      %dma_wait3A_410 = tpu.memref_slice %arg13[%dma_wait3A_403, %dma_wait3A_409] : memref<2x64xi32, #tpu.memory_space<vmem>> -> memref<1x64xi32, #tpu.memory_space<vmem>>
      %dma_wait3A_411 = tpu.memref_squeeze %dma_wait3A_410 : memref<1x64xi32, #tpu.memory_space<vmem>> -> memref<64xi32, #tpu.memory_space<vmem>>
      %dma_wait3A_412 = arith.constant 0 : i32
      %dma_wait3A_413 = arith.constant 0 : i32
      %dma_wait3A_414 = tpu.memref_slice %arg6[%dma_wait3A_412, %dma_wait3A_413] : memref<10240x16xf32, #tpu.memory_space<hbm>> -> memref<10240x16xf32, #tpu.memory_space<hbm>>
      tpu.wait_indirect_dma semaphore(%arg25 : memref<!tpu.dma_semaphore, #tpu.memory_space<semaphore_mem>>) src(%dma_wait3A_414 : memref<10240x16xf32, #tpu.memory_space<hbm>>) dst(%dma_wait3A_408 : memref<64x16xf32, #tpu.memory_space<vmem>>)
      %dma_wait3A_415 = arith.constant 1 : i32
      %dma_wait3A_416 = arith.constant 1 : i32
      %dma_wait3A_417 = arith.constant 0 : i32
      %dma_wait3A_418 = arith.constant 0 : i32
      %dma_wait3A_419 = tpu.memref_slice %arg17[%dma_wait3A_416, %dma_wait3A_417, %dma_wait3A_418] : memref<2x64x128xf32, #tpu.memory_space<vmem>> -> memref<1x64x128xf32, #tpu.memory_space<vmem>>
      %dma_wait3A_420 = tpu.memref_squeeze %dma_wait3A_419 : memref<1x64x128xf32, #tpu.memory_space<vmem>> -> memref<64x128xf32, #tpu.memory_space<vmem>>
      %dma_wait3A_421 = arith.constant 0 : i32
      %dma_wait3A_422 = tpu.memref_slice %arg12[%dma_wait3A_415, %dma_wait3A_421] : memref<2x64xi32, #tpu.memory_space<vmem>> -> memref<1x64xi32, #tpu.memory_space<vmem>>
      %dma_wait3A_423 = tpu.memref_squeeze %dma_wait3A_422 : memref<1x64xi32, #tpu.memory_space<vmem>> -> memref<64xi32, #tpu.memory_space<vmem>>
      %dma_wait3A_424 = arith.constant 0 : i32
      %dma_wait3A_425 = arith.constant 0 : i32
      %dma_wait3A_426 = tpu.memref_slice %arg4[%dma_wait3A_424, %dma_wait3A_425] : memref<10000x128xf32, #tpu.memory_space<hbm>> -> memref<10000x128xf32, #tpu.memory_space<hbm>>
      tpu.wait_indirect_dma semaphore(%arg25 : memref<!tpu.dma_semaphore, #tpu.memory_space<semaphore_mem>>) src(%dma_wait3A_426 : memref<10000x128xf32, #tpu.memory_space<hbm>>) dst(%dma_wait3A_420 : memref<64x128xf32, #tpu.memory_space<vmem>>)
      %parallel_loop3A_427 = arith.constant 0 : i32
      %parallel_loop3A_428 = arith.constant 64 : i32
      %parallel_loop3A_429 = arith.constant 1 : i32
      scf.for %parallel_loop3A_483 = %parallel_loop3A_427 to %parallel_loop3A_428 step %parallel_loop3A_429  : i32 {
        %parallel_loop3A_484 = arith.constant 1 : i32
        %parallel_loop3A_485 = arith.index_cast %parallel_loop3A_484 : i32 to index
        %parallel_loop3A_486 = arith.index_cast %parallel_loop3A_483 : i32 to index
        %parallel_loop3A_487 = arith.constant 0 : index
        %parallel_loop3A_488 = tpu.vector_load %arg14[%parallel_loop3A_485, %parallel_loop3A_486, %parallel_loop3A_487] {strides = array<i32>} : memref<2x64x16xf32, #tpu.memory_space<vmem>>, vector<1x1x16xf32>,
        %parallel_loop3A_489 = vector.shape_cast %parallel_loop3A_488 : vector<1x1x16xf32> to vector<16xf32>
        %parallel_loop3A_490 = arith.constant 1 : i32
        %parallel_loop3A_491 = arith.index_cast %parallel_loop3A_490 : i32 to index
        %parallel_loop3A_492 = arith.index_cast %parallel_loop3A_483 : i32 to index
        %parallel_loop3A_493 = arith.constant 0 : index
        %parallel_loop3A_494 = tpu.vector_load %arg15[%parallel_loop3A_491, %parallel_loop3A_492, %parallel_loop3A_493] {strides = array<i32>} : memref<2x64x16xf32, #tpu.memory_space<vmem>>, vector<1x1x16xf32>,
        %parallel_loop3A_495 = vector.shape_cast %parallel_loop3A_494 : vector<1x1x16xf32> to vector<16xf32>
        %parallel_loop3A_496 = arith.addf %parallel_loop3A_489, %parallel_loop3A_495 : vector<16xf32>
        %parallel_loop3A_497 = arith.constant 2.000000e-01 : f32
        %parallel_loop3A_498 = vector.broadcast %parallel_loop3A_497 : f32 to vector<16xf32>
        %parallel_loop3A_499 = arith.mulf %parallel_loop3A_498, %parallel_loop3A_496 : vector<16xf32>
        %parallel_loop3A_500 = arith.maximumf %parallel_loop3A_496, %parallel_loop3A_499 : vector<16xf32>
        %parallel_loop3A_501 = arith.addf %get3A_4, %parallel_loop3A_495 : vector<16xf32>
        %parallel_loop3A_502 = arith.constant 2.000000e-01 : f32
        %parallel_loop3A_503 = vector.broadcast %parallel_loop3A_502 : f32 to vector<16xf32>
        %parallel_loop3A_504 = arith.mulf %parallel_loop3A_503, %parallel_loop3A_501 : vector<16xf32>
        %parallel_loop3A_505 = arith.maximumf %parallel_loop3A_501, %parallel_loop3A_504 : vector<16xf32>
        %parallel_loop3A_506 = arith.subf %parallel_loop3A_500, %parallel_loop3A_505 : vector<16xf32>
        %parallel_loop3A_507 = math.exp %parallel_loop3A_506 : vector<16xf32>
        %parallel_loop3A_508 = arith.index_cast %parallel_loop3A_483 : i32 to index
        %parallel_loop3A_509 = arith.constant 0 : index
        %parallel_loop3A_510 = tpu.vector_load %arg16[%parallel_loop3A_508, %parallel_loop3A_509] {strides = array<i32>} : memref<64x16xf32, #tpu.memory_space<vmem>>, vector<1x16xf32>,
        %parallel_loop3A_511 = vector.shape_cast %parallel_loop3A_510 : vector<1x16xf32> to vector<16xf32>
        %parallel_loop3A_512 = vector.shape_cast %parallel_loop3A_507 : vector<16xf32> to vector<1x16xf32>
        tpu.vector_store %arg16[%parallel_loop3A_508, %parallel_loop3A_509], %parallel_loop3A_512 {strides = array<i32>} : memref<64x16xf32, #tpu.memory_space<vmem>>, vector<1x16xf32>,
        %parallel_loop3A_513 = arith.constant 0 : i32
        %parallel_loop3A_514 = vector.broadcast %parallel_loop3A_513 : i32 to vector<16x1xi32>
        %parallel_loop3A_515 = vector.shape_cast %parallel_loop3A_514 : vector<16x1xi32> to vector<16xi32>
        %parallel_loop3A_516 = tpu.dynamic_gather %parallel_loop3A_507[%parallel_loop3A_515] in [0] : vector<16xf32>, vector<16xi32> -> vector<16xf32>
        %parallel_loop3A_517 = arith.constant 1 : i32
        %parallel_loop3A_518 = arith.index_cast %parallel_loop3A_517 : i32 to index
        %parallel_loop3A_519 = arith.index_cast %parallel_loop3A_483 : i32 to index
        %parallel_loop3A_520 = arith.constant 0 : index
        %parallel_loop3A_521 = tpu.vector_load %arg17[%parallel_loop3A_518, %parallel_loop3A_519, %parallel_loop3A_520] {strides = array<i32>} : memref<2x64x128xf32, #tpu.memory_space<vmem>>, vector<1x1x16xf32>,
        %parallel_loop3A_522 = vector.shape_cast %parallel_loop3A_521 : vector<1x1x16xf32> to vector<16xf32>
        %parallel_loop3A_523 = arith.mulf %parallel_loop3A_522, %parallel_loop3A_516 : vector<16xf32>
        %parallel_loop3A_524 = arith.index_cast %parallel_loop3A_483 : i32 to index
        %parallel_loop3A_525 = arith.constant 0 : index
        %parallel_loop3A_526 = tpu.vector_load %arg18[%parallel_loop3A_524, %parallel_loop3A_525] {strides = array<i32>} : memref<64x128xf32, #tpu.memory_space<vmem>>, vector<1x16xf32>,
        %parallel_loop3A_527 = vector.shape_cast %parallel_loop3A_526 : vector<1x16xf32> to vector<16xf32>
        %parallel_loop3A_528 = vector.shape_cast %parallel_loop3A_523 : vector<16xf32> to vector<1x16xf32>
        tpu.vector_store %arg18[%parallel_loop3A_524, %parallel_loop3A_525], %parallel_loop3A_528 {strides = array<i32>} : memref<64x128xf32, #tpu.memory_space<vmem>>, vector<1x16xf32>,
        %parallel_loop3A_529 = arith.constant 1 : i32
        %parallel_loop3A_530 = vector.broadcast %parallel_loop3A_529 : i32 to vector<16x1xi32>
        %parallel_loop3A_531 = vector.shape_cast %parallel_loop3A_530 : vector<16x1xi32> to vector<16xi32>
        %parallel_loop3A_532 = tpu.dynamic_gather %parallel_loop3A_507[%parallel_loop3A_531] in [0] : vector<16xf32>, vector<16xi32> -> vector<16xf32>
        %parallel_loop3A_533 = arith.constant 1 : i32
        %parallel_loop3A_534 = arith.index_cast %parallel_loop3A_533 : i32 to index
        %parallel_loop3A_535 = arith.index_cast %parallel_loop3A_483 : i32 to index
        %parallel_loop3A_536 = arith.constant 16 : index
        %parallel_loop3A_537 = tpu.vector_load %arg17[%parallel_loop3A_534, %parallel_loop3A_535, %parallel_loop3A_536] {strides = array<i32>} : memref<2x64x128xf32, #tpu.memory_space<vmem>>, vector<1x1x16xf32>,
        %parallel_loop3A_538 = vector.shape_cast %parallel_loop3A_537 : vector<1x1x16xf32> to vector<16xf32>
        %parallel_loop3A_539 = arith.mulf %parallel_loop3A_538, %parallel_loop3A_532 : vector<16xf32>
        %parallel_loop3A_540 = arith.index_cast %parallel_loop3A_483 : i32 to index
        %parallel_loop3A_541 = arith.constant 16 : index
        %parallel_loop3A_542 = tpu.vector_load %arg18[%parallel_loop3A_540, %parallel_loop3A_541] {strides = array<i32>} : memref<64x128xf32, #tpu.memory_space<vmem>>, vector<1x16xf32>,
        %parallel_loop3A_543 = vector.shape_cast %parallel_loop3A_542 : vector<1x16xf32> to vector<16xf32>
        %parallel_loop3A_544 = vector.shape_cast %parallel_loop3A_539 : vector<16xf32> to vector<1x16xf32>
        tpu.vector_store %arg18[%parallel_loop3A_540, %parallel_loop3A_541], %parallel_loop3A_544 {strides = array<i32>} : memref<64x128xf32, #tpu.memory_space<vmem>>, vector<1x16xf32>,
        %parallel_loop3A_545 = arith.constant 2 : i32
        %parallel_loop3A_546 = vector.broadcast %parallel_loop3A_545 : i32 to vector<16x1xi32>
        %parallel_loop3A_547 = vector.shape_cast %parallel_loop3A_546 : vector<16x1xi32> to vector<16xi32>
        %parallel_loop3A_548 = tpu.dynamic_gather %parallel_loop3A_507[%parallel_loop3A_547] in [0] : vector<16xf32>, vector<16xi32> -> vector<16xf32>
        %parallel_loop3A_549 = arith.constant 1 : i32
        %parallel_loop3A_550 = arith.index_cast %parallel_loop3A_549 : i32 to index
        %parallel_loop3A_551 = arith.index_cast %parallel_loop3A_483 : i32 to index
        %parallel_loop3A_552 = arith.constant 32 : index
        %parallel_loop3A_553 = tpu.vector_load %arg17[%parallel_loop3A_550, %parallel_loop3A_551, %parallel_loop3A_552] {strides = array<i32>} : memref<2x64x128xf32, #tpu.memory_space<vmem>>, vector<1x1x16xf32>,
        %parallel_loop3A_554 = vector.shape_cast %parallel_loop3A_553 : vector<1x1x16xf32> to vector<16xf32>
        %parallel_loop3A_555 = arith.mulf %parallel_loop3A_554, %parallel_loop3A_548 : vector<16xf32>
        %parallel_loop3A_556 = arith.index_cast %parallel_loop3A_483 : i32 to index
        %parallel_loop3A_557 = arith.constant 32 : index
        %parallel_loop3A_558 = tpu.vector_load %arg18[%parallel_loop3A_556, %parallel_loop3A_557] {strides = array<i32>} : memref<64x128xf32, #tpu.memory_space<vmem>>, vector<1x16xf32>,
        %parallel_loop3A_559 = vector.shape_cast %parallel_loop3A_558 : vector<1x16xf32> to vector<16xf32>
        %parallel_loop3A_560 = vector.shape_cast %parallel_loop3A_555 : vector<16xf32> to vector<1x16xf32>
        tpu.vector_store %arg18[%parallel_loop3A_556, %parallel_loop3A_557], %parallel_loop3A_560 {strides = array<i32>} : memref<64x128xf32, #tpu.memory_space<vmem>>, vector<1x16xf32>,
        %parallel_loop3A_561 = arith.constant 3 : i32
        %parallel_loop3A_562 = vector.broadcast %parallel_loop3A_561 : i32 to vector<16x1xi32>
        %parallel_loop3A_563 = vector.shape_cast %parallel_loop3A_562 : vector<16x1xi32> to vector<16xi32>
        %parallel_loop3A_564 = tpu.dynamic_gather %parallel_loop3A_507[%parallel_loop3A_563] in [0] : vector<16xf32>, vector<16xi32> -> vector<16xf32>
        %parallel_loop3A_565 = arith.constant 1 : i32
        %parallel_loop3A_566 = arith.index_cast %parallel_loop3A_565 : i32 to index
        %parallel_loop3A_567 = arith.index_cast %parallel_loop3A_483 : i32 to index
        %parallel_loop3A_568 = arith.constant 48 : index
        %parallel_loop3A_569 = tpu.vector_load %arg17[%parallel_loop3A_566, %parallel_loop3A_567, %parallel_loop3A_568] {strides = array<i32>} : memref<2x64x128xf32, #tpu.memory_space<vmem>>, vector<1x1x16xf32>,
        %parallel_loop3A_570 = vector.shape_cast %parallel_loop3A_569 : vector<1x1x16xf32> to vector<16xf32>
        %parallel_loop3A_571 = arith.mulf %parallel_loop3A_570, %parallel_loop3A_564 : vector<16xf32>
        %parallel_loop3A_572 = arith.index_cast %parallel_loop3A_483 : i32 to index
        %parallel_loop3A_573 = arith.constant 48 : index
        %parallel_loop3A_574 = tpu.vector_load %arg18[%parallel_loop3A_572, %parallel_loop3A_573] {strides = array<i32>} : memref<64x128xf32, #tpu.memory_space<vmem>>, vector<1x16xf32>,
        %parallel_loop3A_575 = vector.shape_cast %parallel_loop3A_574 : vector<1x16xf32> to vector<16xf32>
        %parallel_loop3A_576 = vector.shape_cast %parallel_loop3A_571 : vector<16xf32> to vector<1x16xf32>
        tpu.vector_store %arg18[%parallel_loop3A_572, %parallel_loop3A_573], %parallel_loop3A_576 {strides = array<i32>} : memref<64x128xf32, #tpu.memory_space<vmem>>, vector<1x16xf32>,
        %parallel_loop3A_577 = arith.constant 4 : i32
        %parallel_loop3A_578 = vector.broadcast %parallel_loop3A_577 : i32 to vector<16x1xi32>
        %parallel_loop3A_579 = vector.shape_cast %parallel_loop3A_578 : vector<16x1xi32> to vector<16xi32>
        %parallel_loop3A_580 = tpu.dynamic_gather %parallel_loop3A_507[%parallel_loop3A_579] in [0] : vector<16xf32>, vector<16xi32> -> vector<16xf32>
        %parallel_loop3A_581 = arith.constant 1 : i32
        %parallel_loop3A_582 = arith.index_cast %parallel_loop3A_581 : i32 to index
        %parallel_loop3A_583 = arith.index_cast %parallel_loop3A_483 : i32 to index
        %parallel_loop3A_584 = arith.constant 64 : index
        %parallel_loop3A_585 = tpu.vector_load %arg17[%parallel_loop3A_582, %parallel_loop3A_583, %parallel_loop3A_584] {strides = array<i32>} : memref<2x64x128xf32, #tpu.memory_space<vmem>>, vector<1x1x16xf32>,
        %parallel_loop3A_586 = vector.shape_cast %parallel_loop3A_585 : vector<1x1x16xf32> to vector<16xf32>
        %parallel_loop3A_587 = arith.mulf %parallel_loop3A_586, %parallel_loop3A_580 : vector<16xf32>
        %parallel_loop3A_588 = arith.index_cast %parallel_loop3A_483 : i32 to index
        %parallel_loop3A_589 = arith.constant 64 : index
        %parallel_loop3A_590 = tpu.vector_load %arg18[%parallel_loop3A_588, %parallel_loop3A_589] {strides = array<i32>} : memref<64x128xf32, #tpu.memory_space<vmem>>, vector<1x16xf32>,
        %parallel_loop3A_591 = vector.shape_cast %parallel_loop3A_590 : vector<1x16xf32> to vector<16xf32>
        %parallel_loop3A_592 = vector.shape_cast %parallel_loop3A_587 : vector<16xf32> to vector<1x16xf32>
        tpu.vector_store %arg18[%parallel_loop3A_588, %parallel_loop3A_589], %parallel_loop3A_592 {strides = array<i32>} : memref<64x128xf32, #tpu.memory_space<vmem>>, vector<1x16xf32>,
        %parallel_loop3A_593 = arith.constant 5 : i32
        %parallel_loop3A_594 = vector.broadcast %parallel_loop3A_593 : i32 to vector<16x1xi32>
        %parallel_loop3A_595 = vector.shape_cast %parallel_loop3A_594 : vector<16x1xi32> to vector<16xi32>
        %parallel_loop3A_596 = tpu.dynamic_gather %parallel_loop3A_507[%parallel_loop3A_595] in [0] : vector<16xf32>, vector<16xi32> -> vector<16xf32>
        %parallel_loop3A_597 = arith.constant 1 : i32
        %parallel_loop3A_598 = arith.index_cast %parallel_loop3A_597 : i32 to index
        %parallel_loop3A_599 = arith.index_cast %parallel_loop3A_483 : i32 to index
        %parallel_loop3A_600 = arith.constant 80 : index
        %parallel_loop3A_601 = tpu.vector_load %arg17[%parallel_loop3A_598, %parallel_loop3A_599, %parallel_loop3A_600] {strides = array<i32>} : memref<2x64x128xf32, #tpu.memory_space<vmem>>, vector<1x1x16xf32>,
        %parallel_loop3A_602 = vector.shape_cast %parallel_loop3A_601 : vector<1x1x16xf32> to vector<16xf32>
        %parallel_loop3A_603 = arith.mulf %parallel_loop3A_602, %parallel_loop3A_596 : vector<16xf32>
        %parallel_loop3A_604 = arith.index_cast %parallel_loop3A_483 : i32 to index
        %parallel_loop3A_605 = arith.constant 80 : index
        %parallel_loop3A_606 = tpu.vector_load %arg18[%parallel_loop3A_604, %parallel_loop3A_605] {strides = array<i32>} : memref<64x128xf32, #tpu.memory_space<vmem>>, vector<1x16xf32>,
        %parallel_loop3A_607 = vector.shape_cast %parallel_loop3A_606 : vector<1x16xf32> to vector<16xf32>
        %parallel_loop3A_608 = vector.shape_cast %parallel_loop3A_603 : vector<16xf32> to vector<1x16xf32>
        tpu.vector_store %arg18[%parallel_loop3A_604, %parallel_loop3A_605], %parallel_loop3A_608 {strides = array<i32>} : memref<64x128xf32, #tpu.memory_space<vmem>>, vector<1x16xf32>,
        %parallel_loop3A_609 = arith.constant 6 : i32
        %parallel_loop3A_610 = vector.broadcast %parallel_loop3A_609 : i32 to vector<16x1xi32>
        %parallel_loop3A_611 = vector.shape_cast %parallel_loop3A_610 : vector<16x1xi32> to vector<16xi32>
        %parallel_loop3A_612 = tpu.dynamic_gather %parallel_loop3A_507[%parallel_loop3A_611] in [0] : vector<16xf32>, vector<16xi32> -> vector<16xf32>
        %parallel_loop3A_613 = arith.constant 1 : i32
        %parallel_loop3A_614 = arith.index_cast %parallel_loop3A_613 : i32 to index
        %parallel_loop3A_615 = arith.index_cast %parallel_loop3A_483 : i32 to index
        %parallel_loop3A_616 = arith.constant 96 : index
        %parallel_loop3A_617 = tpu.vector_load %arg17[%parallel_loop3A_614, %parallel_loop3A_615, %parallel_loop3A_616] {strides = array<i32>} : memref<2x64x128xf32, #tpu.memory_space<vmem>>, vector<1x1x16xf32>,
        %parallel_loop3A_618 = vector.shape_cast %parallel_loop3A_617 : vector<1x1x16xf32> to vector<16xf32>
        %parallel_loop3A_619 = arith.mulf %parallel_loop3A_618, %parallel_loop3A_612 : vector<16xf32>
        %parallel_loop3A_620 = arith.index_cast %parallel_loop3A_483 : i32 to index
        %parallel_loop3A_621 = arith.constant 96 : index
        %parallel_loop3A_622 = tpu.vector_load %arg18[%parallel_loop3A_620, %parallel_loop3A_621] {strides = array<i32>} : memref<64x128xf32, #tpu.memory_space<vmem>>, vector<1x16xf32>,
        %parallel_loop3A_623 = vector.shape_cast %parallel_loop3A_622 : vector<1x16xf32> to vector<16xf32>
        %parallel_loop3A_624 = vector.shape_cast %parallel_loop3A_619 : vector<16xf32> to vector<1x16xf32>
        tpu.vector_store %arg18[%parallel_loop3A_620, %parallel_loop3A_621], %parallel_loop3A_624 {strides = array<i32>} : memref<64x128xf32, #tpu.memory_space<vmem>>, vector<1x16xf32>,
        %parallel_loop3A_625 = arith.constant 7 : i32
        %parallel_loop3A_626 = vector.broadcast %parallel_loop3A_625 : i32 to vector<16x1xi32>
        %parallel_loop3A_627 = vector.shape_cast %parallel_loop3A_626 : vector<16x1xi32> to vector<16xi32>
        %parallel_loop3A_628 = tpu.dynamic_gather %parallel_loop3A_507[%parallel_loop3A_627] in [0] : vector<16xf32>, vector<16xi32> -> vector<16xf32>
        %parallel_loop3A_629 = arith.constant 1 : i32
        %parallel_loop3A_630 = arith.index_cast %parallel_loop3A_629 : i32 to index
        %parallel_loop3A_631 = arith.index_cast %parallel_loop3A_483 : i32 to index
        %parallel_loop3A_632 = arith.constant 112 : index
        %parallel_loop3A_633 = tpu.vector_load %arg17[%parallel_loop3A_630, %parallel_loop3A_631, %parallel_loop3A_632] {strides = array<i32>} : memref<2x64x128xf32, #tpu.memory_space<vmem>>, vector<1x1x16xf32>,
        %parallel_loop3A_634 = vector.shape_cast %parallel_loop3A_633 : vector<1x1x16xf32> to vector<16xf32>
        %parallel_loop3A_635 = arith.mulf %parallel_loop3A_634, %parallel_loop3A_628 : vector<16xf32>
        %parallel_loop3A_636 = arith.index_cast %parallel_loop3A_483 : i32 to index
        %parallel_loop3A_637 = arith.constant 112 : index
        %parallel_loop3A_638 = tpu.vector_load %arg18[%parallel_loop3A_636, %parallel_loop3A_637] {strides = array<i32>} : memref<64x128xf32, #tpu.memory_space<vmem>>, vector<1x16xf32>,
        %parallel_loop3A_639 = vector.shape_cast %parallel_loop3A_638 : vector<1x16xf32> to vector<16xf32>
        %parallel_loop3A_640 = vector.shape_cast %parallel_loop3A_635 : vector<16xf32> to vector<1x16xf32>
        tpu.vector_store %arg18[%parallel_loop3A_636, %parallel_loop3A_637], %parallel_loop3A_640 {strides = array<i32>} : memref<64x128xf32, #tpu.memory_space<vmem>>, vector<1x16xf32>,
      } {sc.loop_unroll_factor = 4 : i64, sc.parallel_access}
      %dma_start3A_430 = arith.constant 1 : i32
      %dma_start3A_431 = arith.constant 0 : i32
      %dma_start3A_432 = tpu.memref_slice %arg13[%dma_start3A_430, %dma_start3A_431] : memref<2x64xi32, #tpu.memory_space<vmem>> -> memref<1x64xi32, #tpu.memory_space<vmem>>
      %dma_start3A_433 = tpu.memref_squeeze %dma_start3A_432 : memref<1x64xi32, #tpu.memory_space<vmem>> -> memref<64xi32, #tpu.memory_space<vmem>>
      %dma_start3A_434 = arith.constant 0 : i32
      %dma_start3A_435 = arith.constant 0 : i32
      %dma_start3A_436 = tpu.memref_slice %arg21[%dma_start3A_434, %dma_start3A_435] : memref<10240x16xf32, #tpu.memory_space<vmem_shared>> -> memref<10240x16xf32, #tpu.memory_space<vmem_shared>>
      tpu.enqueue_indirect_dma source(%arg16 : memref<64x16xf32, #tpu.memory_space<vmem>>) target(%dma_start3A_436 : memref<10240x16xf32, #tpu.memory_space<vmem_shared>>) offsets(%dma_start3A_433 : memref<64xi32, #tpu.memory_space<vmem>>) semaphore(%arg26 : memref<!tpu.dma_semaphore, #tpu.memory_space<semaphore_mem>>) {add = true}
      %dma_start3A_437 = arith.constant 1 : i32
      %dma_start3A_438 = arith.constant 0 : i32
      %dma_start3A_439 = tpu.memref_slice %arg13[%dma_start3A_437, %dma_start3A_438] : memref<2x64xi32, #tpu.memory_space<vmem>> -> memref<1x64xi32, #tpu.memory_space<vmem>>
      %dma_start3A_440 = tpu.memref_squeeze %dma_start3A_439 : memref<1x64xi32, #tpu.memory_space<vmem>> -> memref<64xi32, #tpu.memory_space<vmem>>
      %dma_start3A_441 = arith.constant 0 : i32
      %dma_start3A_442 = arith.constant 0 : i32
      %dma_start3A_443 = tpu.memref_slice %arg20[%dma_start3A_441, %dma_start3A_442] : memref<10240x128xf32, #tpu.memory_space<vmem_shared>> -> memref<10240x128xf32, #tpu.memory_space<vmem_shared>>
      tpu.enqueue_indirect_dma source(%arg18 : memref<64x128xf32, #tpu.memory_space<vmem>>) target(%dma_start3A_443 : memref<10240x128xf32, #tpu.memory_space<vmem_shared>>) offsets(%dma_start3A_440 : memref<64xi32, #tpu.memory_space<vmem>>) semaphore(%arg26 : memref<!tpu.dma_semaphore, #tpu.memory_space<semaphore_mem>>) {add = true}
      %dma_wait3A_444 = arith.constant 1 : i32
      %dma_wait3A_445 = arith.constant 0 : i32
      %dma_wait3A_446 = tpu.memref_slice %arg13[%dma_wait3A_444, %dma_wait3A_445] : memref<2x64xi32, #tpu.memory_space<vmem>> -> memref<1x64xi32, #tpu.memory_space<vmem>>
      %dma_wait3A_447 = tpu.memref_squeeze %dma_wait3A_446 : memref<1x64xi32, #tpu.memory_space<vmem>> -> memref<64xi32, #tpu.memory_space<vmem>>
      %dma_wait3A_448 = arith.constant 0 : i32
      %dma_wait3A_449 = arith.constant 0 : i32
      %dma_wait3A_450 = tpu.memref_slice %arg21[%dma_wait3A_448, %dma_wait3A_449] : memref<10240x16xf32, #tpu.memory_space<vmem_shared>> -> memref<10240x16xf32, #tpu.memory_space<vmem_shared>>
      tpu.wait_indirect_dma semaphore(%arg26 : memref<!tpu.dma_semaphore, #tpu.memory_space<semaphore_mem>>) src(%arg16 : memref<64x16xf32, #tpu.memory_space<vmem>>) dst(%dma_wait3A_450 : memref<10240x16xf32, #tpu.memory_space<vmem_shared>>)
      %dma_wait3A_451 = arith.constant 1 : i32
      %dma_wait3A_452 = arith.constant 0 : i32
      %dma_wait3A_453 = tpu.memref_slice %arg13[%dma_wait3A_451, %dma_wait3A_452] : memref<2x64xi32, #tpu.memory_space<vmem>> -> memref<1x64xi32, #tpu.memory_space<vmem>>
      %dma_wait3A_454 = tpu.memref_squeeze %dma_wait3A_453 : memref<1x64xi32, #tpu.memory_space<vmem>> -> memref<64xi32, #tpu.memory_space<vmem>>
      %dma_wait3A_455 = arith.constant 0 : i32
      %dma_wait3A_456 = arith.constant 0 : i32
      %dma_wait3A_457 = tpu.memref_slice %arg20[%dma_wait3A_455, %dma_wait3A_456] : memref<10240x128xf32, #tpu.memory_space<vmem_shared>> -> memref<10240x128xf32, #tpu.memory_space<vmem_shared>>
      tpu.wait_indirect_dma semaphore(%arg26 : memref<!tpu.dma_semaphore, #tpu.memory_space<semaphore_mem>>) src(%arg18 : memref<64x128xf32, #tpu.memory_space<vmem>>) dst(%dma_wait3A_457 : memref<10240x128xf32, #tpu.memory_space<vmem_shared>>)
      %add3A_458 = arith.constant 2 : i32
      %add3A_459 = arith.addi %add3A_329, %add3A_458 : i32
      %mul3A_460 = arith.constant 10752 : i32
      %mul3A_461 = arith.muli %add3A, %mul3A_460 : i32
      %mul3A_462 = arith.constant 64 : i32
      %mul3A_463 = arith.muli %add3A_459, %mul3A_462 : i32
      %add3A_464 = arith.addi %mul3A_461, %mul3A_463 : i32
      %dma_start3A_465 = arith.constant 1 : i32
      %dma_start3A_466 = arith.constant 0 : i32
      %dma_start3A_467 = tpu.memref_slice %arg12[%dma_start3A_465, %dma_start3A_466] : memref<2x64xi32, #tpu.memory_space<vmem>> -> memref<1x64xi32, #tpu.memory_space<vmem>>
      %dma_start3A_468 = tpu.memref_squeeze %dma_start3A_467 : memref<1x64xi32, #tpu.memory_space<vmem>> -> memref<64xi32, #tpu.memory_space<vmem>>
      %dma_start3A_469 = tpu.memref_slice %arg2[%add3A_464] : memref<344064xi32, #tpu.memory_space<hbm>> -> memref<64xi32, #tpu.memory_space<hbm>>
      %dma_start3A_470 = arith.constant 0 : i32
      %dma_start3A_471 = tpu.memref_slice %arg12[%dma_start3A_465, %dma_start3A_470] : memref<2x64xi32, #tpu.memory_space<vmem>> -> memref<1x64xi32, #tpu.memory_space<vmem>>
      %dma_start3A_472 = tpu.memref_squeeze %dma_start3A_471 : memref<1x64xi32, #tpu.memory_space<vmem>> -> memref<64xi32, #tpu.memory_space<vmem>>
      %dma_start3A_473 = tpu.memref_slice %arg2[%add3A_464] : memref<344064xi32, #tpu.memory_space<hbm>> -> memref<64xi32, #tpu.memory_space<hbm>>
      tpu.enqueue_dma source(%dma_start3A_473 : memref<64xi32, #tpu.memory_space<hbm>>) target(%dma_start3A_472 : memref<64xi32, #tpu.memory_space<vmem>>) target_semaphore(%arg23 : memref<!tpu.dma_semaphore, #tpu.memory_space<semaphore_mem>>)
      %dma_start3A_474 = arith.constant 1 : i32
      %dma_start3A_475 = arith.constant 0 : i32
      %dma_start3A_476 = tpu.memref_slice %arg13[%dma_start3A_474, %dma_start3A_475] : memref<2x64xi32, #tpu.memory_space<vmem>> -> memref<1x64xi32, #tpu.memory_space<vmem>>
      %dma_start3A_477 = tpu.memref_squeeze %dma_start3A_476 : memref<1x64xi32, #tpu.memory_space<vmem>> -> memref<64xi32, #tpu.memory_space<vmem>>
      %dma_start3A_478 = tpu.memref_slice %arg3[%add3A_464] : memref<344064xi32, #tpu.memory_space<hbm>> -> memref<64xi32, #tpu.memory_space<hbm>>
      %dma_start3A_479 = arith.constant 0 : i32
      %dma_start3A_480 = tpu.memref_slice %arg13[%dma_start3A_474, %dma_start3A_479] : memref<2x64xi32, #tpu.memory_space<vmem>> -> memref<1x64xi32, #tpu.memory_space<vmem>>
      %dma_start3A_481 = tpu.memref_squeeze %dma_start3A_480 : memref<1x64xi32, #tpu.memory_space<vmem>> -> memref<64xi32, #tpu.memory_space<vmem>>
      %dma_start3A_482 = tpu.memref_slice %arg3[%add3A_464] : memref<344064xi32, #tpu.memory_space<hbm>> -> memref<64xi32, #tpu.memory_space<hbm>>
      tpu.enqueue_dma source(%dma_start3A_482 : memref<64xi32, #tpu.memory_space<hbm>>) target(%dma_start3A_481 : memref<64xi32, #tpu.memory_space<vmem>>) target_semaphore(%arg23 : memref<!tpu.dma_semaphore, #tpu.memory_space<semaphore_mem>>)
    }
    %scan3A_109 = arith.constant 82 : i32
    %dma_wait3A_110 = arith.constant 0 : i32
    %dma_wait3A_111 = arith.constant 0 : i32
    %dma_wait3A_112 = arith.constant 0 : i32
    %dma_wait3A_113 = arith.constant 0 : i32
    %dma_wait3A_114 = tpu.memref_slice %arg14[%dma_wait3A_111, %dma_wait3A_112, %dma_wait3A_113] : memref<2x64x16xf32, #tpu.memory_space<vmem>> -> memref<1x64x16xf32, #tpu.memory_space<vmem>>
    %dma_wait3A_115 = tpu.memref_squeeze %dma_wait3A_114 : memref<1x64x16xf32, #tpu.memory_space<vmem>> -> memref<64x16xf32, #tpu.memory_space<vmem>>
    %dma_wait3A_116 = arith.constant 0 : i32
    %dma_wait3A_117 = tpu.memref_slice %arg12[%dma_wait3A_110, %dma_wait3A_116] : memref<2x64xi32, #tpu.memory_space<vmem>> -> memref<1x64xi32, #tpu.memory_space<vmem>>
    %dma_wait3A_118 = tpu.memref_squeeze %dma_wait3A_117 : memref<1x64xi32, #tpu.memory_space<vmem>> -> memref<64xi32, #tpu.memory_space<vmem>>
    %dma_wait3A_119 = arith.constant 0 : i32
    %dma_wait3A_120 = arith.constant 0 : i32
    %dma_wait3A_121 = tpu.memref_slice %arg5[%dma_wait3A_119, %dma_wait3A_120] : memref<10240x16xf32, #tpu.memory_space<hbm>> -> memref<10240x16xf32, #tpu.memory_space<hbm>>
    tpu.wait_indirect_dma semaphore(%arg24 : memref<!tpu.dma_semaphore, #tpu.memory_space<semaphore_mem>>) src(%dma_wait3A_121 : memref<10240x16xf32, #tpu.memory_space<hbm>>) dst(%dma_wait3A_115 : memref<64x16xf32, #tpu.memory_space<vmem>>)
    %dma_wait3A_122 = arith.constant 0 : i32
    %dma_wait3A_123 = arith.constant 0 : i32
    %dma_wait3A_124 = arith.constant 0 : i32
    %dma_wait3A_125 = arith.constant 0 : i32
    %dma_wait3A_126 = tpu.memref_slice %arg15[%dma_wait3A_123, %dma_wait3A_124, %dma_wait3A_125] : memref<2x64x16xf32, #tpu.memory_space<vmem>> -> memref<1x64x16xf32, #tpu.memory_space<vmem>>
    %dma_wait3A_127 = tpu.memref_squeeze %dma_wait3A_126 : memref<1x64x16xf32, #tpu.memory_space<vmem>> -> memref<64x16xf32, #tpu.memory_space<vmem>>
    %dma_wait3A_128 = arith.constant 0 : i32
    %dma_wait3A_129 = tpu.memref_slice %arg13[%dma_wait3A_122, %dma_wait3A_128] : memref<2x64xi32, #tpu.memory_space<vmem>> -> memref<1x64xi32, #tpu.memory_space<vmem>>
    %dma_wait3A_130 = tpu.memref_squeeze %dma_wait3A_129 : memref<1x64xi32, #tpu.memory_space<vmem>> -> memref<64xi32, #tpu.memory_space<vmem>>
    %dma_wait3A_131 = arith.constant 0 : i32
    %dma_wait3A_132 = arith.constant 0 : i32
    %dma_wait3A_133 = tpu.memref_slice %arg6[%dma_wait3A_131, %dma_wait3A_132] : memref<10240x16xf32, #tpu.memory_space<hbm>> -> memref<10240x16xf32, #tpu.memory_space<hbm>>
    tpu.wait_indirect_dma semaphore(%arg24 : memref<!tpu.dma_semaphore, #tpu.memory_space<semaphore_mem>>) src(%dma_wait3A_133 : memref<10240x16xf32, #tpu.memory_space<hbm>>) dst(%dma_wait3A_127 : memref<64x16xf32, #tpu.memory_space<vmem>>)
    %dma_wait3A_134 = arith.constant 0 : i32
    %dma_wait3A_135 = arith.constant 0 : i32
    %dma_wait3A_136 = arith.constant 0 : i32
    %dma_wait3A_137 = arith.constant 0 : i32
    %dma_wait3A_138 = tpu.memref_slice %arg17[%dma_wait3A_135, %dma_wait3A_136, %dma_wait3A_137] : memref<2x64x128xf32, #tpu.memory_space<vmem>> -> memref<1x64x128xf32, #tpu.memory_space<vmem>>
    %dma_wait3A_139 = tpu.memref_squeeze %dma_wait3A_138 : memref<1x64x128xf32, #tpu.memory_space<vmem>> -> memref<64x128xf32, #tpu.memory_space<vmem>>
    %dma_wait3A_140 = arith.constant 0 : i32
    %dma_wait3A_141 = tpu.memref_slice %arg12[%dma_wait3A_134, %dma_wait3A_140] : memref<2x64xi32, #tpu.memory_space<vmem>> -> memref<1x64xi32, #tpu.memory_space<vmem>>
    %dma_wait3A_142 = tpu.memref_squeeze %dma_wait3A_141 : memref<1x64xi32, #tpu.memory_space<vmem>> -> memref<64xi32, #tpu.memory_space<vmem>>
    %dma_wait3A_143 = arith.constant 0 : i32
    %dma_wait3A_144 = arith.constant 0 : i32
    %dma_wait3A_145 = tpu.memref_slice %arg4[%dma_wait3A_143, %dma_wait3A_144] : memref<10000x128xf32, #tpu.memory_space<hbm>> -> memref<10000x128xf32, #tpu.memory_space<hbm>>
    tpu.wait_indirect_dma semaphore(%arg24 : memref<!tpu.dma_semaphore, #tpu.memory_space<semaphore_mem>>) src(%dma_wait3A_145 : memref<10000x128xf32, #tpu.memory_space<hbm>>) dst(%dma_wait3A_139 : memref<64x128xf32, #tpu.memory_space<vmem>>)
    %mul3A_146 = arith.constant 10752 : i32
    %mul3A_147 = arith.muli %add3A, %mul3A_146 : i32
    %add3A_148 = arith.constant 10560 : i32
    %add3A_149 = arith.addi %mul3A_147, %add3A_148 : i32
    %dma_wait3A_150 = arith.constant 1 : i32
    %dma_wait3A_151 = arith.constant 0 : i32
    %dma_wait3A_152 = tpu.memref_slice %arg12[%dma_wait3A_150, %dma_wait3A_151] : memref<2x64xi32, #tpu.memory_space<vmem>> -> memref<1x64xi32, #tpu.memory_space<vmem>>
    %dma_wait3A_153 = tpu.memref_squeeze %dma_wait3A_152 : memref<1x64xi32, #tpu.memory_space<vmem>> -> memref<64xi32, #tpu.memory_space<vmem>>
    %dma_wait3A_154 = tpu.memref_slice %arg2[%add3A_149] : memref<344064xi32, #tpu.memory_space<hbm>> -> memref<64xi32, #tpu.memory_space<hbm>>
    %dma_wait3A_155 = arith.constant 0 : i32
    %dma_wait3A_156 = tpu.memref_slice %arg12[%dma_wait3A_150, %dma_wait3A_155] : memref<2x64xi32, #tpu.memory_space<vmem>> -> memref<1x64xi32, #tpu.memory_space<vmem>>
    %dma_wait3A_157 = tpu.memref_squeeze %dma_wait3A_156 : memref<1x64xi32, #tpu.memory_space<vmem>> -> memref<64xi32, #tpu.memory_space<vmem>>
    %dma_wait3A_158 = tpu.memref_slice %arg2[%add3A_149] : memref<344064xi32, #tpu.memory_space<hbm>> -> memref<64xi32, #tpu.memory_space<hbm>>
    tpu.wait_dma2 semaphore(%arg23 : memref<!tpu.dma_semaphore, #tpu.memory_space<semaphore_mem>>) src(%dma_wait3A_158 : memref<64xi32, #tpu.memory_space<hbm>>) dst(%dma_wait3A_157 : memref<64xi32, #tpu.memory_space<vmem>>)
    %dma_wait3A_159 = arith.constant 1 : i32
    %dma_wait3A_160 = arith.constant 0 : i32
    %dma_wait3A_161 = tpu.memref_slice %arg13[%dma_wait3A_159, %dma_wait3A_160] : memref<2x64xi32, #tpu.memory_space<vmem>> -> memref<1x64xi32, #tpu.memory_space<vmem>>
    %dma_wait3A_162 = tpu.memref_squeeze %dma_wait3A_161 : memref<1x64xi32, #tpu.memory_space<vmem>> -> memref<64xi32, #tpu.memory_space<vmem>>
    %dma_wait3A_163 = tpu.memref_slice %arg3[%add3A_149] : memref<344064xi32, #tpu.memory_space<hbm>> -> memref<64xi32, #tpu.memory_space<hbm>>
    %dma_wait3A_164 = arith.constant 0 : i32
    %dma_wait3A_165 = tpu.memref_slice %arg13[%dma_wait3A_159, %dma_wait3A_164] : memref<2x64xi32, #tpu.memory_space<vmem>> -> memref<1x64xi32, #tpu.memory_space<vmem>>
    %dma_wait3A_166 = tpu.memref_squeeze %dma_wait3A_165 : memref<1x64xi32, #tpu.memory_space<vmem>> -> memref<64xi32, #tpu.memory_space<vmem>>
    %dma_wait3A_167 = tpu.memref_slice %arg3[%add3A_149] : memref<344064xi32, #tpu.memory_space<hbm>> -> memref<64xi32, #tpu.memory_space<hbm>>
    tpu.wait_dma2 semaphore(%arg23 : memref<!tpu.dma_semaphore, #tpu.memory_space<semaphore_mem>>) src(%dma_wait3A_167 : memref<64xi32, #tpu.memory_space<hbm>>) dst(%dma_wait3A_166 : memref<64xi32, #tpu.memory_space<vmem>>)
    %barrier3A_168 = arith.constant 0 : index
    tpu.barrier barrier_id(%barrier3A_168)
    %mul3A_169 = arith.constant 640 : i32
    %mul3A_170 = arith.muli %arg1, %mul3A_169 : i32
    "tpu.region"() ({
      %run_scoped3A = tpu.sem_alloc : memref<!tpu.dma_semaphore, #tpu.memory_space<semaphore_mem>>
      %dma_start3A_171 = arith.constant 0 : i32
      %dma_start3A_172 = tpu.memref_slice %arg10[%arg0, %mul3A_170, %dma_start3A_171] : memref<2x10240x128xf32, #tpu.memory_space<hbm>> -> memref<1x640x128xf32, #tpu.memory_space<hbm>>
      %dma_start3A_173 = tpu.memref_squeeze %dma_start3A_172 : memref<1x640x128xf32, #tpu.memory_space<hbm>> -> memref<640x128xf32, #tpu.memory_space<hbm>>
      %dma_start3A_174 = arith.constant 0 : i32
      %dma_start3A_175 = tpu.memref_slice %arg20[%mul3A_170, %dma_start3A_174] : memref<10240x128xf32, #tpu.memory_space<vmem_shared>> -> memref<640x128xf32, #tpu.memory_space<vmem_shared>>
      tpu.enqueue_dma source(%dma_start3A_175 : memref<640x128xf32, #tpu.memory_space<vmem_shared>>) target(%dma_start3A_173 : memref<640x128xf32, #tpu.memory_space<hbm>>) target_semaphore(%run_scoped3A : memref<!tpu.dma_semaphore, #tpu.memory_space<semaphore_mem>>)
      %dma_wait3A_176 = arith.constant 0 : i32
      %dma_wait3A_177 = tpu.memref_slice %arg10[%arg0, %mul3A_170, %dma_wait3A_176] : memref<2x10240x128xf32, #tpu.memory_space<hbm>> -> memref<1x640x128xf32, #tpu.memory_space<hbm>>
      %dma_wait3A_178 = tpu.memref_squeeze %dma_wait3A_177 : memref<1x640x128xf32, #tpu.memory_space<hbm>> -> memref<640x128xf32, #tpu.memory_space<hbm>>
      %dma_wait3A_179 = arith.constant 0 : i32
      %dma_wait3A_180 = tpu.memref_slice %arg20[%mul3A_170, %dma_wait3A_179] : memref<10240x128xf32, #tpu.memory_space<vmem_shared>> -> memref<640x128xf32, #tpu.memory_space<vmem_shared>>
      tpu.wait_dma2 semaphore(%run_scoped3A : memref<!tpu.dma_semaphore, #tpu.memory_space<semaphore_mem>>) src(%dma_wait3A_180 : memref<640x128xf32, #tpu.memory_space<vmem_shared>>) dst(%dma_wait3A_178 : memref<640x128xf32, #tpu.memory_space<hbm>>)
      tpu.yield
    }) : () -> ()
    "tpu.region"() ({
      %run_scoped3A = tpu.sem_alloc : memref<!tpu.dma_semaphore, #tpu.memory_space<semaphore_mem>>
      %dma_start3A_171 = arith.constant 0 : i32
      %dma_start3A_172 = tpu.memref_slice %arg11[%arg0, %mul3A_170, %dma_start3A_171] : memref<2x10240x16xf32, #tpu.memory_space<hbm>> -> memref<1x640x16xf32, #tpu.memory_space<hbm>>
      %dma_start3A_173 = tpu.memref_squeeze %dma_start3A_172 : memref<1x640x16xf32, #tpu.memory_space<hbm>> -> memref<640x16xf32, #tpu.memory_space<hbm>>
      %dma_start3A_174 = arith.constant 0 : i32
      %dma_start3A_175 = tpu.memref_slice %arg21[%mul3A_170, %dma_start3A_174] : memref<10240x16xf32, #tpu.memory_space<vmem_shared>> -> memref<640x16xf32, #tpu.memory_space<vmem_shared>>
      tpu.enqueue_dma source(%dma_start3A_175 : memref<640x16xf32, #tpu.memory_space<vmem_shared>>) target(%dma_start3A_173 : memref<640x16xf32, #tpu.memory_space<hbm>>) target_semaphore(%run_scoped3A : memref<!tpu.dma_semaphore, #tpu.memory_space<semaphore_mem>>)
      %dma_wait3A_176 = arith.constant 0 : i32
      %dma_wait3A_177 = tpu.memref_slice %arg11[%arg0, %mul3A_170, %dma_wait3A_176] : memref<2x10240x16xf32, #tpu.memory_space<hbm>> -> memref<1x640x16xf32, #tpu.memory_space<hbm>>
      %dma_wait3A_178 = tpu.memref_squeeze %dma_wait3A_177 : memref<1x640x16xf32, #tpu.memory_space<hbm>> -> memref<640x16xf32, #tpu.memory_space<hbm>>
      %dma_wait3A_179 = arith.constant 0 : i32
      %dma_wait3A_180 = tpu.memref_slice %arg21[%mul3A_170, %dma_wait3A_179] : memref<10240x16xf32, #tpu.memory_space<vmem_shared>> -> memref<640x16xf32, #tpu.memory_space<vmem_shared>>
      tpu.wait_dma2 semaphore(%run_scoped3A : memref<!tpu.dma_semaphore, #tpu.memory_space<semaphore_mem>>) src(%dma_wait3A_180 : memref<640x16xf32, #tpu.memory_space<vmem_shared>>) dst(%dma_wait3A_178 : memref<640x16xf32, #tpu.memory_space<hbm>>)
      tpu.yield
    }) : () -> ()
    return
  }
}

module attributes {stable_mosaic.version = 14 : i64} {
  func.func @body(%arg0: memref<10000x128xf32, #tpu.memory_space<vmem>>, %arg1: memref<128x128xf32, #tpu.memory_space<vmem>>, %arg2: memref<128x8xf32, #tpu.memory_space<vmem>>, %arg3: memref<128x8xf32, #tpu.memory_space<vmem>>, %arg4: memref<10000x128xf32, #tpu.memory_space<vmem>>, %arg5: memref<10000x16xf32, #tpu.memory_space<vmem>>, %arg6: memref<10000x16xf32, #tpu.memory_space<vmem>>, %arg7: memref<1x16xf32, #tpu.memory_space<vmem>>) attributes {dimension_semantics = [], scalar_prefetch = 0 : i64, scratch_operands = 0 : i64, tpu.core_type = #tpu.core_type<tc>} {
    %get3A = arith.constant 0 : index
    %get3A_0 = arith.constant 0 : index
    %get3A_1 = vector.load %arg0[%get3A, %get3A_0] : memref<10000x128xf32, #tpu.memory_space<vmem>>, vector<10000x128xf32>
    %get3A_2 = arith.constant 0 : index
    %get3A_3 = arith.constant 0 : index
    %get3A_4 = vector.load %arg1[%get3A_2, %get3A_3] : memref<128x128xf32, #tpu.memory_space<vmem>>, vector<128x128xf32>
    %dot_general3A = arith.constant dense<0.000000e+00> : vector<10000x128xf32>
    %dot_general3A_5 = tpu.matmul %get3A_1, %get3A_4, %dot_general3A {dimension_numbers = #tpu.dot_dimension_numbers<[1], [0], [0], [1], [0, 0, 1, 1], [], []>, transpose_lhs_hint = false} : vector<10000x128xf32>, vector<128x128xf32>, vector<10000x128xf32> -> vector<10000x128xf32>
    %swap3A = arith.constant 0 : index
    %swap3A_6 = arith.constant 0 : index
    %swap3A_7 = vector.load %arg4[%swap3A, %swap3A_6] : memref<10000x128xf32, #tpu.memory_space<vmem>>, vector<10000x128xf32>
    tpu.vector_store %arg4[%swap3A, %swap3A_6], %dot_general3A_5 {strides = array<i32>} : memref<10000x128xf32, #tpu.memory_space<vmem>>, vector<10000x128xf32>,
    %get3A_8 = arith.constant 0 : index
    %get3A_9 = arith.constant 0 : index
    %get3A_10 = vector.load %arg2[%get3A_8, %get3A_9] : memref<128x8xf32, #tpu.memory_space<vmem>>, vector<128x8xf32>
    %dot_general3A_11 = arith.constant dense<0.000000e+00> : vector<10000x8xf32>
    %dot_general3A_12 = tpu.matmul %dot_general3A_5, %get3A_10, %dot_general3A_11 {dimension_numbers = #tpu.dot_dimension_numbers<[1], [0], [0], [1], [0, 0, 1, 1], [], []>, transpose_lhs_hint = false} : vector<10000x128xf32>, vector<128x8xf32>, vector<10000x8xf32> -> vector<10000x8xf32>
    %get3A_13 = arith.constant 0 : index
    %get3A_14 = arith.constant 0 : index
    %get3A_15 = vector.load %arg3[%get3A_13, %get3A_14] : memref<128x8xf32, #tpu.memory_space<vmem>>, vector<128x8xf32>
    %dot_general3A_16 = arith.constant dense<0.000000e+00> : vector<10000x8xf32>
    %dot_general3A_17 = tpu.matmul %dot_general3A_5, %get3A_15, %dot_general3A_16 {dimension_numbers = #tpu.dot_dimension_numbers<[1], [0], [0], [1], [0, 0, 1, 1], [], []>, transpose_lhs_hint = false} : vector<10000x128xf32>, vector<128x8xf32>, vector<10000x8xf32> -> vector<10000x8xf32>
    %concatenate3A = tpu.concatenate %dot_general3A_12, %dot_general3A_12 in 1 : vector<10000x8xf32>, vector<10000x8xf32> -> vector<10000x16xf32>
    %swap3A_18 = arith.constant 0 : index
    %swap3A_19 = arith.constant 0 : index
    %swap3A_20 = vector.load %arg5[%swap3A_18, %swap3A_19] : memref<10000x16xf32, #tpu.memory_space<vmem>>, vector<10000x16xf32>
    tpu.vector_store %arg5[%swap3A_18, %swap3A_19], %concatenate3A {strides = array<i32>} : memref<10000x16xf32, #tpu.memory_space<vmem>>, vector<10000x16xf32>,
    %concatenate3A_21 = tpu.concatenate %dot_general3A_17, %dot_general3A_17 in 1 : vector<10000x8xf32>, vector<10000x8xf32> -> vector<10000x16xf32>
    %swap3A_22 = arith.constant 0 : index
    %swap3A_23 = arith.constant 0 : index
    %swap3A_24 = vector.load %arg6[%swap3A_22, %swap3A_23] : memref<10000x16xf32, #tpu.memory_space<vmem>>, vector<10000x16xf32>
    tpu.vector_store %arg6[%swap3A_22, %swap3A_23], %concatenate3A_21 {strides = array<i32>} : memref<10000x16xf32, #tpu.memory_space<vmem>>, vector<10000x16xf32>,
    %reduce_max3A = arith.constant dense<0xFF800000> : vector<8xf32>
    %reduce_max3A_25 = vector.multi_reduction <maximumf>, %dot_general3A_12, %reduce_max3A [0] : vector<10000x8xf32> to vector<8xf32>
    %broadcast_in_dim3A = vector.shape_cast %reduce_max3A_25 : vector<8xf32> to vector<1x8xf32>
    %concatenate3A_26 = tpu.concatenate %broadcast_in_dim3A, %broadcast_in_dim3A in 1 : vector<1x8xf32>, vector<1x8xf32> -> vector<1x16xf32>
    %swap3A_27 = arith.constant 0 : index
    %swap3A_28 = arith.constant 0 : index
    %swap3A_29 = vector.load %arg7[%swap3A_27, %swap3A_28] : memref<1x16xf32, #tpu.memory_space<vmem>>, vector<1x16xf32>
    tpu.vector_store %arg7[%swap3A_27, %swap3A_28], %concatenate3A_26 {strides = array<i32>} : memref<1x16xf32, #tpu.memory_space<vmem>>, vector<1x16xf32>,
    return
  }
}

module attributes {stable_mosaic.version = 14 : i64} {
  func.func @body(%arg0: memref<2x10240x128xf32, #tpu.memory_space<vmem>>, %arg1: memref<2x10240x16xf32, #tpu.memory_space<vmem>>, %arg2: memref<1x128xf32, #tpu.memory_space<vmem>>, %arg3: memref<128x64xf32, #tpu.memory_space<vmem>>, %arg4: memref<64x1xf32, #tpu.memory_space<vmem>>, %arg5: memref<64x1xf32, #tpu.memory_space<vmem>>, %arg6: memref<8x128xf32, #tpu.memory_space<vmem>>, %arg7: memref<1x8xf32, #tpu.memory_space<vmem>>, %arg8: memref<1x16xf32, #tpu.memory_space<vmem>>, %arg9: memref<10000x64xf32, #tpu.memory_space<vmem>>, %arg10: memref<10000x16xf32, #tpu.memory_space<vmem>>, %arg11: memref<10000x16xf32, #tpu.memory_space<vmem>>, %arg12: memref<1x16xf32, #tpu.memory_space<vmem>>) attributes {dimension_semantics = [], scalar_prefetch = 0 : i64, scratch_operands = 0 : i64, tpu.core_type = #tpu.core_type<tc>} {
    %get3A = arith.constant 0 : index
    %get3A_0 = arith.constant 0 : index
    %get3A_1 = arith.constant 0 : index
    %get3A_2 = vector.load %arg0[%get3A, %get3A_0, %get3A_1] : memref<2x10240x128xf32, #tpu.memory_space<vmem>>, vector<1x10000x128xf32>
    %get3A_3 = vector.shape_cast %get3A_2 : vector<1x10000x128xf32> to vector<10000x128xf32>
    %get3A_4 = arith.constant 1 : index
    %get3A_5 = arith.constant 0 : index
    %get3A_6 = arith.constant 0 : index
    %get3A_7 = vector.load %arg0[%get3A_4, %get3A_5, %get3A_6] : memref<2x10240x128xf32, #tpu.memory_space<vmem>>, vector<1x10000x128xf32>
    %get3A_8 = vector.shape_cast %get3A_7 : vector<1x10000x128xf32> to vector<10000x128xf32>
    %add3A = arith.addf %get3A_3, %get3A_8 : vector<10000x128xf32>
    %get3A_9 = arith.constant 0 : index
    %get3A_10 = arith.constant 0 : index
    %get3A_11 = arith.constant 0 : index
    %get3A_12 = vector.load %arg1[%get3A_9, %get3A_10, %get3A_11] : memref<2x10240x16xf32, #tpu.memory_space<vmem>>, vector<1x10000x8xf32>
    %get3A_13 = vector.shape_cast %get3A_12 : vector<1x10000x8xf32> to vector<10000x8xf32>
    %get3A_14 = arith.constant 1 : index
    %get3A_15 = arith.constant 0 : index
    %get3A_16 = arith.constant 0 : index
    %get3A_17 = vector.load %arg1[%get3A_14, %get3A_15, %get3A_16] : memref<2x10240x16xf32, #tpu.memory_space<vmem>>, vector<1x10000x8xf32>
    %get3A_18 = vector.shape_cast %get3A_17 : vector<1x10000x8xf32> to vector<10000x8xf32>
    %add3A_19 = arith.addf %get3A_13, %get3A_18 : vector<10000x8xf32>
    %add3A_20 = arith.constant 1.000000e-16 : f32
    %add3A_21 = vector.broadcast %add3A_20 : f32 to vector<10000x8xf32>
    %add3A_22 = arith.addf %add3A_19, %add3A_21 : vector<10000x8xf32>
    %div3A = arith.constant 1.000000e+00 : f32
    %div3A_23 = vector.broadcast %div3A : f32 to vector<10000x8xf32>
    %div3A_24 = arith.divf %div3A_23, %add3A_22 : vector<10000x8xf32>
    %get3A_25 = arith.constant 0 : index
    %get3A_26 = arith.constant 0 : index
    %get3A_27 = vector.load %arg6[%get3A_25, %get3A_26] : memref<8x128xf32, #tpu.memory_space<vmem>>, vector<8x128xf32>
    %dot_general3A = arith.constant dense<0.000000e+00> : vector<10000x128xf32>
    %dot_general3A_28 = tpu.matmul %div3A_24, %get3A_27, %dot_general3A {dimension_numbers = #tpu.dot_dimension_numbers<[1], [0], [0], [1], [0, 0, 1, 1], [], []>, transpose_lhs_hint = false} : vector<10000x8xf32>, vector<8x128xf32>, vector<10000x128xf32> -> vector<10000x128xf32>
    %mul3A = arith.mulf %add3A, %dot_general3A_28 : vector<10000x128xf32>
    %get3A_29 = arith.constant 0 : index
    %get3A_30 = arith.constant 0 : index
    %get3A_31 = vector.load %arg2[%get3A_29, %get3A_30] : memref<1x128xf32, #tpu.memory_space<vmem>>, vector<1x128xf32>
    %add3A_32 = vector.broadcast %get3A_31 : vector<1x128xf32> to vector<10000x128xf32>
    %add3A_33 = arith.addf %mul3A, %add3A_32 : vector<10000x128xf32>
    %gt3A = arith.constant 0.000000e+00 : f32
    %gt3A_34 = vector.broadcast %gt3A : f32 to vector<10000x128xf32>
    %gt3A_35 = arith.cmpf ogt, %add3A_33, %gt3A_34 : vector<10000x128xf32>
    %min3A = arith.constant 0.000000e+00 : f32
    %min3A_36 = vector.broadcast %min3A : f32 to vector<10000x128xf32>
    %min3A_37 = arith.minimumf %add3A_33, %min3A_36 : vector<10000x128xf32>
    %exp3A = math.exp %min3A_37 : vector<10000x128xf32>
    %sub3A = arith.constant 1.000000e+00 : f32
    %sub3A_38 = vector.broadcast %sub3A : f32 to vector<10000x128xf32>
    %sub3A_39 = arith.subf %exp3A, %sub3A_38 : vector<10000x128xf32>
    %select_n3A = arith.select %gt3A_35, %add3A_33, %sub3A_39 : vector<10000x128xi1>, vector<10000x128xf32>
    %get3A_40 = arith.constant 0 : index
    %get3A_41 = arith.constant 0 : index
    %get3A_42 = vector.load %arg3[%get3A_40, %get3A_41] : memref<128x64xf32, #tpu.memory_space<vmem>>, vector<128x64xf32>
    %dot_general3A_43 = arith.constant dense<0.000000e+00> : vector<10000x64xf32>
    %dot_general3A_44 = tpu.matmul %select_n3A, %get3A_42, %dot_general3A_43 {dimension_numbers = #tpu.dot_dimension_numbers<[1], [0], [0], [1], [0, 0, 1, 1], [], []>, transpose_lhs_hint = false} : vector<10000x128xf32>, vector<128x64xf32>, vector<10000x64xf32> -> vector<10000x64xf32>
    %swap3A = arith.constant 0 : index
    %swap3A_45 = arith.constant 0 : index
    %swap3A_46 = vector.load %arg9[%swap3A, %swap3A_45] : memref<10000x64xf32, #tpu.memory_space<vmem>>, vector<10000x64xf32>
    tpu.vector_store %arg9[%swap3A, %swap3A_45], %dot_general3A_44 {strides = array<i32>} : memref<10000x64xf32, #tpu.memory_space<vmem>>, vector<10000x64xf32>,
    %get3A_47 = arith.constant 0 : index
    %get3A_48 = arith.constant 0 : index
    %get3A_49 = vector.load %arg4[%get3A_47, %get3A_48] : memref<64x1xf32, #tpu.memory_space<vmem>>, vector<64x1xf32>
    %dot_general3A_50 = arith.constant dense<0.000000e+00> : vector<10000x1xf32>
    %dot_general3A_51 = tpu.matmul %dot_general3A_44, %get3A_49, %dot_general3A_50 {dimension_numbers = #tpu.dot_dimension_numbers<[1], [0], [0], [1], [0, 0, 1, 1], [], []>, transpose_lhs_hint = false} : vector<10000x64xf32>, vector<64x1xf32>, vector<10000x1xf32> -> vector<10000x1xf32>
    %get3A_52 = arith.constant 0 : index
    %get3A_53 = arith.constant 0 : index
    %get3A_54 = vector.load %arg5[%get3A_52, %get3A_53] : memref<64x1xf32, #tpu.memory_space<vmem>>, vector<64x1xf32>
    %dot_general3A_55 = arith.constant dense<0.000000e+00> : vector<10000x1xf32>
    %dot_general3A_56 = tpu.matmul %dot_general3A_44, %get3A_54, %dot_general3A_55 {dimension_numbers = #tpu.dot_dimension_numbers<[1], [0], [0], [1], [0, 0, 1, 1], [], []>, transpose_lhs_hint = false} : vector<10000x64xf32>, vector<64x1xf32>, vector<10000x1xf32> -> vector<10000x1xf32>
    %get3A_57 = arith.constant 0 : index
    %get3A_58 = arith.constant 0 : index
    %get3A_59 = vector.load %arg8[%get3A_57, %get3A_58] : memref<1x16xf32, #tpu.memory_space<vmem>>, vector<1x16xf32>
    %dot_general3A_60 = arith.constant dense<0.000000e+00> : vector<10000x16xf32>
    %dot_general3A_61 = tpu.matmul %dot_general3A_51, %get3A_59, %dot_general3A_60 {dimension_numbers = #tpu.dot_dimension_numbers<[1], [0], [0], [1], [0, 0, 1, 1], [], []>, transpose_lhs_hint = false} : vector<10000x1xf32>, vector<1x16xf32>, vector<10000x16xf32> -> vector<10000x16xf32>
    %swap3A_62 = arith.constant 0 : index
    %swap3A_63 = arith.constant 0 : index
    %swap3A_64 = vector.load %arg10[%swap3A_62, %swap3A_63] : memref<10000x16xf32, #tpu.memory_space<vmem>>, vector<10000x16xf32>
    tpu.vector_store %arg10[%swap3A_62, %swap3A_63], %dot_general3A_61 {strides = array<i32>} : memref<10000x16xf32, #tpu.memory_space<vmem>>, vector<10000x16xf32>,
    %get3A_65 = arith.constant 0 : index
    %get3A_66 = arith.constant 0 : index
    %get3A_67 = vector.load %arg8[%get3A_65, %get3A_66] : memref<1x16xf32, #tpu.memory_space<vmem>>, vector<1x16xf32>
    %dot_general3A_68 = arith.constant dense<0.000000e+00> : vector<10000x16xf32>
    %dot_general3A_69 = tpu.matmul %dot_general3A_56, %get3A_67, %dot_general3A_68 {dimension_numbers = #tpu.dot_dimension_numbers<[1], [0], [0], [1], [0, 0, 1, 1], [], []>, transpose_lhs_hint = false} : vector<10000x1xf32>, vector<1x16xf32>, vector<10000x16xf32> -> vector<10000x16xf32>
    %swap3A_70 = arith.constant 0 : index
    %swap3A_71 = arith.constant 0 : index
    %swap3A_72 = vector.load %arg11[%swap3A_70, %swap3A_71] : memref<10000x16xf32, #tpu.memory_space<vmem>>, vector<10000x16xf32>
    tpu.vector_store %arg11[%swap3A_70, %swap3A_71], %dot_general3A_69 {strides = array<i32>} : memref<10000x16xf32, #tpu.memory_space<vmem>>, vector<10000x16xf32>,
    %reduce_max3A = arith.constant dense<0xFF800000> : vector<1xf32>
    %reduce_max3A_73 = vector.multi_reduction <maximumf>, %dot_general3A_51, %reduce_max3A [0] : vector<10000x1xf32> to vector<1xf32>
    %broadcast_in_dim3A = vector.shape_cast %reduce_max3A_73 : vector<1xf32> to vector<1x1xf32>
    %get3A_74 = arith.constant 0 : index
    %get3A_75 = arith.constant 0 : index
    %get3A_76 = vector.load %arg8[%get3A_74, %get3A_75] : memref<1x16xf32, #tpu.memory_space<vmem>>, vector<1x16xf32>
    %dot_general3A_77 = arith.constant dense<0.000000e+00> : vector<1x16xf32>
    %dot_general3A_78 = tpu.matmul %broadcast_in_dim3A, %get3A_76, %dot_general3A_77 {dimension_numbers = #tpu.dot_dimension_numbers<[1], [0], [0], [1], [0, 0, 1, 1], [], []>, transpose_lhs_hint = false} : vector<1x1xf32>, vector<1x16xf32>, vector<1x16xf32> -> vector<1x16xf32>
    %swap3A_79 = arith.constant 0 : index
    %swap3A_80 = arith.constant 0 : index
    %swap3A_81 = vector.load %arg12[%swap3A_79, %swap3A_80] : memref<1x16xf32, #tpu.memory_space<vmem>>, vector<1x16xf32>
    tpu.vector_store %arg12[%swap3A_79, %swap3A_80], %dot_general3A_78 {strides = array<i32>} : memref<1x16xf32, #tpu.memory_space<vmem>>, vector<1x16xf32>,
    return
  }
}

module attributes {stable_mosaic.version = 14 : i64} {
  func.func @body(%arg0: memref<2x10240x64xf32, #tpu.memory_space<vmem>>, %arg1: memref<2x10240x16xf32, #tpu.memory_space<vmem>>, %arg2: memref<1x64xf32, #tpu.memory_space<vmem>>, %arg3: memref<1x64xf32, #tpu.memory_space<vmem>>, %arg4: memref<10000x64xf32, #tpu.memory_space<vmem>>) attributes {dimension_semantics = [], scalar_prefetch = 0 : i64, scratch_operands = 0 : i64, tpu.core_type = #tpu.core_type<tc>} {
    %get3A = arith.constant 0 : index
    %get3A_0 = arith.constant 0 : index
    %get3A_1 = arith.constant 0 : index
    %get3A_2 = vector.load %arg0[%get3A, %get3A_0, %get3A_1] : memref<2x10240x64xf32, #tpu.memory_space<vmem>>, vector<1x10000x64xf32>
    %get3A_3 = vector.shape_cast %get3A_2 : vector<1x10000x64xf32> to vector<10000x64xf32>
    %get3A_4 = arith.constant 1 : index
    %get3A_5 = arith.constant 0 : index
    %get3A_6 = arith.constant 0 : index
    %get3A_7 = vector.load %arg0[%get3A_4, %get3A_5, %get3A_6] : memref<2x10240x64xf32, #tpu.memory_space<vmem>>, vector<1x10000x64xf32>
    %get3A_8 = vector.shape_cast %get3A_7 : vector<1x10000x64xf32> to vector<10000x64xf32>
    %add3A = arith.addf %get3A_3, %get3A_8 : vector<10000x64xf32>
    %get3A_9 = arith.constant 0 : index
    %get3A_10 = arith.constant 0 : index
    %get3A_11 = arith.constant 0 : index
    %get3A_12 = vector.load %arg1[%get3A_9, %get3A_10, %get3A_11] : memref<2x10240x16xf32, #tpu.memory_space<vmem>>, vector<1x10000x1xf32>
    %get3A_13 = vector.shape_cast %get3A_12 : vector<1x10000x1xf32> to vector<10000x1xf32>
    %get3A_14 = arith.constant 1 : index
    %get3A_15 = arith.constant 0 : index
    %get3A_16 = arith.constant 0 : index
    %get3A_17 = vector.load %arg1[%get3A_14, %get3A_15, %get3A_16] : memref<2x10240x16xf32, #tpu.memory_space<vmem>>, vector<1x10000x1xf32>
    %get3A_18 = vector.shape_cast %get3A_17 : vector<1x10000x1xf32> to vector<10000x1xf32>
    %add3A_19 = arith.addf %get3A_13, %get3A_18 : vector<10000x1xf32>
    %add3A_20 = arith.constant 1.000000e-16 : f32
    %add3A_21 = vector.broadcast %add3A_20 : f32 to vector<10000x1xf32>
    %add3A_22 = arith.addf %add3A_19, %add3A_21 : vector<10000x1xf32>
    %div3A = arith.constant 1.000000e+00 : f32
    %div3A_23 = vector.broadcast %div3A : f32 to vector<10000x1xf32>
    %div3A_24 = arith.divf %div3A_23, %add3A_22 : vector<10000x1xf32>
    %get3A_25 = arith.constant 0 : index
    %get3A_26 = arith.constant 0 : index
    %get3A_27 = vector.load %arg3[%get3A_25, %get3A_26] : memref<1x64xf32, #tpu.memory_space<vmem>>, vector<1x64xf32>
    %dot_general3A = arith.constant dense<0.000000e+00> : vector<10000x64xf32>
    %dot_general3A_28 = tpu.matmul %div3A_24, %get3A_27, %dot_general3A {dimension_numbers = #tpu.dot_dimension_numbers<[1], [0], [0], [1], [0, 0, 1, 1], [], []>, transpose_lhs_hint = false} : vector<10000x1xf32>, vector<1x64xf32>, vector<10000x64xf32> -> vector<10000x64xf32>
    %mul3A = arith.mulf %add3A, %dot_general3A_28 : vector<10000x64xf32>
    %get3A_29 = arith.constant 0 : index
    %get3A_30 = arith.constant 0 : index
    %get3A_31 = vector.load %arg2[%get3A_29, %get3A_30] : memref<1x64xf32, #tpu.memory_space<vmem>>, vector<1x64xf32>
    %add3A_32 = vector.broadcast %get3A_31 : vector<1x64xf32> to vector<10000x64xf32>
    %add3A_33 = arith.addf %mul3A, %add3A_32 : vector<10000x64xf32>
    %swap3A = arith.constant 0 : index
    %swap3A_34 = arith.constant 0 : index
    %swap3A_35 = vector.load %arg4[%swap3A, %swap3A_34] : memref<10000x64xf32, #tpu.memory_space<vmem>>, vector<10000x64xf32>
    tpu.vector_store %arg4[%swap3A, %swap3A_34], %add3A_33 {strides = array<i32>} : memref<10000x64xf32, #tpu.memory_space<vmem>>, vector<10000x64xf32>,
    return
  }
}

</mosaic_0001>

<sc_bundles>
// kernel: kernel.10.cloned.1.call-start
scs
__scs_entry_jumppad:
0x0: {  	(pc) =	sbr.rel $0x88, $3  }
0x1: {  	(tag) =	ssettag $0x0;
	lr =	simm.s32 $0x1  }
0x2: {  	[smem:$0x3F97] =	sst lr;
	_ =	strace $0xD0000000  }
0x3: {  	_ = 	snop  }
0x4: {  	_ = 	snop  }
0x5: {  	_ = 	snop  }
0x6: {  	_ = 	snop  }
0x7: {  	_ = 	snop  }
__scs_overlays_trampoline_lowered:
0x8: {  	[smem:$0x3FA6] =	sst s0  }
0x9: {  	[smem:$0x3FA7] =	sst s1  }
0xa: {  	[smem:$0x3FA8] =	sst s2  }
0xb: {  	[smem:$0x3FA9] =	sst s3  }
0xc: {  	[smem:$0x3FAA] =	sst s4  }
0xd: {  	[smem:$0x3FAB] =	sst s5  }
0xe: {  	[smem:$0x3FAC] =	sst s6  }
0xf: {  	[smem:$0x3FAD] =	sst s7  }
0x10: {  	[smem:$0x3FAE] =	sst s8  }
0x11: {  	[smem:$0x3FAF] =	sst s9;
	s0 =	simm.s32 @!p0 $0x0  }
0x12: {  	s1 =	sld [smem:$0x3F95];
	s0 =	simm.s32 @p0 $0x1  }
0x13: {  	[smem:$0x3FB0] =	sst s0;
	s0 =	simm.s32 @!p1 $0x0  }
0x14: {  	s2 =	sld [smem:$0x3F94];
	s0 =	simm.s32 @p1 $0x1  }
0x15: {  	[smem:$0x3FB1] =	sst s0;
	s0 =	simm.s32 @!p2 $0x0  }
0x16: {  	s3 =	sld [smem:$0x3FDB];
	s0 =	simm.s32 @p2 $0x1  }
0x17: {  	s4 =	simm.s32 $0x1BF5;
	[smem:$0x3FB3] =	sst s0  }
0x18: {  	s0 =	sld [smem:$0x3F96];
	_ =	swait.ge [sflag:s4], $0x0  }
0x19: {  	s7 =	sld [smem:$0x3F97]  }
0x1a: {  	s8 =	sadd.s32 $0xFFFFE003, lr  }
0x1b: {  	s9 =	sadd.s32 $0xFFFFFEF7, lr;
	s5 =	simm.s32 $0xFFFFFFFF;
	p2 =	slt.u32 s8, $0xFFFFF086  }
0x1c: {  	p1 =	slt.u32 s9, $0xF7A;
	s5 =	simm.s32 @!p2 $0x0  }
0x1d: {  	s5 =	simm.s32 @p1 $0x1;
	p0 =	seq.s32 s7, s2  }
0x1e: {  	s7 =	smul.u32 @!p0 $0xF7A, s2;
	p2 =	seq.s32 @!p0 s5, $0x0  }
0x1f: {  	s9 =	smul.u32 $0xF7A, s1;
	s8 =	simm.s32 @!p0 $0x1BF5;
	p2 =	por !p2, p0  }
0x20: {  	[sflag:s8] =	ssyncset.s32 @!p0 $0xFFFFF086;
	s6 =	sadd.s32 @!p0 s3, s7;
	s7 =	simm.s32 @!p0 $0x108  }
0x21: {  	s3 =	sadd.s32 s3, s9;
	s6 =	sadd.s32 @!p0 $0x88, s6;
	s7 =	simm.s32 @p2 $0x1082  }
0x22: {  	[simem:s7], [sflag:s8] =	dma.local @!p0 [hbm:s6], $0xF7A  }
0x23: {  	s9 =	sor.u32 $0xD0000000, s2;
	s6 =	simm.s32 $0x108;
	_ =	swait.ge @!p0 [sflag:s8], $0x0  }
0x24: {  	s3 =	sadd.s32 $0x88, s3;
	s6 =	simm.s32 @!p1 $0x1082;
	[sflag:s4] =	ssyncset.s32 $0xFFFFF086  }
0x25: {  	[simem:s6], [sflag:s4] =	dma.local [hbm:s3], $0xF7A  }
0x26: {  	[smem:$0x3F97] =	sst s1;
	(tag) =	ssettag s2;
	_ =	strace s9  }
0x27: {  	s1 =	sld [smem:$0x3FA7]  }
0x28: {  	s2 =	sld [smem:$0x3FA8]  }
0x29: {  	s4 =	sld [smem:$0x3FAA]  }
0x2a: {  	p0 =	seq.s32 s5, $0x0;
	s5 =	sld [smem:$0x3FAB]  }
0x2b: {  	s6 =	sld [smem:$0x3FAC]  }
0x2c: {  	s7 =	sld [smem:$0x3FAD]  }
0x2d: {  	s3 =	simm.s32 $0x108;
	s8 =	sld [smem:$0x3FAE]  }
0x2e: {  	s3 =	simm.s32 @!p0 $0x1082;
	s9 =	sld [smem:$0x3FAF]  }
0x2f: {  	lr =	sadd.s32 s0, s3;
	s0 =	sld [smem:$0x3FA6]  }
0x30: {  	s3 =	sld [smem:$0x3FA9]  }
0x31: {  	[smem:$0x3FB2] =	sst s10  }
0x32: {  	s10 =	sld [smem:$0x3FB0];
	_ =	sdelay $0x3  }
0x33: {  	p0 =	seq.s32 s10, $0x1;
	s10 =	sld [smem:$0x3FB2];
	_ =	sdelay $0x3  }
0x34: {  	[smem:$0x3FB2] =	sst s10  }
0x35: {  	s10 =	sld [smem:$0x3FB1];
	_ =	sdelay $0x3  }
0x36: {  	p1 =	seq.s32 s10, $0x1;
	s10 =	sld [smem:$0x3FB2];
	_ =	sdelay $0x3  }
0x37: {  	[smem:$0x3FB2] =	sst s10  }
0x38: {  	s10 =	sld [smem:$0x3FB3]  }
0x39: {  	_ = 	snop;
	(pc) =	sbr.ind lr, $3  }
0x3a: {  	_ = 	snop  }
0x3b: {  	_ = 	snop  }
0x3c: {  	p2 =	seq.s32 s10, $0x1;
	s10 =	sld [smem:$0x3FB2]  }
0x3d: {  	_ =	shalt  }
0x3e: {  	_ =	shalt  }
0x3f: {  	_ =	shalt  }
0x40: {  	_ =	shalt  }
0x41: {  	_ =	shalt  }
0x42: {  	_ =	shalt  }
0x43: {  	_ =	shalt  }
0x44: {  	_ =	shalt  }
0x45: {  	_ =	shalt  }
0x46: {  	_ =	shalt  }
0x47: {  	_ =	shalt  }
0x48: {  	_ =	shalt  }
0x49: {  	_ =	shalt  }
0x4a: {  	_ =	shalt  }
0x4b: {  	_ =	shalt  }
0x4c: {  	_ =	shalt  }
0x4d: {  	_ =	shalt  }
0x4e: {  	_ =	shalt  }
0x4f: {  	_ =	shalt  }
0x50: {  	_ =	shalt  }
0x51: {  	_ =	shalt  }
0x52: {  	_ =	shalt  }
0x53: {  	_ =	shalt  }
0x54: {  	_ =	shalt  }
0x55: {  	_ =	shalt  }
0x56: {  	_ =	shalt  }
0x57: {  	_ =	shalt  }
0x58: {  	_ =	shalt  }
0x59: {  	_ =	shalt  }
0x5a: {  	_ =	shalt  }
0x5b: {  	_ =	shalt  }
0x5c: {  	_ =	shalt  }
0x5d: {  	_ =	shalt  }
0x5e: {  	_ =	shalt  }
0x5f: {  	_ =	shalt  }
0x60: {  	_ =	shalt  }
0x61: {  	_ =	shalt  }
0x62: {  	_ =	shalt  }
0x63: {  	_ =	shalt  }
0x64: {  	_ =	shalt  }
0x65: {  	_ =	shalt  }
0x66: {  	_ =	shalt  }
0x67: {  	_ =	shalt  }
0x68: {  	_ =	shalt  }
0x69: {  	_ =	shalt  }
0x6a: {  	_ =	shalt  }
0x6b: {  	_ =	shalt  }
0x6c: {  	_ =	shalt  }
0x6d: {  	_ =	shalt  }
0x6e: {  	_ =	shalt  }
0x6f: {  	_ =	shalt  }
0x70: {  	_ =	shalt  }
0x71: {  	_ =	shalt  }
0x72: {  	_ =	shalt  }
0x73: {  	_ =	shalt  }
0x74: {  	_ =	shalt  }
0x75: {  	_ =	shalt  }
0x76: {  	_ =	shalt  }
0x77: {  	_ =	shalt  }
0x78: {  	_ =	shalt  }
0x79: {  	_ =	shalt  }
0x7a: {  	_ =	shalt  }
0x7b: {  	_ =	shalt  }
0x7c: {  	_ =	shalt  }
0x7d: {  	_ =	shalt  }
0x7e: {  	_ =	shalt  }
0x7f: {  	_ =	shalt  }
0x80: {  	_ =	shalt  }
0x81: {  	_ =	shalt  }
0x82: {  	_ =	shalt  }
0x83: {  	_ =	shalt  }
0x84: {  	_ =	shalt  }
0x85: {  	_ =	shalt  }
0x86: {  	_ =	shalt  }
0x87: {  	_ =	shalt  }
.Lfunc_end0:
.L_simem_size_0:
called_computation.1_lowered:
.L_overlay_start_0:
0x88: {  	s2 =	sld [smem:$0x3FD9]  }
0x89: {  	s3 =	sld [smem:$0x3FFE];
	_ =	sdelay $0x1  }
0x8a: {  	s1 =	srdreg.scid  }
0x8b: {  	s0 =	sand.u32 $0x1, s1  }
0x8c: {  	s17 =	sshll.u32 s0, $0xA;
	s2 =	sadd.s32 s3, s2  }
0x8d: {  	s2 =	sadd.s32 s2, s17  }
0x8e: {  	[smem:$0x3FBE] =	sst s2  }
0x8f: {  	_ = 	snop  }
0x90: {  	s2 =	sld [smem:$0x3FD0];
	(tm) =	ssettm $0x1  }
0x91: {  	s18 =	sld [smem:$0x3FFB];
	_ =	sdelay $0x3  }
0x92: {  	_ =	strace s18  }
0x93: {  	s3 =	sld [smem:$0x3FFC];
	_ =	sdelay $0x3  }
0x94: {  	_ =	strace s3  }
0x95: {  	s3 =	sld [smem:$0x3FFD];
	_ =	sdelay $0x3  }
0x96: {  	_ =	strace s3  }
0x97: {  	_ =	strace $0x8FFFFFFF  }
0x98: {  	s19 =	sld [smem:$0x3FDB];
	_ =	sdelay $0x1  }
0x99: {  	s4 =	simm.s32 $_scs_section_size  }
0x9a: {  	s5 =	simm.s32 $_size__tile_overlayer_lowered;
	s6 =	simm.s32 $_tile_overlayer_lowered  }
0x9b: {  	s22 =	simm.s32 $0x1BFF;
	s21 =	sshll.u32 s6, $0x1;
	s3 =	sadd.s32 s4, s19  }
0x9c: {  	s7 =	simm.s32 $0x0;
	s20 =	sshll.u32 s5, $0x1;
	s5 =	sadd.s32 s21, s3  }
0x9d: {  	[timem:s7], [sflag:s22] =	dma.local [hbm:s5], s20  }
0x9e: {  	_ =	swait.ge [sflag:s22], s20  }
0x9f: {  	s4 =	ssub.s32 $0x0, s20;
	[sflag:s22] =	ssyncset.done $0x0  }
0xa0: {  	[sflag:s22] =	ssyncadd.s32 s4;
	_ =	sdelay $0x1  }
0xa1: {  	s23 =	simm.s32 $0x1B8B  }
0xa2: {  	_ =	swait.ge [sflag:s23], $0x1  }
0xa3: {  	[sflag:s23] =	ssyncset.done $0x0  }
0xa4: {  	s25 =	simm.s32 $0x1B8E;
	s24 =	sld [smem:$0x3FFE];
	[sflag:s23] =	ssyncadd.s32 $0xFFFFFFFF  }
0xa5: {  	s26 =	simm.s32 $execute0_lowered;
	[smem:$0x3FD2] =	sst s25  }
0xa6: {  	s5 =	sshll.u32 s26, $0x1;
	_ =	strace $0x80000049;
	[dreg:$0x1] =	wrdreg $0xFFFFFFFF  }
0xa7: {  	s28 =	simm.s32 $_size_execute0_lowered;
	s3 =	sadd.s32 s3, s5;
	[dreg:$0x0] =	wrdreg $0x0  }
0xa8: {  	s5 =	sshll.u32 s28, $0x1;
	[dreg:$0x2] =	wrdreg s3  }
0xa9: {  	[dreg:$0x3] =	wrdreg s5  }
0xaa: {  	[dreg:$0x4] =	wrdreg $0xC0  }
0xab: {  	_ =	task [dreg:s7], $0x5FFFF  }
0xac: {  	[dreg:$0x1] =	wrdreg $0xFFFFFFFF  }
0xad: {  	[dreg:$0x0] =	wrdreg $0x60  }
0xae: {  	[dreg:$0x2] =	wrdreg s24  }
0xaf: {  	[dreg:$0x3] =	wrdreg s2  }
0xb0: {  	[dreg:$0x4] =	wrdreg $0x8A100  }
0xb1: {  	[dreg:$0x5] =	wrdreg $0x12A100  }
0xb2: {  	[dreg:$0x6] =	wrdreg $0x9  }
0xb3: {  	_ =	task.clear_ibuf [dreg:s7], $0x7FFFF;
	_ =	strace $0x90000049  }
0xb4: {  	s29 =	simm.s32 $0x9;
	_ =	strace $0x8000004B  }
0xb5: {  	_ =	swait.ge [sflag:s29], $0x1  }
0xb6: {  	[sflag:s29] =	ssyncadd.s32 $0xFFFFFFFF  }
0xb7: {  	_ =	strace $0x9000004B  }
0xb8: {  	_ =	sfence  }
0xb9: {  	s30 =	sld [smem:$0x0];
	_ =	sdelay $0x2  }
0xba: {  	s31 =	sshll.u32 s1, $0xD;
	s1 =	sshrl.u32 s1, $0x2  }
0xbb: {  	s3 =	sand.u32 $0x4000, s31;
	s1 =	sadd.s32 s1, s30  }
0xbc: {  	s0 =	sor.u32 s3, s0;
	s1 =	sshll.u32 s1, $0x11  }
0xbd: {  	s0 =	sor.u32 s1, s0  }
0xbe: {  	s0 =	sadd.s32 $0x8F2B, s0  }
0xbf: {  	[sflag:s0] =	ssyncadd.remote.s32 $0x1  }
0xc0: {  	_ =	sfence.sel $0xFFFF  }
0xc1: {  	[dreg:$0x0] =	wrdreg $0xFFFFFFFF;
	(pc) =	sbr.abs _section_cstart, $3  }
0xc2: {  	[dreg:$0x1] =	wrdreg $0xFFFFFFFF  }
0xc3: {  	_ =	task.clear_ibuf [dreg:s7], $0x2FFFF;
	_ =	strace $0x9FFFFFFF  }
0xc4: {  	(tm) =	ssettm $0x7FFFFFFF  }
0xc5: {  	_ =	shalt  }
tec
execute0_lowered:
.L_overlay_start_1:
0x0: {  	(tag) =	ssettag $0x1  }
0x1: {  	s0 =	rddreg [dreg:$0x0]  }
0x2: {  	s17 =	rddreg [dreg:$0x1]  }
0x3: {  	s15 =	rddreg [dreg:$0x2]  }
0x4: {  	s16 =	rddreg [dreg:$0x3];
	s4 =	simm.s32 $0x0;
	s1 =	srdreg.scid  }
0x5: {  	s18 =	stileid.u32;
	s28 =	simm.s32 $0x80;
	s29 =	simm.s32 $0x180  }
0x6: {  	s30 =	simm.s32 $0x1;
	[smem:$0x7FF] =	sst s4;
	s5 =	sadd.s32 $0x3E200, s0  }
0x7: {  	s6 =	sadd.s32 $0x33A00, s0;
	s1 =	sand.u32 $0x1, s1;
	s7 =	sadd.s32 $0x7800, s0  }
0x8: {  	s9 =	sadd.s32 $0x2800, s0;
	s3 =	sadd.s32 $0x2600, s0;
	s31 =	smul.u32 $0xA000, s18  }
0x9: {  	s8 =	sadd.s32 $0xC800, s0;
	s10 =	sshll.u32 s18, $0x1;
	s11 =	smul.u32 $0x2800, s18  }
0xa: {  	s12 =	sadd.s32 $0x48A00, s0;
	_ =	strace $0x8000004A;
	[dreg:$0x5] =	wrdreg s3  }
0xb: {  	p0 =	sne.s32 s18, $0x0;
	s2 =	smul.u32 $0xA0000, s1;
	[dreg:$0x6] =	wrdreg s8  }
0xc: {  	s13 =	smul.u32 $0x28000, s1;
	s10 =	sor.u32 s1, s10;
	s1 =	ssub.s32 $0x2, s1  }
0xd: {  	[dreg:$0x7] =	wrdreg s12;
	s10 =	smul.u32 $0x2A00, s10;
	s14 =	sshrl.u32 s1, $0x1  }
0xe: {  	s25 =	sadd.s32 s31, s15;
	s26 =	sadd.s32 s11, s16;
	s2 =	sadd.s32 s31, s2  }
0xf: {  	s8 =	sadd.s32 s11, s13;
	s1 =	ssub.s32 s1, s14;
	s14 =	smov.u32 s15  }
0x10: {  	s15 =	smov.u32 s16;
	s31 =	sshrl.u32 s25, $0x3;
	s16 =	simm.s32 $0x5  }
0x11: {  	s2 =	sshrl.u32 s2, $0x3;
	s23 =	sor.u32 $0x100, s10;
	[dreg:$0x11] =	wrdreg s31  }
0x12: {  	s8 =	sshrl.u32 s8, $0x3;
	s24 =	sor.u32 $0x180, s10;
	[dreg:$0xc] =	wrdreg s23  }
0x13: {  	s13 =	sshrl.u32 s10, $0x3;
	s1 =	smax.u32 s1, $0x1;
	[dreg:$0xd] =	wrdreg s24  }
0x14: {  	s10 =	simm.s32 $0x6;
	s20 =	sadd.s32 s5, s13;
	[dreg:$0x10] =	wrdreg s1  }
0x15: {  	s19 =	sor.u32 $0x10, s13;
	s21 =	sadd.s32 s6, s13;
	[dreg:$0x8] =	wrdreg s20  }
0x16: {  	s2 =	sadd.s32 s2, s0;
	[dreg:$0x9] =	wrdreg s21;
	s22 =	sadd.s32 s5, s19  }
0x17: {  	s0 =	sadd.s32 s8, s0;
	s8 =	sadd.s32 s6, s19;
	[dreg:$0xa] =	wrdreg s22  }
0x18: {  	s13 =	simm.s32 $0x3;
	s2 =	sadd.s32 $0x4DA00, s2;
	[dreg:$0xb] =	wrdreg s8  }
0x19: {  	s1 =	simm.s32 $0x0;
	s0 =	sadd.s32 $0x20800, s0;
	[dreg:$0xe] =	wrdreg s2  }
0x1a: {  	s19 =	simm.s32 $0x4;
	[dreg:$0xf] =	wrdreg s0;
	s0 =	sshrl.u32 s26, $0x3  }
0x1b: {  	s26 =	simm.s32 $0x100;
	s8 =	simm.s32 $0x2;
	[dreg:$0x12] =	wrdreg s0  }
.LBB2_1:
0x1c: {  	[dreg:$0x13] =	wrdreg s1  }
0x1d: {  	s0 =	sshrl.u32 @!p0 s14, $0x3;
	s1 =	simm.s32 @!p0 $0x1C06;
	s2 =	rddreg [dreg:$0x6]  }
0x1e: {  	[spmem:s0], [sflag:s1] =	dma.local @!p0 [hbm:s2], $0x14000  }
0x1f: {  	s0 =	simm.s32 @!p0 $0x6  }
0x20: {  	_ =	swait.ge @!p0 [sflag:s0], $0x14000  }
0x21: {  	[sflag:s0] =	ssyncset.done @!p0 $0x0  }
0x22: {  	s2 =	sshrl.u32 @!p0 s15, $0x3;
	s3 =	rddreg [dreg:$0x7];
	[sflag:s0] =	ssyncadd.s32 @!p0 $0xFFFEC000  }
0x23: {  	[spmem:s2], [sflag:s1] =	dma.local @!p0 [hbm:s3], $0x5000  }
0x24: {  	_ =	swait.ge @!p0 [sflag:s0], $0x5000  }
0x25: {  	[sflag:s0] =	ssyncset.done @!p0 $0x0  }
0x26: {  	s18 =	simm.s32 $0x8A00;
	s12 =	rddreg [dreg:$0x5];
	[sflag:s0] =	ssyncadd.s32 @!p0 $0xFFFFB000  }
0x27: {  	[tilespmem:s18], [sflag:$0x6] =	stream.linear.gather [hbm4b:s12+s4], $0x10, $0x38;
	[tilespmem:$0x15210] =	vst v63  }
0x28: {  	_ =	swait.ge [sflag:s10], $0x10  }
0x29: {  	[sflag:s10] =	ssyncset.done $0x0  }
0x2a: {  	[sflag:s10] =	ssyncadd.s32 $0xFFFFFFF0  }
0x2b: {  	[bflag:$0x0] =	sbarrier.arrive $0xFFFF  }
0x2c: {  	s20 =	rddreg [dreg:$0x8]  }
0x2d: {  	v0 =	vld [tilespmem:$0x8A00];
	[tilespmem:s4], [sflag:$0x1] =	stream.linear.gather [hbm4b:s20+s4], $0x80, $0x38  }
0x2e: {  	s21 =	rddreg [dreg:$0x9]  }
0x2f: {  	[tilespmem:s26], [sflag:$0x1] =	stream.linear.gather [hbm4b:s21+s4], $0x80, $0x38;
	[tilespmem:$0x15210] =	vst v63  }
0x30: {  	s22 =	rddreg [dreg:$0xa]  }
0x31: {  	[tilespmem:s28], [sflag:$0x2] =	stream.linear.gather [hbm4b:s22+s4], $0x80, $0x38;
	[tilespmem:$0x15210] =	vst v63  }
0x32: {  	s23 =	rddreg [dreg:$0xb]  }
0x33: {  	[tilespmem:s29], [sflag:$0x2] =	stream.linear.gather [hbm4b:s23+s4], $0x80, $0x38;
	[tilespmem:$0x15210] =	vst v63  }
0x34: {  	_ =	swait.ge [sflag:s30], $0x80  }
0x35: {  	[sflag:s30] =	ssyncset.done $0x0  }
0x36: {  	[sflag:s30] =	ssyncadd.s32 $0xFFFFFF80  }
0x37: {  	_ =	swait.ge [sflag:s30], $0x80  }
0x38: {  	[sflag:s30] =	ssyncset.done $0x0  }
0x39: {  	s24 =	simm.s32 $0x200;
	[sflag:s30] =	ssyncadd.s32 $0xFFFFFF80  }
0x3a: {  	[tilespmem:s24], [sflag:$0x3] =	stream.indirect.gather [hbm4b:s7+s28], $0x10, s4, s28, $0xb8;
	[tilespmem:$0x15210] =	vst v63  }
0x3b: {  	s25 =	simm.s32 $0x1200  }
0x3c: {  	[tilespmem:s25], [sflag:$0x3] =	stream.indirect.gather [hbm4b:s9+s28], $0x10, s26, s28, $0xb8;
	[tilespmem:$0x15210] =	vst v63  }
0x3d: {  	s31 =	simm.s32 $0x2A00;
	s21 =	simm.s32 $0x0  }
0x3e: {  	[tilespmem:s31], [sflag:$0x3] =	stream.indirect.gather [hbm4b:s17+s28], $0x40, s4, s28, $0xb8;
	[tilespmem:$0x15210] =	vst v63  }
.LBB2_2:
0x3f: {  	_ =	swait.ge [sflag:s8], $0x80  }
0x40: {  	[sflag:s8] =	ssyncset.done $0x0  }
0x41: {  	[sflag:s8] =	ssyncadd.s32 $0xFFFFFF80  }
0x42: {  	_ =	swait.ge [sflag:s8], $0x80  }
0x43: {  	[sflag:s8] =	ssyncset.done $0x0  }
0x44: {  	s0 =	simm.s32 $0xA00;
	[sflag:s8] =	ssyncadd.s32 $0xFFFFFF80  }
0x45: {  	[tilespmem:s0], [sflag:$0x4] =	stream.indirect.gather [hbm4b:s7+s28], $0x10, s28, s28, $0xb8;
	[tilespmem:$0x15210] =	vst v63  }
0x46: {  	s18 =	simm.s32 $0x1A00  }
0x47: {  	[tilespmem:s18], [sflag:$0x4] =	stream.indirect.gather [hbm4b:s9+s28], $0x10, s29, s28, $0xb8;
	[tilespmem:$0x15210] =	vst v63  }
0x48: {  	s20 =	simm.s32 $0x4A00  }
0x49: {  	[tilespmem:s20], [sflag:$0x4] =	stream.indirect.gather [hbm4b:s17+s28], $0x40, s28, s28, $0xb8;
	[tilespmem:$0x15210] =	vst v63  }
0x4a: {  	_ =	swait.ge [sflag:s13], $0x800  }
0x4b: {  	[sflag:s13] =	ssyncset.done $0x0  }
0x4c: {  	[sflag:s13] =	ssyncadd.s32 $0xFFFFF800  }
0x4d: {  	_ =	swait.ge [sflag:s13], $0x800  }
0x4e: {  	[sflag:s13] =	ssyncset.done $0x0  }
0x4f: {  	[sflag:s13] =	ssyncadd.s32 $0xFFFFF800  }
0x50: {  	_ =	swait.ge [sflag:s13], $0x2000  }
0x51: {  	[sflag:s13] =	ssyncset.done $0x0  }
0x52: {  	s22 =	simm.s32 $0x220;
	[sflag:s13] =	ssyncadd.s32 $0xFFFFE000  }
0x53: {  	s1 =	simm.s32 $0x1220;
	v1 =	vld [tilespmem:s22+$0x10]  }
0x54: {  	v2 =	vld [tilespmem:s1+$0x10];
	_ =	sdelay $0x4  }
0x55: {  	v1 =	vadd.f32 v2, v1;
	v2 =	vadd.f32 v2, v0;
	_ =	sdelay $0x1  }
0x56: {  	v5 =	vld [tilespmem:s1+$0xFFFFFFE0];
	v3 =	vmul.f32 $2.000000030e-01, v1;
	v4 =	vmul.f32 $2.000000030e-01, v2  }
0x57: {  	v6 =	vld [tilespmem:s22+$0xFFFFFFF0]  }
0x58: {  	v1 =	vmax.f32 v1, v3;
	v2 =	vmax.f32 v2, v4;
	v3 =	vld [tilespmem:s1+$0xFFFFFFF0]  }
0x59: {  	v1 =	vsub.f32 v1, v2;
	v2 =	vld [tilespmem:s22+$0xFFFFFFE0];
	_ =	sdelay $0x1  }
0x5a: {  	v8 =	vld [tilespmem:s1+$0x0];
	v1 =	vmul.f32 $1.442695020e+00, v1  }
0x5b: {  	v7 =	vadd.f32 v5, v0;
	v4 =	vld [tilespmem:s22+$0x0]  }
0x5c: {  	(erf) = vpow2.f32 v1;
	v1 =	vadd.f32 v3, v6;
	v3 =	vadd.f32 v3, v0  }
0x5d: {  	v6 =	vmul.f32 $2.000000030e-01, v7;
	v2 =	vadd.f32 v5, v2  }
0x5e: {  	v5 =	vmul.f32 $2.000000030e-01, v1;
	v9 =	vmul.f32 $2.000000030e-01, v3  }
0x5f: {  	v6 =	vmax.f32 v7, v6;
	v7 =	vmul.f32 $2.000000030e-01, v2  }
0x60: {  	s23 =	simm.s32 $0x260;
	v4 =	vadd.f32 v8, v4;
	v1 =	vmax.f32 v1, v5;
	v3 =	vmax.f32 v3, v9  }
0x61: {  	s25 =	simm.s32 $0x1260;
	v5 =	vadd.f32 v8, v0;
	v2 =	vmax.f32 v2, v7;
	v1 =	vsub.f32 v1, v3;
	v3 =	vld [tilespmem:s23+$0x10]  }
0x62: {  	v2 =	vsub.f32 v2, v6;
	v6 =	vld [tilespmem:s25+$0x10]  }
0x63: {  	v7 =	vmul.f32 $2.000000030e-01, v4;
	v9 =	vmul.f32 $2.000000030e-01, v5  }
0x64: {  	v1 =	vmul.f32 $1.442695020e+00, v1  }
0x65: {  	v4 =	vmax.f32 v4, v7;
	v2 =	vmul.f32 $1.442695020e+00, v2;
	v5 =	vmax.f32 v5, v9  }
0x66: {  	s2 =	simm.s32 $0x2220;
	v8 =	vpop (erf);
	(erf) = vpow2.f32 v1;
	v1 =	vsub.f32 v4, v5  }
0x67: {  	s11 =	simm.s32 $0x2A80;
	[tilespmem:s2+$0x10] =	vst v8;
	(erf) = vpow2.f32 v2;
	v3 =	vadd.f32 v6, v3;
	v4 =	vadd.f32 v6, v0  }
0x68: {  	v2 =	vld [tilespmem:s11+$0x40]  }
0x69: {  	v7 =	vmul.f32 $2.000000030e-01, v3;
	v9 =	vmul.f32 $2.000000030e-01, v4  }
0x6a: {  	v5 =	vld [tilespmem:s25+$0xFFFFFFE0];
	v1 =	vmul.f32 $1.442695020e+00, v1  }
0x6b: {  	v6 =	vld [tilespmem:s23+$0xFFFFFFF0];
	v3 =	vmax.f32 v3, v7;
	v4 =	vmax.f32 v4, v9  }
0x6c: {  	(erf) = vpow2.f32 v1;
	v1 =	vld [tilespmem:s25+$0xFFFFFFF0];
	v3 =	vsub.f32 v3, v4  }
0x6d: {  	v7 =	vld [tilespmem:s23+$0xFFFFFFE0];
	v2 =	vmul.f32 v8, v2  }
0x6e: {  	s24 =	simm.s32 $0x6A80;
	v11 =	vld [tilespmem:s23+$0x0];
	v3 =	vmul.f32 $1.442695020e+00, v3  }
0x6f: {  	v12 =	vld [tilespmem:s25+$0x0];
	v4 =	vadd.f32 v5, v0;
	[tilespmem:s24+$0x40] =	vst v2;
	v9 =	vpop (erf)  }
0x70: {  	v2 =	vld [tilespmem:s11+$0x50];
	v10 =	vpop (erf);
	(erf) = vpow2.f32 v3  }
0x71: {  	v13 =	vmul.f32 $2.000000030e-01, v4;
	v6 =	vadd.f32 v1, v6;
	v14 =	vadd.f32 v1, v0;
	[tilespmem:s2+$0xFFFFFFE0] =	vst v10  }
0x72: {  	s12 =	simm.s32 $0x12E0;
	v5 =	vadd.f32 v5, v7;
	v3 =	vld [tilespmem:s11+$0xFFFFFF80]  }
0x73: {  	v39 =	vld [tilespmem:s12+$0xFFFFFFF0];
	s1 =	simm.s32 $0x2A0;
	v4 =	vmax.f32 v4, v13;
	v13 =	vmul.f32 $2.000000030e-01, v6;
	v15 =	vmul.f32 $2.000000030e-01, v14  }
0x74: {  	v11 =	vadd.f32 v12, v11;
	v12 =	vadd.f32 v12, v0;
	v17 =	vld [tilespmem:s1+$0x0];
	[tilespmem:s2+$0xFFFFFFF0] =	vst v9;
	v16 =	vmul.f32 $2.000000030e-01, v5  }
0x75: {  	v7 =	vld [tilespmem:s11+$0xFFFFFFC0];
	v1 =	vpop (erf);
	v6 =	vmax.f32 v6, v13;
	v13 =	vmax.f32 v14, v15;
	v2 =	vmul.f32 v8, v2  }
0x76: {  	v15 =	vmul.f32 $2.000000030e-01, v11;
	[tilespmem:s2+$0x0] =	vst v1;
	v6 =	vsub.f32 v6, v13;
	v13 =	vld [tilespmem:s1+$0x10];
	v5 =	vmax.f32 v5, v16  }
0x77: {  	s2 =	simm.s32 $0x12A0;
	v14 =	vld [tilespmem:s11+$0x0];
	v4 =	vsub.f32 v5, v4;
	[tilespmem:s24+$0x50] =	vst v2;
	v2 =	vmul.f32 $2.000000030e-01, v12;
	v3 =	vmul.f32 v10, v3  }
0x78: {  	v11 =	vmax.f32 v11, v15;
	v15 =	vld [tilespmem:s2+$0xFFFFFFF0];
	v6 =	vmul.f32 $1.442695020e+00, v6  }
0x79: {  	s3 =	simm.s32 $0x2260;
	v5 =	vld [tilespmem:s11+$0x60];
	v4 =	vmul.f32 $1.442695020e+00, v4;
	v2 =	vmax.f32 v12, v2;
	[tilespmem:s24+$0xFFFFFF80] =	vst v3;
	v12 =	vpop (erf)  }
0x7a: {  	s23 =	simm.s32 $0x2B80;
	v7 =	vmul.f32 v9, v7;
	(erf) = vpow2.f32 v6;
	v3 =	vld [tilespmem:s2+$0x10];
	[tilespmem:s3+$0x10] =	vst v12  }
0x7b: {  	(erf) = vpow2.f32 v4;
	v4 =	vld [tilespmem:s23+$0x40]  }
0x7c: {  	v22 =	vld [tilespmem:s2+$0x0];
	[tilespmem:s24+$0xFFFFFFC0] =	vst v7;
	v2 =	vsub.f32 v11, v2  }
0x7d: {  	v7 =	vld [tilespmem:s11+$0xFFFFFFD0]  }
0x7e: {  	v11 =	vld [tilespmem:s2+$0xFFFFFFE0];
	v2 =	vmul.f32 $1.442695020e+00, v2  }
0x7f: {  	v6 =	vld [tilespmem:s11+$0xFFFFFF90];
	v5 =	vmul.f32 v8, v5;
	v13 =	vadd.f32 v3, v13;
	v16 =	vadd.f32 v3, v0  }
0x80: {  	(erf) = vpow2.f32 v2;
	v2 =	vld [tilespmem:s1+$0xFFFFFFF0];
	v4 =	vmul.f32 v12, v4  }
0x81: {  	s10 =	simm.s32 $0x2E0;
	v19 =	vld [tilespmem:s1+$0xFFFFFFE0];
	v18 =	vmul.f32 $2.000000030e-01, v13;
	v20 =	vmul.f32 $2.000000030e-01, v16  }
0x82: {  	v26 =	vld [tilespmem:s10+$0x0];
	v14 =	vmul.f32 v1, v14;
	v17 =	vadd.f32 v22, v17  }
0x83: {  	v28 =	vld [tilespmem:s10+$0xFFFFFFE0];
	s25 =	simm.s32 $0x6B80;
	v21 =	vadd.f32 v11, v0;
	[tilespmem:s24+$0x60] =	vst v5;
	v3 =	vpop (erf);
	v13 =	vmax.f32 v13, v18;
	v16 =	vmax.f32 v16, v20  }
0x84: {  	v31 =	vld [tilespmem:s12+$0x0];
	s22 =	simm.s32 $0x320;
	v7 =	vmul.f32 v9, v7;
	v6 =	vmul.f32 v10, v6;
	[tilespmem:s25+$0x40] =	vst v4;
	v13 =	vsub.f32 v13, v16;
	v4 =	vpop (erf)  }
0x85: {  	v50 =	vld [tilespmem:s22+$0xFFFFFFF0];
	v18 =	vmul.f32 $2.000000030e-01, v21;
	v20 =	vadd.f32 v15, v2;
	v15 =	vadd.f32 v15, v0;
	[tilespmem:s3+$0xFFFFFFE0] =	vst v4  }
0x86: {  	v11 =	vadd.f32 v11, v19;
	[tilespmem:s24+$0xFFFFFF90] =	vst v6;
	v6 =	vmul.f32 $2.000000030e-01, v17;
	v19 =	vmul.f32 $1.442695020e+00, v13;
	v5 =	vld [tilespmem:s23+$0xFFFFFF80]  }
0x87: {  	[tilespmem:s3+$0xFFFFFFF0] =	vst v3;
	v16 =	vld [tilespmem:s23+$0x50];
	v18 =	vmax.f32 v21, v18;
	v21 =	vmul.f32 $2.000000030e-01, v20;
	v23 =	vmul.f32 $2.000000030e-01, v15  }
0x88: {  	v22 =	vadd.f32 v22, v0;
	v25 =	vmul.f32 $2.000000030e-01, v11;
	v24 =	vld [tilespmem:s23+$0xFFFFFFC0];
	(erf) = vpow2.f32 v19  }
0x89: {  	[tilespmem:s24+$0x0] =	vst v14;
	v6 =	vmax.f32 v17, v6;
	v17 =	vld [tilespmem:s12+$0xFFFFFFE0];
	v14 =	vmax.f32 v20, v21;
	v15 =	vmax.f32 v15, v23  }
0x8a: {  	[tilespmem:s24+$0xFFFFFFD0] =	vst v7;
	v11 =	vmax.f32 v11, v25;
	v13 =	vld [tilespmem:s11+$0x70];
	v14 =	vsub.f32 v14, v15;
	v15 =	vmul.f32 $2.000000030e-01, v22  }
0x8b: {  	v11 =	vsub.f32 v11, v18;
	v18 =	vld [tilespmem:s11+$0xFFFFFFE0];
	v2 =	vpop (erf);
	v5 =	vmul.f32 v4, v5  }
0x8c: {  	v20 =	vld [tilespmem:s11+$0x10];
	[tilespmem:s3+$0x0] =	vst v2;
	v16 =	vmul.f32 v12, v16;
	v7 =	vmul.f32 $1.442695020e+00, v14;
	v14 =	vmax.f32 v22, v15  }
0x8d: {  	v19 =	vld [tilespmem:s23+$0x0];
	[tilespmem:s25+$0xFFFFFF80] =	vst v5;
	v5 =	vsub.f32 v6, v14;
	v6 =	vmul.f32 v3, v24  }
0x8e: {  	[tilespmem:s25+$0x50] =	vst v16;
	(erf) = vpow2.f32 v7;
	v7 =	vld [tilespmem:s10+$0x10]  }
0x8f: {  	[tilespmem:s25+$0xFFFFFFC0] =	vst v6;
	v6 =	vld [tilespmem:s12+$0x10]  }
0x90: {  	v11 =	vmul.f32 $1.442695020e+00, v11;
	v16 =	vld [tilespmem:s23+$0x60]  }
0x91: {  	s18 =	simm.s32 $0x22A0;
	v21 =	vld [tilespmem:s11+$0xFFFFFFA0];
	v5 =	vmul.f32 $1.442695020e+00, v5;
	v14 =	vpop (erf)  }
0x92: {  	s20 =	simm.s32 $0x2C80;
	v22 =	vld [tilespmem:s10+$0xFFFFFFF0];
	v20 =	vmul.f32 v1, v20;
	(erf) = vpow2.f32 v11;
	[tilespmem:s18+$0x10] =	vst v14  }
0x93: {  	(erf) = vpow2.f32 v5;
	v5 =	vld [tilespmem:s20+$0x40]  }
0x94: {  	v19 =	vmul.f32 v2, v19;
	[tilespmem:s24+$0x10] =	vst v20;
	v15 =	vld [tilespmem:s23+$0xFFFFFF90];
	v23 =	vadd.f32 v6, v7;
	v40 =	vadd.f32 v6, v0  }
0x95: {  	v49 =	vld [tilespmem:s11+$0x20];
	v16 =	vmul.f32 v12, v16  }
0x96: {  	[tilespmem:s25+$0x0] =	vst v19;
	v11 =	vld [tilespmem:s23+$0xFFFFFFD0];
	v27 =	vmul.f32 $2.000000030e-01, v23;
	v29 =	vmul.f32 $2.000000030e-01, v40  }
0x97: {  	v8 =	vmul.f32 v13, v8;
	s12 =	simm.s32 $0x1320;
	v46 =	vld [tilespmem:s23+$0x10]  }
0x98: {  	v13 =	vld [tilespmem:s12+$0xFFFFFFE0];
	[tilespmem:s25+$0x60] =	vst v16;
	v6 =	vpop (erf);
	v5 =	vmul.f32 v14, v5;
	v23 =	vmax.f32 v23, v27;
	v25 =	vmax.f32 v40, v29  }
0x99: {  	v26 =	vadd.f32 v31, v26;
	s10 =	simm.s32 $0x6C80;
	v51 =	vld [tilespmem:s12+$0xFFFFFFF0];
	v15 =	vmul.f32 v4, v15;
	[tilespmem:s18+$0xFFFFFFF0] =	vst v6;
	v23 =	vsub.f32 v23, v25  }
0x9a: {  	v18 =	vmul.f32 v9, v18;
	v24 =	vadd.f32 v39, v0;
	v22 =	vadd.f32 v39, v22;
	v52 =	vld [tilespmem:s12+$0x0];
	[tilespmem:s10+$0x40] =	vst v5  }
0x9b: {  	v30 =	vadd.f32 v17, v0;
	v7 =	vpop (erf);
	v11 =	vmul.f32 v3, v11;
	[tilespmem:s25+$0xFFFFFF90] =	vst v15;
	v42 =	vld [tilespmem:s20+$0x50];
	v23 =	vmul.f32 $1.442695020e+00, v23  }
0x9c: {  	v17 =	vadd.f32 v17, v28;
	v45 =	vmul.f32 $2.000000030e-01, v24;
	v16 =	vld [tilespmem:s23+$0x70];
	v15 =	vmul.f32 $2.000000030e-01, v22;
	[tilespmem:s18+$0xFFFFFFE0] =	vst v7  }
0x9d: {  	v21 =	vmul.f32 v10, v21;
	v43 =	vld [tilespmem:s20+$0xFFFFFFC0];
	[tilespmem:s25+$0xFFFFFFD0] =	vst v11;
	v11 =	vadd.f32 v31, v0;
	v5 =	vpop (erf);
	(erf) = vpow2.f32 v23  }
0x9e: {  	v41 =	vmul.f32 $2.000000030e-01, v30;
	v20 =	vmax.f32 v24, v45;
	v32 =	vld [tilespmem:s20+$0xFFFFFF80];
	v15 =	vmax.f32 v22, v15  }
0x9f: {  	[tilespmem:s24+$0xFFFFFFA0] =	vst v21;
	v21 =	vmul.f32 $2.000000030e-01, v26;
	v47 =	vld [tilespmem:s23+$0xFFFFFFA0];
	v15 =	vsub.f32 v15, v20;
	v20 =	vmul.f32 $2.000000030e-01, v11  }
0xa0: {  	[tilespmem:s24+$0xFFFFFFE0] =	vst v18;
	v19 =	vmax.f32 v30, v41;
	v22 =	vld [tilespmem:s23+$0xFFFFFFE0];
	v23 =	vmul.f32 $2.000000030e-01, v17;
	v48 =	vmul.f32 v14, v42  }
0xa1: {  	v21 =	vmax.f32 v26, v21;
	v15 =	vmul.f32 $1.442695020e+00, v15;
	[tilespmem:s18+$0x0] =	vst v5;
	v11 =	vmax.f32 v11, v20;
	v20 =	vld [tilespmem:s11+$0xFFFFFFF0]  }
0xa2: {  	v12 =	vmul.f32 v16, v12;
	v44 =	vld [tilespmem:s20+$0x0];
	v11 =	vsub.f32 v21, v11;
	v17 =	vmax.f32 v17, v23;
	[tilespmem:s10+$0x50] =	vst v48  }
0xa3: {  	[tilespmem:s24+$0x70] =	vst v8;
	(erf) = vpow2.f32 v15;
	v17 =	vsub.f32 v17, v19;
	v19 =	vmul.f32 v7, v32;
	v24 =	vld [tilespmem:s20+$0x60]  }
0xa4: {  	[tilespmem:s25+$0x70] =	vst v12;
	v18 =	vmul.f32 v6, v43;
	v21 =	vld [tilespmem:s12+$0x10]  }
0xa5: {  	v17 =	vmul.f32 $1.442695020e+00, v17;
	[tilespmem:s10+$0xFFFFFF80] =	vst v19;
	v19 =	vld [tilespmem:s22+$0x10]  }
0xa6: {  	s31 =	simm.s32 $0x22E0;
	v12 =	vmul.f32 v4, v47;
	[tilespmem:s10+$0xFFFFFFC0] =	vst v18;
	v18 =	vmul.f32 $1.442695020e+00, v11;
	v15 =	vld [tilespmem:s20+$0xFFFFFF90];
	v11 =	vpop (erf)  }
0xa7: {  	s0 =	simm.s32 $0x2D80;
	v22 =	vmul.f32 v3, v22;
	(erf) = vpow2.f32 v17;
	v17 =	vld [tilespmem:s20+$0xFFFFFFD0];
	[tilespmem:s31+$0x10] =	vst v11  }
0xa8: {  	v26 =	vadd.f32 v51, v50;
	[tilespmem:s25+$0xFFFFFFA0] =	vst v12;
	v8 =	vmul.f32 v5, v44;
	v24 =	vmul.f32 v14, v24;
	v16 =	vld [tilespmem:s0+$0x40]  }
0xa9: {  	v23 =	vld [tilespmem:s11+$0xFFFFFFB0];
	[tilespmem:s25+$0xFFFFFFE0] =	vst v22;
	(erf) = vpow2.f32 v18;
	v18 =	vmul.f32 v2, v46  }
0xaa: {  	v25 =	vmul.f32 v1, v49;
	v22 =	vmul.f32 $2.000000030e-01, v26;
	v19 =	vadd.f32 v21, v19;
	[tilespmem:s10+$0x60] =	vst v24  }
0xab: {  	v21 =	vadd.f32 v21, v0;
	[tilespmem:s25+$0x10] =	vst v18;
	v18 =	vmul.f32 v20, v9;
	v15 =	vmul.f32 v7, v15;
	v20 =	vld [tilespmem:s22+$0x0]  }
0xac: {  	v58 =	vadd.f32 v51, v0;
	[tilespmem:s10+$0x0] =	vst v8;
	v8 =	vpop (erf);
	v24 =	vld [tilespmem:s20+$0x70];
	v12 =	vmul.f32 v6, v17;
	v53 =	vmul.f32 $2.000000030e-01, v19  }
0xad: {  	[tilespmem:s31+$0xFFFFFFF0] =	vst v8;
	v17 =	vadd.f32 v13, v0;
	v54 =	vmul.f32 $2.000000030e-01, v21;
	v9 =	vmul.f32 v11, v16;
	v16 =	vld [tilespmem:s22+$0xFFFFFFE0]  }
0xae: {  	s1 =	simm.s32 $0x6D80;
	v59 =	vadd.f32 v52, v0;
	v23 =	vmul.f32 v23, v10;
	v61 =	vld [tilespmem:s20+$0x10];
	[tilespmem:s10+$0xFFFFFF90] =	vst v15;
	v15 =	vmul.f32 $2.000000030e-01, v58  }
0xaf: {  	v57 =	vld [tilespmem:s0+$0xFFFFFFC0];
	v55 =	vmul.f32 $2.000000030e-01, v17;
	v19 =	vmax.f32 v19, v53;
	v21 =	vmax.f32 v21, v54;
	[tilespmem:s1+$0x40] =	vst v9  }
0xb0: {  	[tilespmem:s10+$0xFFFFFFD0] =	vst v12;
	v12 =	vmax.f32 v26, v22;
	v19 =	vsub.f32 v19, v21;
	v15 =	vmax.f32 v58, v15;
	v10 =	vpop (erf);
	v21 =	vld [tilespmem:s0+$0x50]  }
0xb1: {  	v22 =	vmul.f32 $2.000000030e-01, v59;
	v62 =	vld [tilespmem:s20+$0xFFFFFFA0];
	v20 =	vadd.f32 v52, v20;
	v15 =	vsub.f32 v12, v15;
	[tilespmem:s31+$0xFFFFFFE0] =	vst v10  }
0xb2: {  	[tilespmem:s24+$0xFFFFFFF0] =	vst v18;
	v14 =	vmul.f32 v24, v14;
	v56 =	vld [tilespmem:s0+$0xFFFFFF80];
	v9 =	vpop (erf);
	v13 =	vadd.f32 v13, v16;
	v16 =	vmul.f32 $1.442695020e+00, v19  }
0xb3: {  	v12 =	vld [tilespmem:s23+$0xFFFFFFB0];
	v18 =	vmul.f32 $1.442695020e+00, v15;
	[tilespmem:s31+$0x0] =	vst v9;
	v19 =	vmul.f32 $2.000000030e-01, v20  }
0xb4: {  	[tilespmem:s24+$0x20] =	vst v25;
	v60 =	vld [tilespmem:s0+$0x0];
	v63 =	vmul.f32 $2.000000030e-01, v13;
	(erf) = vpow2.f32 v16  }
0xb5: {  	v15 =	vld [tilespmem:s11+$0x30];
	v19 =	vmax.f32 v20, v19;
	v20 =	vmax.f32 v59, v22;
	v21 =	vmul.f32 v11, v21  }
0xb6: {  	v17 =	vmax.f32 v17, v55;
	[tilespmem:s10+$0x70] =	vst v14;
	v14 =	vld [tilespmem:s23+$0x20];
	v19 =	vsub.f32 v19, v20;
	v13 =	vmax.f32 v13, v63  }
0xb7: {  	v16 =	vld [tilespmem:s20+$0xFFFFFFE0];
	v22 =	vmul.f32 v10, v56;
	v17 =	vsub.f32 v13, v17;
	[tilespmem:s1+$0x50] =	vst v21  }
0xb8: {  	[tilespmem:s24+$0xFFFFFFB0] =	vst v23;
	v23 =	vmul.f32 v8, v57;
	v20 =	vmul.f32 $1.442695020e+00, v19;
	v19 =	vld [tilespmem:s0+$0x60]  }
0xb9: {  	[tilespmem:s1+$0xFFFFFF80] =	vst v22;
	v13 =	vld [tilespmem:s23+$0xFFFFFFF0];
	v22 =	vmul.f32 v9, v60;
	v17 =	vmul.f32 $1.442695020e+00, v17  }
0xba: {  	s2 =	simm.s32 $0x10;
	[tilespmem:s1+$0xFFFFFFC0] =	vst v23;
	(erf) = vpow2.f32 v18;
	v18 =	vld [tilespmem:s0+$0xFFFFFF90];
	v21 =	vmul.f32 v5, v61  }
0xbb: {  	s3 =	simm.s32 $0x360;
	s22 =	simm.s32 $0x2D80;
	s11 =	simm.s32 $0x6D80;
	[tilespmem:s1+$0x0] =	vst v22;
	v22 =	vmul.f32 v7, v62;
	(erf) = vpow2.f32 v17;
	v17 =	vld [tilespmem:s0+$0xFFFFFFD0]  }
.LBB2_3:
0xbc: {  	v23 =	vld [tilespmem:s3+$0x10];
	s12 =	sadd.s32 $0x40, s12;
	(erf) = vpow2.f32 v20;
	v16 =	vmul.f32 v6, v16;
	[tilespmem:s10+$0x10] =	vst v21  }
0xbd: {  	s31 =	sadd.s32 $0x40, s31;
	v14 =	vmul.f32 v2, v14;
	v20 =	vld [tilespmem:s12+$0x10];
	v21 =	vpop (erf);
	v19 =	vmul.f32 v11, v19;
	[tilespmem:s10+$0xFFFFFFA0] =	vst v22  }
0xbe: {  	s0 =	sadd.s32 $0x100, s0;
	v12 =	vmul.f32 v12, v4;
	v13 =	vmul.f32 v13, v3;
	v3 =	vmovc v6;
	v6 =	vmov v8;
	v22 =	vld [tilespmem:s12+$0xFFFFFFE0];
	[tilespmem:s31+$0x10] =	vst v21  }
0xbf: {  	s2 =	sadd.s32 $0x4, s2;
	v4 =	vmovc v7;
	v7 =	vmov v10;
	v15 =	vmul.f32 v15, v1;
	v24 =	vld [tilespmem:s0+$0x40];
	v8 =	vmul.f32 v10, v18;
	[tilespmem:s1+$0x60] =	vst v19  }
0xc0: {  	p1 =	slt.u32 s2, $0x7C;
	v1 =	vmovc v2;
	v2 =	vmov v5;
	v5 =	vmov v9;
	v10 =	vmul.f32 v6, v17;
	v17 =	vld [tilespmem:s22+$0x70];
	[tilespmem:s10+$0xFFFFFFE0] =	vst v16  }
0xc1: {  	v16 =	vld [tilespmem:s3+$0xFFFFFFF0];
	[tilespmem:s1+$0xFFFFFF90] =	vst v8  }
0xc2: {  	v18 =	vld [tilespmem:s12+$0xFFFFFFF0];
	v19 =	vadd.f32 v20, v23;
	[tilespmem:s1+$0xFFFFFFD0] =	vst v10  }
0xc3: {  	v20 =	vadd.f32 v20, v0;
	v23 =	vadd.f32 v22, v0;
	v25 =	vld [tilespmem:s3+$0x0];
	v8 =	vpop (erf);
	[tilespmem:s25+$0x20] =	vst v14  }
0xc4: {  	v14 =	vld [tilespmem:s12+$0x0];
	v26 =	vmul.f32 $2.000000030e-01, v19;
	[tilespmem:s31+$0xFFFFFFF0] =	vst v8;
	v24 =	vmul.f32 v21, v24;
	v10 =	vpop (erf)  }
0xc5: {  	s1 =	sadd.s32 $0x100, s1;
	v28 =	vmul.f32 $2.000000030e-01, v20;
	v27 =	vld [tilespmem:s3+$0xFFFFFFE0];
	[tilespmem:s31+$0xFFFFFFE0] =	vst v10;
	v9 =	vpop (erf);
	v17 =	vmul.f32 v17, v11;
	v11 =	vmov v21  }
0xc6: {  	v21 =	vmul.f32 $2.000000030e-01, v23;
	v29 =	vld [tilespmem:s0+$0xFFFFFF80];
	[tilespmem:s1+$0x40] =	vst v24  }
0xc7: {  	v19 =	vmax.f32 v19, v26;
	v20 =	vmax.f32 v20, v28;
	v16 =	vadd.f32 v18, v16;
	v24 =	vld [tilespmem:s0+$0xFFFFFFC0];
	[tilespmem:s11+$0x70] =	vst v17  }
0xc8: {  	v17 =	vmax.f32 v23, v21;
	v18 =	vadd.f32 v18, v0;
	v19 =	vsub.f32 v19, v20;
	[tilespmem:s31+$0x0] =	vst v9;
	v20 =	vld [tilespmem:s0+$0x50]  }
0xc9: {  	v21 =	vmul.f32 $2.000000030e-01, v16;
	v23 =	vadd.f32 v14, v25;
	v14 =	vadd.f32 v14, v0;
	v25 =	vld [tilespmem:s0+$0x0];
	[tilespmem:s25+$0xFFFFFFB0] =	vst v12  }
0xca: {  	v19 =	vmul.f32 $1.442695020e+00, v19;
	v12 =	vadd.f32 v22, v27;
	v22 =	vmul.f32 $2.000000030e-01, v18;
	v26 =	vld [tilespmem:s22+$0x10];
	[tilespmem:s25+$0xFFFFFFF0] =	vst v13  }
0xcb: {  	v13 =	vmax.f32 v16, v21;
	v21 =	vmul.f32 $2.000000030e-01, v23;
	v27 =	vmul.f32 $2.000000030e-01, v14;
	v28 =	vld [tilespmem:s22+$0xFFFFFFA0];
	[tilespmem:s24+$0x30] =	vst v15;
	s24 =	smov.u32 s25;
	s25 =	smov.u32 s10;
	s10 =	smov.u32 s11  }
0xcc: {  	s11 =	smov.u32 s1;
	v15 =	vmul.f32 $2.000000030e-01, v12;
	v18 =	vmax.f32 v18, v22;
	(erf) = vpow2.f32 v19;
	v16 =	vld [tilespmem:s22+$0xFFFFFFE0]  }
0xcd: {  	v19 =	vmax.f32 v23, v21;
	v21 =	vmax.f32 v14, v27;
	v20 =	vmul.f32 v11, v20;
	v14 =	vld [tilespmem:s20+$0x20]  }
0xce: {  	v18 =	vsub.f32 v13, v18;
	v15 =	vmax.f32 v12, v15;
	v19 =	vsub.f32 v19, v21;
	v12 =	vld [tilespmem:s20+$0xFFFFFFB0]  }
.Ltmp0:
0xcf: {  	v21 =	vmul.f32 v8, v24;
	v15 =	vsub.f32 v15, v17;
	v17 =	vmul.f32 v10, v29;
	[tilespmem:s1+$0x50] =	vst v20;
	v13 =	vld [tilespmem:s20+$0xFFFFFFF0];
	(pc) =	sbr.rel @p1 .LBB2_3-.Ltmp0, $4  }
0xd0: {  	v18 =	vmul.f32 $1.442695020e+00, v18;
	v20 =	vmul.f32 $1.442695020e+00, v19;
	v19 =	vld [tilespmem:s0+$0x60]  }
0xd1: {  	v23 =	vmul.f32 v9, v25;
	v22 =	vmul.f32 $1.442695020e+00, v15;
	[tilespmem:s1+$0xFFFFFF80] =	vst v17;
	v15 =	vld [tilespmem:s23+$0x30];
	s23 =	smov.u32 s20;
	s20 =	smov.u32 s22;
	s22 =	smov.u32 s0  }
0xd2: {  	(erf) = vpow2.f32 v18;
	v18 =	vld [tilespmem:s0+$0xFFFFFF90];
	[tilespmem:s1+$0xFFFFFFC0] =	vst v21;
	v21 =	vmul.f32 v5, v26  }
0xd3: {  	s3 =	sadd.s32 $0x40, s3;
	(erf) = vpow2.f32 v22;
	v17 =	vld [tilespmem:s0+$0xFFFFFFD0];
	[tilespmem:s1+$0x0] =	vst v23;
	v22 =	vmul.f32 v7, v28  }
0xd4: {  	_ = 	snop  }
0xd5: {  	s3 =	sadd.s32 $0x40, s31;
	v23 =	vpop (erf)  }
0xd6: {  	s2 =	sadd.s32 $0x100, s0;
	[tilespmem:s3+$0x10] =	vst v23  }
0xd7: {  	v24 =	vld [tilespmem:s2+$0x40]  }
0xd8: {  	[tilespmem:s10+$0x10] =	vst v21;
	v16 =	vmul.f32 v6, v16;
	(erf) = vpow2.f32 v20  }
0xd9: {  	v14 =	vmul.f32 v2, v14;
	[tilespmem:s10+$0xFFFFFFA0] =	vst v22  }
0xda: {  	v19 =	vmul.f32 v11, v19;
	[tilespmem:s10+$0xFFFFFFE0] =	vst v16;
	v18 =	vmul.f32 v10, v18  }
0xdb: {  	[tilespmem:s25+$0x20] =	vst v14  }
0xdc: {  	[tilespmem:s1+$0x60] =	vst v19;
	v20 =	vmul.f32 v23, v24  }
0xdd: {  	s18 =	sadd.s32 $0x100, s1;
	v17 =	vmul.f32 v8, v17;
	[tilespmem:s1+$0xFFFFFF90] =	vst v18;
	v16 =	vpop (erf)  }
0xde: {  	v18 =	vpop (erf);
	[tilespmem:s18+$0x40] =	vst v20;
	v20 =	vld [tilespmem:s22+$0x70]  }
0xdf: {  	[tilespmem:s3+$0xFFFFFFE0] =	vst v18;
	v19 =	vld [tilespmem:s2+$0x50]  }
0xe0: {  	[tilespmem:s3+$0xFFFFFFF0] =	vst v16;
	v21 =	vld [tilespmem:s2+$0xFFFFFF80]  }
0xe1: {  	v4 =	vmul.f32 v12, v4;
	[tilespmem:s1+$0xFFFFFFD0] =	vst v17;
	v22 =	vld [tilespmem:s2+$0xFFFFFFC0];
	v17 =	vpop (erf)  }
0xe2: {  	v3 =	vmul.f32 v13, v3;
	[tilespmem:s3+$0x0] =	vst v17  }
0xe3: {  	[tilespmem:s25+$0xFFFFFFB0] =	vst v4;
	v14 =	vld [tilespmem:s2+$0x0];
	v11 =	vmul.f32 v20, v11  }
0xe4: {  	[tilespmem:s25+$0xFFFFFFF0] =	vst v3;
	v19 =	vmul.f32 v23, v19  }
0xe5: {  	v4 =	vld [tilespmem:s22+$0x10];
	[tilespmem:s11+$0x70] =	vst v11;
	v11 =	vmul.f32 v18, v21  }
0xe6: {  	v13 =	vld [tilespmem:s22+$0xFFFFFFA0];
	[tilespmem:s18+$0x50] =	vst v19;
	v19 =	vmul.f32 v16, v22  }
0xe7: {  	v1 =	vmul.f32 v15, v1;
	v12 =	vld [tilespmem:s2+$0x60];
	[tilespmem:s18+$0xFFFFFF80] =	vst v11  }
0xe8: {  	v11 =	vmul.f32 v17, v14;
	v14 =	vld [tilespmem:s2+$0xFFFFFF90];
	[tilespmem:s18+$0xFFFFFFC0] =	vst v19  }
0xe9: {  	[tilespmem:s24+$0x30] =	vst v1;
	v3 =	vld [tilespmem:s2+$0xFFFFFFD0]  }
0xea: {  	v15 =	vld [tilespmem:s22+$0xFFFFFFE0];
	v1 =	vmul.f32 v9, v4;
	[tilespmem:s18+$0x0] =	vst v11  }
0xeb: {  	v13 =	vmul.f32 v10, v13;
	v4 =	vld [tilespmem:s2+$0x10]  }
0xec: {  	[tilespmem:s11+$0x10] =	vst v1;
	v11 =	vmul.f32 v23, v12;
	v12 =	vld [tilespmem:s20+$0x20]  }
0xed: {  	[tilespmem:s11+$0xFFFFFFA0] =	vst v13;
	v13 =	vld [tilespmem:s20+$0xFFFFFFF0];
	v1 =	vmul.f32 v18, v14  }
0xee: {  	v14 =	vld [tilespmem:s20+$0xFFFFFFB0];
	[tilespmem:s18+$0x60] =	vst v11;
	v3 =	vmul.f32 v16, v3  }
0xef: {  	v15 =	vmul.f32 v8, v15;
	v11 =	vld [tilespmem:s2+$0x70];
	[tilespmem:s18+$0xFFFFFF90] =	vst v1  }
0xf0: {  	[tilespmem:s18+$0xFFFFFFD0] =	vst v3;
	v1 =	vld [tilespmem:s2+$0xFFFFFFA0];
	v3 =	vmul.f32 v17, v4  }
0xf1: {  	[tilespmem:s11+$0xFFFFFFE0] =	vst v15;
	v4 =	vmul.f32 v5, v12;
	v12 =	vld [tilespmem:s2+$0xFFFFFFE0]  }
0xf2: {  	v15 =	vld [tilespmem:s22+$0x20];
	v6 =	vmul.f32 v13, v6;
	[tilespmem:s18+$0x10] =	vst v3  }
0xf3: {  	v3 =	vmul.f32 v14, v7;
	[tilespmem:s10+$0x20] =	vst v4;
	v4 =	vld [tilespmem:s2+$0x20]  }
0xf4: {  	[tilespmem:s10+$0xFFFFFFF0] =	vst v6;
	v7 =	vld [tilespmem:s23+$0x30];
	v11 =	vmul.f32 v11, v23  }
0xf5: {  	[tilespmem:s10+$0xFFFFFFB0] =	vst v3;
	v3 =	vld [tilespmem:s22+$0xFFFFFFB0];
	v1 =	vmul.f32 v18, v1  }
0xf6: {  	v6 =	vld [tilespmem:s22+$0xFFFFFFF0];
	[tilespmem:s18+$0x70] =	vst v11;
	v11 =	vmul.f32 v16, v12  }
0xf7: {  	v12 =	vld [tilespmem:s20+$0x30];
	[tilespmem:s18+$0xFFFFFFA0] =	vst v1;
	v1 =	vmul.f32 v9, v15  }
0xf8: {  	[tilespmem:s18+$0xFFFFFFE0] =	vst v11;
	v11 =	vld [tilespmem:s2+$0xFFFFFFB0];
	v4 =	vmul.f32 v17, v4  }
0xf9: {  	v2 =	vmul.f32 v7, v2;
	[tilespmem:s11+$0x20] =	vst v1;
	v1 =	vld [tilespmem:s2+$0xFFFFFFF0]  }
0xfa: {  	v3 =	vmul.f32 v3, v10;
	v7 =	vld [tilespmem:s22+$0x30];
	[tilespmem:s18+$0x20] =	vst v4  }
0xfb: {  	[tilespmem:s25+$0x30] =	vst v2;
	v2 =	vmul.f32 v6, v8;
	v4 =	vld [tilespmem:s2+$0x30]  }
0xfc: {  	v5 =	vmul.f32 v12, v5;
	[tilespmem:s11+$0xFFFFFFB0] =	vst v3  }
0xfd: {  	[tilespmem:s11+$0xFFFFFFF0] =	vst v2;
	v2 =	vmul.f32 v11, v18  }
0xfe: {  	[tilespmem:s10+$0x30] =	vst v5;
	v1 =	vmul.f32 v1, v16  }
0xff: {  	v3 =	vmul.f32 v7, v9;
	[tilespmem:s18+$0xFFFFFFB0] =	vst v2  }
0x100: {  	[tilespmem:s18+$0xFFFFFFF0] =	vst v1;
	v1 =	vmul.f32 v4, v17  }
0x101: {  	[tilespmem:s11+$0x30] =	vst v3  }
0x102: {  	s3 =	simm.s32 $0x2200;
	[tilespmem:s18+$0x30] =	vst v1  }
0x103: {  	[spmem:s15] =	stream.indirect.scatter.add.f32 [tilespmem:s3], [sflag:$0x5], $0x10, s26, s28, $0xb8;
	[tilespmem:$0x15210] =	vst v63  }
0x104: {  	s10 =	simm.s32 $0x6A00  }
0x105: {  	[spmem:s14] =	stream.indirect.scatter.add.f32 [tilespmem:s10], [sflag:$0x5], $0x40, s26, s28, $0xb8;
	[tilespmem:$0x15210] =	vst v63  }
0x106: {  	_ =	swait.ge [sflag:s16], $0x800  }
0x107: {  	[sflag:s16] =	ssyncset.done $0x0  }
0x108: {  	[sflag:s16] =	ssyncadd.s32 $0xFFFFF800  }
0x109: {  	_ =	swait.ge [sflag:s16], $0x2000  }
0x10a: {  	s24 =	sshll.u32 s21, $0x8;
	s11 =	rddreg [dreg:$0xc]  }
0x10b: {  	s0 =	sadd.s32 s24, s11  }
0x10c: {  	[sflag:s16] =	ssyncset.done $0x0;
	s0 =	sshrl.u32 s0, $0x3  }
0x10d: {  	[sflag:s16] =	ssyncadd.s32 $0xFFFFE000;
	s12 =	sadd.s32 s5, s0  }
0x10e: {  	[tilespmem:s4], [sflag:$0x1] =	stream.linear.gather [hbm4b:s12+s4], $0x80, $0x38;
	[tilespmem:$0x15210] =	vst v63  }
0x10f: {  	s0 =	sadd.s32 s6, s0  }
0x110: {  	[tilespmem:s26], [sflag:$0x1] =	stream.linear.gather [hbm4b:s0+s4], $0x80, $0x38;
	[tilespmem:$0x15210] =	vst v63  }
0x111: {  	_ =	swait.ge [sflag:s30], $0x80  }
0x112: {  	[sflag:s30] =	ssyncset.done $0x0  }
0x113: {  	[sflag:s30] =	ssyncadd.s32 $0xFFFFFF80  }
0x114: {  	_ =	swait.ge [sflag:s30], $0x80  }
0x115: {  	[sflag:s30] =	ssyncset.done $0x0  }
0x116: {  	s18 =	simm.s32 $0x200;
	[sflag:s30] =	ssyncadd.s32 $0xFFFFFF80  }
0x117: {  	[tilespmem:s18], [sflag:$0x3] =	stream.indirect.gather [hbm4b:s7+s28], $0x10, s4, s28, $0xb8;
	[tilespmem:$0x15210] =	vst v63  }
0x118: {  	s20 =	simm.s32 $0x1200  }
0x119: {  	[tilespmem:s20], [sflag:$0x3] =	stream.indirect.gather [hbm4b:s9+s28], $0x10, s26, s28, $0xb8;
	[tilespmem:$0x15210] =	vst v63  }
0x11a: {  	s22 =	simm.s32 $0x2A00  }
0x11b: {  	[tilespmem:s22], [sflag:$0x3] =	stream.indirect.gather [hbm4b:s17+s28], $0x40, s4, s28, $0xb8;
	[tilespmem:$0x15210] =	vst v63  }
0x11c: {  	_ =	swait.ge [sflag:s19], $0x800  }
0x11d: {  	[sflag:s19] =	ssyncset.done $0x0  }
0x11e: {  	[sflag:s19] =	ssyncadd.s32 $0xFFFFF800  }
0x11f: {  	_ =	swait.ge [sflag:s19], $0x800  }
0x120: {  	[sflag:s19] =	ssyncset.done $0x0  }
0x121: {  	[sflag:s19] =	ssyncadd.s32 $0xFFFFF800  }
0x122: {  	_ =	swait.ge [sflag:s19], $0x2000  }
0x123: {  	[sflag:s19] =	ssyncset.done $0x0  }
0x124: {  	s23 =	simm.s32 $0xA30;
	[sflag:s19] =	ssyncadd.s32 $0xFFFFE000  }
0x125: {  	s25 =	simm.s32 $0x1A30;
	v1 =	vld [tilespmem:s23+$0x0]  }
0x126: {  	v2 =	vld [tilespmem:s25+$0x0];
	_ =	sdelay $0x4  }
0x127: {  	v1 =	vadd.f32 v2, v1;
	v2 =	vadd.f32 v2, v0;
	_ =	sdelay $0x1  }
0x128: {  	v5 =	vld [tilespmem:s25+$0xFFFFFFD0];
	v3 =	vmul.f32 $2.000000030e-01, v1;
	v4 =	vmul.f32 $2.000000030e-01, v2  }
0x129: {  	v6 =	vld [tilespmem:s23+$0xFFFFFFE0]  }
0x12a: {  	v1 =	vmax.f32 v1, v3;
	v2 =	vmax.f32 v2, v4;
	v3 =	vld [tilespmem:s25+$0xFFFFFFE0]  }
0x12b: {  	v1 =	vsub.f32 v1, v2;
	v2 =	vld [tilespmem:s23+$0xFFFFFFD0];
	_ =	sdelay $0x1  }
0x12c: {  	v8 =	vld [tilespmem:s25+$0xFFFFFFF0];
	v1 =	vmul.f32 $1.442695020e+00, v1  }
0x12d: {  	v7 =	vadd.f32 v5, v0;
	v4 =	vld [tilespmem:s23+$0xFFFFFFF0]  }
0x12e: {  	(erf) = vpow2.f32 v1;
	v1 =	vadd.f32 v3, v6;
	v3 =	vadd.f32 v3, v0  }
0x12f: {  	v6 =	vmul.f32 $2.000000030e-01, v7;
	v2 =	vadd.f32 v5, v2  }
0x130: {  	v5 =	vmul.f32 $2.000000030e-01, v1;
	v9 =	vmul.f32 $2.000000030e-01, v3  }
0x131: {  	v6 =	vmax.f32 v7, v6;
	v7 =	vmul.f32 $2.000000030e-01, v2  }
0x132: {  	s2 =	simm.s32 $0xA70;
	v4 =	vadd.f32 v8, v4;
	v1 =	vmax.f32 v1, v5;
	v3 =	vmax.f32 v3, v9  }
0x133: {  	s3 =	simm.s32 $0x1A70;
	v5 =	vadd.f32 v8, v0;
	v2 =	vmax.f32 v2, v7;
	v1 =	vsub.f32 v1, v3;
	v3 =	vld [tilespmem:s2+$0x0]  }
0x134: {  	v2 =	vsub.f32 v2, v6;
	v6 =	vld [tilespmem:s3+$0x0]  }
0x135: {  	v7 =	vmul.f32 $2.000000030e-01, v4;
	v9 =	vmul.f32 $2.000000030e-01, v5  }
0x136: {  	v1 =	vmul.f32 $1.442695020e+00, v1  }
0x137: {  	v4 =	vmax.f32 v4, v7;
	v2 =	vmul.f32 $1.442695020e+00, v2;
	v5 =	vmax.f32 v5, v9  }
0x138: {  	s10 =	simm.s32 $0x2220;
	v8 =	vpop (erf);
	(erf) = vpow2.f32 v1;
	v1 =	vsub.f32 v4, v5  }
0x139: {  	s12 =	simm.s32 $0x4AF0;
	[tilespmem:s10+$0x10] =	vst v8;
	(erf) = vpow2.f32 v2;
	v3 =	vadd.f32 v6, v3;
	v4 =	vadd.f32 v6, v0  }
0x13a: {  	v2 =	vld [tilespmem:s12+$0xFFFFFFD0]  }
0x13b: {  	v7 =	vmul.f32 $2.000000030e-01, v3;
	v9 =	vmul.f32 $2.000000030e-01, v4  }
0x13c: {  	v5 =	vld [tilespmem:s3+$0xFFFFFFD0];
	v1 =	vmul.f32 $1.442695020e+00, v1  }
0x13d: {  	v6 =	vld [tilespmem:s2+$0xFFFFFFE0];
	v3 =	vmax.f32 v3, v7;
	v4 =	vmax.f32 v4, v9  }
0x13e: {  	(erf) = vpow2.f32 v1;
	v1 =	vld [tilespmem:s3+$0xFFFFFFE0];
	v3 =	vsub.f32 v3, v4  }
0x13f: {  	v7 =	vld [tilespmem:s2+$0xFFFFFFD0];
	v2 =	vmul.f32 v8, v2  }
0x140: {  	v11 =	vld [tilespmem:s2+$0xFFFFFFF0];
	s25 =	simm.s32 $0x6A80;
	v3 =	vmul.f32 $1.442695020e+00, v3  }
0x141: {  	v12 =	vld [tilespmem:s3+$0xFFFFFFF0];
	v4 =	vadd.f32 v5, v0;
	[tilespmem:s25+$0x40] =	vst v2;
	v9 =	vpop (erf)  }
0x142: {  	v2 =	vld [tilespmem:s12+$0xFFFFFFE0];
	v10 =	vpop (erf);
	(erf) = vpow2.f32 v3  }
0x143: {  	v13 =	vmul.f32 $2.000000030e-01, v4;
	v6 =	vadd.f32 v1, v6;
	v14 =	vadd.f32 v1, v0;
	[tilespmem:s10+$0xFFFFFFE0] =	vst v10  }
0x144: {  	v5 =	vadd.f32 v5, v7;
	v3 =	vld [tilespmem:s12+$0xFFFFFF10]  }
0x145: {  	s11 =	simm.s32 $0xAB0;
	v4 =	vmax.f32 v4, v13;
	v13 =	vmul.f32 $2.000000030e-01, v6;
	v15 =	vmul.f32 $2.000000030e-01, v14  }
0x146: {  	v17 =	vld [tilespmem:s11+$0xFFFFFFF0];
	v11 =	vadd.f32 v12, v11;
	v12 =	vadd.f32 v12, v0;
	v16 =	vmul.f32 $2.000000030e-01, v5  }
0x147: {  	s18 =	smov.u32 s17;
	s17 =	simm.s32 $0x1AB0;
	v19 =	vld [tilespmem:s11+$0xFFFFFFD0];
	v6 =	vmax.f32 v6, v13;
	v13 =	vmax.f32 v14, v15;
	v2 =	vmul.f32 v8, v2  }
0x148: {  	s1 =	simm.s32 $0xAF0;
	v22 =	vld [tilespmem:s17+$0xFFFFFFF0];
	[tilespmem:s10+$0xFFFFFFF0] =	vst v9;
	v6 =	vsub.f32 v6, v13;
	v5 =	vmax.f32 v5, v16  }
0x149: {  	v26 =	vld [tilespmem:s1+$0xFFFFFFF0];
	v4 =	vsub.f32 v5, v4;
	[tilespmem:s25+$0x50] =	vst v2;
	v2 =	vmul.f32 $2.000000030e-01, v12;
	v3 =	vmul.f32 v10, v3  }
0x14a: {  	s22 =	simm.s32 $0x2260;
	v7 =	vld [tilespmem:s12+$0xFFFFFF50];
	v1 =	vpop (erf);
	v6 =	vmul.f32 $1.442695020e+00, v6  }
0x14b: {  	v15 =	vmul.f32 $2.000000030e-01, v11;
	v13 =	vld [tilespmem:s11+$0x0];
	v4 =	vmul.f32 $1.442695020e+00, v4;
	v2 =	vmax.f32 v12, v2;
	[tilespmem:s25+$0xFFFFFF80] =	vst v3;
	v12 =	vpop (erf)  }
0x14c: {  	s20 =	simm.s32 $0x4BF0;
	(erf) = vpow2.f32 v6;
	v3 =	vld [tilespmem:s17+$0x0];
	[tilespmem:s22+$0x10] =	vst v12  }
0x14d: {  	[tilespmem:s10+$0x0] =	vst v1;
	v11 =	vmax.f32 v11, v15;
	(erf) = vpow2.f32 v4;
	v4 =	vld [tilespmem:s20+$0xFFFFFFD0]  }
0x14e: {  	v14 =	vld [tilespmem:s12+$0xFFFFFF90];
	v2 =	vsub.f32 v11, v2  }
0x14f: {  	v15 =	vld [tilespmem:s17+$0xFFFFFFE0]  }
0x150: {  	v11 =	vld [tilespmem:s17+$0xFFFFFFD0];
	v2 =	vmul.f32 $1.442695020e+00, v2  }
0x151: {  	v7 =	vmul.f32 v9, v7;
	v5 =	vld [tilespmem:s12+$0xFFFFFFF0];
	v13 =	vadd.f32 v3, v13;
	v16 =	vadd.f32 v3, v0  }
0x152: {  	(erf) = vpow2.f32 v2;
	v2 =	vld [tilespmem:s11+$0xFFFFFFE0];
	v4 =	vmul.f32 v12, v4  }
0x153: {  	v6 =	vld [tilespmem:s12+$0xFFFFFF20];
	v18 =	vmul.f32 $2.000000030e-01, v13;
	v20 =	vmul.f32 $2.000000030e-01, v16  }
0x154: {  	s31 =	simm.s32 $0x1B30;
	v28 =	vld [tilespmem:s1+$0xFFFFFFD0];
	v17 =	vadd.f32 v22, v17  }
0x155: {  	v50 =	vld [tilespmem:s31+$0xFFFFFFE0];
	s23 =	simm.s32 $0x6B80;
	[tilespmem:s25+$0xFFFFFFC0] =	vst v7;
	v21 =	vadd.f32 v11, v0;
	v3 =	vpop (erf);
	v13 =	vmax.f32 v13, v18;
	v16 =	vmax.f32 v16, v20  }
0x156: {  	v51 =	vld [tilespmem:s31+$0xFFFFFFF0];
	v14 =	vmul.f32 v1, v14;
	v5 =	vmul.f32 v8, v5;
	[tilespmem:s23+$0x40] =	vst v4;
	v13 =	vsub.f32 v13, v16;
	v4 =	vpop (erf)  }
0x157: {  	v7 =	vld [tilespmem:s12+$0xFFFFFF60];
	v18 =	vmul.f32 $2.000000030e-01, v21;
	v20 =	vadd.f32 v15, v2;
	v15 =	vadd.f32 v15, v0;
	[tilespmem:s22+$0xFFFFFFE0] =	vst v4  }
0x158: {  	s2 =	simm.s32 $0x1AF0;
	v6 =	vmul.f32 v10, v6;
	[tilespmem:s25+$0x60] =	vst v5;
	v11 =	vadd.f32 v11, v19;
	v19 =	vmul.f32 $1.442695020e+00, v13;
	v5 =	vld [tilespmem:s20+$0xFFFFFF10]  }
0x159: {  	v38 =	vld [tilespmem:s2+$0xFFFFFFE0];
	[tilespmem:s22+$0xFFFFFFF0] =	vst v3;
	v18 =	vmax.f32 v21, v18;
	v21 =	vmul.f32 $2.000000030e-01, v20;
	v23 =	vmul.f32 $2.000000030e-01, v15  }
0x15a: {  	v22 =	vadd.f32 v22, v0;
	[tilespmem:s25+$0xFFFFFF90] =	vst v6;
	v6 =	vmul.f32 $2.000000030e-01, v17;
	v37 =	vld [tilespmem:s20+$0xFFFFFF50]  }
0x15b: {  	v31 =	vld [tilespmem:s2+$0xFFFFFFF0];
	[tilespmem:s25+$0x0] =	vst v14;
	(erf) = vpow2.f32 v19;
	v14 =	vmax.f32 v20, v21;
	v15 =	vmax.f32 v15, v23  }
0x15c: {  	v7 =	vmul.f32 v9, v7;
	v16 =	vld [tilespmem:s20+$0xFFFFFFE0];
	v14 =	vsub.f32 v14, v15;
	v15 =	vmul.f32 $2.000000030e-01, v22  }
0x15d: {  	v25 =	vmul.f32 $2.000000030e-01, v11;
	v6 =	vmax.f32 v17, v6;
	v17 =	vld [tilespmem:s2+$0xFFFFFFD0];
	v5 =	vmul.f32 v4, v5  }
0x15e: {  	[tilespmem:s25+$0xFFFFFFD0] =	vst v7;
	v20 =	vld [tilespmem:s12+$0xFFFFFFA0];
	v7 =	vmul.f32 $1.442695020e+00, v14;
	v14 =	vmax.f32 v22, v15  }
0x15f: {  	v11 =	vmax.f32 v11, v25;
	v2 =	vpop (erf);
	v21 =	vld [tilespmem:s12+$0xFFFFFF30];
	[tilespmem:s23+$0xFFFFFF80] =	vst v5;
	v5 =	vsub.f32 v6, v14;
	v6 =	vmul.f32 v3, v37  }
0x160: {  	v11 =	vsub.f32 v11, v18;
	[tilespmem:s22+$0x0] =	vst v2;
	(erf) = vpow2.f32 v7;
	v7 =	vld [tilespmem:s1+$0x0]  }
0x161: {  	v16 =	vmul.f32 v12, v16;
	[tilespmem:s23+$0xFFFFFFC0] =	vst v6;
	v6 =	vld [tilespmem:s2+$0x0]  }
0x162: {  	v11 =	vmul.f32 $1.442695020e+00, v11;
	v19 =	vld [tilespmem:s20+$0xFFFFFF90]  }
0x163: {  	v13 =	vld [tilespmem:s12+$0x0];
	[tilespmem:s23+$0x50] =	vst v16  }
0x164: {  	s3 =	simm.s32 $0x22A0;
	v16 =	vld [tilespmem:s20+$0xFFFFFFF0];
	(erf) = vpow2.f32 v11;
	v5 =	vmul.f32 $1.442695020e+00, v5;
	v14 =	vpop (erf)  }
0x165: {  	s10 =	simm.s32 $0x4CF0;
	v20 =	vmul.f32 v1, v20;
	v15 =	vld [tilespmem:s20+$0xFFFFFF20];
	[tilespmem:s3+$0x10] =	vst v14  }
0x166: {  	(erf) = vpow2.f32 v5;
	v5 =	vld [tilespmem:s10+$0xFFFFFFD0];
	v23 =	vadd.f32 v6, v7;
	v39 =	vadd.f32 v6, v0  }
0x167: {  	v22 =	vld [tilespmem:s1+$0xFFFFFFE0];
	v21 =	vmul.f32 v10, v21;
	v19 =	vmul.f32 v2, v19  }
0x168: {  	[tilespmem:s25+$0x10] =	vst v20;
	v11 =	vld [tilespmem:s20+$0xFFFFFF60];
	v27 =	vmul.f32 $2.000000030e-01, v23;
	v29 =	vmul.f32 $2.000000030e-01, v39  }
0x169: {  	v24 =	vadd.f32 v38, v0;
	s17 =	simm.s32 $0xB30;
	v18 =	vld [tilespmem:s12+$0xFFFFFF70];
	[tilespmem:s25+$0xFFFFFFA0] =	vst v21;
	v16 =	vmul.f32 v12, v16  }
0x16a: {  	v49 =	vld [tilespmem:s17+$0xFFFFFFE0];
	[tilespmem:s23+$0x0] =	vst v19;
	v15 =	vmul.f32 v4, v15;
	v23 =	vmax.f32 v23, v27;
	v25 =	vmax.f32 v39, v29  }
0x16b: {  	v8 =	vmul.f32 v13, v8;
	v13 =	vld [tilespmem:s31+$0xFFFFFFD0];
	[tilespmem:s23+$0x60] =	vst v16;
	v5 =	vmul.f32 v14, v5;
	v23 =	vsub.f32 v23, v25  }
0x16c: {  	v26 =	vadd.f32 v31, v26;
	v44 =	vmul.f32 $2.000000030e-01, v24;
	s11 =	simm.s32 $0x6C80;
	v22 =	vadd.f32 v38, v22;
	v48 =	vld [tilespmem:s12+$0xFFFFFFB0];
	v6 =	vpop (erf);
	[tilespmem:s23+$0xFFFFFF90] =	vst v15  }
0x16d: {  	v30 =	vadd.f32 v17, v0;
	v45 =	vld [tilespmem:s20+$0xFFFFFFA0];
	v7 =	vpop (erf);
	v11 =	vmul.f32 v3, v11;
	[tilespmem:s11+$0x40] =	vst v5;
	v23 =	vmul.f32 $1.442695020e+00, v23  }
0x16e: {  	v17 =	vadd.f32 v17, v28;
	v18 =	vmul.f32 v9, v18;
	v15 =	vmul.f32 $2.000000030e-01, v22;
	[tilespmem:s3+$0xFFFFFFE0] =	vst v7;
	v41 =	vld [tilespmem:s10+$0xFFFFFFE0]  }
0x16f: {  	v40 =	vmul.f32 $2.000000030e-01, v30;
	v16 =	vld [tilespmem:s20+$0x0];
	[tilespmem:s23+$0xFFFFFFD0] =	vst v11;
	v11 =	vadd.f32 v31, v0;
	v5 =	vpop (erf);
	(erf) = vpow2.f32 v23  }
0x170: {  	v20 =	vmax.f32 v24, v44;
	v21 =	vmul.f32 $2.000000030e-01, v26;
	[tilespmem:s3+$0xFFFFFFF0] =	vst v6;
	v32 =	vld [tilespmem:s10+$0xFFFFFF10];
	v15 =	vmax.f32 v22, v15  }
0x171: {  	v42 =	vld [tilespmem:s10+$0xFFFFFF50];
	v15 =	vsub.f32 v15, v20;
	v20 =	vmul.f32 $2.000000030e-01, v11  }
0x172: {  	[tilespmem:s25+$0xFFFFFFE0] =	vst v18;
	v19 =	vmax.f32 v30, v40;
	v21 =	vmax.f32 v26, v21;
	v46 =	vld [tilespmem:s20+$0xFFFFFF30];
	v23 =	vmul.f32 $2.000000030e-01, v17  }
0x173: {  	v22 =	vld [tilespmem:s20+$0xFFFFFF70];
	v15 =	vmul.f32 $1.442695020e+00, v15;
	[tilespmem:s3+$0x0] =	vst v5;
	v11 =	vmax.f32 v11, v20;
	v47 =	vmul.f32 v14, v41  }
0x174: {  	[tilespmem:s25+$0x70] =	vst v8;
	v12 =	vmul.f32 v16, v12;
	v43 =	vld [tilespmem:s10+$0xFFFFFF90];
	v11 =	vsub.f32 v21, v11;
	v17 =	vmax.f32 v17, v23  }
0x175: {  	v21 =	vld [tilespmem:s31+$0x0];
	(erf) = vpow2.f32 v15;
	v17 =	vsub.f32 v17, v19;
	v19 =	vmul.f32 v7, v32;
	[tilespmem:s11+$0x50] =	vst v47  }
0x176: {  	[tilespmem:s23+$0x70] =	vst v12;
	v18 =	vmul.f32 v6, v42;
	v24 =	vld [tilespmem:s10+$0xFFFFFFF0]  }
0x177: {  	v17 =	vmul.f32 $1.442695020e+00, v17;
	[tilespmem:s11+$0xFFFFFF80] =	vst v19;
	v19 =	vld [tilespmem:s17+$0x0]  }
0x178: {  	s0 =	simm.s32 $0x22E0;
	v20 =	vld [tilespmem:s12+$0xFFFFFF80];
	v12 =	vmul.f32 v4, v46;
	[tilespmem:s11+$0xFFFFFFC0] =	vst v18;
	v18 =	vmul.f32 $1.442695020e+00, v11;
	v11 =	vpop (erf)  }
0x179: {  	s22 =	simm.s32 $0x4DF0;
	v22 =	vmul.f32 v3, v22;
	v15 =	vld [tilespmem:s10+$0xFFFFFF20];
	(erf) = vpow2.f32 v17;
	[tilespmem:s0+$0x10] =	vst v11  }
0x17a: {  	[tilespmem:s23+$0xFFFFFFA0] =	vst v12;
	v8 =	vmul.f32 v5, v43;
	v16 =	vld [tilespmem:s22+$0xFFFFFFD0]  }
0x17b: {  	[tilespmem:s23+$0xFFFFFFE0] =	vst v22;
	v17 =	vld [tilespmem:s10+$0xFFFFFF60];
	(erf) = vpow2.f32 v18;
	v18 =	vmul.f32 v2, v45  }
0x17c: {  	v23 =	vld [tilespmem:s12+$0xFFFFFF40];
	[tilespmem:s11+$0x0] =	vst v8;
	v24 =	vmul.f32 v14, v24;
	v19 =	vadd.f32 v21, v19  }
0x17d: {  	v25 =	vmul.f32 v1, v48;
	v60 =	vld [tilespmem:s10+$0xFFFFFFA0];
	v21 =	vadd.f32 v21, v0;
	[tilespmem:s23+$0x10] =	vst v18;
	v18 =	vmul.f32 v20, v9  }
0x17e: {  	v26 =	vadd.f32 v50, v49;
	v8 =	vpop (erf);
	[tilespmem:s11+$0x60] =	vst v24;
	v15 =	vmul.f32 v7, v15;
	v20 =	vld [tilespmem:s17+$0xFFFFFFF0];
	v52 =	vmul.f32 $2.000000030e-01, v19  }
0x17f: {  	v57 =	vadd.f32 v50, v0;
	[tilespmem:s0+$0xFFFFFFF0] =	vst v8;
	v53 =	vmul.f32 $2.000000030e-01, v21;
	v9 =	vmul.f32 v11, v16;
	v16 =	vld [tilespmem:s17+$0xFFFFFFD0]  }
0x180: {  	v58 =	vadd.f32 v51, v0;
	s2 =	simm.s32 $0x6D80;
	v22 =	vmul.f32 $2.000000030e-01, v26;
	v24 =	vld [tilespmem:s10+$0x0];
	v12 =	vmul.f32 v6, v17;
	[tilespmem:s11+$0xFFFFFF90] =	vst v15  }
0x181: {  	v17 =	vadd.f32 v13, v0;
	v56 =	vld [tilespmem:s22+$0xFFFFFF50];
	v19 =	vmax.f32 v19, v52;
	v21 =	vmax.f32 v21, v53;
	[tilespmem:s2+$0x40] =	vst v9  }
0x182: {  	v23 =	vmul.f32 v23, v10;
	v15 =	vmul.f32 $2.000000030e-01, v57;
	[tilespmem:s11+$0xFFFFFFD0] =	vst v12;
	v19 =	vsub.f32 v19, v21;
	v10 =	vpop (erf);
	v21 =	vld [tilespmem:s22+$0xFFFFFFE0]  }
0x183: {  	v54 =	vmul.f32 $2.000000030e-01, v17;
	v12 =	vmax.f32 v26, v22;
	v61 =	vld [tilespmem:s10+$0xFFFFFF30];
	v20 =	vadd.f32 v51, v20;
	[tilespmem:s0+$0xFFFFFFE0] =	vst v10  }
0x184: {  	v22 =	vmul.f32 $2.000000030e-01, v58;
	v55 =	vld [tilespmem:s22+$0xFFFFFF10];
	v9 =	vpop (erf);
	v13 =	vadd.f32 v13, v16;
	v16 =	vmul.f32 $1.442695020e+00, v19  }
0x185: {  	v14 =	vmul.f32 v24, v14;
	v24 =	vmax.f32 v57, v15;
	v15 =	vld [tilespmem:s10+$0xFFFFFF70];
	[tilespmem:s0+$0x0] =	vst v9;
	v19 =	vmul.f32 $2.000000030e-01, v20  }
0x186: {  	[tilespmem:s25+$0x20] =	vst v25;
	v17 =	vmax.f32 v17, v54;
	v59 =	vld [tilespmem:s22+$0xFFFFFF90];
	v62 =	vmul.f32 $2.000000030e-01, v13;
	(erf) = vpow2.f32 v16  }
0x187: {  	[tilespmem:s11+$0x70] =	vst v14;
	v14 =	vld [tilespmem:s20+$0xFFFFFFB0];
	v16 =	vmax.f32 v20, v19;
	v19 =	vmax.f32 v58, v22;
	v20 =	vmul.f32 v11, v21  }
0x188: {  	[tilespmem:s25+$0xFFFFFFB0] =	vst v23;
	v21 =	vsub.f32 v12, v24;
	v16 =	vsub.f32 v16, v19;
	v12 =	vld [tilespmem:s20+$0xFFFFFF40];
	v13 =	vmax.f32 v13, v62  }
0x189: {  	v63 =	vmul.f32 v8, v56;
	v23 =	vmul.f32 v10, v55;
	v22 =	vsub.f32 v13, v17;
	[tilespmem:s2+$0x50] =	vst v20;
	v13 =	vld [tilespmem:s20+$0xFFFFFF80]  }
0x18a: {  	[tilespmem:s25+$0xFFFFFFF0] =	vst v18;
	v18 =	vmul.f32 $1.442695020e+00, v21;
	v19 =	vmul.f32 $1.442695020e+00, v16;
	v17 =	vld [tilespmem:s22+$0xFFFFFFF0]  }
0x18b: {  	[tilespmem:s2+$0xFFFFFF80] =	vst v23;
	v16 =	vld [tilespmem:s12+$0xFFFFFFC0];
	v20 =	vmul.f32 $1.442695020e+00, v22;
	v22 =	vmul.f32 v9, v59  }
0x18c: {  	s1 =	simm.s32 $0x4DF0;
	[tilespmem:s2+$0xFFFFFFC0] =	vst v63;
	v21 =	vmul.f32 v5, v60;
	(erf) = vpow2.f32 v18;
	v18 =	vld [tilespmem:s22+$0xFFFFFF20]  }
0x18d: {  	s3 =	simm.s32 $0x10;
	s17 =	simm.s32 $0xB70;
	s12 =	simm.s32 $0x6D80;
	(erf) = vpow2.f32 v20;
	v20 =	vld [tilespmem:s22+$0xFFFFFF60];
	[tilespmem:s2+$0x0] =	vst v22;
	v22 =	vmul.f32 v7, v61  }
.LBB2_5:
0x18e: {  	v23 =	vld [tilespmem:s17+$0x0];
	s31 =	sadd.s32 $0x40, s31;
	(erf) = vpow2.f32 v19;
	v15 =	vmul.f32 v6, v15;
	[tilespmem:s11+$0x10] =	vst v21  }
0x18f: {  	s0 =	sadd.s32 $0x40, s0;
	v14 =	vmul.f32 v2, v14;
	v19 =	vld [tilespmem:s31+$0x0];
	v21 =	vpop (erf);
	v17 =	vmul.f32 v11, v17;
	[tilespmem:s11+$0xFFFFFFA0] =	vst v22  }
0x190: {  	s22 =	sadd.s32 $0x100, s22;
	v12 =	vmul.f32 v12, v4;
	v13 =	vmul.f32 v13, v3;
	v3 =	vmovc v6;
	v6 =	vmov v8;
	v22 =	vld [tilespmem:s31+$0xFFFFFFD0];
	[tilespmem:s0+$0x10] =	vst v21  }
0x191: {  	s3 =	sadd.s32 $0x4, s3;
	v4 =	vmovc v7;
	v7 =	vmov v10;
	v16 =	vmul.f32 v16, v1;
	v24 =	vld [tilespmem:s22+$0xFFFFFFD0];
	v8 =	vmul.f32 v10, v18;
	[tilespmem:s2+$0x60] =	vst v17  }
0x192: {  	p1 =	slt.u32 s3, $0x7C;
	v1 =	vmovc v2;
	v2 =	vmov v5;
	v5 =	vmov v9;
	v10 =	vmul.f32 v6, v20;
	v17 =	vld [tilespmem:s1+$0x0];
	[tilespmem:s11+$0xFFFFFFE0] =	vst v15  }
0x193: {  	v15 =	vld [tilespmem:s17+$0xFFFFFFE0];
	[tilespmem:s2+$0xFFFFFF90] =	vst v8  }
0x194: {  	v18 =	vld [tilespmem:s31+$0xFFFFFFE0];
	v20 =	vadd.f32 v19, v23;
	[tilespmem:s2+$0xFFFFFFD0] =	vst v10  }
0x195: {  	v19 =	vadd.f32 v19, v0;
	v23 =	vadd.f32 v22, v0;
	v25 =	vld [tilespmem:s17+$0xFFFFFFF0];
	v8 =	vpop (erf);
	[tilespmem:s23+$0x20] =	vst v14  }
0x196: {  	v14 =	vld [tilespmem:s31+$0xFFFFFFF0];
	v26 =	vmul.f32 $2.000000030e-01, v20;
	[tilespmem:s0+$0xFFFFFFF0] =	vst v8;
	v24 =	vmul.f32 v21, v24;
	v10 =	vpop (erf)  }
0x197: {  	s2 =	sadd.s32 $0x100, s2;
	v28 =	vmul.f32 $2.000000030e-01, v19;
	v27 =	vld [tilespmem:s17+$0xFFFFFFD0];
	[tilespmem:s0+$0xFFFFFFE0] =	vst v10;
	v9 =	vpop (erf);
	v17 =	vmul.f32 v17, v11;
	v11 =	vmov v21  }
0x198: {  	v21 =	vmul.f32 $2.000000030e-01, v23;
	v29 =	vld [tilespmem:s22+$0xFFFFFF10];
	[tilespmem:s2+$0x40] =	vst v24  }
0x199: {  	v20 =	vmax.f32 v20, v26;
	v19 =	vmax.f32 v19, v28;
	v15 =	vadd.f32 v18, v15;
	v24 =	vld [tilespmem:s22+$0xFFFFFF50];
	[tilespmem:s12+$0x70] =	vst v17  }
0x19a: {  	v17 =	vmax.f32 v23, v21;
	v18 =	vadd.f32 v18, v0;
	v19 =	vsub.f32 v20, v19;
	[tilespmem:s0+$0x0] =	vst v9;
	v20 =	vld [tilespmem:s22+$0xFFFFFFE0]  }
0x19b: {  	v21 =	vmul.f32 $2.000000030e-01, v15;
	v23 =	vadd.f32 v14, v25;
	v14 =	vadd.f32 v14, v0;
	v25 =	vld [tilespmem:s22+$0xFFFFFF90];
	[tilespmem:s23+$0xFFFFFFB0] =	vst v12  }
0x19c: {  	v19 =	vmul.f32 $1.442695020e+00, v19;
	v12 =	vadd.f32 v22, v27;
	v22 =	vmul.f32 $2.000000030e-01, v18;
	v26 =	vld [tilespmem:s1+$0xFFFFFFA0];
	[tilespmem:s23+$0xFFFFFFF0] =	vst v13  }
0x19d: {  	v13 =	vmax.f32 v15, v21;
	v21 =	vmul.f32 $2.000000030e-01, v23;
	v27 =	vmul.f32 $2.000000030e-01, v14;
	v28 =	vld [tilespmem:s1+$0xFFFFFF30];
	[tilespmem:s25+$0x30] =	vst v16;
	s25 =	smov.u32 s23;
	s23 =	smov.u32 s11;
	s11 =	smov.u32 s12  }
0x19e: {  	s12 =	smov.u32 s2;
	v16 =	vmul.f32 $2.000000030e-01, v12;
	v18 =	vmax.f32 v18, v22;
	(erf) = vpow2.f32 v19;
	v15 =	vld [tilespmem:s1+$0xFFFFFF70]  }
0x19f: {  	v19 =	vmax.f32 v23, v21;
	v21 =	vmax.f32 v14, v27;
	v20 =	vmul.f32 v11, v20;
	v14 =	vld [tilespmem:s10+$0xFFFFFFB0]  }
0x1a0: {  	v18 =	vsub.f32 v13, v18;
	v16 =	vmax.f32 v12, v16;
	v19 =	vsub.f32 v19, v21;
	v12 =	vld [tilespmem:s10+$0xFFFFFF40]  }
.Ltmp1:
0x1a1: {  	v22 =	vmul.f32 v8, v24;
	v21 =	vmul.f32 v10, v29;
	v16 =	vsub.f32 v16, v17;
	[tilespmem:s2+$0x50] =	vst v20;
	v13 =	vld [tilespmem:s10+$0xFFFFFF80];
	(pc) =	sbr.rel @p1 .LBB2_5-.Ltmp1, $4  }
0x1a2: {  	v18 =	vmul.f32 $1.442695020e+00, v18;
	v19 =	vmul.f32 $1.442695020e+00, v19;
	v17 =	vld [tilespmem:s22+$0xFFFFFFF0]  }
0x1a3: {  	v23 =	vmul.f32 v9, v25;
	v20 =	vmul.f32 $1.442695020e+00, v16;
	[tilespmem:s2+$0xFFFFFF80] =	vst v21;
	v16 =	vld [tilespmem:s20+$0xFFFFFFC0];
	s20 =	smov.u32 s10;
	s10 =	smov.u32 s1;
	s1 =	smov.u32 s22  }
0x1a4: {  	v21 =	vmul.f32 v5, v26;
	(erf) = vpow2.f32 v18;
	v18 =	vld [tilespmem:s22+$0xFFFFFF20];
	[tilespmem:s2+$0xFFFFFFC0] =	vst v22  }
0x1a5: {  	s17 =	sadd.s32 $0x40, s17;
	v22 =	vmul.f32 v7, v28;
	(erf) = vpow2.f32 v20;
	v20 =	vld [tilespmem:s22+$0xFFFFFF60];
	[tilespmem:s2+$0x0] =	vst v23  }
0x1a6: {  	_ =	sdelay $0x1  }
0x1a7: {  	[tilespmem:s11+$0x10] =	vst v21;
	v23 =	vpop (erf);
	(erf) = vpow2.f32 v19  }
0x1a8: {  	s17 =	sadd.s32 $0x40, s0;
	v15 =	vmul.f32 v6, v15;
	[tilespmem:s11+$0xFFFFFFA0] =	vst v22  }
0x1a9: {  	v14 =	vmul.f32 v2, v14;
	[tilespmem:s17+$0x10] =	vst v23  }
0x1aa: {  	v4 =	vmul.f32 v12, v4;
	[tilespmem:s11+$0xFFFFFFE0] =	vst v15  }
0x1ab: {  	v3 =	vmul.f32 v13, v3;
	[tilespmem:s23+$0x20] =	vst v14  }
0x1ac: {  	s3 =	sadd.s32 $0x100, s22;
	[tilespmem:s23+$0xFFFFFFB0] =	vst v4;
	v31 =	vpop (erf)  }
0x1ad: {  	[tilespmem:s23+$0xFFFFFFF0] =	vst v3;
	v24 =	vld [tilespmem:s3+$0xFFFFFFD0];
	v33 =	vpop (erf)  }
0x1ae: {  	v17 =	vmul.f32 v11, v17;
	[tilespmem:s17+$0xFFFFFFE0] =	vst v33  }
0x1af: {  	[tilespmem:s17+$0xFFFFFFF0] =	vst v31;
	v34 =	vld [tilespmem:s3+$0xFFFFFF10]  }
0x1b0: {  	v18 =	vmul.f32 v10, v18;
	[tilespmem:s2+$0x60] =	vst v17;
	v36 =	vld [tilespmem:s3+$0xFFFFFF50];
	v35 =	vpop (erf)  }
0x1b1: {  	v41 =	vld [tilespmem:s1+$0xFFFFFFA0];
	v29 =	vmul.f32 v8, v20;
	[tilespmem:s17+$0x0] =	vst v35  }
0x1b2: {  	[tilespmem:s2+$0xFFFFFF90] =	vst v18;
	v30 =	vmul.f32 v23, v24;
	v38 =	vld [tilespmem:s3+$0xFFFFFF90]  }
0x1b3: {  	v49 =	vld [tilespmem:s10+$0xFFFFFFB0];
	v1 =	vmul.f32 v16, v1;
	[tilespmem:s2+$0xFFFFFFD0] =	vst v29;
	s2 =	sadd.s32 $0x100, s2  }
0x1b4: {  	v51 =	vld [tilespmem:s10+$0xFFFFFF80];
	[tilespmem:s2+$0x40] =	vst v30;
	v39 =	vmul.f32 v33, v34  }
0x1b5: {  	[tilespmem:s25+$0x30] =	vst v1;
	v18 =	vld [tilespmem:s3+$0xFFFFFFE0];
	v42 =	vmul.f32 v31, v36  }
0x1b6: {  	v56 =	vld [tilespmem:s20+$0xFFFFFFC0];
	v1 =	vmul.f32 v9, v41;
	[tilespmem:s2+$0xFFFFFF80] =	vst v39  }
0x1b7: {  	[tilespmem:s2+$0xFFFFFFC0] =	vst v42;
	v44 =	vmul.f32 v35, v38;
	v45 =	vld [tilespmem:s3+$0xFFFFFF20]  }
0x1b8: {  	v52 =	vmul.f32 v5, v49;
	[tilespmem:s12+$0x10] =	vst v1;
	v3 =	vld [tilespmem:s3+$0xFFFFFF60]  }
0x1b9: {  	v32 =	vld [tilespmem:s1+$0x0];
	v57 =	vmul.f32 v51, v6;
	[tilespmem:s2+$0x0] =	vst v44  }
0x1ba: {  	[tilespmem:s11+$0x20] =	vst v52;
	v18 =	vmul.f32 v23, v18;
	v48 =	vld [tilespmem:s3+$0xFFFFFFA0]  }
0x1bb: {  	v43 =	vld [tilespmem:s1+$0xFFFFFF30];
	v2 =	vmul.f32 v56, v2;
	[tilespmem:s11+$0xFFFFFFF0] =	vst v57  }
0x1bc: {  	v46 =	vld [tilespmem:s1+$0xFFFFFF70];
	[tilespmem:s2+$0x50] =	vst v18;
	v1 =	vmul.f32 v33, v45  }
0x1bd: {  	[tilespmem:s23+$0x30] =	vst v2;
	v40 =	vld [tilespmem:s3+$0xFFFFFFF0];
	v3 =	vmul.f32 v31, v3  }
0x1be: {  	v50 =	vld [tilespmem:s10+$0xFFFFFF40];
	v37 =	vmul.f32 v32, v11;
	[tilespmem:s2+$0xFFFFFF90] =	vst v1  }
0x1bf: {  	[tilespmem:s2+$0xFFFFFFD0] =	vst v3;
	v3 =	vmul.f32 v35, v48;
	v1 =	vld [tilespmem:s3+$0xFFFFFF30]  }
0x1c0: {  	[tilespmem:s12+$0x70] =	vst v37;
	v13 =	vmul.f32 v10, v43;
	v53 =	vld [tilespmem:s3+$0xFFFFFF70]  }
0x1c1: {  	v54 =	vld [tilespmem:s1+$0xFFFFFFB0];
	v16 =	vmul.f32 v8, v46;
	[tilespmem:s2+$0x10] =	vst v3  }
0x1c2: {  	[tilespmem:s12+$0xFFFFFFA0] =	vst v13;
	v47 =	vmul.f32 v23, v40;
	v55 =	vld [tilespmem:s3+$0xFFFFFFB0]  }
0x1c3: {  	v60 =	vld [tilespmem:s10+$0xFFFFFFC0];
	[tilespmem:s12+$0xFFFFFFE0] =	vst v16;
	v3 =	vmul.f32 v50, v7  }
0x1c4: {  	v58 =	vld [tilespmem:s1+$0xFFFFFF80];
	[tilespmem:s2+$0x60] =	vst v47;
	v1 =	vmul.f32 v33, v1  }
0x1c5: {  	v11 =	vld [tilespmem:s3+$0x0];
	[tilespmem:s11+$0xFFFFFFB0] =	vst v3;
	v59 =	vmul.f32 v31, v53  }
0x1c6: {  	v3 =	vld [tilespmem:s1+$0xFFFFFF40];
	[tilespmem:s2+$0xFFFFFFA0] =	vst v1;
	v1 =	vmul.f32 v9, v54  }
0x1c7: {  	[tilespmem:s2+$0xFFFFFFE0] =	vst v59;
	v4 =	vmul.f32 v35, v55;
	v61 =	vld [tilespmem:s3+$0xFFFFFF40]  }
0x1c8: {  	v63 =	vmul.f32 v60, v5;
	[tilespmem:s12+$0x20] =	vst v1;
	v1 =	vld [tilespmem:s3+$0xFFFFFF80]  }
0x1c9: {  	v2 =	vmul.f32 v58, v8;
	[tilespmem:s2+$0x20] =	vst v4;
	v62 =	vld [tilespmem:s1+$0xFFFFFFC0]  }
0x1ca: {  	[tilespmem:s11+$0x30] =	vst v63;
	v11 =	vmul.f32 v11, v23;
	v4 =	vld [tilespmem:s3+$0xFFFFFFC0]  }
0x1cb: {  	[tilespmem:s12+$0xFFFFFFF0] =	vst v2;
	v3 =	vmul.f32 v3, v10  }
0x1cc: {  	[tilespmem:s2+$0x70] =	vst v11;
	v2 =	vmul.f32 v61, v33  }
0x1cd: {  	[tilespmem:s12+$0xFFFFFFB0] =	vst v3;
	v1 =	vmul.f32 v1, v31  }
0x1ce: {  	v3 =	vmul.f32 v62, v9;
	[tilespmem:s2+$0xFFFFFFB0] =	vst v2  }
0x1cf: {  	[tilespmem:s2+$0xFFFFFFF0] =	vst v1;
	v1 =	vmul.f32 v4, v35  }
0x1d0: {  	[tilespmem:s12+$0x30] =	vst v3  }
0x1d1: {  	s22 =	simm.s32 $0x2200;
	[tilespmem:s2+$0x30] =	vst v1  }
0x1d2: {  	[spmem:s15] =	stream.indirect.scatter.add.f32 [tilespmem:s22], [sflag:$0x5], $0x10, s29, s28, $0xb8;
	[tilespmem:$0x15210] =	vst v63  }
0x1d3: {  	s23 =	simm.s32 $0x6A00  }
0x1d4: {  	[spmem:s14] =	stream.indirect.scatter.add.f32 [tilespmem:s23], [sflag:$0x5], $0x40, s29, s28, $0xb8;
	[tilespmem:$0x15210] =	vst v63  }
0x1d5: {  	_ =	swait.ge [sflag:s16], $0x800  }
0x1d6: {  	[sflag:s16] =	ssyncset.done $0x0  }
0x1d7: {  	[sflag:s16] =	ssyncadd.s32 $0xFFFFF800  }
0x1d8: {  	_ =	swait.ge [sflag:s16], $0x2000  }
0x1d9: {  	s21 =	sadd.s32 $0x1, s21;
	s25 =	rddreg [dreg:$0xd]  }
0x1da: {  	p1 =	sne.s32 s21, $0x29;
	s0 =	sadd.s32 s24, s25  }
.Ltmp2:
0x1db: {  	[sflag:s16] =	ssyncset.done $0x0;
	s0 =	sshrl.u32 s0, $0x3;
	(pc) =	sbr.rel @p1 .LBB2_2-.Ltmp2, $4  }
0x1dc: {  	[sflag:s16] =	ssyncadd.s32 $0xFFFFE000;
	s31 =	sadd.s32 s5, s0  }
0x1dd: {  	[tilespmem:s28], [sflag:$0x2] =	stream.linear.gather [hbm4b:s31+s4], $0x80, $0x38;
	[tilespmem:$0x15210] =	vst v63  }
0x1de: {  	s17 =	smov.u32 s18;
	s0 =	sadd.s32 s6, s0  }
0x1df: {  	[tilespmem:s29], [sflag:$0x2] =	stream.linear.gather [hbm4b:s0+s4], $0x80, $0x38;
	[tilespmem:$0x15210] =	vst v63  }
0x1e0: {  	_ =	swait.ge [sflag:s13], $0x800  }
0x1e1: {  	[sflag:s13] =	ssyncset.done $0x0  }
0x1e2: {  	[sflag:s13] =	ssyncadd.s32 $0xFFFFF800  }
0x1e3: {  	_ =	swait.ge [sflag:s13], $0x800  }
0x1e4: {  	[sflag:s13] =	ssyncset.done $0x0  }
0x1e5: {  	[sflag:s13] =	ssyncadd.s32 $0xFFFFF800  }
0x1e6: {  	_ =	swait.ge [sflag:s13], $0x2000  }
0x1e7: {  	[sflag:s13] =	ssyncset.done $0x0  }
0x1e8: {  	[sflag:s13] =	ssyncadd.s32 $0xFFFFE000  }
0x1e9: {  	_ =	swait.ge [sflag:s8], $0x80  }
0x1ea: {  	[sflag:s8] =	ssyncset.done $0x0  }
0x1eb: {  	[sflag:s8] =	ssyncadd.s32 $0xFFFFFF80  }
0x1ec: {  	_ =	swait.ge [sflag:s8], $0x80  }
0x1ed: {  	[sflag:s8] =	ssyncset.done $0x0  }
0x1ee: {  	[sflag:s8] =	ssyncadd.s32 $0xFFFFFF80  }
0x1ef: {  	s0 =	stileid.u32;
	[bflag:$0x0] =	sbarrier.arrive $0xFFFF  }
0x1f0: {  	s0 =	sshll.u32 s0, $0x6;
	s1 =	rddreg [dreg:$0xe]  }
0x1f1: {  	s10 =	simm.s32 $0x6;
	s0 =	sor.u32 $0x1C06, s0;
	s2 =	rddreg [dreg:$0x11]  }
0x1f2: {  	[hbm:s1], [sflag:s0] =	dma.local [spmem:s2], $0x1400  }
0x1f3: {  	_ =	swait.ge [sflag:s10], $0x1400  }
0x1f4: {  	[sflag:s10] =	ssyncset.done $0x0;
	s23 =	rddreg [dreg:$0xf]  }
0x1f5: {  	s24 =	rddreg [dreg:$0x12];
	[sflag:s10] =	ssyncadd.s32 $0xFFFFEC00  }
0x1f6: {  	[hbm:s23], [sflag:s0] =	dma.local [spmem:s24], $0x500  }
0x1f7: {  	_ =	swait.ge [sflag:s10], $0x500  }
0x1f8: {  	s25 =	rddreg [dreg:$0x13]  }
0x1f9: {  	s31 =	rddreg [dreg:$0x10];
	s1 =	sadd.s32 $0x1, s25  }
0x1fa: {  	p1 =	sne.s32 s1, s31  }
.Ltmp3:
0x1fb: {  	_ = 	snop;
	(pc) =	sbr.rel @p1 .LBB2_1-.Ltmp3, $3  }
0x1fc: {  	_ =	sdelay $0x1  }
0x1fd: {  	[sflag:s10] =	ssyncset.done $0x0  }
0x1fe: {  	[sflag:s10] =	ssyncadd.s32 $0xFFFFFB00  }
0x1ff: {  	_ =	sfence.sel $0x180000  }
0x200: {  	[bflag:$0x0] =	sbarrier.arrive $0xFFFF  }
0x201: {  	_ =	strace $0x9000004A  }
0x202: {  	[bflag:$0x2] =	sbarrier.arrive $0xFFFF  }
0x203: {  	s0 =	rddreg [dreg:$0x4]  }
0x204: {  	s0 =	sadd.s32 @!p0 $0x100000, s0  }
0x205: {  	[sflag:s0] =	ssyncadd.tile.s32 @!p0 $0x1;
	_ =	shalt  }
.Lfunc_end2:
_tile_overlayer_lowered:
.L_overlay_start_2:
0x206: {  	(tag) =	ssettag $0x2  }
0x207: {  	s0 =	rddreg [dreg:$0x0];
	s2 =	stileid.u32  }
0x208: {  	s1 =	rddreg [dreg:$0x1];
	p0 =	sne.s32 s2, $0x0  }
0x209: {  	s3 =	rddreg [dreg:$0x2];
	[bflag:$0x3] =	sbarrier.arrive $0xFFFF;
	s2 =	simm.s32 @!p0 $0x1C06  }
0x20a: {  	[timem:s3], [sflag:s2] =	dma.local @!p0 [hbm:s0], s1  }
0x20b: {  	s0 =	simm.s32 @!p0 $0x6  }
0x20c: {  	_ =	swait.ge @!p0 [sflag:s0], s1  }
0x20d: {  	s1 =	ssub.s32 @!p0 $0x0, s1;
	[sflag:s0] =	ssyncset.done @!p0 $0x0  }
0x20e: {  	[sflag:s0] =	ssyncadd.s32 @!p0 s1  }
0x20f: {  	[bflag:$0x3] =	sbarrier.arrive $0xFFFF  }
0x210: {  	_ =	shalt  }

// kernel: kernel.7.cloned.1.call-start
scs
__scs_entry_jumppad:
0x0: {  	(pc) =	sbr.rel $0x88, $3  }
0x1: {  	(tag) =	ssettag $0x0;
	lr =	simm.s32 $0x1  }
0x2: {  	[smem:$0x3F97] =	sst lr;
	_ =	strace $0xD0000000  }
0x3: {  	_ = 	snop  }
0x4: {  	_ = 	snop  }
0x5: {  	_ = 	snop  }
0x6: {  	_ = 	snop  }
0x7: {  	_ = 	snop  }
__scs_overlays_trampoline_lowered:
0x8: {  	[smem:$0x3FA6] =	sst s0  }
0x9: {  	[smem:$0x3FA7] =	sst s1  }
0xa: {  	[smem:$0x3FA8] =	sst s2  }
0xb: {  	[smem:$0x3FA9] =	sst s3  }
0xc: {  	[smem:$0x3FAA] =	sst s4  }
0xd: {  	[smem:$0x3FAB] =	sst s5  }
0xe: {  	[smem:$0x3FAC] =	sst s6  }
0xf: {  	[smem:$0x3FAD] =	sst s7  }
0x10: {  	[smem:$0x3FAE] =	sst s8  }
0x11: {  	[smem:$0x3FAF] =	sst s9;
	s0 =	simm.s32 @!p0 $0x0  }
0x12: {  	s1 =	sld [smem:$0x3F95];
	s0 =	simm.s32 @p0 $0x1  }
0x13: {  	[smem:$0x3FB0] =	sst s0;
	s0 =	simm.s32 @!p1 $0x0  }
0x14: {  	s2 =	sld [smem:$0x3F94];
	s0 =	simm.s32 @p1 $0x1  }
0x15: {  	[smem:$0x3FB1] =	sst s0;
	s0 =	simm.s32 @!p2 $0x0  }
0x16: {  	s3 =	sld [smem:$0x3FDB];
	s0 =	simm.s32 @p2 $0x1  }
0x17: {  	s4 =	simm.s32 $0x1BF5;
	[smem:$0x3FB3] =	sst s0  }
0x18: {  	s0 =	sld [smem:$0x3F96];
	_ =	swait.ge [sflag:s4], $0x0  }
0x19: {  	s7 =	sld [smem:$0x3F97]  }
0x1a: {  	s8 =	sadd.s32 $0xFFFFE003, lr  }
0x1b: {  	s9 =	sadd.s32 $0xFFFFFEF7, lr;
	s5 =	simm.s32 $0xFFFFFFFF;
	p2 =	slt.u32 s8, $0xFFFFF086  }
0x1c: {  	p1 =	slt.u32 s9, $0xF7A;
	s5 =	simm.s32 @!p2 $0x0  }
0x1d: {  	s5 =	simm.s32 @p1 $0x1;
	p0 =	seq.s32 s7, s2  }
0x1e: {  	s7 =	smul.u32 @!p0 $0xF7A, s2;
	p2 =	seq.s32 @!p0 s5, $0x0  }
0x1f: {  	s9 =	smul.u32 $0xF7A, s1;
	s8 =	simm.s32 @!p0 $0x1BF5;
	p2 =	por !p2, p0  }
0x20: {  	[sflag:s8] =	ssyncset.s32 @!p0 $0xFFFFF086;
	s6 =	sadd.s32 @!p0 s3, s7;
	s7 =	simm.s32 @!p0 $0x108  }
0x21: {  	s3 =	sadd.s32 s3, s9;
	s6 =	sadd.s32 @!p0 $0x88, s6;
	s7 =	simm.s32 @p2 $0x1082  }
0x22: {  	[simem:s7], [sflag:s8] =	dma.local @!p0 [hbm:s6], $0xF7A  }
0x23: {  	s9 =	sor.u32 $0xD0000000, s2;
	s6 =	simm.s32 $0x108;
	_ =	swait.ge @!p0 [sflag:s8], $0x0  }
0x24: {  	s3 =	sadd.s32 $0x88, s3;
	s6 =	simm.s32 @!p1 $0x1082;
	[sflag:s4] =	ssyncset.s32 $0xFFFFF086  }
0x25: {  	[simem:s6], [sflag:s4] =	dma.local [hbm:s3], $0xF7A  }
0x26: {  	[smem:$0x3F97] =	sst s1;
	(tag) =	ssettag s2;
	_ =	strace s9  }
0x27: {  	s1 =	sld [smem:$0x3FA7]  }
0x28: {  	s2 =	sld [smem:$0x3FA8]  }
0x29: {  	s4 =	sld [smem:$0x3FAA]  }
0x2a: {  	p0 =	seq.s32 s5, $0x0;
	s5 =	sld [smem:$0x3FAB]  }
0x2b: {  	s6 =	sld [smem:$0x3FAC]  }
0x2c: {  	s7 =	sld [smem:$0x3FAD]  }
0x2d: {  	s3 =	simm.s32 $0x108;
	s8 =	sld [smem:$0x3FAE]  }
0x2e: {  	s3 =	simm.s32 @!p0 $0x1082;
	s9 =	sld [smem:$0x3FAF]  }
0x2f: {  	lr =	sadd.s32 s0, s3;
	s0 =	sld [smem:$0x3FA6]  }
0x30: {  	s3 =	sld [smem:$0x3FA9]  }
0x31: {  	[smem:$0x3FB2] =	sst s10  }
0x32: {  	s10 =	sld [smem:$0x3FB0];
	_ =	sdelay $0x3  }
0x33: {  	p0 =	seq.s32 s10, $0x1;
	s10 =	sld [smem:$0x3FB2];
	_ =	sdelay $0x3  }
0x34: {  	[smem:$0x3FB2] =	sst s10  }
0x35: {  	s10 =	sld [smem:$0x3FB1];
	_ =	sdelay $0x3  }
0x36: {  	p1 =	seq.s32 s10, $0x1;
	s10 =	sld [smem:$0x3FB2];
	_ =	sdelay $0x3  }
0x37: {  	[smem:$0x3FB2] =	sst s10  }
0x38: {  	s10 =	sld [smem:$0x3FB3]  }
0x39: {  	_ = 	snop;
	(pc) =	sbr.ind lr, $3  }
0x3a: {  	_ = 	snop  }
0x3b: {  	_ = 	snop  }
0x3c: {  	p2 =	seq.s32 s10, $0x1;
	s10 =	sld [smem:$0x3FB2]  }
0x3d: {  	_ =	shalt  }
0x3e: {  	_ =	shalt  }
0x3f: {  	_ =	shalt  }
0x40: {  	_ =	shalt  }
0x41: {  	_ =	shalt  }
0x42: {  	_ =	shalt  }
0x43: {  	_ =	shalt  }
0x44: {  	_ =	shalt  }
0x45: {  	_ =	shalt  }
0x46: {  	_ =	shalt  }
0x47: {  	_ =	shalt  }
0x48: {  	_ =	shalt  }
0x49: {  	_ =	shalt  }
0x4a: {  	_ =	shalt  }
0x4b: {  	_ =	shalt  }
0x4c: {  	_ =	shalt  }
0x4d: {  	_ =	shalt  }
0x4e: {  	_ =	shalt  }
0x4f: {  	_ =	shalt  }
0x50: {  	_ =	shalt  }
0x51: {  	_ =	shalt  }
0x52: {  	_ =	shalt  }
0x53: {  	_ =	shalt  }
0x54: {  	_ =	shalt  }
0x55: {  	_ =	shalt  }
0x56: {  	_ =	shalt  }
0x57: {  	_ =	shalt  }
0x58: {  	_ =	shalt  }
0x59: {  	_ =	shalt  }
0x5a: {  	_ =	shalt  }
0x5b: {  	_ =	shalt  }
0x5c: {  	_ =	shalt  }
0x5d: {  	_ =	shalt  }
0x5e: {  	_ =	shalt  }
0x5f: {  	_ =	shalt  }
0x60: {  	_ =	shalt  }
0x61: {  	_ =	shalt  }
0x62: {  	_ =	shalt  }
0x63: {  	_ =	shalt  }
0x64: {  	_ =	shalt  }
0x65: {  	_ =	shalt  }
0x66: {  	_ =	shalt  }
0x67: {  	_ =	shalt  }
0x68: {  	_ =	shalt  }
0x69: {  	_ =	shalt  }
0x6a: {  	_ =	shalt  }
0x6b: {  	_ =	shalt  }
0x6c: {  	_ =	shalt  }
0x6d: {  	_ =	shalt  }
0x6e: {  	_ =	shalt  }
0x6f: {  	_ =	shalt  }
0x70: {  	_ =	shalt  }
0x71: {  	_ =	shalt  }
0x72: {  	_ =	shalt  }
0x73: {  	_ =	shalt  }
0x74: {  	_ =	shalt  }
0x75: {  	_ =	shalt  }
0x76: {  	_ =	shalt  }
0x77: {  	_ =	shalt  }
0x78: {  	_ =	shalt  }
0x79: {  	_ =	shalt  }
0x7a: {  	_ =	shalt  }
0x7b: {  	_ =	shalt  }
0x7c: {  	_ =	shalt  }
0x7d: {  	_ =	shalt  }
0x7e: {  	_ =	shalt  }
0x7f: {  	_ =	shalt  }
0x80: {  	_ =	shalt  }
0x81: {  	_ =	shalt  }
0x82: {  	_ =	shalt  }
0x83: {  	_ =	shalt  }
0x84: {  	_ =	shalt  }
0x85: {  	_ =	shalt  }
0x86: {  	_ =	shalt  }
0x87: {  	_ =	shalt  }
.Lfunc_end0:
.L_simem_size_0:
called_computation_lowered:
.L_overlay_start_0:
0x88: {  	s2 =	sld [smem:$0x3FD9]  }
0x89: {  	s3 =	sld [smem:$0x3FFE];
	_ =	sdelay $0x1  }
0x8a: {  	s1 =	srdreg.scid  }
0x8b: {  	s0 =	sand.u32 $0x1, s1  }
0x8c: {  	s17 =	sshll.u32 s0, $0xA;
	s2 =	sadd.s32 s3, s2  }
0x8d: {  	s2 =	sadd.s32 s2, s17  }
0x8e: {  	[smem:$0x3FBE] =	sst s2  }
0x8f: {  	_ = 	snop  }
0x90: {  	s2 =	sld [smem:$0x3FD0];
	(tm) =	ssettm $0x1  }
0x91: {  	s18 =	sld [smem:$0x3FFB];
	_ =	sdelay $0x3  }
0x92: {  	_ =	strace s18  }
0x93: {  	s3 =	sld [smem:$0x3FFC];
	_ =	sdelay $0x3  }
0x94: {  	_ =	strace s3  }
0x95: {  	s3 =	sld [smem:$0x3FFD];
	_ =	sdelay $0x3  }
0x96: {  	_ =	strace s3  }
0x97: {  	_ =	strace $0x8FFFFFFF  }
0x98: {  	s19 =	sld [smem:$0x3FDB];
	_ =	sdelay $0x1  }
0x99: {  	s4 =	simm.s32 $_scs_section_size  }
0x9a: {  	s5 =	simm.s32 $_size__tile_overlayer_lowered;
	s6 =	simm.s32 $_tile_overlayer_lowered  }
0x9b: {  	s22 =	simm.s32 $0x1BFF;
	s21 =	sshll.u32 s6, $0x1;
	s3 =	sadd.s32 s4, s19  }
0x9c: {  	s7 =	simm.s32 $0x0;
	s20 =	sshll.u32 s5, $0x1;
	s5 =	sadd.s32 s21, s3  }
0x9d: {  	[timem:s7], [sflag:s22] =	dma.local [hbm:s5], s20  }
0x9e: {  	_ =	swait.ge [sflag:s22], s20  }
0x9f: {  	s4 =	ssub.s32 $0x0, s20;
	[sflag:s22] =	ssyncset.done $0x0  }
0xa0: {  	[sflag:s22] =	ssyncadd.s32 s4;
	_ =	sdelay $0x1  }
0xa1: {  	s23 =	simm.s32 $0x1B8B  }
0xa2: {  	_ =	swait.ge [sflag:s23], $0x1  }
0xa3: {  	[sflag:s23] =	ssyncset.done $0x0  }
0xa4: {  	s25 =	simm.s32 $0x1B8E;
	s24 =	sld [smem:$0x3FFE];
	[sflag:s23] =	ssyncadd.s32 $0xFFFFFFFF  }
0xa5: {  	s26 =	simm.s32 $execute0_lowered;
	[smem:$0x3FD2] =	sst s25  }
0xa6: {  	s5 =	sshll.u32 s26, $0x1;
	_ =	strace $0x80000046;
	[dreg:$0x1] =	wrdreg $0xFFFFFFFF  }
0xa7: {  	s28 =	simm.s32 $_size_execute0_lowered;
	s3 =	sadd.s32 s3, s5;
	[dreg:$0x0] =	wrdreg $0x0  }
0xa8: {  	s5 =	sshll.u32 s28, $0x1;
	[dreg:$0x2] =	wrdreg s3  }
0xa9: {  	[dreg:$0x3] =	wrdreg s5  }
0xaa: {  	[dreg:$0x4] =	wrdreg $0xC0  }
0xab: {  	_ =	task [dreg:s7], $0x5FFFF  }
0xac: {  	[dreg:$0x1] =	wrdreg $0xFFFFFFFF  }
0xad: {  	[dreg:$0x0] =	wrdreg $0x60  }
0xae: {  	[dreg:$0x2] =	wrdreg s24  }
0xaf: {  	[dreg:$0x3] =	wrdreg s2  }
0xb0: {  	[dreg:$0x4] =	wrdreg $0x75100  }
0xb1: {  	[dreg:$0x5] =	wrdreg $0x1B5100  }
0xb2: {  	[dreg:$0x6] =	wrdreg $0x9  }
0xb3: {  	_ =	task.clear_ibuf [dreg:s7], $0x7FFFF;
	_ =	strace $0x90000046  }
0xb4: {  	s29 =	simm.s32 $0x9;
	_ =	strace $0x80000048  }
0xb5: {  	_ =	swait.ge [sflag:s29], $0x1  }
0xb6: {  	[sflag:s29] =	ssyncadd.s32 $0xFFFFFFFF  }
0xb7: {  	_ =	strace $0x90000048  }
0xb8: {  	_ =	sfence  }
0xb9: {  	s30 =	sld [smem:$0x0];
	_ =	sdelay $0x2  }
0xba: {  	s31 =	sshll.u32 s1, $0xD;
	s1 =	sshrl.u32 s1, $0x2  }
0xbb: {  	s3 =	sand.u32 $0x4000, s31;
	s1 =	sadd.s32 s1, s30  }
0xbc: {  	s0 =	sor.u32 s3, s0;
	s1 =	sshll.u32 s1, $0x11  }
0xbd: {  	s0 =	sor.u32 s1, s0  }
0xbe: {  	s0 =	sadd.s32 $0x8F2B, s0  }
0xbf: {  	[sflag:s0] =	ssyncadd.remote.s32 $0x1  }
0xc0: {  	_ =	sfence.sel $0xFFFF  }
0xc1: {  	[dreg:$0x0] =	wrdreg $0xFFFFFFFF;
	(pc) =	sbr.abs _section_cstart, $3  }
0xc2: {  	[dreg:$0x1] =	wrdreg $0xFFFFFFFF  }
0xc3: {  	_ =	task.clear_ibuf [dreg:s7], $0x2FFFF;
	_ =	strace $0x9FFFFFFF  }
0xc4: {  	(tm) =	ssettm $0x7FFFFFFF  }
0xc5: {  	_ =	shalt  }
tec
execute0_lowered:
.L_overlay_start_1:
0x0: {  	(tag) =	ssettag $0x1  }
0x1: {  	s0 =	rddreg [dreg:$0x0]  }
0x2: {  	s1 =	rddreg [dreg:$0x1]  }
0x3: {  	s15 =	rddreg [dreg:$0x2]  }
0x4: {  	s16 =	rddreg [dreg:$0x3]  }
0x5: {  	s3 =	simm.s32 $0x0;
	s6 =	srdreg.scid;
	s19 =	stileid.u32  }
0x6: {  	s28 =	simm.s32 $0x40;
	s29 =	simm.s32 $0xC0;
	s30 =	simm.s32 $0x1  }
0x7: {  	[smem:$0x7FF] =	sst s3;
	s4 =	sadd.s32 $0x3E200, s0;
	s5 =	sadd.s32 $0x33A00, s0  }
0x8: {  	s7 =	sand.u32 $0x1, s6;
	s6 =	sadd.s32 $0x2600, s0;
	s8 =	sadd.s32 $0x2EA00, s0  }
0x9: {  	s9 =	sadd.s32 $0x29A00, s0;
	s11 =	smul.u32 $0x14000, s19;
	s2 =	sadd.s32 $0x29800, s0  }
0xa: {  	s12 =	sadd.s32 $0x4DA00, s0;
	_ =	strace $0x80000047;
	[dreg:$0x5] =	wrdreg s2  }
0xb: {  	s13 =	sadd.s32 $0x48A00, s0;
	p0 =	sne.s32 s19, $0x0;
	[dreg:$0x6] =	wrdreg s12  }
0xc: {  	s10 =	smul.u32 $0x140000, s7;
	s12 =	sshll.u32 s19, $0x1;
	[dreg:$0x7] =	wrdreg s13  }
0xd: {  	s13 =	ssub.s32 $0x2, s7;
	s2 =	smov.u32 s15;
	s12 =	sor.u32 s7, s12  }
0xe: {  	s14 =	sshrl.u32 s13, $0x1;
	s7 =	smul.u32 $0x28000, s7;
	s10 =	sadd.s32 s11, s10  }
0xf: {  	s24 =	sadd.s32 s11, s15;
	s12 =	smul.u32 $0x2A00, s12;
	s10 =	sshrl.u32 s10, $0x3  }
0x10: {  	s15 =	simm.s32 $0x5500;
	s0 =	sadd.s32 s10, s0;
	s10 =	ssub.s32 s13, s14  }
0x11: {  	s17 =	sshrl.u32 s12, $0x3;
	s14 =	smul.u32 $0x2800, s19;
	s23 =	sor.u32 $0x80, s12  }
0x12: {  	s19 =	simm.s32 $0x4;
	s18 =	sadd.s32 s4, s17;
	s20 =	sadd.s32 s5, s17  }
0x13: {  	s13 =	sor.u32 $0x8, s17;
	[dreg:$0xc] =	wrdreg s23;
	s0 =	sadd.s32 $0x75A00, s0  }
0x14: {  	s17 =	smov.u32 s16;
	s26 =	smax.u32 s10, $0x1;
	[dreg:$0x8] =	wrdreg s18  }
0x15: {  	[dreg:$0x9] =	wrdreg s20;
	s21 =	sadd.s32 s4, s13;
	s22 =	sadd.s32 s5, s13  }
0x16: {  	s7 =	sadd.s32 s14, s7;
	s18 =	sor.u32 $0xC0, s12;
	[dreg:$0xd] =	wrdreg s0  }
0x17: {  	s25 =	sadd.s32 s14, s16;
	[dreg:$0xf] =	wrdreg s26;
	s12 =	simm.s32 $0x6  }
0x18: {  	s0 =	sshrl.u32 s24, $0x3;
	s26 =	simm.s32 $0x80;
	[dreg:$0xa] =	wrdreg s21  }
0x19: {  	s13 =	simm.s32 $0x3;
	s14 =	simm.s32 $0x1100;
	[dreg:$0xb] =	wrdreg s22  }
0x1a: {  	v0 =	vimm.s32 $0x0;
	v1 =	vimm.s32 $0x1;
	s7 =	sshrl.u32 s7, $0x3;
	[dreg:$0x10] =	wrdreg s0;
	s31 =	sshrl.u32 s25, $0x3  }
0x1b: {  	v2 =	vimm.s32 $0x2;
	v3 =	vimm.s32 $0x3;
	v4 =	vimm.s32 $0x4;
	s16 =	simm.s32 $0x5;
	s1 =	sadd.s32 s1, s7;
	[dreg:$0x11] =	wrdreg s31  }
0x1c: {  	v5 =	vimm.s32 $0x5;
	v6 =	vimm.s32 $0x6;
	v7 =	vimm.s32 $0x7;
	s7 =	simm.s32 $0x2;
	[dreg:$0xe] =	wrdreg s1;
	s1 =	simm.s32 $0x0  }
.LBB2_1:
0x1d: {  	[dreg:$0x12] =	wrdreg s1  }
0x1e: {  	s0 =	sshrl.u32 @!p0 s2, $0x3;
	s1 =	simm.s32 @!p0 $0x1C06;
	s10 =	rddreg [dreg:$0x6]  }
0x1f: {  	[spmem:s0], [sflag:s1] =	dma.local @!p0 [hbm:s10], $0x28000  }
0x20: {  	s0 =	simm.s32 @!p0 $0x6  }
0x21: {  	_ =	swait.ge @!p0 [sflag:s0], $0x28000  }
0x22: {  	[sflag:s0] =	ssyncset.done @!p0 $0x0  }
0x23: {  	s10 =	sshrl.u32 @!p0 s17, $0x3;
	s11 =	rddreg [dreg:$0x7];
	[sflag:s0] =	ssyncadd.s32 @!p0 $0xFFFD8000  }
0x24: {  	[spmem:s10], [sflag:s1] =	dma.local @!p0 [hbm:s11], $0x5000  }
0x25: {  	_ =	swait.ge @!p0 [sflag:s0], $0x5000  }
0x26: {  	[sflag:s0] =	ssyncset.done @!p0 $0x0  }
0x27: {  	s11 =	simm.s32 $0x7500;
	s10 =	rddreg [dreg:$0x5];
	[sflag:s0] =	ssyncadd.s32 @!p0 $0xFFFFB000  }
0x28: {  	[tilespmem:s11], [sflag:$0x6] =	stream.linear.gather [hbm4b:s10+s3], $0x10, $0x38;
	[tilespmem:$0x1DD10] =	vst v63  }
0x29: {  	_ =	swait.ge [sflag:s12], $0x10  }
0x2a: {  	[sflag:s12] =	ssyncset.done $0x0  }
0x2b: {  	[sflag:s12] =	ssyncadd.s32 $0xFFFFFFF0  }
0x2c: {  	[bflag:$0x0] =	sbarrier.arrive $0xFFFF  }
0x2d: {  	s20 =	rddreg [dreg:$0x8]  }
0x2e: {  	v8 =	vld [tilespmem:$0x7500];
	[tilespmem:s3], [sflag:$0x1] =	stream.linear.gather [hbm4b:s20+s3], $0x40, $0x38  }
0x2f: {  	s21 =	rddreg [dreg:$0x9]  }
0x30: {  	[tilespmem:s26], [sflag:$0x1] =	stream.linear.gather [hbm4b:s21+s3], $0x40, $0x38;
	[tilespmem:$0x1DD10] =	vst v63  }
0x31: {  	s22 =	rddreg [dreg:$0xa]  }
0x32: {  	[tilespmem:s28], [sflag:$0x2] =	stream.linear.gather [hbm4b:s22+s3], $0x40, $0x38;
	[tilespmem:$0x1DD10] =	vst v63  }
0x33: {  	s23 =	rddreg [dreg:$0xb]  }
0x34: {  	[tilespmem:s29], [sflag:$0x2] =	stream.linear.gather [hbm4b:s23+s3], $0x40, $0x38;
	[tilespmem:$0x1DD10] =	vst v63  }
0x35: {  	_ =	swait.ge [sflag:s30], $0x40  }
0x36: {  	[sflag:s30] =	ssyncset.done $0x0  }
0x37: {  	[sflag:s30] =	ssyncadd.s32 $0xFFFFFFC0  }
0x38: {  	_ =	swait.ge [sflag:s30], $0x40  }
0x39: {  	[sflag:s30] =	ssyncset.done $0x0  }
0x3a: {  	s24 =	simm.s32 $0x100;
	[sflag:s30] =	ssyncadd.s32 $0xFFFFFFC0  }
0x3b: {  	[tilespmem:s24], [sflag:$0x3] =	stream.indirect.gather [hbm4b:s8+s28], $0x10, s3, s28, $0xb8;
	[tilespmem:$0x1DD10] =	vst v63  }
0x3c: {  	s25 =	simm.s32 $0x900  }
0x3d: {  	[tilespmem:s25], [sflag:$0x3] =	stream.indirect.gather [hbm4b:s9+s28], $0x10, s26, s28, $0xb8;
	[tilespmem:$0x1DD10] =	vst v63  }
0x3e: {  	s31 =	simm.s32 $0x1500;
	s21 =	simm.s32 $0x0  }
0x3f: {  	[tilespmem:s31], [sflag:$0x3] =	stream.indirect.gather [hbm4b:s6+s28], $0x80, s3, s28, $0xb8;
	[tilespmem:$0x1DD10] =	vst v63  }
.LBB2_2:
0x40: {  	_ =	swait.ge [sflag:s7], $0x40  }
0x41: {  	[sflag:s7] =	ssyncset.done $0x0  }
0x42: {  	[sflag:s7] =	ssyncadd.s32 $0xFFFFFFC0  }
0x43: {  	_ =	swait.ge [sflag:s7], $0x40  }
0x44: {  	[sflag:s7] =	ssyncset.done $0x0  }
0x45: {  	s0 =	simm.s32 $0x500;
	[sflag:s7] =	ssyncadd.s32 $0xFFFFFFC0  }
0x46: {  	[tilespmem:s0], [sflag:$0x4] =	stream.indirect.gather [hbm4b:s8+s28], $0x10, s28, s28, $0xb8;
	[tilespmem:$0x1DD10] =	vst v63  }
0x47: {  	s1 =	simm.s32 $0xD00  }
0x48: {  	[tilespmem:s1], [sflag:$0x4] =	stream.indirect.gather [hbm4b:s9+s28], $0x10, s29, s28, $0xb8;
	[tilespmem:$0x1DD10] =	vst v63  }
0x49: {  	s10 =	simm.s32 $0x3500  }
0x4a: {  	[tilespmem:s10], [sflag:$0x4] =	stream.indirect.gather [hbm4b:s6+s28], $0x80, s28, s28, $0xb8;
	[tilespmem:$0x1DD10] =	vst v63  }
0x4b: {  	_ =	swait.ge [sflag:s13], $0x400  }
0x4c: {  	[sflag:s13] =	ssyncset.done $0x0  }
0x4d: {  	[sflag:s13] =	ssyncadd.s32 $0xFFFFFC00  }
0x4e: {  	_ =	swait.ge [sflag:s13], $0x400  }
0x4f: {  	[sflag:s13] =	ssyncset.done $0x0  }
0x50: {  	[sflag:s13] =	ssyncadd.s32 $0xFFFFFC00  }
0x51: {  	_ =	swait.ge [sflag:s13], $0x2000  }
0x52: {  	[sflag:s13] =	ssyncset.done $0x0  }
0x53: {  	s11 =	simm.s32 $0x920;
	[sflag:s13] =	ssyncadd.s32 $0xFFFFE000  }
0x54: {  	s1 =	simm.s32 $0x120;
	v9 =	vld [tilespmem:s11+$0x10]  }
0x55: {  	v10 =	vld [tilespmem:s1+$0x10];
	_ =	sdelay $0x4  }
0x56: {  	v11 =	vadd.f32 v9, v8;
	v9 =	vadd.f32 v9, v10;
	_ =	sdelay $0x1  }
0x57: {  	v10 =	vmul.f32 $2.000000030e-01, v11;
	v12 =	vmul.f32 $2.000000030e-01, v9;
	_ =	sdelay $0x1  }
0x58: {  	v10 =	vmax.f32 v11, v10;
	v9 =	vmax.f32 v9, v12  }
0x59: {  	v13 =	vld [tilespmem:s11+$0xFFFFFFE0];
	v9 =	vsub.f32 v9, v10  }
0x5a: {  	v11 =	vld [tilespmem:s11+$0x0]  }
0x5b: {  	v10 =	vld [tilespmem:s1+$0x0];
	v9 =	vmul.f32 $1.442695020e+00, v9  }
0x5c: {  	v12 =	vld [tilespmem:s1+$0xFFFFFFE0]  }
0x5d: {  	(erf) = vpow2.f32 v9  }
0x5e: {  	v14 =	vld [tilespmem:s1+$0xFFFFFFF0]  }
0x5f: {  	v9 =	vld [tilespmem:s11+$0xFFFFFFF0];
	v15 =	vadd.f32 v11, v8  }
0x60: {  	v10 =	vadd.f32 v11, v10  }
0x61: {  	v16 =	vadd.f32 v13, v12;
	v13 =	vadd.f32 v13, v8;
	v11 =	vmul.f32 $2.000000030e-01, v15  }
0x62: {  	v12 =	vmul.f32 $2.000000030e-01, v10  }
0x63: {  	v17 =	vmul.f32 $2.000000030e-01, v16;
	v11 =	vmax.f32 v15, v11;
	v15 =	vmul.f32 $2.000000030e-01, v13  }
0x64: {  	v18 =	vadd.f32 v9, v8;
	v9 =	vadd.f32 v9, v14;
	v10 =	vmax.f32 v10, v12  }
0x65: {  	v10 =	vsub.f32 v10, v11;
	v11 =	vmax.f32 v13, v15;
	v13 =	vmax.f32 v16, v17  }
0x66: {  	s12 =	simm.s32 $0x1120;
	s23 =	simm.s32 $0x1600;
	v11 =	vsub.f32 v13, v11;
	v12 =	vpop (erf)  }
0x67: {  	v14 =	vmul.f32 $2.000000030e-01, v9;
	v10 =	vmul.f32 $1.442695020e+00, v10;
	[tilespmem:s12+$0x10] =	vst v12  }
0x68: {  	v15 =	vmul.f32 $2.000000030e-01, v18;
	v11 =	vmul.f32 $1.442695020e+00, v11;
	v13 =	vld [tilespmem:s23+$0x80]  }
0x69: {  	(erf) = vpow2.f32 v10  }
0x6a: {  	v9 =	vmax.f32 v9, v14;
	v14 =	vmax.f32 v18, v15;
	(erf) = vpow2.f32 v11  }
0x6b: {  	v10 =	vperm.xlane v12, v0;
	v9 =	vsub.f32 v9, v14  }
0x6c: {  	s20 =	simm.s32 $0x960  }
0x6d: {  	s10 =	simm.s32 $0x160;
	v22 =	vld [tilespmem:s20+$0xFFFFFFF0];
	v9 =	vmul.f32 $1.442695020e+00, v9;
	v10 =	vmul.f32 v13, v10  }
0x6e: {  	s24 =	simm.s32 $0x5600;
	v11 =	vld [tilespmem:s10+$0x10]  }
0x6f: {  	(erf) = vpow2.f32 v9;
	[tilespmem:s24+$0x80] =	vst v10;
	v10 =	vld [tilespmem:s20+$0x10]  }
0x70: {  	v9 =	vld [tilespmem:s23+$0x90];
	_ =	sdelay $0x1  }
0x71: {  	v21 =	vpop (erf)  }
0x72: {  	v13 =	vperm.xlane v12, v1;
	v19 =	vpop (erf)  }
0x73: {  	v35 =	vadd.f32 v22, v8;
	[tilespmem:s12+$0xFFFFFFE0] =	vst v19  }
0x74: {  	[tilespmem:s12+$0x0] =	vst v21;
	v9 =	vmul.f32 v9, v13;
	v13 =	vadd.f32 v10, v8;
	v10 =	vadd.f32 v10, v11;
	v11 =	vld [tilespmem:s23+$0xFFFFFF00]  }
0x75: {  	v62 =	vmul.f32 $2.000000030e-01, v35;
	v31 =	vperm.xlane v12, v4;
	v15 =	vld [tilespmem:s23+$0x0]  }
0x76: {  	[tilespmem:s24+$0x90] =	vst v9;
	v9 =	vmul.f32 $2.000000030e-01, v13;
	v14 =	vmul.f32 $2.000000030e-01, v10  }
0x77: {  	v63 =	vperm.xlane v12, v6;
	v17 =	vperm.xlane v19, v0;
	v20 =	vpop (erf);
	v16 =	vld [tilespmem:s23+$0xA0]  }
0x78: {  	v18 =	vperm.xlane v21, v0;
	[tilespmem:s12+$0xFFFFFFF0] =	vst v20;
	v9 =	vmax.f32 v13, v9;
	v10 =	vmax.f32 v10, v14  }
0x79: {  	v23 =	vperm.xlane v21, v5;
	v13 =	vld [tilespmem:s23+$0xFFFFFF80];
	v9 =	vsub.f32 v10, v9;
	v10 =	vmul.f32 v11, v17  }
0x7a: {  	v24 =	vld [tilespmem:s20+$0x0];
	v15 =	vmul.f32 v15, v18;
	v17 =	vperm.xlane v12, v2  }
0x7b: {  	v32 =	vperm.xlane v21, v3;
	v18 =	vperm.xlane v20, v0;
	v11 =	vld [tilespmem:s10+$0x0];
	[tilespmem:s24+$0xFFFFFF00] =	vst v10  }
0x7c: {  	[tilespmem:s24+$0x0] =	vst v15;
	v9 =	vmul.f32 $1.442695020e+00, v9;
	v16 =	vmul.f32 v16, v17;
	v17 =	vld [tilespmem:s23+$0xFFFFFF10]  }
0x7d: {  	v43 =	vperm.xlane v21, v6;
	v26 =	vperm.xlane v19, v1;
	v15 =	vld [tilespmem:s23+$0x10]  }
0x7e: {  	v25 =	vld [tilespmem:s20+$0xFFFFFFE0];
	(erf) = vpow2.f32 v9;
	v9 =	vmul.f32 v13, v18  }
0x7f: {  	v30 =	vld [tilespmem:s10+$0xFFFFFFF0];
	v29 =	vperm.xlane v19, v3;
	v48 =	vperm.xlane v19, v4;
	[tilespmem:s24+$0xA0] =	vst v16  }
0x80: {  	v55 =	vperm.xlane v19, v5;
	v16 =	vperm.xlane v21, v1;
	v18 =	vld [tilespmem:s23+$0xB0];
	[tilespmem:s24+$0xFFFFFF80] =	vst v9  }
0x81: {  	v11 =	vadd.f32 v24, v11;
	v9 =	vadd.f32 v24, v8;
	v27 =	vld [tilespmem:s23+$0xFFFFFF90];
	v17 =	vmul.f32 v17, v26  }
0x82: {  	v10 =	vperm.xlane v12, v3;
	v15 =	vmul.f32 v15, v16;
	v26 =	vld [tilespmem:s10+$0xFFFFFFE0]  }
0x83: {  	v34 =	vmul.f32 $2.000000030e-01, v11;
	v33 =	vmul.f32 $2.000000030e-01, v9;
	[tilespmem:s24+$0xFFFFFF10] =	vst v17  }
0x84: {  	v28 =	vperm.xlane v20, v2;
	[tilespmem:s24+$0x10] =	vst v15;
	v15 =	vadd.f32 v22, v30;
	v17 =	vperm.xlane v20, v1;
	v24 =	vld [tilespmem:s23+$0xFFFFFF20]  }
0x85: {  	v11 =	vmax.f32 v11, v34;
	v9 =	vmax.f32 v9, v33;
	v22 =	vld [tilespmem:s23+$0x20];
	v16 =	vmul.f32 v18, v10  }
0x86: {  	v9 =	vsub.f32 v11, v9;
	v17 =	vmul.f32 v27, v17;
	v27 =	vadd.f32 v25, v8  }
0x87: {  	s22 =	simm.s32 $0x1160;
	v13 =	vperm.xlane v19, v2;
	v18 =	vperm.xlane v21, v2;
	v25 =	vadd.f32 v25, v26;
	[tilespmem:s24+$0xB0] =	vst v16  }
0x88: {  	v10 =	vpop (erf);
	v36 =	vmul.f32 $1.442695020e+00, v9;
	[tilespmem:s24+$0xFFFFFF90] =	vst v17;
	v17 =	vmul.f32 $2.000000030e-01, v27;
	v26 =	vld [tilespmem:s23+$0xC0]  }
0x89: {  	s25 =	simm.s32 $0x1800;
	[tilespmem:s22+$0x10] =	vst v10;
	v11 =	vld [tilespmem:s23+$0xFFFFFFA0];
	v61 =	vmul.f32 $2.000000030e-01, v25;
	v13 =	vmul.f32 v24, v13  }
0x8a: {  	s31 =	simm.s32 $0x1A0;
	v16 =	vmul.f32 $2.000000030e-01, v15;
	v18 =	vmul.f32 v22, v18;
	v24 =	vld [tilespmem:s25+$0x80]  }
0x8b: {  	v39 =	vld [tilespmem:s31+$0xFFFFFFE0];
	(erf) = vpow2.f32 v36;
	v17 =	vmax.f32 v27, v17;
	v22 =	vmax.f32 v25, v61;
	[tilespmem:s24+$0xFFFFFF20] =	vst v13  }
0x8c: {  	v38 =	vperm.xlane v20, v6;
	v14 =	vperm.xlane v12, v7;
	v13 =	vsub.f32 v22, v17;
	v17 =	vld [tilespmem:s23+$0xFFFFFF30]  }
0x8d: {  	v54 =	vld [tilespmem:s31+$0xFFFFFFF0];
	s12 =	simm.s32 $0x9A0;
	v30 =	vperm.xlane v10, v0;
	v15 =	vmax.f32 v15, v16;
	v16 =	vmax.f32 v35, v62  }
0x8e: {  	v42 =	vld [tilespmem:s12+$0xFFFFFFE0];
	v15 =	vsub.f32 v15, v16;
	[tilespmem:s24+$0x20] =	vst v18;
	v11 =	vmul.f32 v11, v28;
	v13 =	vmul.f32 $1.442695020e+00, v13  }
0x8f: {  	v22 =	vld [tilespmem:s23+$0x30];
	v16 =	vmul.f32 v24, v30;
	v24 =	vmul.f32 v26, v31  }
0x90: {  	s11 =	simm.s32 $0x5800;
	v26 =	vld [tilespmem:s12+$0x10];
	[tilespmem:s24+$0xFFFFFFA0] =	vst v11;
	v11 =	vmul.f32 $1.442695020e+00, v15;
	(erf) = vpow2.f32 v13  }
0x91: {  	v9 =	vperm.xlane v10, v7;
	v13 =	vld [tilespmem:s23+$0xFFFFFFB0];
	[tilespmem:s11+$0x80] =	vst v16;
	v15 =	vmul.f32 v17, v29  }
0x92: {  	v53 =	vperm.xlane v10, v2;
	v18 =	vperm.xlane v20, v3;
	v30 =	vld [tilespmem:s25+$0x90]  }
0x93: {  	v28 =	vperm.xlane v10, v3;
	v31 =	vld [tilespmem:s31+$0x10];
	v16 =	vperm.xlane v19, v7;
	[tilespmem:s24+$0xFFFFFF30] =	vst v15  }
0x94: {  	[tilespmem:s24+$0xC0] =	vst v24;
	(erf) = vpow2.f32 v11;
	v15 =	vmul.f32 v22, v32;
	v11 =	vpop (erf);
	v22 =	vld [tilespmem:s23+$0xFFFFFF40]  }
0x95: {  	v24 =	vperm.xlane v10, v1;
	v19 =	vperm.xlane v19, v6;
	v47 =	vld [tilespmem:s23+$0xD0];
	[tilespmem:s22+$0x0] =	vst v11  }
0x96: {  	v29 =	vperm.xlane v21, v4;
	v13 =	vmul.f32 v13, v18;
	[tilespmem:s24+$0x30] =	vst v15;
	v50 =	vld [tilespmem:s25+$0x0]  }
0x97: {  	v17 =	vperm.xlane v21, v7;
	v37 =	vadd.f32 v26, v8;
	v49 =	vld [tilespmem:s23+$0x40];
	v24 =	vmul.f32 v30, v24  }
0x98: {  	v57 =	vld [tilespmem:s12+$0x0];
	v26 =	vadd.f32 v26, v31;
	v31 =	vperm.xlane v11, v0;
	[tilespmem:s24+$0xFFFFFFB0] =	vst v13;
	v13 =	vperm.xlane v12, v5  }
0x99: {  	v44 =	vperm.xlane v11, v1;
	v30 =	vld [tilespmem:s23+$0xFFFFFFC0];
	[tilespmem:s11+$0x90] =	vst v24;
	v12 =	vpop (erf);
	v22 =	vmul.f32 v22, v48  }
0x9a: {  	[tilespmem:s22+$0xFFFFFFE0] =	vst v12;
	v51 =	vld [tilespmem:s25+$0xA0];
	v32 =	vmul.f32 v47, v13;
	v13 =	vmul.f32 $2.000000030e-01, v37  }
0x9b: {  	v52 =	vmul.f32 $2.000000030e-01, v26;
	v40 =	vld [tilespmem:s25+$0xFFFFFF00];
	v31 =	vmul.f32 v50, v31;
	[tilespmem:s24+$0xFFFFFF40] =	vst v22  }
0x9c: {  	v25 =	vld [tilespmem:s31+$0x0];
	v24 =	vperm.xlane v20, v4;
	v29 =	vmul.f32 v49, v29;
	[tilespmem:s24+$0xD0] =	vst v32  }
0x9d: {  	v15 =	vperm.xlane v11, v5;
	v26 =	vmax.f32 v26, v52;
	v37 =	vmax.f32 v37, v13;
	v41 =	vld [tilespmem:s23+$0xFFFFFF50];
	[tilespmem:s11+$0x0] =	vst v31  }
0x9e: {  	v26 =	vsub.f32 v26, v37;
	v45 =	vld [tilespmem:s23+$0xE0];
	[tilespmem:s24+$0x40] =	vst v29;
	v13 =	vpop (erf);
	v29 =	vperm.xlane v12, v0;
	v24 =	vmul.f32 v30, v24  }
0x9f: {  	v18 =	vperm.xlane v20, v7;
	v30 =	vld [tilespmem:s23+$0x50];
	[tilespmem:s22+$0xFFFFFFF0] =	vst v13;
	v34 =	vmul.f32 v51, v53  }
0xa0: {  	v21 =	vmul.f32 v40, v29;
	v29 =	vld [tilespmem:s25+$0xFFFFFF80];
	[tilespmem:s24+$0xFFFFFFC0] =	vst v24;
	v24 =	vmul.f32 $1.442695020e+00, v26  }
0xa1: {  	v20 =	vperm.xlane v20, v5;
	v22 =	vperm.xlane v12, v2;
	v56 =	vld [tilespmem:s23+$0xFFFFFFD0];
	[tilespmem:s11+$0xA0] =	vst v34  }
0xa2: {  	v60 =	vld [tilespmem:s25+$0x10];
	[tilespmem:s11+$0xFFFFFF00] =	vst v21;
	v21 =	vmul.f32 v41, v55;
	(erf) = vpow2.f32 v24  }
0xa3: {  	v31 =	vperm.xlane v12, v1;
	v26 =	vperm.xlane v13, v0;
	v59 =	vld [tilespmem:s25+$0xB0]  }
0xa4: {  	v48 =	vperm.xlane v13, v1;
	v58 =	vld [tilespmem:s25+$0xFFFFFF10];
	v30 =	vmul.f32 v30, v23;
	[tilespmem:s24+$0xFFFFFF50] =	vst v21  }
0xa5: {  	v24 =	vperm.xlane v13, v2;
	v23 =	vmul.f32 v29, v26;
	v29 =	vld [tilespmem:s23+$0xFFFFFF60]  }
0xa6: {  	v27 =	vld [tilespmem:s12+$0xFFFFFFF0];
	v63 =	vmul.f32 v45, v63;
	v20 =	vmul.f32 v56, v20;
	[tilespmem:s24+$0x50] =	vst v30  }
0xa7: {  	v41 =	vmul.f32 v60, v44;
	v21 =	vperm.xlane v12, v3;
	[tilespmem:s11+$0xFFFFFF80] =	vst v23;
	v47 =	vld [tilespmem:s23+$0x60]  }
0xa8: {  	v61 =	vadd.f32 v57, v8;
	v26 =	vperm.xlane v10, v4;
	v30 =	vmul.f32 v59, v28;
	v62 =	vld [tilespmem:s25+$0xFFFFFF90];
	[tilespmem:s24+$0xFFFFFFD0] =	vst v20  }
0xa9: {  	[tilespmem:s11+$0x10] =	vst v41;
	v23 =	vperm.xlane v11, v3;
	v28 =	vadd.f32 v57, v25;
	v31 =	vmul.f32 v58, v31;
	v46 =	vld [tilespmem:s23+$0xFFFFFFE0]  }
0xaa: {  	v34 =	vld [tilespmem:s25+$0x20];
	v20 =	vmul.f32 $2.000000030e-01, v61;
	[tilespmem:s11+$0xB0] =	vst v30;
	v25 =	vmul.f32 v29, v19  }
0xab: {  	v41 =	vadd.f32 v42, v39;
	v40 =	vmul.f32 $2.000000030e-01, v28;
	[tilespmem:s11+$0xFFFFFF10] =	vst v31;
	v31 =	vperm.xlane v11, v2;
	v30 =	vld [tilespmem:s25+$0xC0];
	v19 =	vpop (erf)  }
0xac: {  	s0 =	simm.s32 $0x11A0;
	v36 =	vmax.f32 v61, v20;
	v29 =	vadd.f32 v27, v8;
	v32 =	vld [tilespmem:s25+$0xFFFFFF20];
	[tilespmem:s24+$0xFFFFFF60] =	vst v25;
	v33 =	vperm.xlane v19, v0  }
0xad: {  	s20 =	simm.s32 $0x1A00;
	v27 =	vadd.f32 v27, v54;
	[tilespmem:s0+$0x10] =	vst v19;
	v20 =	vperm.xlane v19, v7;
	v37 =	vmul.f32 v62, v48;
	v25 =	vld [tilespmem:s23+$0xFFFFFF70]  }
0xae: {  	s10 =	simm.s32 $0x5800;
	s22 =	simm.s32 $0x8;
	[tilespmem:s24+$0xE0] =	vst v63;
	v42 =	vadd.f32 v42, v8;
	v39 =	vmul.f32 v47, v43;
	v35 =	vmul.f32 v46, v38;
	v38 =	vld [tilespmem:s20+$0x80]  }
.LBB2_3:
0xaf: {  	s22 =	sadd.s32 $0x4, s22;
	v43 =	vmul.f32 $2.000000030e-01, v27;
	v44 =	vmul.f32 $2.000000030e-01, v29;
	v28 =	vmax.f32 v28, v40;
	[tilespmem:s11+$0xFFFFFF90] =	vst v37;
	v37 =	vld [tilespmem:s23+$0xF0]  }
0xb0: {  	s31 =	sadd.s32 $0x40, s31;
	v45 =	vperm.xlane v13, v3;
	p1 =	slt.u32 s22, $0x3C;
	v40 =	vmul.f32 $2.000000030e-01, v42;
	v28 =	vsub.f32 v28, v36;
	v36 =	vld [tilespmem:s25+$0xFFFFFFA0];
	[tilespmem:s24+$0x60] =	vst v39  }
0xb1: {  	v22 =	vmul.f32 v32, v22;
	v39 =	vmul.f32 $2.000000030e-01, v41;
	v43 =	vmax.f32 v27, v43;
	[tilespmem:s24+$0xFFFFFFE0] =	vst v35;
	v32 =	vld [tilespmem:s23+$0x70]  }
0xb2: {  	v27 =	vmax.f32 v42, v40;
	v28 =	vmul.f32 $1.442695020e+00, v28;
	v31 =	vmul.f32 v34, v31;
	v34 =	vld [tilespmem:s23+$0xFFFFFFF0];
	s23 =	smov.u32 s25;
	s25 =	smov.u32 s20  }
0xb3: {  	v29 =	vmax.f32 v29, v44;
	v35 =	vmax.f32 v41, v39;
	v33 =	vmul.f32 v38, v33;
	[tilespmem:s11+$0xFFFFFF20] =	vst v22  }
0xb4: {  	s12 =	sadd.s32 $0x40, s12;
	v22 =	vsub.f32 v35, v27;
	s11 =	sadd.s32 $0x200, s11;
	(erf) = vpow2.f32 v28;
	v35 =	vld [tilespmem:s23+$0xFFFFFF30];
	[tilespmem:s10+$0x20] =	vst v31;
	v28 =	vmul.f32 v37, v14;
	v14 =	vmovc v9  }
0xb5: {  	v26 =	vmul.f32 v30, v26;
	v29 =	vsub.f32 v43, v29;
	v27 =	vld [tilespmem:s12+$0xFFFFFFF0];
	[tilespmem:s11+$0x80] =	vst v33;
	v24 =	vmul.f32 v36, v24  }
0xb6: {  	v9 =	vmov v20;
	v22 =	vmul.f32 $1.442695020e+00, v22;
	v30 =	vld [tilespmem:s23+$0x30];
	v17 =	vmul.f32 v32, v17;
	[tilespmem:s24+$0xF0] =	vst v28  }
0xb7: {  	v29 =	vmul.f32 $1.442695020e+00, v29;
	v28 =	vperm.xlane v19, v3;
	v20 =	vld [tilespmem:s31+$0x0];
	[tilespmem:s10+$0xFFFFFFA0] =	vst v24  }
0xb8: {  	v18 =	vmul.f32 v34, v18;
	(erf) = vpow2.f32 v22;
	v22 =	vld [tilespmem:s23+$0xFFFFFFB0];
	[tilespmem:s24+$0x70] =	vst v17  }
0xb9: {  	v24 =	vld [tilespmem:s12+$0x10];
	v17 =	vmul.f32 v35, v21;
	v21 =	vperm.xlane v11, v4;
	[tilespmem:s10+$0xC0] =	vst v26  }
0xba: {  	v31 =	vmul.f32 v25, v16;
	v16 =	vperm.xlane v12, v7;
	v26 =	vld [tilespmem:s20+$0x90];
	[tilespmem:s24+$0xFFFFFFF0] =	vst v18  }
0xbb: {  	v32 =	vld [tilespmem:s31+$0x10];
	(erf) = vpow2.f32 v29;
	[tilespmem:s10+$0xFFFFFF30] =	vst v17;
	v18 =	vmul.f32 v30, v23  }
0xbc: {  	v25 =	vperm.xlane v10, v6;
	v17 =	vperm.xlane v11, v7;
	v23 =	vld [tilespmem:s23+$0xFFFFFF40];
	[tilespmem:s24+$0xFFFFFF70] =	vst v31;
	s24 =	smov.u32 s10;
	s10 =	smov.u32 s11  }
0xbd: {  	v29 =	vperm.xlane v19, v1;
	v30 =	vpop (erf);
	v22 =	vmul.f32 v22, v45;
	[tilespmem:s24+$0x30] =	vst v18;
	v31 =	vld [tilespmem:s23+$0xD0]  }
0xbe: {  	v34 =	vperm.xlane v12, v4;
	[tilespmem:s0+$0x0] =	vst v30;
	v33 =	vperm.xlane v30, v5;
	v35 =	vld [tilespmem:s23+$0x40]  }
0xbf: {  	v18 =	vperm.xlane v13, v7;
	v36 =	vld [tilespmem:s20+$0x0];
	v37 =	vmul.f32 v26, v29;
	[tilespmem:s24+$0xFFFFFFB0] =	vst v22  }
0xc0: {  	v38 =	vperm.xlane v13, v6;
	v22 =	vperm.xlane v10, v5;
	v10 =	vmov v19;
	v29 =	vld [tilespmem:s23+$0xFFFFFFC0]  }
0xc1: {  	v19 =	vadd.f32 v24, v8;
	v39 =	vld [tilespmem:s31+$0xFFFFFFE0];
	[tilespmem:s11+$0x90] =	vst v37;
	v26 =	vpop (erf);
	v23 =	vmul.f32 v23, v34;
	v34 =	vperm.xlane v13, v4  }
0xc2: {  	v24 =	vadd.f32 v24, v32;
	v32 =	vperm.xlane v30, v0;
	[tilespmem:s0+$0xFFFFFFE0] =	vst v26;
	v37 =	vld [tilespmem:s20+$0xA0];
	v31 =	vmul.f32 v31, v22  }
0xc3: {  	v40 =	vmul.f32 $2.000000030e-01, v19;
	v41 =	vld [tilespmem:s20+$0xFFFFFF00];
	[tilespmem:s24+$0xFFFFFF40] =	vst v23;
	v21 =	vmul.f32 v35, v21  }
0xc4: {  	v22 =	vperm.xlane v26, v2;
	v23 =	vmul.f32 $2.000000030e-01, v24;
	v35 =	vpop (erf);
	v42 =	vld [tilespmem:s23+$0xFFFFFF50]  }
0xc5: {  	v19 =	vmax.f32 v19, v40;
	v32 =	vmul.f32 v36, v32;
	v36 =	vperm.xlane v10, v2;
	v43 =	vld [tilespmem:s12+$0xFFFFFFE0];
	[tilespmem:s24+$0x40] =	vst v21  }
0xc6: {  	v21 =	vmax.f32 v24, v23;
	v23 =	vperm.xlane v26, v0;
	v24 =	vmul.f32 v29, v34;
	[tilespmem:s0+$0xFFFFFFF0] =	vst v35;
	v29 =	vld [tilespmem:s23+$0x50]  }
0xc7: {  	v44 =	vperm.xlane v11, v6;
	v19 =	vsub.f32 v21, v19;
	v34 =	vld [tilespmem:s31+$0xFFFFFFF0];
	[tilespmem:s11+$0x0] =	vst v32;
	v21 =	vmul.f32 v37, v36  }
0xc8: {  	v11 =	vmov v30;
	v36 =	vperm.xlane v12, v5;
	v23 =	vmul.f32 v41, v23;
	v32 =	vld [tilespmem:s20+$0xFFFFFF80];
	[tilespmem:s24+$0xFFFFFFC0] =	vst v24  }
0xc9: {  	v30 =	vperm.xlane v35, v0;
	v19 =	vmul.f32 $1.442695020e+00, v19;
	[tilespmem:s11+$0xA0] =	vst v21;
	v21 =	vld [tilespmem:s23+$0xFFFFFFD0]  }
0xca: {  	v40 =	vperm.xlane v11, v1;
	v37 =	vld [tilespmem:s12+$0x0];
	[tilespmem:s11+$0xFFFFFF00] =	vst v23;
	v23 =	vmul.f32 v42, v36  }
0xcb: {  	(erf) = vpow2.f32 v19;
	v19 =	vld [tilespmem:s20+$0xFFFFFF10];
	v29 =	vmul.f32 v29, v15;
	[tilespmem:s24+$0xD0] =	vst v31;
	v15 =	vmov v33  }
0xcc: {  	v24 =	vperm.xlane v35, v2;
	v31 =	vld [tilespmem:s20+$0xB0];
	[tilespmem:s24+$0xFFFFFF50] =	vst v23;
	v23 =	vperm.xlane v13, v5;
	v13 =	vmov v35  }
0xcd: {  	v30 =	vmul.f32 v32, v30;
	v32 =	vperm.xlane v12, v6;
	v33 =	vld [tilespmem:s23+$0xFFFFFF60];
	[tilespmem:s24+$0x50] =	vst v29;
	v12 =	vmov v26  }
0xce: {  	v29 =	vperm.xlane v12, v1;
	v35 =	vld [tilespmem:s20+$0x10];
	v36 =	vmul.f32 v21, v23  }
0xcf: {  	v26 =	vperm.xlane v10, v4;
	v21 =	vperm.xlane v12, v3;
	v41 =	vadd.f32 v37, v8;
	[tilespmem:s11+$0xFFFFFF80] =	vst v30;
	v42 =	vld [tilespmem:s23+$0xE0]  }
0xd0: {  	v23 =	vperm.xlane v11, v3;
	v19 =	vmul.f32 v19, v29;
	v45 =	vld [tilespmem:s20+$0xFFFFFF90];
	[tilespmem:s24+$0xFFFFFFD0] =	vst v36  }
0xd1: {  	v29 =	vmul.f32 $2.000000030e-01, v41;
	v30 =	vmul.f32 v31, v28;
	v46 =	vld [tilespmem:s23+$0xFFFFFFE0]  }
0xd2: {  	v28 =	vadd.f32 v37, v20;
	v31 =	vperm.xlane v11, v2;
	[tilespmem:s11+$0xFFFFFF10] =	vst v19;
	v20 =	vmul.f32 v33, v32;
	v47 =	vld [tilespmem:s23+$0x60]  }
.Ltmp0:
0xd3: {  	v37 =	vperm.xlane v13, v1;
	v36 =	vmax.f32 v41, v29;
	v32 =	vld [tilespmem:s20+$0xFFFFFF20];
	v35 =	vmul.f32 v35, v40;
	[tilespmem:s11+$0xB0] =	vst v30;
	(pc) =	sbr.rel @p1 .LBB2_3-.Ltmp0, $4  }
0xd4: {  	s0 =	sadd.s32 $0x40, s0;
	v40 =	vmul.f32 $2.000000030e-01, v28;
	v19 =	vpop (erf);
	v30 =	vld [tilespmem:s20+$0xC0];
	[tilespmem:s24+$0xFFFFFF60] =	vst v20;
	v48 =	vmul.f32 v42, v25  }
0xd5: {  	v29 =	vadd.f32 v27, v8;
	s20 =	sadd.s32 $0x200, s20;
	v33 =	vperm.xlane v19, v0;
	v37 =	vmul.f32 v45, v37;
	[tilespmem:s11+$0x10] =	vst v35;
	v25 =	vld [tilespmem:s23+$0xFFFFFF70]  }
0xd6: {  	v27 =	vadd.f32 v27, v34;
	v20 =	vperm.xlane v19, v7;
	[tilespmem:s0+$0x10] =	vst v19;
	v34 =	vld [tilespmem:s25+$0x20];
	v35 =	vmul.f32 v46, v38  }
0xd7: {  	v41 =	vadd.f32 v43, v39;
	v42 =	vadd.f32 v43, v8;
	v38 =	vld [tilespmem:s20+$0x80];
	v39 =	vmul.f32 v47, v44;
	[tilespmem:s24+$0xE0] =	vst v48  }
0xd8: {  	_ = 	snop  }
0xd9: {  	v43 =	vmul.f32 $2.000000030e-01, v42;
	v44 =	vmul.f32 $2.000000030e-01, v41  }
0xda: {  	v45 =	vmul.f32 $2.000000030e-01, v27;
	v28 =	vmax.f32 v28, v40;
	v56 =	vmul.f32 $2.000000030e-01, v29  }
0xdb: {  	v28 =	vsub.f32 v28, v36;
	v57 =	vmax.f32 v42, v43;
	v41 =	vmax.f32 v41, v44  }
0xdc: {  	v27 =	vmax.f32 v27, v45;
	v29 =	vmax.f32 v29, v56;
	v36 =	vsub.f32 v41, v57  }
0xdd: {  	v28 =	vmul.f32 $1.442695020e+00, v28;
	v27 =	vsub.f32 v27, v29  }
0xde: {  	v29 =	vmul.f32 $1.442695020e+00, v36  }
0xdf: {  	(erf) = vpow2.f32 v28;
	v27 =	vmul.f32 $1.442695020e+00, v27  }
0xe0: {  	(erf) = vpow2.f32 v29  }
0xe1: {  	(erf) = vpow2.f32 v27;
	_ =	sdelay $0x6  }
0xe2: {  	v28 =	vpop (erf)  }
0xe3: {  	v27 =	vpop (erf)  }
0xe4: {  	[tilespmem:s0+$0x0] =	vst v28;
	v29 =	vpop (erf)  }
0xe5: {  	v58 =	vld [tilespmem:s20+$0x0];
	[tilespmem:s0+$0xFFFFFFF0] =	vst v29  }
0xe6: {  	[tilespmem:s0+$0xFFFFFFE0] =	vst v27;
	v59 =	vld [tilespmem:s20+$0xFFFFFF80]  }
0xe7: {  	v60 =	vld [tilespmem:s20+$0xFFFFFF00]  }
0xe8: {  	v61 =	vperm.xlane v28, v0  }
0xe9: {  	v33 =	vmul.f32 v38, v33;
	v62 =	vperm.xlane v29, v0  }
0xea: {  	[tilespmem:s11+$0xFFFFFF90] =	vst v37;
	s1 =	sadd.s32 $0x200, s11;
	v63 =	vperm.xlane v27, v0;
	v36 =	vmul.f32 v58, v61  }
0xeb: {  	[tilespmem:s1+$0x80] =	vst v33;
	v40 =	vmul.f32 v59, v62  }
0xec: {  	v42 =	vld [tilespmem:s20+$0x90];
	[tilespmem:s1+$0x0] =	vst v36;
	v43 =	vmul.f32 v60, v63  }
0xed: {  	v44 =	vld [tilespmem:s20+$0x10];
	[tilespmem:s1+$0xFFFFFF80] =	vst v40  }
0xee: {  	[tilespmem:s1+$0xFFFFFF00] =	vst v43;
	v33 =	vld [tilespmem:s20+$0xFFFFFF90]  }
0xef: {  	v22 =	vmul.f32 v32, v22;
	[tilespmem:s24+$0xFFFFFFE0] =	vst v35;
	v45 =	vperm.xlane v19, v1;
	v36 =	vld [tilespmem:s20+$0xFFFFFF10]  }
0xf0: {  	v46 =	vld [tilespmem:s23+$0xF0];
	[tilespmem:s24+$0x60] =	vst v39;
	v31 =	vmul.f32 v34, v31;
	v47 =	vperm.xlane v28, v1  }
0xf1: {  	v48 =	vld [tilespmem:s25+$0xFFFFFFA0];
	[tilespmem:s11+$0xFFFFFF20] =	vst v22;
	v22 =	vmul.f32 v42, v45;
	v49 =	vperm.xlane v29, v1  }
0xf2: {  	v50 =	vld [tilespmem:s23+$0x70];
	[tilespmem:s10+$0x20] =	vst v31;
	v31 =	vperm.xlane v27, v1;
	v34 =	vmul.f32 v44, v47  }
0xf3: {  	[tilespmem:s1+$0x90] =	vst v22;
	v22 =	vmul.f32 v33, v49  }
0xf4: {  	v51 =	vld [tilespmem:s20+$0xA0];
	[tilespmem:s1+$0x10] =	vst v34;
	v31 =	vmul.f32 v36, v31  }
0xf5: {  	v14 =	vmul.f32 v46, v14;
	v52 =	vld [tilespmem:s20+$0x20];
	[tilespmem:s1+$0xFFFFFF90] =	vst v22  }
0xf6: {  	[tilespmem:s1+$0xFFFFFF10] =	vst v31;
	v22 =	vmul.f32 v48, v24;
	v24 =	vld [tilespmem:s20+$0xFFFFFFA0]  }
0xf7: {  	v17 =	vmul.f32 v50, v17;
	[tilespmem:s24+$0xF0] =	vst v14;
	v14 =	vperm.xlane v19, v2;
	v31 =	vld [tilespmem:s20+$0xFFFFFF20]  }
0xf8: {  	v53 =	vld [tilespmem:s23+$0xFFFFFFF0];
	v26 =	vmul.f32 v30, v26;
	[tilespmem:s10+$0xFFFFFFA0] =	vst v22;
	v22 =	vperm.xlane v28, v2  }
0xf9: {  	v30 =	vld [tilespmem:s25+$0x30];
	[tilespmem:s24+$0x70] =	vst v17;
	v17 =	vperm.xlane v29, v2;
	v14 =	vmul.f32 v51, v14  }
0xfa: {  	[tilespmem:s10+$0xC0] =	vst v26;
	v26 =	vperm.xlane v27, v2;
	v54 =	vld [tilespmem:s25+$0xFFFFFFB0];
	v22 =	vmul.f32 v52, v22  }
0xfb: {  	v55 =	vld [tilespmem:s25+$0xFFFFFF30];
	[tilespmem:s1+$0xA0] =	vst v14;
	v14 =	vmul.f32 v24, v17  }
0xfc: {  	v17 =	vld [tilespmem:s20+$0xB0];
	v24 =	vmul.f32 v31, v26;
	[tilespmem:s1+$0x20] =	vst v22  }
0xfd: {  	v18 =	vmul.f32 v53, v18;
	v22 =	vperm.xlane v13, v3;
	v26 =	vld [tilespmem:s20+$0x30];
	[tilespmem:s1+$0xFFFFFFA0] =	vst v14  }
0xfe: {  	v14 =	vmul.f32 v30, v23;
	[tilespmem:s1+$0xFFFFFF20] =	vst v24;
	v23 =	vld [tilespmem:s20+$0xFFFFFFB0]  }
0xff: {  	[tilespmem:s24+$0xFFFFFFF0] =	vst v18;
	v24 =	vperm.xlane v19, v3;
	v18 =	vmul.f32 v54, v22;
	v22 =	vld [tilespmem:s20+$0xFFFFFF30]  }
0x100: {  	v21 =	vmul.f32 v55, v21;
	[tilespmem:s10+$0x30] =	vst v14;
	v14 =	vperm.xlane v28, v3  }
0x101: {  	[tilespmem:s10+$0xFFFFFFB0] =	vst v18;
	v18 =	vperm.xlane v29, v3;
	v30 =	vld [tilespmem:s25+$0x40];
	v17 =	vmul.f32 v17, v24  }
0x102: {  	[tilespmem:s10+$0xFFFFFF30] =	vst v21;
	v21 =	vld [tilespmem:s25+$0xFFFFFFC0];
	v24 =	vperm.xlane v27, v3;
	v14 =	vmul.f32 v26, v14  }
0x103: {  	v26 =	vld [tilespmem:s25+$0xFFFFFF40];
	[tilespmem:s1+$0xB0] =	vst v17;
	v17 =	vmul.f32 v23, v18  }
0x104: {  	v18 =	vperm.xlane v11, v4;
	v23 =	vld [tilespmem:s20+$0xC0];
	v22 =	vmul.f32 v22, v24;
	[tilespmem:s1+$0x30] =	vst v14  }
0x105: {  	v14 =	vmul.f32 v25, v16;
	v16 =	vperm.xlane v13, v4;
	v24 =	vld [tilespmem:s20+$0x40];
	[tilespmem:s1+$0xFFFFFFB0] =	vst v17  }
0x106: {  	v17 =	vperm.xlane v12, v4;
	v18 =	vmul.f32 v30, v18;
	[tilespmem:s1+$0xFFFFFF30] =	vst v22;
	v22 =	vld [tilespmem:s20+$0xFFFFFFC0]  }
0x107: {  	[tilespmem:s24+$0xFFFFFF70] =	vst v14;
	v14 =	vmul.f32 v21, v16;
	v16 =	vperm.xlane v19, v4;
	v21 =	vld [tilespmem:s20+$0xFFFFFF40]  }
0x108: {  	v25 =	vld [tilespmem:s25+$0xD0];
	v17 =	vmul.f32 v26, v17;
	[tilespmem:s10+$0x40] =	vst v18;
	v18 =	vperm.xlane v28, v4  }
0x109: {  	[tilespmem:s10+$0xFFFFFFC0] =	vst v14;
	v26 =	vld [tilespmem:s25+$0x50];
	v14 =	vmul.f32 v23, v16;
	v16 =	vperm.xlane v29, v4  }
0x10a: {  	v23 =	vperm.xlane v27, v4;
	[tilespmem:s10+$0xFFFFFF40] =	vst v17;
	v17 =	vld [tilespmem:s25+$0xFFFFFFD0];
	v18 =	vmul.f32 v24, v18  }
0x10b: {  	v24 =	vperm.xlane v10, v5;
	v30 =	vld [tilespmem:s25+$0xFFFFFF50];
	[tilespmem:s1+$0xC0] =	vst v14;
	v14 =	vmul.f32 v22, v16  }
0x10c: {  	v16 =	vld [tilespmem:s20+$0xD0];
	v21 =	vmul.f32 v21, v23;
	[tilespmem:s1+$0x40] =	vst v18  }
0x10d: {  	v18 =	vmul.f32 v25, v24;
	v22 =	vperm.xlane v13, v5;
	v23 =	vld [tilespmem:s20+$0x50];
	[tilespmem:s1+$0xFFFFFFC0] =	vst v14  }
0x10e: {  	v14 =	vperm.xlane v12, v5;
	v15 =	vmul.f32 v26, v15;
	[tilespmem:s1+$0xFFFFFF40] =	vst v21;
	v21 =	vld [tilespmem:s20+$0xFFFFFFD0]  }
0x10f: {  	[tilespmem:s10+$0xD0] =	vst v18;
	v18 =	vperm.xlane v19, v5;
	v17 =	vmul.f32 v17, v22;
	v22 =	vld [tilespmem:s20+$0xFFFFFF50]  }
0x110: {  	v24 =	vperm.xlane v28, v5;
	v14 =	vmul.f32 v30, v14;
	[tilespmem:s10+$0x50] =	vst v15;
	v15 =	vld [tilespmem:s25+$0xE0]  }
0x111: {  	[tilespmem:s10+$0xFFFFFFD0] =	vst v17;
	v17 =	vld [tilespmem:s25+$0x60];
	v16 =	vmul.f32 v16, v18;
	v18 =	vperm.xlane v29, v5  }
0x112: {  	v25 =	vperm.xlane v27, v5;
	[tilespmem:s10+$0xFFFFFF50] =	vst v14;
	v14 =	vld [tilespmem:s25+$0xFFFFFFE0];
	v23 =	vmul.f32 v23, v24  }
0x113: {  	v10 =	vperm.xlane v10, v6;
	v24 =	vld [tilespmem:s25+$0xFFFFFF60];
	[tilespmem:s1+$0xD0] =	vst v16;
	v16 =	vmul.f32 v21, v18  }
0x114: {  	v18 =	vperm.xlane v11, v6;
	v21 =	vmul.f32 v22, v25;
	[tilespmem:s1+$0x50] =	vst v23;
	v22 =	vld [tilespmem:s20+$0xE0]  }
0x115: {  	v23 =	vperm.xlane v13, v6;
	v10 =	vmul.f32 v15, v10;
	v15 =	vld [tilespmem:s20+$0x60];
	[tilespmem:s1+$0xFFFFFFD0] =	vst v16  }
0x116: {  	v16 =	vperm.xlane v12, v6;
	v17 =	vmul.f32 v17, v18;
	[tilespmem:s1+$0xFFFFFF50] =	vst v21;
	v18 =	vld [tilespmem:s20+$0xFFFFFFE0]  }
0x117: {  	v14 =	vmul.f32 v14, v23;
	[tilespmem:s10+$0xE0] =	vst v10;
	v10 =	vperm.xlane v19, v6;
	v19 =	vld [tilespmem:s20+$0xFFFFFF60]  }
0x118: {  	v16 =	vmul.f32 v24, v16;
	v21 =	vld [tilespmem:s25+$0xF0];
	[tilespmem:s10+$0x60] =	vst v17;
	v17 =	vperm.xlane v28, v6  }
0x119: {  	v23 =	vperm.xlane v29, v6;
	[tilespmem:s10+$0xFFFFFFE0] =	vst v14;
	v14 =	vld [tilespmem:s25+$0x70];
	v10 =	vmul.f32 v22, v10  }
0x11a: {  	v22 =	vperm.xlane v27, v6;
	[tilespmem:s10+$0xFFFFFF60] =	vst v16;
	v16 =	vld [tilespmem:s25+$0xFFFFFFF0];
	v15 =	vmul.f32 v15, v17  }
0x11b: {  	v17 =	vld [tilespmem:s25+$0xFFFFFF70];
	[tilespmem:s1+$0xE0] =	vst v10;
	v18 =	vmul.f32 v18, v23  }
0x11c: {  	v10 =	vperm.xlane v11, v7;
	v11 =	vmul.f32 v19, v22;
	v19 =	vld [tilespmem:s20+$0xF0];
	[tilespmem:s1+$0x60] =	vst v15  }
0x11d: {  	v13 =	vperm.xlane v13, v7;
	v9 =	vmul.f32 v21, v9;
	v15 =	vld [tilespmem:s20+$0x70];
	[tilespmem:s1+$0xFFFFFFE0] =	vst v18  }
0x11e: {  	v12 =	vperm.xlane v12, v7;
	v10 =	vmul.f32 v14, v10;
	[tilespmem:s1+$0xFFFFFF60] =	vst v11;
	v11 =	vld [tilespmem:s20+$0xFFFFFFF0]  }
0x11f: {  	[tilespmem:s10+$0xF0] =	vst v9;
	v9 =	vmul.f32 v16, v13;
	v13 =	vld [tilespmem:s20+$0xFFFFFF70]  }
0x120: {  	[tilespmem:s10+$0x70] =	vst v10;
	v10 =	vmul.f32 v17, v12;
	v12 =	vperm.xlane v28, v7  }
0x121: {  	[tilespmem:s10+$0xFFFFFFF0] =	vst v9;
	v9 =	vperm.xlane v29, v7;
	v14 =	vmul.f32 v19, v20  }
0x122: {  	v16 =	vperm.xlane v27, v7;
	[tilespmem:s10+$0xFFFFFF70] =	vst v10;
	v10 =	vmul.f32 v15, v12  }
0x123: {  	[tilespmem:s1+$0xF0] =	vst v14;
	v9 =	vmul.f32 v11, v9  }
0x124: {  	[tilespmem:s1+$0x70] =	vst v10;
	v10 =	vmul.f32 v13, v16  }
0x125: {  	[tilespmem:s1+$0xFFFFFFF0] =	vst v9  }
0x126: {  	[tilespmem:s1+$0xFFFFFF70] =	vst v10  }
0x127: {  	[spmem:s17] =	stream.indirect.scatter.add.f32 [tilespmem:s14], [sflag:$0x5], $0x10, s26, s28, $0xb8;
	[tilespmem:$0x1DD10] =	vst v63  }
0x128: {  	_ = 	snop  }
0x129: {  	[spmem:s2] =	stream.indirect.scatter.add.f32 [tilespmem:s15], [sflag:$0x5], $0x80, s26, s28, $0xb8;
	[tilespmem:$0x1DD10] =	vst v63  }
0x12a: {  	_ =	swait.ge [sflag:s16], $0x400  }
0x12b: {  	[sflag:s16] =	ssyncset.done $0x0  }
0x12c: {  	[sflag:s16] =	ssyncadd.s32 $0xFFFFFC00  }
0x12d: {  	_ =	swait.ge [sflag:s16], $0x2000  }
0x12e: {  	s24 =	sshll.u32 s21, $0x7;
	s11 =	rddreg [dreg:$0xc]  }
0x12f: {  	s0 =	sadd.s32 s24, s11  }
0x130: {  	[sflag:s16] =	ssyncset.done $0x0;
	s0 =	sshrl.u32 s0, $0x3  }
0x131: {  	[sflag:s16] =	ssyncadd.s32 $0xFFFFE000;
	s1 =	sadd.s32 s4, s0  }
0x132: {  	[tilespmem:s3], [sflag:$0x1] =	stream.linear.gather [hbm4b:s1+s3], $0x40, $0x38;
	[tilespmem:$0x1DD10] =	vst v63  }
0x133: {  	s0 =	sadd.s32 s5, s0  }
0x134: {  	[tilespmem:s26], [sflag:$0x1] =	stream.linear.gather [hbm4b:s0+s3], $0x40, $0x38;
	[tilespmem:$0x1DD10] =	vst v63  }
0x135: {  	_ =	swait.ge [sflag:s30], $0x40  }
0x136: {  	[sflag:s30] =	ssyncset.done $0x0  }
0x137: {  	[sflag:s30] =	ssyncadd.s32 $0xFFFFFFC0  }
0x138: {  	_ =	swait.ge [sflag:s30], $0x40  }
0x139: {  	[sflag:s30] =	ssyncset.done $0x0  }
0x13a: {  	s12 =	simm.s32 $0x100;
	[sflag:s30] =	ssyncadd.s32 $0xFFFFFFC0  }
0x13b: {  	[tilespmem:s12], [sflag:$0x3] =	stream.indirect.gather [hbm4b:s8+s28], $0x10, s3, s28, $0xb8;
	[tilespmem:$0x1DD10] =	vst v63  }
0x13c: {  	s20 =	simm.s32 $0x900  }
0x13d: {  	[tilespmem:s20], [sflag:$0x3] =	stream.indirect.gather [hbm4b:s9+s28], $0x10, s26, s28, $0xb8;
	[tilespmem:$0x1DD10] =	vst v63  }
0x13e: {  	s22 =	simm.s32 $0x1500  }
0x13f: {  	[tilespmem:s22], [sflag:$0x3] =	stream.indirect.gather [hbm4b:s6+s28], $0x80, s3, s28, $0xb8;
	[tilespmem:$0x1DD10] =	vst v63  }
0x140: {  	_ =	swait.ge [sflag:s19], $0x400  }
0x141: {  	[sflag:s19] =	ssyncset.done $0x0  }
0x142: {  	[sflag:s19] =	ssyncadd.s32 $0xFFFFFC00  }
0x143: {  	_ =	swait.ge [sflag:s19], $0x400  }
0x144: {  	[sflag:s19] =	ssyncset.done $0x0  }
0x145: {  	[sflag:s19] =	ssyncadd.s32 $0xFFFFFC00  }
0x146: {  	_ =	swait.ge [sflag:s19], $0x2000  }
0x147: {  	[sflag:s19] =	ssyncset.done $0x0  }
0x148: {  	s23 =	simm.s32 $0xD30;
	[sflag:s19] =	ssyncadd.s32 $0xFFFFE000  }
0x149: {  	s25 =	simm.s32 $0x530;
	v9 =	vld [tilespmem:s23+$0x0]  }
0x14a: {  	v10 =	vld [tilespmem:s25+$0x0];
	_ =	sdelay $0x4  }
0x14b: {  	v11 =	vadd.f32 v9, v8;
	v9 =	vadd.f32 v9, v10;
	_ =	sdelay $0x1  }
0x14c: {  	v10 =	vmul.f32 $2.000000030e-01, v11;
	v12 =	vmul.f32 $2.000000030e-01, v9;
	_ =	sdelay $0x1  }
0x14d: {  	v10 =	vmax.f32 v11, v10;
	v9 =	vmax.f32 v9, v12  }
0x14e: {  	v13 =	vld [tilespmem:s23+$0xFFFFFFD0];
	v9 =	vsub.f32 v9, v10  }
0x14f: {  	v11 =	vld [tilespmem:s23+$0xFFFFFFF0]  }
0x150: {  	v10 =	vld [tilespmem:s25+$0xFFFFFFF0];
	v9 =	vmul.f32 $1.442695020e+00, v9  }
0x151: {  	v12 =	vld [tilespmem:s25+$0xFFFFFFD0]  }
0x152: {  	(erf) = vpow2.f32 v9  }
0x153: {  	v14 =	vld [tilespmem:s25+$0xFFFFFFE0]  }
0x154: {  	v9 =	vld [tilespmem:s23+$0xFFFFFFE0];
	v15 =	vadd.f32 v11, v8  }
0x155: {  	v10 =	vadd.f32 v11, v10  }
0x156: {  	v16 =	vadd.f32 v13, v12;
	v13 =	vadd.f32 v13, v8;
	v11 =	vmul.f32 $2.000000030e-01, v15  }
0x157: {  	v12 =	vmul.f32 $2.000000030e-01, v10  }
0x158: {  	v17 =	vmul.f32 $2.000000030e-01, v16;
	v11 =	vmax.f32 v15, v11;
	v15 =	vmul.f32 $2.000000030e-01, v13  }
0x159: {  	v18 =	vadd.f32 v9, v8;
	v9 =	vadd.f32 v9, v14;
	v10 =	vmax.f32 v10, v12  }
0x15a: {  	v10 =	vsub.f32 v10, v11;
	v11 =	vmax.f32 v13, v15;
	v13 =	vmax.f32 v16, v17  }
0x15b: {  	s10 =	simm.s32 $0x1120;
	s20 =	simm.s32 $0x36F0;
	v11 =	vsub.f32 v13, v11;
	v12 =	vpop (erf)  }
0x15c: {  	v14 =	vmul.f32 $2.000000030e-01, v9;
	v10 =	vmul.f32 $1.442695020e+00, v10;
	[tilespmem:s10+$0x10] =	vst v12  }
0x15d: {  	v15 =	vmul.f32 $2.000000030e-01, v18;
	v11 =	vmul.f32 $1.442695020e+00, v11;
	v13 =	vld [tilespmem:s20+$0xFFFFFF90]  }
0x15e: {  	(erf) = vpow2.f32 v10  }
0x15f: {  	v9 =	vmax.f32 v9, v14;
	v14 =	vmax.f32 v18, v15;
	(erf) = vpow2.f32 v11  }
0x160: {  	v10 =	vperm.xlane v12, v0;
	v9 =	vsub.f32 v9, v14  }
0x161: {  	s11 =	simm.s32 $0xD70  }
0x162: {  	s12 =	simm.s32 $0x570;
	v22 =	vld [tilespmem:s11+$0xFFFFFFE0];
	v9 =	vmul.f32 $1.442695020e+00, v9;
	v10 =	vmul.f32 v13, v10  }
0x163: {  	s25 =	simm.s32 $0x5600;
	v11 =	vld [tilespmem:s12+$0x0]  }
0x164: {  	(erf) = vpow2.f32 v9;
	[tilespmem:s25+$0x80] =	vst v10;
	v10 =	vld [tilespmem:s11+$0x0]  }
0x165: {  	v9 =	vld [tilespmem:s20+$0xFFFFFFA0];
	_ =	sdelay $0x1  }
0x166: {  	v21 =	vpop (erf)  }
0x167: {  	v13 =	vperm.xlane v12, v1;
	v19 =	vpop (erf)  }
0x168: {  	v59 =	vadd.f32 v22, v8;
	[tilespmem:s10+$0xFFFFFFE0] =	vst v19  }
0x169: {  	[tilespmem:s10+$0x0] =	vst v21;
	v9 =	vmul.f32 v9, v13;
	v13 =	vadd.f32 v10, v8;
	v10 =	vadd.f32 v10, v11;
	v11 =	vld [tilespmem:s20+$0xFFFFFE10]  }
0x16a: {  	v61 =	vmul.f32 $2.000000030e-01, v59;
	v31 =	vperm.xlane v12, v4;
	v15 =	vld [tilespmem:s20+$0xFFFFFF10]  }
0x16b: {  	[tilespmem:s25+$0x90] =	vst v9;
	v9 =	vmul.f32 $2.000000030e-01, v13;
	v14 =	vmul.f32 $2.000000030e-01, v10  }
0x16c: {  	v63 =	vperm.xlane v12, v6;
	v17 =	vperm.xlane v19, v0;
	v20 =	vpop (erf);
	v16 =	vld [tilespmem:s20+$0xFFFFFFB0]  }
0x16d: {  	v18 =	vperm.xlane v21, v0;
	[tilespmem:s10+$0xFFFFFFF0] =	vst v20;
	v9 =	vmax.f32 v13, v9;
	v10 =	vmax.f32 v10, v14  }
0x16e: {  	v23 =	vperm.xlane v21, v5;
	v13 =	vld [tilespmem:s20+$0xFFFFFE90];
	v9 =	vsub.f32 v10, v9;
	v10 =	vmul.f32 v11, v17  }
0x16f: {  	v24 =	vld [tilespmem:s11+$0xFFFFFFF0];
	v15 =	vmul.f32 v15, v18;
	v17 =	vperm.xlane v12, v2  }
0x170: {  	v56 =	vperm.xlane v21, v3;
	v18 =	vperm.xlane v20, v0;
	v11 =	vld [tilespmem:s12+$0xFFFFFFF0];
	[tilespmem:s25+$0xFFFFFF00] =	vst v10  }
0x171: {  	[tilespmem:s25+$0x0] =	vst v15;
	v9 =	vmul.f32 $1.442695020e+00, v9;
	v16 =	vmul.f32 v16, v17;
	v17 =	vld [tilespmem:s20+$0xFFFFFE20]  }
0x172: {  	v52 =	vperm.xlane v21, v6;
	v26 =	vperm.xlane v19, v1;
	v15 =	vld [tilespmem:s20+$0xFFFFFF20]  }
0x173: {  	v25 =	vld [tilespmem:s11+$0xFFFFFFD0];
	(erf) = vpow2.f32 v9;
	v9 =	vmul.f32 v13, v18  }
0x174: {  	v30 =	vld [tilespmem:s12+$0xFFFFFFE0];
	v29 =	vperm.xlane v19, v3;
	v43 =	vperm.xlane v19, v4;
	[tilespmem:s25+$0xA0] =	vst v16  }
0x175: {  	v53 =	vperm.xlane v19, v5;
	v16 =	vperm.xlane v21, v1;
	v18 =	vld [tilespmem:s20+$0xFFFFFFC0];
	[tilespmem:s25+$0xFFFFFF80] =	vst v9  }
0x176: {  	v11 =	vadd.f32 v24, v11;
	v9 =	vadd.f32 v24, v8;
	v27 =	vld [tilespmem:s20+$0xFFFFFEA0];
	v17 =	vmul.f32 v17, v26  }
0x177: {  	v10 =	vperm.xlane v12, v3;
	v15 =	vmul.f32 v15, v16;
	v26 =	vld [tilespmem:s12+$0xFFFFFFD0]  }
0x178: {  	v58 =	vmul.f32 $2.000000030e-01, v11;
	v57 =	vmul.f32 $2.000000030e-01, v9;
	[tilespmem:s25+$0xFFFFFF10] =	vst v17  }
0x179: {  	v28 =	vperm.xlane v20, v2;
	[tilespmem:s25+$0x10] =	vst v15;
	v15 =	vadd.f32 v22, v30;
	v17 =	vperm.xlane v20, v1;
	v24 =	vld [tilespmem:s20+$0xFFFFFE30]  }
0x17a: {  	v11 =	vmax.f32 v11, v58;
	v9 =	vmax.f32 v9, v57;
	v22 =	vld [tilespmem:s20+$0xFFFFFF30];
	v16 =	vmul.f32 v18, v10  }
0x17b: {  	v9 =	vsub.f32 v11, v9;
	v17 =	vmul.f32 v27, v17;
	v27 =	vadd.f32 v25, v8  }
0x17c: {  	s22 =	simm.s32 $0x1160;
	v13 =	vperm.xlane v19, v2;
	v18 =	vperm.xlane v21, v2;
	v25 =	vadd.f32 v25, v26;
	[tilespmem:s25+$0xB0] =	vst v16  }
0x17d: {  	v10 =	vpop (erf);
	v62 =	vmul.f32 $1.442695020e+00, v9;
	[tilespmem:s25+$0xFFFFFF90] =	vst v17;
	v17 =	vmul.f32 $2.000000030e-01, v27;
	v26 =	vld [tilespmem:s20+$0xFFFFFFD0]  }
0x17e: {  	s23 =	simm.s32 $0x38F0;
	[tilespmem:s22+$0x10] =	vst v10;
	v11 =	vld [tilespmem:s20+$0xFFFFFEB0];
	v60 =	vmul.f32 $2.000000030e-01, v25;
	v13 =	vmul.f32 v24, v13  }
0x17f: {  	s0 =	simm.s32 $0x5B0;
	v16 =	vmul.f32 $2.000000030e-01, v15;
	v18 =	vmul.f32 v22, v18;
	v24 =	vld [tilespmem:s23+$0xFFFFFF90]  }
0x180: {  	v39 =	vld [tilespmem:s0+$0xFFFFFFD0];
	(erf) = vpow2.f32 v62;
	v17 =	vmax.f32 v27, v17;
	v22 =	vmax.f32 v25, v60;
	[tilespmem:s25+$0xFFFFFF20] =	vst v13  }
0x181: {  	v38 =	vperm.xlane v20, v6;
	v14 =	vperm.xlane v12, v7;
	v13 =	vsub.f32 v22, v17;
	v17 =	vld [tilespmem:s20+$0xFFFFFE40]  }
0x182: {  	s31 =	simm.s32 $0xDB0;
	v35 =	vld [tilespmem:s0+$0xFFFFFFE0];
	v30 =	vperm.xlane v10, v0;
	v15 =	vmax.f32 v15, v16;
	v16 =	vmax.f32 v59, v61  }
0x183: {  	v55 =	vld [tilespmem:s31+$0xFFFFFFF0];
	v15 =	vsub.f32 v15, v16;
	[tilespmem:s25+$0x20] =	vst v18;
	v11 =	vmul.f32 v11, v28;
	v13 =	vmul.f32 $1.442695020e+00, v13  }
0x184: {  	v22 =	vld [tilespmem:s20+$0xFFFFFF40];
	v16 =	vmul.f32 v24, v30;
	v24 =	vmul.f32 v26, v31  }
0x185: {  	s12 =	simm.s32 $0x5800;
	v26 =	vld [tilespmem:s31+$0x0];
	[tilespmem:s25+$0xFFFFFFA0] =	vst v11;
	v11 =	vmul.f32 $1.442695020e+00, v15;
	(erf) = vpow2.f32 v13  }
0x186: {  	v9 =	vperm.xlane v10, v7;
	v13 =	vld [tilespmem:s20+$0xFFFFFEC0];
	[tilespmem:s12+$0x80] =	vst v16;
	v15 =	vmul.f32 v17, v29  }
0x187: {  	v51 =	vperm.xlane v10, v2;
	v18 =	vperm.xlane v20, v3;
	v30 =	vld [tilespmem:s23+$0xFFFFFFA0]  }
0x188: {  	v28 =	vperm.xlane v10, v3;
	v31 =	vld [tilespmem:s0+$0x0];
	v16 =	vperm.xlane v19, v7;
	[tilespmem:s25+$0xFFFFFF30] =	vst v15  }
0x189: {  	[tilespmem:s25+$0xC0] =	vst v24;
	(erf) = vpow2.f32 v11;
	v15 =	vmul.f32 v22, v56;
	v11 =	vpop (erf);
	v22 =	vld [tilespmem:s20+$0xFFFFFE50]  }
0x18a: {  	v24 =	vperm.xlane v10, v1;
	v19 =	vperm.xlane v19, v6;
	v42 =	vld [tilespmem:s20+$0xFFFFFFE0];
	[tilespmem:s22+$0x0] =	vst v11  }
0x18b: {  	v29 =	vperm.xlane v21, v4;
	v13 =	vmul.f32 v13, v18;
	[tilespmem:s25+$0x30] =	vst v15;
	v45 =	vld [tilespmem:s23+$0xFFFFFF10]  }
0x18c: {  	v17 =	vperm.xlane v21, v7;
	v46 =	vadd.f32 v26, v8;
	v44 =	vld [tilespmem:s20+$0xFFFFFF50];
	v24 =	vmul.f32 v30, v24  }
0x18d: {  	v27 =	vld [tilespmem:s31+$0xFFFFFFE0];
	v26 =	vadd.f32 v26, v31;
	v31 =	vperm.xlane v11, v0;
	[tilespmem:s25+$0xFFFFFFB0] =	vst v13;
	v13 =	vperm.xlane v12, v5  }
0x18e: {  	v56 =	vperm.xlane v11, v1;
	v30 =	vld [tilespmem:s20+$0xFFFFFED0];
	[tilespmem:s12+$0x90] =	vst v24;
	v12 =	vpop (erf);
	v22 =	vmul.f32 v22, v43  }
0x18f: {  	[tilespmem:s22+$0xFFFFFFE0] =	vst v12;
	v47 =	vld [tilespmem:s23+$0xFFFFFFB0];
	v32 =	vmul.f32 v42, v13;
	v13 =	vmul.f32 $2.000000030e-01, v46  }
0x190: {  	v49 =	vmul.f32 $2.000000030e-01, v26;
	v48 =	vld [tilespmem:s23+$0xFFFFFE10];
	v31 =	vmul.f32 v45, v31;
	[tilespmem:s25+$0xFFFFFF40] =	vst v22  }
0x191: {  	v25 =	vld [tilespmem:s0+$0xFFFFFFF0];
	v24 =	vperm.xlane v20, v4;
	v29 =	vmul.f32 v44, v29;
	[tilespmem:s25+$0xD0] =	vst v32  }
0x192: {  	v15 =	vperm.xlane v11, v5;
	v26 =	vmax.f32 v26, v49;
	v37 =	vmax.f32 v46, v13;
	v50 =	vld [tilespmem:s20+$0xFFFFFE60];
	[tilespmem:s12+$0x0] =	vst v31  }
0x193: {  	v26 =	vsub.f32 v26, v37;
	v61 =	vld [tilespmem:s20+$0xFFFFFFF0];
	[tilespmem:s25+$0x40] =	vst v29;
	v13 =	vpop (erf);
	v29 =	vperm.xlane v12, v0;
	v24 =	vmul.f32 v30, v24  }
0x194: {  	v18 =	vperm.xlane v20, v7;
	v30 =	vld [tilespmem:s20+$0xFFFFFF60];
	[tilespmem:s22+$0xFFFFFFF0] =	vst v13;
	v34 =	vmul.f32 v47, v51  }
0x195: {  	v21 =	vmul.f32 v48, v29;
	v29 =	vld [tilespmem:s23+$0xFFFFFE90];
	[tilespmem:s25+$0xFFFFFFC0] =	vst v24;
	v24 =	vmul.f32 $1.442695020e+00, v26  }
0x196: {  	v20 =	vperm.xlane v20, v5;
	v22 =	vperm.xlane v12, v2;
	v54 =	vld [tilespmem:s20+$0xFFFFFEE0];
	[tilespmem:s12+$0xA0] =	vst v34  }
0x197: {  	v59 =	vld [tilespmem:s23+$0xFFFFFF20];
	[tilespmem:s12+$0xFFFFFF00] =	vst v21;
	v21 =	vmul.f32 v50, v53;
	(erf) = vpow2.f32 v24  }
0x198: {  	v31 =	vperm.xlane v12, v1;
	v26 =	vperm.xlane v13, v0;
	v58 =	vld [tilespmem:s23+$0xFFFFFFC0]  }
0x199: {  	v48 =	vperm.xlane v13, v1;
	v57 =	vld [tilespmem:s23+$0xFFFFFE20];
	v30 =	vmul.f32 v30, v23;
	[tilespmem:s25+$0xFFFFFF50] =	vst v21  }
0x19a: {  	v24 =	vperm.xlane v13, v2;
	v23 =	vmul.f32 v29, v26;
	v29 =	vld [tilespmem:s20+$0xFFFFFE70]  }
0x19b: {  	v42 =	vld [tilespmem:s31+$0xFFFFFFD0];
	v63 =	vmul.f32 v61, v63;
	v20 =	vmul.f32 v54, v20;
	[tilespmem:s25+$0x50] =	vst v30  }
0x19c: {  	v41 =	vmul.f32 v59, v56;
	v21 =	vperm.xlane v12, v3;
	[tilespmem:s12+$0xFFFFFF80] =	vst v23;
	v47 =	vld [tilespmem:s20+$0xFFFFFF70]  }
0x19d: {  	v60 =	vadd.f32 v55, v8;
	v26 =	vperm.xlane v10, v4;
	v30 =	vmul.f32 v58, v28;
	v62 =	vld [tilespmem:s23+$0xFFFFFEA0];
	[tilespmem:s25+$0xFFFFFFD0] =	vst v20  }
0x19e: {  	[tilespmem:s12+$0x10] =	vst v41;
	v23 =	vperm.xlane v11, v3;
	v28 =	vadd.f32 v55, v25;
	v31 =	vmul.f32 v57, v31;
	v46 =	vld [tilespmem:s20+$0xFFFFFEF0]  }
0x19f: {  	v34 =	vld [tilespmem:s23+$0xFFFFFF30];
	v20 =	vmul.f32 $2.000000030e-01, v60;
	[tilespmem:s12+$0xB0] =	vst v30;
	v25 =	vmul.f32 v29, v19  }
0x1a0: {  	v41 =	vadd.f32 v42, v39;
	v40 =	vmul.f32 $2.000000030e-01, v28;
	[tilespmem:s12+$0xFFFFFF10] =	vst v31;
	v31 =	vperm.xlane v11, v2;
	v30 =	vld [tilespmem:s23+$0xFFFFFFD0];
	v19 =	vpop (erf)  }
0x1a1: {  	s22 =	simm.s32 $0x11A0;
	v36 =	vmax.f32 v60, v20;
	v29 =	vadd.f32 v27, v8;
	v32 =	vld [tilespmem:s23+$0xFFFFFE30];
	[tilespmem:s25+$0xFFFFFF60] =	vst v25;
	v33 =	vperm.xlane v19, v0  }
0x1a2: {  	s10 =	simm.s32 $0x3AF0;
	v27 =	vadd.f32 v27, v35;
	[tilespmem:s22+$0x10] =	vst v19;
	v20 =	vperm.xlane v19, v7;
	v37 =	vmul.f32 v62, v48;
	v25 =	vld [tilespmem:s20+$0xFFFFFE80]  }
0x1a3: {  	s1 =	simm.s32 $0x8;
	s11 =	simm.s32 $0x5800;
	[tilespmem:s25+$0xE0] =	vst v63;
	v42 =	vadd.f32 v42, v8;
	v39 =	vmul.f32 v47, v52;
	v35 =	vmul.f32 v46, v38;
	v38 =	vld [tilespmem:s10+$0xFFFFFF90]  }
.LBB2_5:
0x1a4: {  	s1 =	sadd.s32 $0x4, s1;
	v43 =	vmul.f32 $2.000000030e-01, v27;
	v44 =	vmul.f32 $2.000000030e-01, v29;
	v28 =	vmax.f32 v28, v40;
	[tilespmem:s12+$0xFFFFFF90] =	vst v37;
	v37 =	vld [tilespmem:s20+$0x0]  }
0x1a5: {  	s0 =	sadd.s32 $0x40, s0;
	v45 =	vperm.xlane v13, v3;
	p1 =	slt.u32 s1, $0x3C;
	v40 =	vmul.f32 $2.000000030e-01, v42;
	v28 =	vsub.f32 v28, v36;
	v36 =	vld [tilespmem:s23+$0xFFFFFEB0];
	[tilespmem:s25+$0x60] =	vst v39  }
0x1a6: {  	v22 =	vmul.f32 v32, v22;
	v39 =	vmul.f32 $2.000000030e-01, v41;
	v43 =	vmax.f32 v27, v43;
	[tilespmem:s25+$0xFFFFFFE0] =	vst v35;
	v32 =	vld [tilespmem:s20+$0xFFFFFF80]  }
0x1a7: {  	v27 =	vmax.f32 v42, v40;
	v28 =	vmul.f32 $1.442695020e+00, v28;
	v31 =	vmul.f32 v34, v31;
	v34 =	vld [tilespmem:s20+$0xFFFFFF00];
	s20 =	smov.u32 s23;
	s23 =	smov.u32 s10  }
0x1a8: {  	v29 =	vmax.f32 v29, v44;
	v35 =	vmax.f32 v41, v39;
	v33 =	vmul.f32 v38, v33;
	[tilespmem:s12+$0xFFFFFF20] =	vst v22  }
0x1a9: {  	s31 =	sadd.s32 $0x40, s31;
	v22 =	vsub.f32 v35, v27;
	s12 =	sadd.s32 $0x200, s12;
	(erf) = vpow2.f32 v28;
	v35 =	vld [tilespmem:s20+$0xFFFFFE40];
	[tilespmem:s11+$0x20] =	vst v31;
	v28 =	vmul.f32 v37, v14;
	v14 =	vmovc v9  }
0x1aa: {  	v26 =	vmul.f32 v30, v26;
	v29 =	vsub.f32 v43, v29;
	v27 =	vld [tilespmem:s31+$0xFFFFFFE0];
	[tilespmem:s12+$0x80] =	vst v33;
	v24 =	vmul.f32 v36, v24  }
0x1ab: {  	v9 =	vmov v20;
	v22 =	vmul.f32 $1.442695020e+00, v22;
	v30 =	vld [tilespmem:s20+$0xFFFFFF40];
	v17 =	vmul.f32 v32, v17;
	[tilespmem:s25+$0xF0] =	vst v28  }
0x1ac: {  	v29 =	vmul.f32 $1.442695020e+00, v29;
	v28 =	vperm.xlane v19, v3;
	v20 =	vld [tilespmem:s0+$0xFFFFFFF0];
	[tilespmem:s11+$0xFFFFFFA0] =	vst v24  }
0x1ad: {  	v18 =	vmul.f32 v34, v18;
	(erf) = vpow2.f32 v22;
	v22 =	vld [tilespmem:s20+$0xFFFFFEC0];
	[tilespmem:s25+$0x70] =	vst v17  }
0x1ae: {  	v24 =	vld [tilespmem:s31+$0x0];
	v17 =	vmul.f32 v35, v21;
	v21 =	vperm.xlane v11, v4;
	[tilespmem:s11+$0xC0] =	vst v26  }
0x1af: {  	v31 =	vmul.f32 v25, v16;
	v16 =	vperm.xlane v12, v7;
	v26 =	vld [tilespmem:s10+$0xFFFFFFA0];
	[tilespmem:s25+$0xFFFFFFF0] =	vst v18  }
0x1b0: {  	v32 =	vld [tilespmem:s0+$0x0];
	(erf) = vpow2.f32 v29;
	[tilespmem:s11+$0xFFFFFF30] =	vst v17;
	v18 =	vmul.f32 v30, v23  }
0x1b1: {  	v25 =	vperm.xlane v10, v6;
	v17 =	vperm.xlane v11, v7;
	v23 =	vld [tilespmem:s20+$0xFFFFFE50];
	[tilespmem:s25+$0xFFFFFF70] =	vst v31;
	s25 =	smov.u32 s11;
	s11 =	smov.u32 s12  }
0x1b2: {  	v29 =	vperm.xlane v19, v1;
	v30 =	vpop (erf);
	v22 =	vmul.f32 v22, v45;
	[tilespmem:s25+$0x30] =	vst v18;
	v31 =	vld [tilespmem:s20+$0xFFFFFFE0]  }
0x1b3: {  	v34 =	vperm.xlane v12, v4;
	[tilespmem:s22+$0x0] =	vst v30;
	v33 =	vperm.xlane v30, v5;
	v35 =	vld [tilespmem:s20+$0xFFFFFF50]  }
0x1b4: {  	v18 =	vperm.xlane v13, v7;
	v36 =	vld [tilespmem:s10+$0xFFFFFF10];
	v37 =	vmul.f32 v26, v29;
	[tilespmem:s25+$0xFFFFFFB0] =	vst v22  }
0x1b5: {  	v38 =	vperm.xlane v13, v6;
	v22 =	vperm.xlane v10, v5;
	v10 =	vmov v19;
	v29 =	vld [tilespmem:s20+$0xFFFFFED0]  }
0x1b6: {  	v19 =	vadd.f32 v24, v8;
	v39 =	vld [tilespmem:s0+$0xFFFFFFD0];
	[tilespmem:s12+$0x90] =	vst v37;
	v26 =	vpop (erf);
	v23 =	vmul.f32 v23, v34;
	v34 =	vperm.xlane v13, v4  }
0x1b7: {  	v24 =	vadd.f32 v24, v32;
	v32 =	vperm.xlane v30, v0;
	[tilespmem:s22+$0xFFFFFFE0] =	vst v26;
	v37 =	vld [tilespmem:s10+$0xFFFFFFB0];
	v31 =	vmul.f32 v31, v22  }
0x1b8: {  	v40 =	vmul.f32 $2.000000030e-01, v19;
	v41 =	vld [tilespmem:s10+$0xFFFFFE10];
	[tilespmem:s25+$0xFFFFFF40] =	vst v23;
	v21 =	vmul.f32 v35, v21  }
0x1b9: {  	v22 =	vperm.xlane v26, v2;
	v23 =	vmul.f32 $2.000000030e-01, v24;
	v35 =	vpop (erf);
	v42 =	vld [tilespmem:s20+$0xFFFFFE60]  }
0x1ba: {  	v19 =	vmax.f32 v19, v40;
	v32 =	vmul.f32 v36, v32;
	v36 =	vperm.xlane v10, v2;
	v43 =	vld [tilespmem:s31+$0xFFFFFFD0];
	[tilespmem:s25+$0x40] =	vst v21  }
0x1bb: {  	v21 =	vmax.f32 v24, v23;
	v23 =	vperm.xlane v26, v0;
	v24 =	vmul.f32 v29, v34;
	[tilespmem:s22+$0xFFFFFFF0] =	vst v35;
	v29 =	vld [tilespmem:s20+$0xFFFFFF60]  }
0x1bc: {  	v44 =	vperm.xlane v11, v6;
	v19 =	vsub.f32 v21, v19;
	v34 =	vld [tilespmem:s0+$0xFFFFFFE0];
	[tilespmem:s12+$0x0] =	vst v32;
	v21 =	vmul.f32 v37, v36  }
0x1bd: {  	v11 =	vmov v30;
	v36 =	vperm.xlane v12, v5;
	v23 =	vmul.f32 v41, v23;
	v32 =	vld [tilespmem:s10+$0xFFFFFE90];
	[tilespmem:s25+$0xFFFFFFC0] =	vst v24  }
0x1be: {  	v30 =	vperm.xlane v35, v0;
	v19 =	vmul.f32 $1.442695020e+00, v19;
	[tilespmem:s12+$0xA0] =	vst v21;
	v21 =	vld [tilespmem:s20+$0xFFFFFEE0]  }
0x1bf: {  	v40 =	vperm.xlane v11, v1;
	v37 =	vld [tilespmem:s31+$0xFFFFFFF0];
	[tilespmem:s12+$0xFFFFFF00] =	vst v23;
	v23 =	vmul.f32 v42, v36  }
0x1c0: {  	(erf) = vpow2.f32 v19;
	v19 =	vld [tilespmem:s10+$0xFFFFFE20];
	v29 =	vmul.f32 v29, v15;
	[tilespmem:s25+$0xD0] =	vst v31;
	v15 =	vmov v33  }
0x1c1: {  	v24 =	vperm.xlane v35, v2;
	v31 =	vld [tilespmem:s10+$0xFFFFFFC0];
	[tilespmem:s25+$0xFFFFFF50] =	vst v23;
	v23 =	vperm.xlane v13, v5;
	v13 =	vmov v35  }
0x1c2: {  	v30 =	vmul.f32 v32, v30;
	v32 =	vperm.xlane v12, v6;
	v33 =	vld [tilespmem:s20+$0xFFFFFE70];
	[tilespmem:s25+$0x50] =	vst v29;
	v12 =	vmov v26  }
0x1c3: {  	v29 =	vperm.xlane v12, v1;
	v35 =	vld [tilespmem:s10+$0xFFFFFF20];
	v36 =	vmul.f32 v21, v23  }
0x1c4: {  	v26 =	vperm.xlane v10, v4;
	v21 =	vperm.xlane v12, v3;
	v41 =	vadd.f32 v37, v8;
	[tilespmem:s12+$0xFFFFFF80] =	vst v30;
	v42 =	vld [tilespmem:s20+$0xFFFFFFF0]  }
0x1c5: {  	v23 =	vperm.xlane v11, v3;
	v19 =	vmul.f32 v19, v29;
	v45 =	vld [tilespmem:s10+$0xFFFFFEA0];
	[tilespmem:s25+$0xFFFFFFD0] =	vst v36  }
0x1c6: {  	v29 =	vmul.f32 $2.000000030e-01, v41;
	v30 =	vmul.f32 v31, v28;
	v46 =	vld [tilespmem:s20+$0xFFFFFEF0]  }
0x1c7: {  	v28 =	vadd.f32 v37, v20;
	v31 =	vperm.xlane v11, v2;
	[tilespmem:s12+$0xFFFFFF10] =	vst v19;
	v20 =	vmul.f32 v33, v32;
	v47 =	vld [tilespmem:s20+$0xFFFFFF70]  }
.Ltmp1:
0x1c8: {  	v37 =	vperm.xlane v13, v1;
	v36 =	vmax.f32 v41, v29;
	v32 =	vld [tilespmem:s10+$0xFFFFFE30];
	v35 =	vmul.f32 v35, v40;
	[tilespmem:s12+$0xB0] =	vst v30;
	(pc) =	sbr.rel @p1 .LBB2_5-.Ltmp1, $4  }
0x1c9: {  	s22 =	sadd.s32 $0x40, s22;
	v40 =	vmul.f32 $2.000000030e-01, v28;
	v19 =	vpop (erf);
	v30 =	vld [tilespmem:s10+$0xFFFFFFD0];
	[tilespmem:s25+$0xFFFFFF60] =	vst v20;
	v48 =	vmul.f32 v42, v25  }
0x1ca: {  	v29 =	vadd.f32 v27, v8;
	s10 =	sadd.s32 $0x200, s10;
	v33 =	vperm.xlane v19, v0;
	v37 =	vmul.f32 v45, v37;
	[tilespmem:s12+$0x10] =	vst v35;
	v25 =	vld [tilespmem:s20+$0xFFFFFE80]  }
0x1cb: {  	v27 =	vadd.f32 v27, v34;
	v20 =	vperm.xlane v19, v7;
	[tilespmem:s22+$0x10] =	vst v19;
	v34 =	vld [tilespmem:s23+$0xFFFFFF30];
	v35 =	vmul.f32 v46, v38  }
0x1cc: {  	v41 =	vadd.f32 v43, v39;
	v42 =	vadd.f32 v43, v8;
	v38 =	vld [tilespmem:s10+$0xFFFFFF90];
	v39 =	vmul.f32 v47, v44;
	[tilespmem:s25+$0xE0] =	vst v48  }
0x1cd: {  	v45 =	vmul.f32 $2.000000030e-01, v27  }
0x1ce: {  	v28 =	vmax.f32 v28, v40;
	v43 =	vmul.f32 $2.000000030e-01, v42;
	v44 =	vmul.f32 $2.000000030e-01, v41  }
0x1cf: {  	v62 =	vmul.f32 $2.000000030e-01, v29;
	v28 =	vsub.f32 v28, v36  }
0x1d0: {  	v27 =	vmax.f32 v27, v45;
	v63 =	vmax.f32 v42, v43;
	v41 =	vmax.f32 v41, v44  }
0x1d1: {  	v29 =	vmax.f32 v29, v62;
	v28 =	vmul.f32 $1.442695020e+00, v28;
	v36 =	vsub.f32 v41, v63  }
0x1d2: {  	v27 =	vsub.f32 v27, v29  }
0x1d3: {  	(erf) = vpow2.f32 v28;
	v45 =	vmul.f32 $1.442695020e+00, v36  }
0x1d4: {  	v27 =	vmul.f32 $1.442695020e+00, v27  }
0x1d5: {  	(erf) = vpow2.f32 v45  }
0x1d6: {  	(erf) = vpow2.f32 v27;
	_ =	sdelay $0x5  }
0x1d7: {  	v28 =	vpop (erf)  }
0x1d8: {  	[tilespmem:s22+$0x0] =	vst v28  }
0x1d9: {  	v46 =	vld [tilespmem:s10+$0xFFFFFF10];
	v27 =	vpop (erf)  }
0x1da: {  	v29 =	vpop (erf);
	[tilespmem:s22+$0xFFFFFFE0] =	vst v27  }
0x1db: {  	[tilespmem:s22+$0xFFFFFFF0] =	vst v29;
	v48 =	vld [tilespmem:s10+$0xFFFFFE10]  }
0x1dc: {  	v49 =	vperm.xlane v28, v0;
	v47 =	vld [tilespmem:s10+$0xFFFFFE90]  }
0x1dd: {  	v33 =	vmul.f32 v38, v33  }
0x1de: {  	[tilespmem:s12+$0xFFFFFF90] =	vst v37;
	s0 =	sadd.s32 $0x200, s12;
	v51 =	vperm.xlane v27, v0;
	v36 =	vmul.f32 v46, v49  }
0x1df: {  	[tilespmem:s0+$0x80] =	vst v33;
	v50 =	vperm.xlane v29, v0  }
0x1e0: {  	v53 =	vld [tilespmem:s10+$0xFFFFFFA0];
	[tilespmem:s0+$0x0] =	vst v36;
	v54 =	vmul.f32 v48, v51  }
0x1e1: {  	[tilespmem:s25+$0xFFFFFFE0] =	vst v35;
	v55 =	vld [tilespmem:s10+$0xFFFFFF20];
	v52 =	vmul.f32 v47, v50  }
0x1e2: {  	[tilespmem:s0+$0xFFFFFF00] =	vst v54  }
0x1e3: {  	v22 =	vmul.f32 v32, v22;
	v56 =	vperm.xlane v19, v1;
	[tilespmem:s0+$0xFFFFFF80] =	vst v52;
	v36 =	vld [tilespmem:s10+$0xFFFFFE20]  }
0x1e4: {  	[tilespmem:s25+$0x60] =	vst v39;
	v31 =	vmul.f32 v34, v31;
	v58 =	vperm.xlane v28, v1;
	v33 =	vld [tilespmem:s10+$0xFFFFFEA0]  }
0x1e5: {  	v57 =	vld [tilespmem:s20+$0x0];
	[tilespmem:s12+$0xFFFFFF20] =	vst v22;
	v60 =	vmul.f32 v53, v56  }
0x1e6: {  	v59 =	vld [tilespmem:s23+$0xFFFFFEB0];
	[tilespmem:s11+$0x20] =	vst v31;
	v63 =	vperm.xlane v27, v1;
	v34 =	vmul.f32 v55, v58  }
0x1e7: {  	v26 =	vmul.f32 v30, v26;
	v62 =	vld [tilespmem:s20+$0xFFFFFF80];
	[tilespmem:s0+$0x90] =	vst v60;
	v61 =	vperm.xlane v29, v1  }
0x1e8: {  	v41 =	vld [tilespmem:s10+$0xFFFFFFB0];
	[tilespmem:s0+$0x10] =	vst v34;
	v31 =	vmul.f32 v36, v63  }
0x1e9: {  	[tilespmem:s11+$0xC0] =	vst v26;
	v42 =	vld [tilespmem:s10+$0xFFFFFF30];
	v40 =	vmul.f32 v33, v61  }
0x1ea: {  	v14 =	vmul.f32 v57, v14;
	[tilespmem:s0+$0xFFFFFF10] =	vst v31  }
0x1eb: {  	v43 =	vmul.f32 v59, v24;
	v45 =	vperm.xlane v19, v2;
	[tilespmem:s0+$0xFFFFFF90] =	vst v40;
	v31 =	vld [tilespmem:s10+$0xFFFFFE30]  }
0x1ec: {  	v17 =	vmul.f32 v62, v17;
	[tilespmem:s25+$0xF0] =	vst v14;
	v47 =	vperm.xlane v28, v2;
	v44 =	vld [tilespmem:s10+$0xFFFFFEB0]  }
0x1ed: {  	[tilespmem:s11+$0xFFFFFFA0] =	vst v43;
	v14 =	vmul.f32 v41, v45;
	v48 =	vld [tilespmem:s23+$0xFFFFFF40]  }
0x1ee: {  	[tilespmem:s25+$0x70] =	vst v17;
	v51 =	vperm.xlane v27, v2;
	v50 =	vld [tilespmem:s23+$0xFFFFFEC0];
	v22 =	vmul.f32 v42, v47  }
0x1ef: {  	v41 =	vmul.f32 v25, v16;
	v49 =	vperm.xlane v29, v2;
	[tilespmem:s0+$0xA0] =	vst v14;
	v52 =	vld [tilespmem:s23+$0xFFFFFE40]  }
0x1f0: {  	v54 =	vld [tilespmem:s10+$0xFFFFFFC0];
	[tilespmem:s0+$0x20] =	vst v22;
	v55 =	vmul.f32 v31, v51  }
0x1f1: {  	v56 =	vperm.xlane v13, v3;
	[tilespmem:s25+$0xFFFFFF70] =	vst v41;
	v57 =	vld [tilespmem:s10+$0xFFFFFF40];
	v53 =	vmul.f32 v44, v49  }
0x1f2: {  	v46 =	vld [tilespmem:s20+$0xFFFFFF00];
	v58 =	vmul.f32 v48, v23;
	[tilespmem:s0+$0xFFFFFF20] =	vst v55  }
0x1f3: {  	v60 =	vperm.xlane v19, v3;
	v61 =	vmul.f32 v50, v56;
	[tilespmem:s0+$0xFFFFFFA0] =	vst v53;
	v62 =	vld [tilespmem:s10+$0xFFFFFE40]  }
0x1f4: {  	[tilespmem:s11+$0x30] =	vst v58;
	v21 =	vmul.f32 v52, v21;
	v63 =	vperm.xlane v28, v3;
	v59 =	vld [tilespmem:s10+$0xFFFFFEC0]  }
0x1f5: {  	v17 =	vmul.f32 v54, v60;
	v33 =	vld [tilespmem:s23+$0xFFFFFF50];
	[tilespmem:s11+$0xFFFFFFB0] =	vst v61  }
0x1f6: {  	v36 =	vperm.xlane v27, v3;
	[tilespmem:s11+$0xFFFFFF30] =	vst v21;
	v35 =	vld [tilespmem:s23+$0xFFFFFED0];
	v14 =	vmul.f32 v57, v63  }
0x1f7: {  	v18 =	vmul.f32 v46, v18;
	v34 =	vperm.xlane v29, v3;
	[tilespmem:s0+$0xB0] =	vst v17;
	v37 =	vld [tilespmem:s23+$0xFFFFFE50]  }
0x1f8: {  	v39 =	vperm.xlane v11, v4;
	v40 =	vld [tilespmem:s10+$0xFFFFFFD0];
	[tilespmem:s0+$0x30] =	vst v14;
	v22 =	vmul.f32 v62, v36  }
0x1f9: {  	[tilespmem:s25+$0xFFFFFFF0] =	vst v18;
	v42 =	vperm.xlane v13, v4;
	v43 =	vld [tilespmem:s10+$0xFFFFFF50];
	v38 =	vmul.f32 v59, v34  }
0x1fa: {  	v18 =	vmul.f32 v33, v39;
	v44 =	vperm.xlane v12, v4;
	v49 =	vld [tilespmem:s23+$0xFFFFFFE0];
	[tilespmem:s0+$0xFFFFFF30] =	vst v22  }
0x1fb: {  	v47 =	vperm.xlane v19, v4;
	v46 =	vmul.f32 v35, v42;
	[tilespmem:s0+$0xFFFFFFB0] =	vst v38;
	v48 =	vld [tilespmem:s10+$0xFFFFFE50]  }
0x1fc: {  	v50 =	vperm.xlane v28, v4;
	[tilespmem:s11+$0x40] =	vst v18;
	v17 =	vmul.f32 v37, v44;
	v45 =	vld [tilespmem:s10+$0xFFFFFED0]  }
0x1fd: {  	v56 =	vperm.xlane v10, v5;
	v52 =	vmul.f32 v40, v47;
	v51 =	vld [tilespmem:s23+$0xFFFFFF60];
	[tilespmem:s11+$0xFFFFFFC0] =	vst v46  }
0x1fe: {  	v55 =	vperm.xlane v27, v4;
	v54 =	vld [tilespmem:s23+$0xFFFFFEE0];
	[tilespmem:s11+$0xFFFFFF40] =	vst v17;
	v18 =	vmul.f32 v43, v50  }
0x1ff: {  	[tilespmem:s0+$0xC0] =	vst v52;
	v53 =	vperm.xlane v29, v4;
	v57 =	vld [tilespmem:s23+$0xFFFFFE60];
	v60 =	vmul.f32 v49, v56  }
0x200: {  	v59 =	vld [tilespmem:s10+$0xFFFFFFE0];
	[tilespmem:s0+$0x40] =	vst v18;
	v21 =	vmul.f32 v48, v55  }
0x201: {  	v61 =	vperm.xlane v13, v5;
	[tilespmem:s11+$0xD0] =	vst v60;
	v62 =	vld [tilespmem:s10+$0xFFFFFF60];
	v58 =	vmul.f32 v45, v53  }
0x202: {  	v63 =	vperm.xlane v12, v5;
	v15 =	vmul.f32 v51, v15;
	v35 =	vld [tilespmem:s23+$0xFFFFFFF0];
	[tilespmem:s0+$0xFFFFFF40] =	vst v21  }
0x203: {  	v32 =	vperm.xlane v19, v5;
	v17 =	vmul.f32 v54, v61;
	[tilespmem:s0+$0xFFFFFFC0] =	vst v58;
	v33 =	vld [tilespmem:s10+$0xFFFFFE60]  }
0x204: {  	[tilespmem:s11+$0x50] =	vst v15;
	v34 =	vperm.xlane v28, v5;
	v14 =	vmul.f32 v57, v63;
	v31 =	vld [tilespmem:s10+$0xFFFFFEE0]  }
0x205: {  	v10 =	vperm.xlane v10, v6;
	v36 =	vld [tilespmem:s23+$0xFFFFFF70];
	[tilespmem:s11+$0xFFFFFFD0] =	vst v17;
	v16 =	vmul.f32 v59, v32  }
0x206: {  	v39 =	vperm.xlane v27, v5;
	v38 =	vld [tilespmem:s23+$0xFFFFFEF0];
	[tilespmem:s11+$0xFFFFFF50] =	vst v14;
	v23 =	vmul.f32 v62, v34  }
0x207: {  	v37 =	vperm.xlane v29, v5;
	v40 =	vld [tilespmem:s23+$0xFFFFFE70];
	v10 =	vmul.f32 v35, v10;
	[tilespmem:s0+$0xD0] =	vst v16  }
0x208: {  	v42 =	vperm.xlane v11, v6;
	v44 =	vld [tilespmem:s10+$0xFFFFFFF0];
	[tilespmem:s0+$0x50] =	vst v23;
	v43 =	vmul.f32 v33, v39  }
0x209: {  	[tilespmem:s11+$0xE0] =	vst v10;
	v45 =	vperm.xlane v13, v6;
	v46 =	vld [tilespmem:s10+$0xFFFFFF70];
	v41 =	vmul.f32 v31, v37  }
0x20a: {  	v47 =	vperm.xlane v12, v6;
	v17 =	vmul.f32 v36, v42;
	[tilespmem:s0+$0xFFFFFF50] =	vst v43  }
0x20b: {  	v10 =	vperm.xlane v19, v6;
	v14 =	vmul.f32 v38, v45;
	[tilespmem:s0+$0xFFFFFFD0] =	vst v41;
	v49 =	vld [tilespmem:s10+$0xFFFFFE70]  }
0x20c: {  	v51 =	vperm.xlane v28, v6;
	[tilespmem:s11+$0x60] =	vst v17;
	v16 =	vmul.f32 v40, v47;
	v48 =	vld [tilespmem:s10+$0xFFFFFEF0]  }
0x20d: {  	v52 =	vld [tilespmem:s23+$0xFFFFFF80];
	[tilespmem:s11+$0xFFFFFFE0] =	vst v14;
	v10 =	vmul.f32 v44, v10  }
0x20e: {  	v55 =	vperm.xlane v27, v6;
	v50 =	vld [tilespmem:s23+$0x0];
	[tilespmem:s11+$0xFFFFFF60] =	vst v16;
	v15 =	vmul.f32 v46, v51  }
0x20f: {  	v53 =	vperm.xlane v29, v6;
	v56 =	vld [tilespmem:s23+$0xFFFFFE80];
	[tilespmem:s0+$0xE0] =	vst v10  }
0x210: {  	v54 =	vld [tilespmem:s23+$0xFFFFFF00];
	v10 =	vperm.xlane v11, v7;
	[tilespmem:s0+$0x60] =	vst v15;
	v11 =	vmul.f32 v49, v55  }
0x211: {  	v15 =	vld [tilespmem:s10+$0xFFFFFF80];
	v18 =	vmul.f32 v48, v53  }
0x212: {  	v59 =	vperm.xlane v12, v7;
	v57 =	vld [tilespmem:s10+$0x0];
	v10 =	vmul.f32 v52, v10;
	[tilespmem:s0+$0xFFFFFF60] =	vst v11  }
0x213: {  	v58 =	vperm.xlane v13, v7;
	v9 =	vmul.f32 v50, v9;
	[tilespmem:s0+$0xFFFFFFE0] =	vst v18;
	v60 =	vld [tilespmem:s10+$0xFFFFFE80]  }
0x214: {  	v61 =	vperm.xlane v28, v7;
	[tilespmem:s11+$0x70] =	vst v10;
	v10 =	vmul.f32 v56, v59;
	v11 =	vld [tilespmem:s10+$0xFFFFFF00]  }
0x215: {  	[tilespmem:s11+$0xF0] =	vst v9;
	v9 =	vmul.f32 v54, v58  }
0x216: {  	v63 =	vperm.xlane v27, v7;
	[tilespmem:s11+$0xFFFFFF70] =	vst v10;
	v10 =	vmul.f32 v15, v61  }
0x217: {  	[tilespmem:s11+$0xFFFFFFF0] =	vst v9;
	v9 =	vperm.xlane v29, v7;
	v62 =	vmul.f32 v57, v20  }
0x218: {  	[tilespmem:s0+$0x70] =	vst v10;
	v10 =	vmul.f32 v60, v63  }
0x219: {  	[tilespmem:s0+$0xF0] =	vst v62;
	v9 =	vmul.f32 v11, v9  }
0x21a: {  	[tilespmem:s0+$0xFFFFFF70] =	vst v10  }
0x21b: {  	[tilespmem:s0+$0xFFFFFFF0] =	vst v9  }
0x21c: {  	[spmem:s17] =	stream.indirect.scatter.add.f32 [tilespmem:s14], [sflag:$0x5], $0x10, s29, s28, $0xb8;
	[tilespmem:$0x1DD10] =	vst v63  }
0x21d: {  	_ = 	snop  }
0x21e: {  	[spmem:s2] =	stream.indirect.scatter.add.f32 [tilespmem:s15], [sflag:$0x5], $0x80, s29, s28, $0xb8;
	[tilespmem:$0x1DD10] =	vst v63  }
0x21f: {  	_ =	swait.ge [sflag:s16], $0x400  }
0x220: {  	[sflag:s16] =	ssyncset.done $0x0  }
0x221: {  	s21 =	sadd.s32 $0x1, s21;
	[sflag:s16] =	ssyncadd.s32 $0xFFFFFC00  }
0x222: {  	s31 =	sadd.s32 s24, s18;
	p1 =	sne.s32 s21, $0x52;
	_ =	swait.ge [sflag:s16], $0x2000  }
.Ltmp2:
0x223: {  	s0 =	sshrl.u32 s31, $0x3;
	[sflag:s16] =	ssyncset.done $0x0;
	(pc) =	sbr.rel @p1 .LBB2_2-.Ltmp2, $4  }
0x224: {  	s1 =	sadd.s32 s4, s0;
	[sflag:s16] =	ssyncadd.s32 $0xFFFFE000  }
0x225: {  	[tilespmem:s28], [sflag:$0x2] =	stream.linear.gather [hbm4b:s1+s3], $0x40, $0x38;
	[tilespmem:$0x1DD10] =	vst v63  }
0x226: {  	s0 =	sadd.s32 s5, s0  }
0x227: {  	[tilespmem:s29], [sflag:$0x2] =	stream.linear.gather [hbm4b:s0+s3], $0x40, $0x38;
	[tilespmem:$0x1DD10] =	vst v63  }
0x228: {  	_ =	swait.ge [sflag:s13], $0x400  }
0x229: {  	[sflag:s13] =	ssyncset.done $0x0  }
0x22a: {  	[sflag:s13] =	ssyncadd.s32 $0xFFFFFC00  }
0x22b: {  	_ =	swait.ge [sflag:s13], $0x400  }
0x22c: {  	[sflag:s13] =	ssyncset.done $0x0  }
0x22d: {  	[sflag:s13] =	ssyncadd.s32 $0xFFFFFC00  }
0x22e: {  	_ =	swait.ge [sflag:s13], $0x2000  }
0x22f: {  	[sflag:s13] =	ssyncset.done $0x0  }
0x230: {  	[sflag:s13] =	ssyncadd.s32 $0xFFFFE000  }
0x231: {  	_ =	swait.ge [sflag:s7], $0x40  }
0x232: {  	[sflag:s7] =	ssyncset.done $0x0  }
0x233: {  	[sflag:s7] =	ssyncadd.s32 $0xFFFFFFC0  }
0x234: {  	_ =	swait.ge [sflag:s7], $0x40  }
0x235: {  	[sflag:s7] =	ssyncset.done $0x0  }
0x236: {  	[sflag:s7] =	ssyncadd.s32 $0xFFFFFFC0  }
0x237: {  	s0 =	stileid.u32;
	[bflag:$0x0] =	sbarrier.arrive $0xFFFF  }
0x238: {  	s0 =	sshll.u32 s0, $0x6;
	s1 =	rddreg [dreg:$0xd]  }
0x239: {  	s12 =	simm.s32 $0x6;
	s0 =	sor.u32 $0x1C06, s0;
	s10 =	rddreg [dreg:$0x10]  }
0x23a: {  	[hbm:s1], [sflag:s0] =	dma.local [spmem:s10], $0x2800  }
0x23b: {  	_ =	swait.ge [sflag:s12], $0x2800  }
0x23c: {  	[sflag:s12] =	ssyncset.done $0x0;
	s23 =	rddreg [dreg:$0xe]  }
0x23d: {  	s24 =	rddreg [dreg:$0x11];
	[sflag:s12] =	ssyncadd.s32 $0xFFFFD800  }
0x23e: {  	[hbm:s23], [sflag:s0] =	dma.local [spmem:s24], $0x500  }
0x23f: {  	_ =	swait.ge [sflag:s12], $0x500  }
0x240: {  	s25 =	rddreg [dreg:$0x12]  }
0x241: {  	s31 =	rddreg [dreg:$0xf];
	s1 =	sadd.s32 $0x1, s25  }
0x242: {  	p1 =	sne.s32 s1, s31  }
.Ltmp3:
0x243: {  	_ = 	snop;
	(pc) =	sbr.rel @p1 .LBB2_1-.Ltmp3, $3  }
0x244: {  	_ =	sdelay $0x1  }
0x245: {  	[sflag:s12] =	ssyncset.done $0x0  }
0x246: {  	[sflag:s12] =	ssyncadd.s32 $0xFFFFFB00  }
0x247: {  	_ =	sfence.sel $0x180000  }
0x248: {  	[bflag:$0x0] =	sbarrier.arrive $0xFFFF  }
0x249: {  	_ =	strace $0x90000047  }
0x24a: {  	[bflag:$0x2] =	sbarrier.arrive $0xFFFF  }
0x24b: {  	s0 =	rddreg [dreg:$0x4]  }
0x24c: {  	s0 =	sadd.s32 @!p0 $0x100000, s0  }
0x24d: {  	[sflag:s0] =	ssyncadd.tile.s32 @!p0 $0x1;
	_ =	shalt  }
.Lfunc_end2:
_tile_overlayer_lowered:
.L_overlay_start_2:
0x24e: {  	(tag) =	ssettag $0x2  }
0x24f: {  	s0 =	rddreg [dreg:$0x0];
	s2 =	stileid.u32  }
0x250: {  	s1 =	rddreg [dreg:$0x1];
	p0 =	sne.s32 s2, $0x0  }
0x251: {  	s3 =	rddreg [dreg:$0x2];
	[bflag:$0x3] =	sbarrier.arrive $0xFFFF;
	s2 =	simm.s32 @!p0 $0x1C06  }
0x252: {  	[timem:s3], [sflag:s2] =	dma.local @!p0 [hbm:s0], s1  }
0x253: {  	s0 =	simm.s32 @!p0 $0x6  }
0x254: {  	_ =	swait.ge @!p0 [sflag:s0], s1  }
0x255: {  	s1 =	ssub.s32 @!p0 $0x0, s1;
	[sflag:s0] =	ssyncset.done @!p0 $0x0  }
0x256: {  	[sflag:s0] =	ssyncadd.s32 @!p0 s1  }
0x257: {  	[bflag:$0x3] =	sbarrier.arrive $0xFFFF  }
0x258: {  	_ =	shalt  }

</sc_bundles>
